<compile_context>
chip_gen: v7x
topology: tpu7x:2x2x1
jax: 0.10.2.dev20260603
libtpu: 0.0.44.dev20260713+nightly
codegen_flags: <defaults>
</compile_context>

<pallas_src>
import dataclasses
import functools

import jax
import jax.numpy as jnp
from jax import lax
from jax.experimental import pallas as pl
from jax.experimental.pallas import tpu as pltpu
from jax.experimental.pallas import tpu_sc as plsc

N = 10000
NP = 10240
E = 320000
D = 128

NUM_WORKERS = 32
NODES_PER_W = NP // NUM_WORKERS
EDGES_PER_W = E // NUM_WORKERS
CHUNK = 2000
SUB = 80
N_SUB = CHUNK // SUB
N_CHUNK = EDGES_PER_W // CHUNK
NBUF = 4
GW = 80

_vec_mesh = plsc.VectorSubcoreMesh(core_axis_name="c", subcore_axis_name="s")

_sc_params = pltpu.CompilerParams()
if "needs_layout_passes" in pltpu.CompilerParams.__dataclass_fields__:
    _sc_params = dataclasses.replace(_sc_params, needs_layout_passes=False)


@functools.partial(jax.jit, static_argnums=())
def _sc_gather_hist(emb_table, nodes_pad, edges4):
    @functools.partial(
        pl.kernel,
        out_type=[
            jax.ShapeDtypeStruct((NP, D), jnp.float32),
            jax.ShapeDtypeStruct((NUM_WORKERS * NP,), jnp.float32),
        ],
        mesh=_vec_mesh,
        scratch_types=[
            pltpu.VMEM((NODES_PER_W,), jnp.int32),
            pltpu.VMEM((NODES_PER_W, D), jnp.float32),
            pltpu.VMEM((N_SUB, SUB), jnp.int32),
            pltpu.VMEM((N_SUB, SUB), jnp.int32),
            pltpu.VMEM((N_SUB, SUB), jnp.int32),
            pltpu.VMEM((N_SUB, SUB), jnp.int32),
            pltpu.VMEM((N_SUB, SUB), jnp.int32),
            pltpu.VMEM((NP,), jnp.float32),
            pltpu.SemaphoreType.DMA,
            pltpu.SemaphoreType.DMA,
        ],
        compiler_params=_sc_params,
    )
    def k(emb_hbm, nodes_hbm, e4_hbm, x0_hbm, deg_hbm, idx_v, rows_v,
          ch0, ch1, ch2, ch3, ch4, deg_l, sem, hsem):
        colh = [ch0, ch1, ch2, ch3, ch4]
        wid = lax.axis_index("c") * 16 + lax.axis_index("s")
        nbase = wid * NODES_PER_W

        pltpu.sync_copy(nodes_hbm.at[pl.ds(nbase, NODES_PER_W)], idx_v)
        copies = []
        for j in range(NODES_PER_W // GW):
            copies.append(pltpu.async_copy(
                emb_hbm.at[idx_v.at[pl.ds(j * GW, GW)]],
                rows_v.at[pl.ds(j * GW, GW)],
                sem,
            ))
        hcopies = []
        for q in range(N_CHUNK):
            hcopies.append(pltpu.async_copy(
                e4_hbm.at[1, wid * N_CHUNK + q], colh[q], hsem))

        zero16 = jnp.zeros((16,), jnp.float32)
        one16 = jnp.ones((16,), jnp.float32)

        @pl.loop(0, NP, step=16)
        def _(i):
            deg_l[pl.ds(i, 16)] = zero16

        for q in range(N_CHUNK):
            hcopies[q].wait()
            for r in range(N_SUB):
                for cc in range(SUB // 16):
                    plsc.addupdate_scatter(
                        deg_l, [colh[q][r, pl.ds(cc * 16, 16)]], one16)

        pltpu.sync_copy(deg_l, deg_hbm.at[pl.ds(wid * NP, NP)])

        for c in copies:
            c.wait()
        pltpu.sync_copy(rows_v, x0_hbm.at[pl.ds(nbase, NODES_PER_W)])

    return k(emb_table, nodes_pad, edges4)


ROWS_BLK = 1024
N_BLK = NP // ROWS_BLK


def _tc_transform_body(x0_ref, w_ref, deg_ref, y_ref, dis_ref):
    ones = jnp.ones((NUM_WORKERS, 1), jnp.float32)
    s = lax.dot_general(deg_ref[...], ones, (((0,), (0,)), ((), ())),
                        preferred_element_type=jnp.float32)
    dis = lax.rsqrt(s + 1.0)
    xw = jnp.dot(x0_ref[...], w_ref[...],
                 preferred_element_type=jnp.float32,
                 precision=lax.Precision.DEFAULT)
    y_ref[...] = xw * dis
    dis_ref[...] = dis


@jax.jit
def _tc_transform(x0, W, deg_t):
    return pl.pallas_call(
        _tc_transform_body,
        grid=(N_BLK,),
        in_specs=[
            pl.BlockSpec((ROWS_BLK, D), lambda i: (i, 0)),
            pl.BlockSpec((D, D), lambda i: (0, 0)),
            pl.BlockSpec((NUM_WORKERS, ROWS_BLK), lambda i: (0, i)),
        ],
        out_specs=[
            pl.BlockSpec((ROWS_BLK, D), lambda i: (i, 0)),
            pl.BlockSpec((ROWS_BLK, 1), lambda i: (i, 0)),
        ],
        out_shape=[
            jax.ShapeDtypeStruct((NP, D), jnp.float32),
            jax.ShapeDtypeStruct((NP, 1), jnp.float32),
        ],
    )(x0, W, deg_t)


@jax.jit
def _sc_scatter(y, edges4, zeros_init):
    @functools.partial(
        pl.kernel,
        out_type=jax.ShapeDtypeStruct((2, NP, D), jnp.float32),
        mesh=_vec_mesh,
        scratch_types=[
            pltpu.VMEM((N_SUB, SUB), jnp.int32),
            pltpu.VMEM((N_SUB, SUB), jnp.int32),
            pltpu.VMEM((NBUF, SUB, D), jnp.float32),
            pltpu.VMEM_SHARED((NP, D), jnp.float32),
            pltpu.SemaphoreType.DMA,
            pltpu.SemaphoreType.DMA,
        ],
    )
    def k(y_hbm, e4_hbm, zero_hbm, acc_hbm, row_v, col_v, buf,
          acc_s, gsem, ssem):
        c = lax.axis_index("c")
        s = lax.axis_index("s")
        wid = c * 16 + s
        slice_rows = NP // 16

        pltpu.sync_copy(zero_hbm, acc_s.at[pl.ds(s * slice_rows, slice_rows)])
        plsc.subcore_barrier()

        def gather(j, b):
            return pltpu.async_copy(
                y_hbm.at[row_v.at[j]], buf.at[b], gsem)

        def scatter(j, b):
            return pltpu.async_copy(buf.at[b], acc_s.at[col_v.at[j]], ssem,
                                    add=True)

        @pl.loop(0, N_CHUNK)
        def _(kk):
            ck = wid * N_CHUNK + kk
            pltpu.sync_copy(e4_hbm.at[0, ck], row_v)
            pltpu.sync_copy(e4_hbm.at[1, ck], col_v)
            g = [gather(j, j) for j in range(NBUF - 1)]
            sc = []
            waited = 0
            for j in range(N_SUB):
                g[j].wait()
                sc.append(scatter(j, j % NBUF))
                if j + NBUF - 1 < N_SUB:
                    if j >= 1:
                        sc[j - 1].wait()
                        waited = j
                    g.append(gather(j + NBUF - 1, (j + NBUF - 1) % NBUF))
            for j in range(waited, N_SUB):
                sc[j].wait()

        plsc.subcore_barrier()
        pltpu.sync_copy(
            acc_s.at[pl.ds(s * slice_rows, slice_rows)],
            acc_hbm.at[c, pl.ds(s * slice_rows, slice_rows)],
        )

    return k(y, edges4, zeros_init)


def _tc_combine_body(accs_ref, y_ref, dis_ref, b_ref, out_ref):
    acc = accs_ref[0] + accs_ref[1] + y_ref[...]
    out_ref[...] = dis_ref[...] * acc + b_ref[...]


OUT_BLK = 2000


@jax.jit
def _tc_combine(accs, y, dis, b2d):
    return pl.pallas_call(
        _tc_combine_body,
        grid=(N // OUT_BLK,),
        in_specs=[
            pl.BlockSpec((2, OUT_BLK, D), lambda i: (0, i, 0)),
            pl.BlockSpec((OUT_BLK, D), lambda i: (i, 0)),
            pl.BlockSpec((OUT_BLK, 1), lambda i: (i, 0)),
            pl.BlockSpec((1, D), lambda i: (0, 0)),
        ],
        out_specs=pl.BlockSpec((OUT_BLK, D), lambda i: (i, 0)),
        out_shape=jax.ShapeDtypeStruct((N, D), jnp.float32),
    )(accs, y, dis, b2d)


def kernel(nodes, edges, emb_table, W, b):
    nodes = nodes.astype(jnp.int32)
    edges4 = edges.astype(jnp.int32).reshape(2, E // CHUNK, N_SUB, SUB)
    nodes_pad = jnp.concatenate(
        [nodes, jnp.zeros((NP - N,), jnp.int32)])
    zeros_init = jnp.zeros((NP // 16, D), jnp.float32)

    x0, deg_flat = _sc_gather_hist(emb_table, nodes_pad, edges4)
    y, dis = _tc_transform(x0, W, deg_flat.reshape(NUM_WORKERS, NP))
    accs = _sc_scatter(y, edges4, zeros_init)
    return _tc_combine(accs, y, dis, b.reshape(1, D))

# --- scband reference (transcript-rebuilt; emitter-appended) ---
"""Pipeline reference for scband-link-gcn-39316130627667 (READ-ONLY COPY).

The authoritative reference and input builder live on the scoring server;
editing this copy changes nothing except your own understanding.
"""

import jax, jax.numpy as jnp
import numpy as np

NODES_TABLE = 100000
N = 10000
E = 320000
D = 128

def setup_inputs(seed: int = 0) -> dict:
    key = jax.random.key(seed)
    k1, k2, k3, k4 = jax.random.split(key, 4)
    nodes = jax.random.randint(k1, (N,), 0, NODES_TABLE, dtype=jnp.int64 if jax.config.jax_enable_x64 else jnp.int32)
    edges = jax.random.randint(k2, (2, E), 0, N, dtype=jnp.int64 if jax.config.jax_enable_x64 else jnp.int32)
    emb_table = jax.random.normal(k3, (NODES_TABLE, D), dtype=jnp.float32) * 0.02
    W = jax.random.normal(k4, (D, D), dtype=jnp.float32) / np.sqrt(D)
    b = jnp.zeros((D,), dtype=jnp.float32)
    return {"nodes": nodes, "edges": edges, "emb_table": emb_table, "W": W, "b": b}

def reference(nodes, edges, emb_table, W, b):
    # nn.Embedding lookup
    x = jnp.take(emb_table, nodes, axis=0)           # [N, D]
    # GCNConv: linear transform first (lin has no bias in PyG GCNConv)
    x = x @ W                                        # [N, D]
    num = x.shape[0]
    # add self-loops
    loop = jnp.arange(num, dtype=edges.dtype)
    ei = jnp.concatenate([edges, jnp.stack([loop, loop], axis=0)], axis=1)
    row, col = ei[0], ei[1]
    # symmetric gcn normalization: deg computed at dst (col)
    ones = jnp.ones((ei.shape[1],), dtype=x.dtype)
    deg = jax.ops.segment_sum(ones, col, num_segments=num)
    deg_inv_sqrt = jnp.where(deg > 0, deg ** -0.5, 0.0)
    norm = deg_inv_sqrt[row] * deg_inv_sqrt[col]     # [E+N]
    # message passing: gather at src, scale, scatter-add at dst
    msg = jnp.take(x, row, axis=0) * norm[:, None]
    out = jax.ops.segment_sum(msg, col, num_segments=num)
    return out + b

if __name__ == "__main__":
    import jax
    _d = setup_inputs()
    print(jax.jit(kernel)(*tuple(_d.values())))

</pallas_src>

<mosaic_0001>
#map = affine_map<(d0, d1) -> (0, 0)>
#map1 = affine_map<(d0, d1) -> (0)>
#map2 = affine_map<(d0, d1) -> (0, 0, 0, 0)>
module attributes {stable_mosaic.version = 14 : i64} {
  func.func @k(%arg0: i32, %arg1: i32, %arg2: memref<100000x128xf32, #tpu.memory_space<hbm>>, %arg3: memref<10240xi32, #tpu.memory_space<hbm>>, %arg4: memref<2x160x25x80xi32, #tpu.memory_space<hbm>>, %arg5: memref<10240x128xf32, #tpu.memory_space<hbm>>, %arg6: memref<327680xf32, #tpu.memory_space<hbm>>, %arg7: memref<320xi32, #tpu.memory_space<vmem>>, %arg8: memref<320x128xf32, #tpu.memory_space<vmem>>, %arg9: memref<25x80xi32, #tpu.memory_space<vmem>>, %arg10: memref<25x80xi32, #tpu.memory_space<vmem>>, %arg11: memref<25x80xi32, #tpu.memory_space<vmem>>, %arg12: memref<25x80xi32, #tpu.memory_space<vmem>>, %arg13: memref<25x80xi32, #tpu.memory_space<vmem>>, %arg14: memref<10240xf32, #tpu.memory_space<vmem>>, %arg15: memref<!tpu.dma_semaphore, #tpu.memory_space<semaphore_mem>>, %arg16: memref<!tpu.dma_semaphore, #tpu.memory_space<semaphore_mem>>) attributes {dimension_semantics = [#tpu.dimension_semantics<core_parallel>, #tpu.dimension_semantics<subcore_parallel>], iteration_bounds = array<i64: 2, 16>, scalar_prefetch = 0 : i64, scratch_operands = 10 : i64, tpu.core_type = #tpu.core_type<sc_vector_subcore>, window_params = [{transform_indices = #map}, {transform_indices = #map1}, {transform_indices = #map2}, {transform_indices = #map}, {transform_indices = #map1}]} {
    %mul3A = arith.constant 16 : i32
    %mul3A_0 = arith.muli %arg0, %mul3A : i32
    %add3A = arith.addi %mul3A_0, %arg1 : i32
    %mul3A_1 = arith.constant 320 : i32
    %mul3A_2 = arith.muli %add3A, %mul3A_1 : i32
    "tpu.region"() ({
      %run_scoped3A = tpu.sem_alloc : memref<!tpu.dma_semaphore, #tpu.memory_space<semaphore_mem>>
      %dma_start3A_2683 = tpu.memref_slice %arg3[%mul3A_2] : memref<10240xi32, #tpu.memory_space<hbm>> -> memref<320xi32, #tpu.memory_space<hbm>>
      %dma_start3A_2684 = tpu.memref_slice %arg3[%mul3A_2] : memref<10240xi32, #tpu.memory_space<hbm>> -> memref<320xi32, #tpu.memory_space<hbm>>
      tpu.enqueue_dma source(%dma_start3A_2684 : memref<320xi32, #tpu.memory_space<hbm>>) target(%arg7 : memref<320xi32, #tpu.memory_space<vmem>>) target_semaphore(%run_scoped3A : memref<!tpu.dma_semaphore, #tpu.memory_space<semaphore_mem>>)
      %dma_wait3A_2685 = tpu.memref_slice %arg3[%mul3A_2] : memref<10240xi32, #tpu.memory_space<hbm>> -> memref<320xi32, #tpu.memory_space<hbm>>
      %dma_wait3A_2686 = tpu.memref_slice %arg3[%mul3A_2] : memref<10240xi32, #tpu.memory_space<hbm>> -> memref<320xi32, #tpu.memory_space<hbm>>
      tpu.wait_dma2 semaphore(%run_scoped3A : memref<!tpu.dma_semaphore, #tpu.memory_space<semaphore_mem>>) src(%dma_wait3A_2686 : memref<320xi32, #tpu.memory_space<hbm>>) dst(%arg7 : memref<320xi32, #tpu.memory_space<vmem>>)
      tpu.yield
    }) : () -> ()
    %dma_start3A = arith.constant 0 : i32
    %dma_start3A_3 = arith.constant 0 : i32
    %dma_start3A_4 = tpu.memref_slice %arg8[%dma_start3A, %dma_start3A_3] : memref<320x128xf32, #tpu.memory_space<vmem>> -> memref<80x128xf32, #tpu.memory_space<vmem>>
    %dma_start3A_5 = arith.constant 0 : i32
    %dma_start3A_6 = tpu.memref_slice %arg7[%dma_start3A_5] : memref<320xi32, #tpu.memory_space<vmem>> -> memref<80xi32, #tpu.memory_space<vmem>>
    %dma_start3A_7 = arith.constant 0 : i32
    %dma_start3A_8 = arith.constant 0 : i32
    %dma_start3A_9 = tpu.memref_slice %arg2[%dma_start3A_7, %dma_start3A_8] : memref<100000x128xf32, #tpu.memory_space<hbm>> -> memref<100000x128xf32, #tpu.memory_space<hbm>>
    tpu.enqueue_indirect_dma source(%dma_start3A_9 : memref<100000x128xf32, #tpu.memory_space<hbm>>) target(%dma_start3A_4 : memref<80x128xf32, #tpu.memory_space<vmem>>) offsets(%dma_start3A_6 : memref<80xi32, #tpu.memory_space<vmem>>) semaphore(%arg15 : memref<!tpu.dma_semaphore, #tpu.memory_space<semaphore_mem>>)
    %dma_start3A_10 = arith.constant 80 : i32
    %dma_start3A_11 = arith.constant 0 : i32
    %dma_start3A_12 = tpu.memref_slice %arg8[%dma_start3A_10, %dma_start3A_11] : memref<320x128xf32, #tpu.memory_space<vmem>> -> memref<80x128xf32, #tpu.memory_space<vmem>>
    %dma_start3A_13 = arith.constant 80 : i32
    %dma_start3A_14 = tpu.memref_slice %arg7[%dma_start3A_13] : memref<320xi32, #tpu.memory_space<vmem>> -> memref<80xi32, #tpu.memory_space<vmem>>
    %dma_start3A_15 = arith.constant 0 : i32
    %dma_start3A_16 = arith.constant 0 : i32
    %dma_start3A_17 = tpu.memref_slice %arg2[%dma_start3A_15, %dma_start3A_16] : memref<100000x128xf32, #tpu.memory_space<hbm>> -> memref<100000x128xf32, #tpu.memory_space<hbm>>
    tpu.enqueue_indirect_dma source(%dma_start3A_17 : memref<100000x128xf32, #tpu.memory_space<hbm>>) target(%dma_start3A_12 : memref<80x128xf32, #tpu.memory_space<vmem>>) offsets(%dma_start3A_14 : memref<80xi32, #tpu.memory_space<vmem>>) semaphore(%arg15 : memref<!tpu.dma_semaphore, #tpu.memory_space<semaphore_mem>>)
    %dma_start3A_18 = arith.constant 160 : i32
    %dma_start3A_19 = arith.constant 0 : i32
    %dma_start3A_20 = tpu.memref_slice %arg8[%dma_start3A_18, %dma_start3A_19] : memref<320x128xf32, #tpu.memory_space<vmem>> -> memref<80x128xf32, #tpu.memory_space<vmem>>
    %dma_start3A_21 = arith.constant 160 : i32
    %dma_start3A_22 = tpu.memref_slice %arg7[%dma_start3A_21] : memref<320xi32, #tpu.memory_space<vmem>> -> memref<80xi32, #tpu.memory_space<vmem>>
    %dma_start3A_23 = arith.constant 0 : i32
    %dma_start3A_24 = arith.constant 0 : i32
    %dma_start3A_25 = tpu.memref_slice %arg2[%dma_start3A_23, %dma_start3A_24] : memref<100000x128xf32, #tpu.memory_space<hbm>> -> memref<100000x128xf32, #tpu.memory_space<hbm>>
    tpu.enqueue_indirect_dma source(%dma_start3A_25 : memref<100000x128xf32, #tpu.memory_space<hbm>>) target(%dma_start3A_20 : memref<80x128xf32, #tpu.memory_space<vmem>>) offsets(%dma_start3A_22 : memref<80xi32, #tpu.memory_space<vmem>>) semaphore(%arg15 : memref<!tpu.dma_semaphore, #tpu.memory_space<semaphore_mem>>)
    %dma_start3A_26 = arith.constant 240 : i32
    %dma_start3A_27 = arith.constant 0 : i32
    %dma_start3A_28 = tpu.memref_slice %arg8[%dma_start3A_26, %dma_start3A_27] : memref<320x128xf32, #tpu.memory_space<vmem>> -> memref<80x128xf32, #tpu.memory_space<vmem>>
    %dma_start3A_29 = arith.constant 240 : i32
    %dma_start3A_30 = tpu.memref_slice %arg7[%dma_start3A_29] : memref<320xi32, #tpu.memory_space<vmem>> -> memref<80xi32, #tpu.memory_space<vmem>>
    %dma_start3A_31 = arith.constant 0 : i32
    %dma_start3A_32 = arith.constant 0 : i32
    %dma_start3A_33 = tpu.memref_slice %arg2[%dma_start3A_31, %dma_start3A_32] : memref<100000x128xf32, #tpu.memory_space<hbm>> -> memref<100000x128xf32, #tpu.memory_space<hbm>>
    tpu.enqueue_indirect_dma source(%dma_start3A_33 : memref<100000x128xf32, #tpu.memory_space<hbm>>) target(%dma_start3A_28 : memref<80x128xf32, #tpu.memory_space<vmem>>) offsets(%dma_start3A_30 : memref<80xi32, #tpu.memory_space<vmem>>) semaphore(%arg15 : memref<!tpu.dma_semaphore, #tpu.memory_space<semaphore_mem>>)
    %mul3A_34 = arith.constant 5 : i32
    %mul3A_35 = arith.muli %add3A, %mul3A_34 : i32
    %add3A_36 = arith.constant 0 : i32
    %add3A_37 = arith.addi %mul3A_35, %add3A_36 : i32
    %dma_start3A_38 = arith.constant 1 : i32
    %dma_start3A_39 = arith.constant 0 : i32
    %dma_start3A_40 = arith.constant 0 : i32
    %dma_start3A_41 = tpu.memref_slice %arg4[%dma_start3A_38, %add3A_37, %dma_start3A_39, %dma_start3A_40] : memref<2x160x25x80xi32, #tpu.memory_space<hbm>> -> memref<1x1x25x80xi32, #tpu.memory_space<hbm>>
    %dma_start3A_42 = tpu.memref_squeeze %dma_start3A_41 : memref<1x1x25x80xi32, #tpu.memory_space<hbm>> -> memref<25x80xi32, #tpu.memory_space<hbm>>
    %dma_start3A_43 = arith.constant 0 : i32
    %dma_start3A_44 = arith.constant 0 : i32
    %dma_start3A_45 = tpu.memref_slice %arg4[%dma_start3A_38, %add3A_37, %dma_start3A_43, %dma_start3A_44] : memref<2x160x25x80xi32, #tpu.memory_space<hbm>> -> memref<1x1x25x80xi32, #tpu.memory_space<hbm>>
    %dma_start3A_46 = tpu.memref_squeeze %dma_start3A_45 : memref<1x1x25x80xi32, #tpu.memory_space<hbm>> -> memref<25x80xi32, #tpu.memory_space<hbm>>
    tpu.enqueue_dma source(%dma_start3A_46 : memref<25x80xi32, #tpu.memory_space<hbm>>) target(%arg9 : memref<25x80xi32, #tpu.memory_space<vmem>>) target_semaphore(%arg16 : memref<!tpu.dma_semaphore, #tpu.memory_space<semaphore_mem>>)
    %mul3A_47 = arith.constant 5 : i32
    %mul3A_48 = arith.muli %add3A, %mul3A_47 : i32
    %add3A_49 = arith.constant 1 : i32
    %add3A_50 = arith.addi %mul3A_48, %add3A_49 : i32
    %dma_start3A_51 = arith.constant 1 : i32
    %dma_start3A_52 = arith.constant 0 : i32
    %dma_start3A_53 = arith.constant 0 : i32
    %dma_start3A_54 = tpu.memref_slice %arg4[%dma_start3A_51, %add3A_50, %dma_start3A_52, %dma_start3A_53] : memref<2x160x25x80xi32, #tpu.memory_space<hbm>> -> memref<1x1x25x80xi32, #tpu.memory_space<hbm>>
    %dma_start3A_55 = tpu.memref_squeeze %dma_start3A_54 : memref<1x1x25x80xi32, #tpu.memory_space<hbm>> -> memref<25x80xi32, #tpu.memory_space<hbm>>
    %dma_start3A_56 = arith.constant 0 : i32
    %dma_start3A_57 = arith.constant 0 : i32
    %dma_start3A_58 = tpu.memref_slice %arg4[%dma_start3A_51, %add3A_50, %dma_start3A_56, %dma_start3A_57] : memref<2x160x25x80xi32, #tpu.memory_space<hbm>> -> memref<1x1x25x80xi32, #tpu.memory_space<hbm>>
    %dma_start3A_59 = tpu.memref_squeeze %dma_start3A_58 : memref<1x1x25x80xi32, #tpu.memory_space<hbm>> -> memref<25x80xi32, #tpu.memory_space<hbm>>
    tpu.enqueue_dma source(%dma_start3A_59 : memref<25x80xi32, #tpu.memory_space<hbm>>) target(%arg10 : memref<25x80xi32, #tpu.memory_space<vmem>>) target_semaphore(%arg16 : memref<!tpu.dma_semaphore, #tpu.memory_space<semaphore_mem>>)
    %mul3A_60 = arith.constant 5 : i32
    %mul3A_61 = arith.muli %add3A, %mul3A_60 : i32
    %add3A_62 = arith.constant 2 : i32
    %add3A_63 = arith.addi %mul3A_61, %add3A_62 : i32
    %dma_start3A_64 = arith.constant 1 : i32
    %dma_start3A_65 = arith.constant 0 : i32
    %dma_start3A_66 = arith.constant 0 : i32
    %dma_start3A_67 = tpu.memref_slice %arg4[%dma_start3A_64, %add3A_63, %dma_start3A_65, %dma_start3A_66] : memref<2x160x25x80xi32, #tpu.memory_space<hbm>> -> memref<1x1x25x80xi32, #tpu.memory_space<hbm>>
    %dma_start3A_68 = tpu.memref_squeeze %dma_start3A_67 : memref<1x1x25x80xi32, #tpu.memory_space<hbm>> -> memref<25x80xi32, #tpu.memory_space<hbm>>
    %dma_start3A_69 = arith.constant 0 : i32
    %dma_start3A_70 = arith.constant 0 : i32
    %dma_start3A_71 = tpu.memref_slice %arg4[%dma_start3A_64, %add3A_63, %dma_start3A_69, %dma_start3A_70] : memref<2x160x25x80xi32, #tpu.memory_space<hbm>> -> memref<1x1x25x80xi32, #tpu.memory_space<hbm>>
    %dma_start3A_72 = tpu.memref_squeeze %dma_start3A_71 : memref<1x1x25x80xi32, #tpu.memory_space<hbm>> -> memref<25x80xi32, #tpu.memory_space<hbm>>
    tpu.enqueue_dma source(%dma_start3A_72 : memref<25x80xi32, #tpu.memory_space<hbm>>) target(%arg11 : memref<25x80xi32, #tpu.memory_space<vmem>>) target_semaphore(%arg16 : memref<!tpu.dma_semaphore, #tpu.memory_space<semaphore_mem>>)
    %mul3A_73 = arith.constant 5 : i32
    %mul3A_74 = arith.muli %add3A, %mul3A_73 : i32
    %add3A_75 = arith.constant 3 : i32
    %add3A_76 = arith.addi %mul3A_74, %add3A_75 : i32
    %dma_start3A_77 = arith.constant 1 : i32
    %dma_start3A_78 = arith.constant 0 : i32
    %dma_start3A_79 = arith.constant 0 : i32
    %dma_start3A_80 = tpu.memref_slice %arg4[%dma_start3A_77, %add3A_76, %dma_start3A_78, %dma_start3A_79] : memref<2x160x25x80xi32, #tpu.memory_space<hbm>> -> memref<1x1x25x80xi32, #tpu.memory_space<hbm>>
    %dma_start3A_81 = tpu.memref_squeeze %dma_start3A_80 : memref<1x1x25x80xi32, #tpu.memory_space<hbm>> -> memref<25x80xi32, #tpu.memory_space<hbm>>
    %dma_start3A_82 = arith.constant 0 : i32
    %dma_start3A_83 = arith.constant 0 : i32
    %dma_start3A_84 = tpu.memref_slice %arg4[%dma_start3A_77, %add3A_76, %dma_start3A_82, %dma_start3A_83] : memref<2x160x25x80xi32, #tpu.memory_space<hbm>> -> memref<1x1x25x80xi32, #tpu.memory_space<hbm>>
    %dma_start3A_85 = tpu.memref_squeeze %dma_start3A_84 : memref<1x1x25x80xi32, #tpu.memory_space<hbm>> -> memref<25x80xi32, #tpu.memory_space<hbm>>
    tpu.enqueue_dma source(%dma_start3A_85 : memref<25x80xi32, #tpu.memory_space<hbm>>) target(%arg12 : memref<25x80xi32, #tpu.memory_space<vmem>>) target_semaphore(%arg16 : memref<!tpu.dma_semaphore, #tpu.memory_space<semaphore_mem>>)
    %mul3A_86 = arith.constant 5 : i32
    %mul3A_87 = arith.muli %add3A, %mul3A_86 : i32
    %add3A_88 = arith.constant 4 : i32
    %add3A_89 = arith.addi %mul3A_87, %add3A_88 : i32
    %dma_start3A_90 = arith.constant 1 : i32
    %dma_start3A_91 = arith.constant 0 : i32
    %dma_start3A_92 = arith.constant 0 : i32
    %dma_start3A_93 = tpu.memref_slice %arg4[%dma_start3A_90, %add3A_89, %dma_start3A_91, %dma_start3A_92] : memref<2x160x25x80xi32, #tpu.memory_space<hbm>> -> memref<1x1x25x80xi32, #tpu.memory_space<hbm>>
    %dma_start3A_94 = tpu.memref_squeeze %dma_start3A_93 : memref<1x1x25x80xi32, #tpu.memory_space<hbm>> -> memref<25x80xi32, #tpu.memory_space<hbm>>
    %dma_start3A_95 = arith.constant 0 : i32
    %dma_start3A_96 = arith.constant 0 : i32
    %dma_start3A_97 = tpu.memref_slice %arg4[%dma_start3A_90, %add3A_89, %dma_start3A_95, %dma_start3A_96] : memref<2x160x25x80xi32, #tpu.memory_space<hbm>> -> memref<1x1x25x80xi32, #tpu.memory_space<hbm>>
    %dma_start3A_98 = tpu.memref_squeeze %dma_start3A_97 : memref<1x1x25x80xi32, #tpu.memory_space<hbm>> -> memref<25x80xi32, #tpu.memory_space<hbm>>
    tpu.enqueue_dma source(%dma_start3A_98 : memref<25x80xi32, #tpu.memory_space<hbm>>) target(%arg13 : memref<25x80xi32, #tpu.memory_space<vmem>>) target_semaphore(%arg16 : memref<!tpu.dma_semaphore, #tpu.memory_space<semaphore_mem>>)
    %broadcast_in_dim3A = arith.constant 0.000000e+00 : f32
    %broadcast_in_dim3A_99 = vector.broadcast %broadcast_in_dim3A : f32 to vector<16xf32>
    %broadcast_in_dim3A_100 = arith.constant 1.000000e+00 : f32
    %broadcast_in_dim3A_101 = vector.broadcast %broadcast_in_dim3A_100 : f32 to vector<16xf32>
    %scan3A = arith.constant 0 : i32
    %scan3A_102 = arith.constant 640 : i32
    %scan3A_103 = arith.addi %scan3A, %scan3A_102 : i32
    %scan3A_104 = arith.constant 1 : i32
    scf.for %scan3A_2683 = %scan3A to %scan3A_103 step %scan3A_104  : i32 {
      %mul3A_2684 = arith.constant 16 : i32
      %mul3A_2685 = arith.muli %scan3A_2683, %mul3A_2684 : i32
      %add3A_2686 = arith.constant 0 : i32
      %add3A_2687 = arith.addi %add3A_2686, %mul3A_2685 : i32
      %swap3A = arith.index_cast %add3A_2687 : i32 to index
      %swap3A_2688 = tpu.vector_load %arg14[%swap3A] {strides = array<i32>} : memref<10240xf32, #tpu.memory_space<vmem>>, vector<16xf32>,
      tpu.vector_store %arg14[%swap3A], %broadcast_in_dim3A_99 {strides = array<i32>} : memref<10240xf32, #tpu.memory_space<vmem>>, vector<16xf32>,
    }
    %scan3A_105 = arith.constant 640 : i32
    %dma_wait3A = arith.constant 1 : i32
    %dma_wait3A_106 = arith.constant 0 : i32
    %dma_wait3A_107 = arith.constant 0 : i32
    %dma_wait3A_108 = tpu.memref_slice %arg4[%dma_wait3A, %add3A_37, %dma_wait3A_106, %dma_wait3A_107] : memref<2x160x25x80xi32, #tpu.memory_space<hbm>> -> memref<1x1x25x80xi32, #tpu.memory_space<hbm>>
    %dma_wait3A_109 = tpu.memref_squeeze %dma_wait3A_108 : memref<1x1x25x80xi32, #tpu.memory_space<hbm>> -> memref<25x80xi32, #tpu.memory_space<hbm>>
    %dma_wait3A_110 = arith.constant 0 : i32
    %dma_wait3A_111 = arith.constant 0 : i32
    %dma_wait3A_112 = tpu.memref_slice %arg4[%dma_wait3A, %add3A_37, %dma_wait3A_110, %dma_wait3A_111] : memref<2x160x25x80xi32, #tpu.memory_space<hbm>> -> memref<1x1x25x80xi32, #tpu.memory_space<hbm>>
    %dma_wait3A_113 = tpu.memref_squeeze %dma_wait3A_112 : memref<1x1x25x80xi32, #tpu.memory_space<hbm>> -> memref<25x80xi32, #tpu.memory_space<hbm>>
    tpu.wait_dma2 semaphore(%arg16 : memref<!tpu.dma_semaphore, #tpu.memory_space<semaphore_mem>>) src(%dma_wait3A_113 : memref<25x80xi32, #tpu.memory_space<hbm>>) dst(%arg9 : memref<25x80xi32, #tpu.memory_space<vmem>>)
    %get3A = arith.constant 0 : i32
    %get3A_114 = arith.index_cast %get3A : i32 to index
    %get3A_115 = arith.constant 0 : index
    %get3A_116 = tpu.vector_load %arg9[%get3A_114, %get3A_115] {strides = array<i32>} : memref<25x80xi32, #tpu.memory_space<vmem>>, vector<16xi32>,
    tpu.vector_store_idx %arg14[%get3A_116], %broadcast_in_dim3A_101 {add = true} : memref<10240xf32, #tpu.memory_space<vmem>>[vector<16xi32>], vector<16xf32>,
    %get3A_117 = arith.constant 0 : i32
    %get3A_118 = arith.index_cast %get3A_117 : i32 to index
    %get3A_119 = arith.constant 16 : index
    %get3A_120 = tpu.vector_load %arg9[%get3A_118, %get3A_119] {strides = array<i32>} : memref<25x80xi32, #tpu.memory_space<vmem>>, vector<16xi32>,
    tpu.vector_store_idx %arg14[%get3A_120], %broadcast_in_dim3A_101 {add = true} : memref<10240xf32, #tpu.memory_space<vmem>>[vector<16xi32>], vector<16xf32>,
    %get3A_121 = arith.constant 0 : i32
    %get3A_122 = arith.index_cast %get3A_121 : i32 to index
    %get3A_123 = arith.constant 32 : index
    %get3A_124 = tpu.vector_load %arg9[%get3A_122, %get3A_123] {strides = array<i32>} : memref<25x80xi32, #tpu.memory_space<vmem>>, vector<16xi32>,
    tpu.vector_store_idx %arg14[%get3A_124], %broadcast_in_dim3A_101 {add = true} : memref<10240xf32, #tpu.memory_space<vmem>>[vector<16xi32>], vector<16xf32>,
    %get3A_125 = arith.constant 0 : i32
    %get3A_126 = arith.index_cast %get3A_125 : i32 to index
    %get3A_127 = arith.constant 48 : index
    %get3A_128 = tpu.vector_load %arg9[%get3A_126, %get3A_127] {strides = array<i32>} : memref<25x80xi32, #tpu.memory_space<vmem>>, vector<16xi32>,
    tpu.vector_store_idx %arg14[%get3A_128], %broadcast_in_dim3A_101 {add = true} : memref<10240xf32, #tpu.memory_space<vmem>>[vector<16xi32>], vector<16xf32>,
    %get3A_129 = arith.constant 0 : i32
    %get3A_130 = arith.index_cast %get3A_129 : i32 to index
    %get3A_131 = arith.constant 64 : index
    %get3A_132 = tpu.vector_load %arg9[%get3A_130, %get3A_131] {strides = array<i32>} : memref<25x80xi32, #tpu.memory_space<vmem>>, vector<16xi32>,
    tpu.vector_store_idx %arg14[%get3A_132], %broadcast_in_dim3A_101 {add = true} : memref<10240xf32, #tpu.memory_space<vmem>>[vector<16xi32>], vector<16xf32>,
    %get3A_133 = arith.constant 1 : i32
    %get3A_134 = arith.index_cast %get3A_133 : i32 to index
    %get3A_135 = arith.constant 0 : index
    %get3A_136 = tpu.vector_load %arg9[%get3A_134, %get3A_135] {strides = array<i32>} : memref<25x80xi32, #tpu.memory_space<vmem>>, vector<16xi32>,
    tpu.vector_store_idx %arg14[%get3A_136], %broadcast_in_dim3A_101 {add = true} : memref<10240xf32, #tpu.memory_space<vmem>>[vector<16xi32>], vector<16xf32>,
    %get3A_137 = arith.constant 1 : i32
    %get3A_138 = arith.index_cast %get3A_137 : i32 to index
    %get3A_139 = arith.constant 16 : index
    %get3A_140 = tpu.vector_load %arg9[%get3A_138, %get3A_139] {strides = array<i32>} : memref<25x80xi32, #tpu.memory_space<vmem>>, vector<16xi32>,
    tpu.vector_store_idx %arg14[%get3A_140], %broadcast_in_dim3A_101 {add = true} : memref<10240xf32, #tpu.memory_space<vmem>>[vector<16xi32>], vector<16xf32>,
    %get3A_141 = arith.constant 1 : i32
    %get3A_142 = arith.index_cast %get3A_141 : i32 to index
    %get3A_143 = arith.constant 32 : index
    %get3A_144 = tpu.vector_load %arg9[%get3A_142, %get3A_143] {strides = array<i32>} : memref<25x80xi32, #tpu.memory_space<vmem>>, vector<16xi32>,
    tpu.vector_store_idx %arg14[%get3A_144], %broadcast_in_dim3A_101 {add = true} : memref<10240xf32, #tpu.memory_space<vmem>>[vector<16xi32>], vector<16xf32>,
    %get3A_145 = arith.constant 1 : i32
    %get3A_146 = arith.index_cast %get3A_145 : i32 to index
    %get3A_147 = arith.constant 48 : index
    %get3A_148 = tpu.vector_load %arg9[%get3A_146, %get3A_147] {strides = array<i32>} : memref<25x80xi32, #tpu.memory_space<vmem>>, vector<16xi32>,
    tpu.vector_store_idx %arg14[%get3A_148], %broadcast_in_dim3A_101 {add = true} : memref<10240xf32, #tpu.memory_space<vmem>>[vector<16xi32>], vector<16xf32>,
    %get3A_149 = arith.constant 1 : i32
    %get3A_150 = arith.index_cast %get3A_149 : i32 to index
    %get3A_151 = arith.constant 64 : index
    %get3A_152 = tpu.vector_load %arg9[%get3A_150, %get3A_151] {strides = array<i32>} : memref<25x80xi32, #tpu.memory_space<vmem>>, vector<16xi32>,
    tpu.vector_store_idx %arg14[%get3A_152], %broadcast_in_dim3A_101 {add = true} : memref<10240xf32, #tpu.memory_space<vmem>>[vector<16xi32>], vector<16xf32>,
    %get3A_153 = arith.constant 2 : i32
    %get3A_154 = arith.index_cast %get3A_153 : i32 to index
    %get3A_155 = arith.constant 0 : index
    %get3A_156 = tpu.vector_load %arg9[%get3A_154, %get3A_155] {strides = array<i32>} : memref<25x80xi32, #tpu.memory_space<vmem>>, vector<16xi32>,
    tpu.vector_store_idx %arg14[%get3A_156], %broadcast_in_dim3A_101 {add = true} : memref<10240xf32, #tpu.memory_space<vmem>>[vector<16xi32>], vector<16xf32>,
    %get3A_157 = arith.constant 2 : i32
    %get3A_158 = arith.index_cast %get3A_157 : i32 to index
    %get3A_159 = arith.constant 16 : index
    %get3A_160 = tpu.vector_load %arg9[%get3A_158, %get3A_159] {strides = array<i32>} : memref<25x80xi32, #tpu.memory_space<vmem>>, vector<16xi32>,
    tpu.vector_store_idx %arg14[%get3A_160], %broadcast_in_dim3A_101 {add = true} : memref<10240xf32, #tpu.memory_space<vmem>>[vector<16xi32>], vector<16xf32>,
    %get3A_161 = arith.constant 2 : i32
    %get3A_162 = arith.index_cast %get3A_161 : i32 to index
    %get3A_163 = arith.constant 32 : index
    %get3A_164 = tpu.vector_load %arg9[%get3A_162, %get3A_163] {strides = array<i32>} : memref<25x80xi32, #tpu.memory_space<vmem>>, vector<16xi32>,
    tpu.vector_store_idx %arg14[%get3A_164], %broadcast_in_dim3A_101 {add = true} : memref<10240xf32, #tpu.memory_space<vmem>>[vector<16xi32>], vector<16xf32>,
    %get3A_165 = arith.constant 2 : i32
    %get3A_166 = arith.index_cast %get3A_165 : i32 to index
    %get3A_167 = arith.constant 48 : index
    %get3A_168 = tpu.vector_load %arg9[%get3A_166, %get3A_167] {strides = array<i32>} : memref<25x80xi32, #tpu.memory_space<vmem>>, vector<16xi32>,
    tpu.vector_store_idx %arg14[%get3A_168], %broadcast_in_dim3A_101 {add = true} : memref<10240xf32, #tpu.memory_space<vmem>>[vector<16xi32>], vector<16xf32>,
    %get3A_169 = arith.constant 2 : i32
    %get3A_170 = arith.index_cast %get3A_169 : i32 to index
    %get3A_171 = arith.constant 64 : index
    %get3A_172 = tpu.vector_load %arg9[%get3A_170, %get3A_171] {strides = array<i32>} : memref<25x80xi32, #tpu.memory_space<vmem>>, vector<16xi32>,
    tpu.vector_store_idx %arg14[%get3A_172], %broadcast_in_dim3A_101 {add = true} : memref<10240xf32, #tpu.memory_space<vmem>>[vector<16xi32>], vector<16xf32>,
    %get3A_173 = arith.constant 3 : i32
    %get3A_174 = arith.index_cast %get3A_173 : i32 to index
    %get3A_175 = arith.constant 0 : index
    %get3A_176 = tpu.vector_load %arg9[%get3A_174, %get3A_175] {strides = array<i32>} : memref<25x80xi32, #tpu.memory_space<vmem>>, vector<16xi32>,
    tpu.vector_store_idx %arg14[%get3A_176], %broadcast_in_dim3A_101 {add = true} : memref<10240xf32, #tpu.memory_space<vmem>>[vector<16xi32>], vector<16xf32>,
    %get3A_177 = arith.constant 3 : i32
    %get3A_178 = arith.index_cast %get3A_177 : i32 to index
    %get3A_179 = arith.constant 16 : index
    %get3A_180 = tpu.vector_load %arg9[%get3A_178, %get3A_179] {strides = array<i32>} : memref<25x80xi32, #tpu.memory_space<vmem>>, vector<16xi32>,
    tpu.vector_store_idx %arg14[%get3A_180], %broadcast_in_dim3A_101 {add = true} : memref<10240xf32, #tpu.memory_space<vmem>>[vector<16xi32>], vector<16xf32>,
    %get3A_181 = arith.constant 3 : i32
    %get3A_182 = arith.index_cast %get3A_181 : i32 to index
    %get3A_183 = arith.constant 32 : index
    %get3A_184 = tpu.vector_load %arg9[%get3A_182, %get3A_183] {strides = array<i32>} : memref<25x80xi32, #tpu.memory_space<vmem>>, vector<16xi32>,
    tpu.vector_store_idx %arg14[%get3A_184], %broadcast_in_dim3A_101 {add = true} : memref<10240xf32, #tpu.memory_space<vmem>>[vector<16xi32>], vector<16xf32>,
    %get3A_185 = arith.constant 3 : i32
    %get3A_186 = arith.index_cast %get3A_185 : i32 to index
    %get3A_187 = arith.constant 48 : index
    %get3A_188 = tpu.vector_load %arg9[%get3A_186, %get3A_187] {strides = array<i32>} : memref<25x80xi32, #tpu.memory_space<vmem>>, vector<16xi32>,
    tpu.vector_store_idx %arg14[%get3A_188], %broadcast_in_dim3A_101 {add = true} : memref<10240xf32, #tpu.memory_space<vmem>>[vector<16xi32>], vector<16xf32>,
    %get3A_189 = arith.constant 3 : i32
    %get3A_190 = arith.index_cast %get3A_189 : i32 to index
    %get3A_191 = arith.constant 64 : index
    %get3A_192 = tpu.vector_load %arg9[%get3A_190, %get3A_191] {strides = array<i32>} : memref<25x80xi32, #tpu.memory_space<vmem>>, vector<16xi32>,
    tpu.vector_store_idx %arg14[%get3A_192], %broadcast_in_dim3A_101 {add = true} : memref<10240xf32, #tpu.memory_space<vmem>>[vector<16xi32>], vector<16xf32>,
    %get3A_193 = arith.constant 4 : i32
    %get3A_194 = arith.index_cast %get3A_193 : i32 to index
    %get3A_195 = arith.constant 0 : index
    %get3A_196 = tpu.vector_load %arg9[%get3A_194, %get3A_195] {strides = array<i32>} : memref<25x80xi32, #tpu.memory_space<vmem>>, vector<16xi32>,
    tpu.vector_store_idx %arg14[%get3A_196], %broadcast_in_dim3A_101 {add = true} : memref<10240xf32, #tpu.memory_space<vmem>>[vector<16xi32>], vector<16xf32>,
    %get3A_197 = arith.constant 4 : i32
    %get3A_198 = arith.index_cast %get3A_197 : i32 to index
    %get3A_199 = arith.constant 16 : index
    %get3A_200 = tpu.vector_load %arg9[%get3A_198, %get3A_199] {strides = array<i32>} : memref<25x80xi32, #tpu.memory_space<vmem>>, vector<16xi32>,
    tpu.vector_store_idx %arg14[%get3A_200], %broadcast_in_dim3A_101 {add = true} : memref<10240xf32, #tpu.memory_space<vmem>>[vector<16xi32>], vector<16xf32>,
    %get3A_201 = arith.constant 4 : i32
    %get3A_202 = arith.index_cast %get3A_201 : i32 to index
    %get3A_203 = arith.constant 32 : index
    %get3A_204 = tpu.vector_load %arg9[%get3A_202, %get3A_203] {strides = array<i32>} : memref<25x80xi32, #tpu.memory_space<vmem>>, vector<16xi32>,
    tpu.vector_store_idx %arg14[%get3A_204], %broadcast_in_dim3A_101 {add = true} : memref<10240xf32, #tpu.memory_space<vmem>>[vector<16xi32>], vector<16xf32>,
    %get3A_205 = arith.constant 4 : i32
    %get3A_206 = arith.index_cast %get3A_205 : i32 to index
    %get3A_207 = arith.constant 48 : index
    %get3A_208 = tpu.vector_load %arg9[%get3A_206, %get3A_207] {strides = array<i32>} : memref<25x80xi32, #tpu.memory_space<vmem>>, vector<16xi32>,
    tpu.vector_store_idx %arg14[%get3A_208], %broadcast_in_dim3A_101 {add = true} : memref<10240xf32, #tpu.memory_space<vmem>>[vector<16xi32>], vector<16xf32>,
    %get3A_209 = arith.constant 4 : i32
    %get3A_210 = arith.index_cast %get3A_209 : i32 to index
    %get3A_211 = arith.constant 64 : index
    %get3A_212 = tpu.vector_load %arg9[%get3A_210, %get3A_211] {strides = array<i32>} : memref<25x80xi32, #tpu.memory_space<vmem>>, vector<16xi32>,
    tpu.vector_store_idx %arg14[%get3A_212], %broadcast_in_dim3A_101 {add = true} : memref<10240xf32, #tpu.memory_space<vmem>>[vector<16xi32>], vector<16xf32>,
    %get3A_213 = arith.constant 5 : i32
    %get3A_214 = arith.index_cast %get3A_213 : i32 to index
    %get3A_215 = arith.constant 0 : index
    %get3A_216 = tpu.vector_load %arg9[%get3A_214, %get3A_215] {strides = array<i32>} : memref<25x80xi32, #tpu.memory_space<vmem>>, vector<16xi32>,
    tpu.vector_store_idx %arg14[%get3A_216], %broadcast_in_dim3A_101 {add = true} : memref<10240xf32, #tpu.memory_space<vmem>>[vector<16xi32>], vector<16xf32>,
    %get3A_217 = arith.constant 5 : i32
    %get3A_218 = arith.index_cast %get3A_217 : i32 to index
    %get3A_219 = arith.constant 16 : index
    %get3A_220 = tpu.vector_load %arg9[%get3A_218, %get3A_219] {strides = array<i32>} : memref<25x80xi32, #tpu.memory_space<vmem>>, vector<16xi32>,
    tpu.vector_store_idx %arg14[%get3A_220], %broadcast_in_dim3A_101 {add = true} : memref<10240xf32, #tpu.memory_space<vmem>>[vector<16xi32>], vector<16xf32>,
    %get3A_221 = arith.constant 5 : i32
    %get3A_222 = arith.index_cast %get3A_221 : i32 to index
    %get3A_223 = arith.constant 32 : index
    %get3A_224 = tpu.vector_load %arg9[%get3A_222, %get3A_223] {strides = array<i32>} : memref<25x80xi32, #tpu.memory_space<vmem>>, vector<16xi32>,
    tpu.vector_store_idx %arg14[%get3A_224], %broadcast_in_dim3A_101 {add = true} : memref<10240xf32, #tpu.memory_space<vmem>>[vector<16xi32>], vector<16xf32>,
    %get3A_225 = arith.constant 5 : i32
    %get3A_226 = arith.index_cast %get3A_225 : i32 to index
    %get3A_227 = arith.constant 48 : index
    %get3A_228 = tpu.vector_load %arg9[%get3A_226, %get3A_227] {strides = array<i32>} : memref<25x80xi32, #tpu.memory_space<vmem>>, vector<16xi32>,
    tpu.vector_store_idx %arg14[%get3A_228], %broadcast_in_dim3A_101 {add = true} : memref<10240xf32, #tpu.memory_space<vmem>>[vector<16xi32>], vector<16xf32>,
    %get3A_229 = arith.constant 5 : i32
    %get3A_230 = arith.index_cast %get3A_229 : i32 to index
    %get3A_231 = arith.constant 64 : index
    %get3A_232 = tpu.vector_load %arg9[%get3A_230, %get3A_231] {strides = array<i32>} : memref<25x80xi32, #tpu.memory_space<vmem>>, vector<16xi32>,
    tpu.vector_store_idx %arg14[%get3A_232], %broadcast_in_dim3A_101 {add = true} : memref<10240xf32, #tpu.memory_space<vmem>>[vector<16xi32>], vector<16xf32>,
    %get3A_233 = arith.constant 6 : i32
    %get3A_234 = arith.index_cast %get3A_233 : i32 to index
    %get3A_235 = arith.constant 0 : index
    %get3A_236 = tpu.vector_load %arg9[%get3A_234, %get3A_235] {strides = array<i32>} : memref<25x80xi32, #tpu.memory_space<vmem>>, vector<16xi32>,
    tpu.vector_store_idx %arg14[%get3A_236], %broadcast_in_dim3A_101 {add = true} : memref<10240xf32, #tpu.memory_space<vmem>>[vector<16xi32>], vector<16xf32>,
    %get3A_237 = arith.constant 6 : i32
    %get3A_238 = arith.index_cast %get3A_237 : i32 to index
    %get3A_239 = arith.constant 16 : index
    %get3A_240 = tpu.vector_load %arg9[%get3A_238, %get3A_239] {strides = array<i32>} : memref<25x80xi32, #tpu.memory_space<vmem>>, vector<16xi32>,
    tpu.vector_store_idx %arg14[%get3A_240], %broadcast_in_dim3A_101 {add = true} : memref<10240xf32, #tpu.memory_space<vmem>>[vector<16xi32>], vector<16xf32>,
    %get3A_241 = arith.constant 6 : i32
    %get3A_242 = arith.index_cast %get3A_241 : i32 to index
    %get3A_243 = arith.constant 32 : index
    %get3A_244 = tpu.vector_load %arg9[%get3A_242, %get3A_243] {strides = array<i32>} : memref<25x80xi32, #tpu.memory_space<vmem>>, vector<16xi32>,
    tpu.vector_store_idx %arg14[%get3A_244], %broadcast_in_dim3A_101 {add = true} : memref<10240xf32, #tpu.memory_space<vmem>>[vector<16xi32>], vector<16xf32>,
    %get3A_245 = arith.constant 6 : i32
    %get3A_246 = arith.index_cast %get3A_245 : i32 to index
    %get3A_247 = arith.constant 48 : index
    %get3A_248 = tpu.vector_load %arg9[%get3A_246, %get3A_247] {strides = array<i32>} : memref<25x80xi32, #tpu.memory_space<vmem>>, vector<16xi32>,
    tpu.vector_store_idx %arg14[%get3A_248], %broadcast_in_dim3A_101 {add = true} : memref<10240xf32, #tpu.memory_space<vmem>>[vector<16xi32>], vector<16xf32>,
    %get3A_249 = arith.constant 6 : i32
    %get3A_250 = arith.index_cast %get3A_249 : i32 to index
    %get3A_251 = arith.constant 64 : index
    %get3A_252 = tpu.vector_load %arg9[%get3A_250, %get3A_251] {strides = array<i32>} : memref<25x80xi32, #tpu.memory_space<vmem>>, vector<16xi32>,
    tpu.vector_store_idx %arg14[%get3A_252], %broadcast_in_dim3A_101 {add = true} : memref<10240xf32, #tpu.memory_space<vmem>>[vector<16xi32>], vector<16xf32>,
    %get3A_253 = arith.constant 7 : i32
    %get3A_254 = arith.index_cast %get3A_253 : i32 to index
    %get3A_255 = arith.constant 0 : index
    %get3A_256 = tpu.vector_load %arg9[%get3A_254, %get3A_255] {strides = array<i32>} : memref<25x80xi32, #tpu.memory_space<vmem>>, vector<16xi32>,
    tpu.vector_store_idx %arg14[%get3A_256], %broadcast_in_dim3A_101 {add = true} : memref<10240xf32, #tpu.memory_space<vmem>>[vector<16xi32>], vector<16xf32>,
    %get3A_257 = arith.constant 7 : i32
    %get3A_258 = arith.index_cast %get3A_257 : i32 to index
    %get3A_259 = arith.constant 16 : index
    %get3A_260 = tpu.vector_load %arg9[%get3A_258, %get3A_259] {strides = array<i32>} : memref<25x80xi32, #tpu.memory_space<vmem>>, vector<16xi32>,
    tpu.vector_store_idx %arg14[%get3A_260], %broadcast_in_dim3A_101 {add = true} : memref<10240xf32, #tpu.memory_space<vmem>>[vector<16xi32>], vector<16xf32>,
    %get3A_261 = arith.constant 7 : i32
    %get3A_262 = arith.index_cast %get3A_261 : i32 to index
    %get3A_263 = arith.constant 32 : index
    %get3A_264 = tpu.vector_load %arg9[%get3A_262, %get3A_263] {strides = array<i32>} : memref<25x80xi32, #tpu.memory_space<vmem>>, vector<16xi32>,
    tpu.vector_store_idx %arg14[%get3A_264], %broadcast_in_dim3A_101 {add = true} : memref<10240xf32, #tpu.memory_space<vmem>>[vector<16xi32>], vector<16xf32>,
    %get3A_265 = arith.constant 7 : i32
    %get3A_266 = arith.index_cast %get3A_265 : i32 to index
    %get3A_267 = arith.constant 48 : index
    %get3A_268 = tpu.vector_load %arg9[%get3A_266, %get3A_267] {strides = array<i32>} : memref<25x80xi32, #tpu.memory_space<vmem>>, vector<16xi32>,
    tpu.vector_store_idx %arg14[%get3A_268], %broadcast_in_dim3A_101 {add = true} : memref<10240xf32, #tpu.memory_space<vmem>>[vector<16xi32>], vector<16xf32>,
    %get3A_269 = arith.constant 7 : i32
    %get3A_270 = arith.index_cast %get3A_269 : i32 to index
    %get3A_271 = arith.constant 64 : index
    %get3A_272 = tpu.vector_load %arg9[%get3A_270, %get3A_271] {strides = array<i32>} : memref<25x80xi32, #tpu.memory_space<vmem>>, vector<16xi32>,
    tpu.vector_store_idx %arg14[%get3A_272], %broadcast_in_dim3A_101 {add = true} : memref<10240xf32, #tpu.memory_space<vmem>>[vector<16xi32>], vector<16xf32>,
    %get3A_273 = arith.constant 8 : i32
    %get3A_274 = arith.index_cast %get3A_273 : i32 to index
    %get3A_275 = arith.constant 0 : index
    %get3A_276 = tpu.vector_load %arg9[%get3A_274, %get3A_275] {strides = array<i32>} : memref<25x80xi32, #tpu.memory_space<vmem>>, vector<16xi32>,
    tpu.vector_store_idx %arg14[%get3A_276], %broadcast_in_dim3A_101 {add = true} : memref<10240xf32, #tpu.memory_space<vmem>>[vector<16xi32>], vector<16xf32>,
    %get3A_277 = arith.constant 8 : i32
    %get3A_278 = arith.index_cast %get3A_277 : i32 to index
    %get3A_279 = arith.constant 16 : index
    %get3A_280 = tpu.vector_load %arg9[%get3A_278, %get3A_279] {strides = array<i32>} : memref<25x80xi32, #tpu.memory_space<vmem>>, vector<16xi32>,
    tpu.vector_store_idx %arg14[%get3A_280], %broadcast_in_dim3A_101 {add = true} : memref<10240xf32, #tpu.memory_space<vmem>>[vector<16xi32>], vector<16xf32>,
    %get3A_281 = arith.constant 8 : i32
    %get3A_282 = arith.index_cast %get3A_281 : i32 to index
    %get3A_283 = arith.constant 32 : index
    %get3A_284 = tpu.vector_load %arg9[%get3A_282, %get3A_283] {strides = array<i32>} : memref<25x80xi32, #tpu.memory_space<vmem>>, vector<16xi32>,
    tpu.vector_store_idx %arg14[%get3A_284], %broadcast_in_dim3A_101 {add = true} : memref<10240xf32, #tpu.memory_space<vmem>>[vector<16xi32>], vector<16xf32>,
    %get3A_285 = arith.constant 8 : i32
    %get3A_286 = arith.index_cast %get3A_285 : i32 to index
    %get3A_287 = arith.constant 48 : index
    %get3A_288 = tpu.vector_load %arg9[%get3A_286, %get3A_287] {strides = array<i32>} : memref<25x80xi32, #tpu.memory_space<vmem>>, vector<16xi32>,
    tpu.vector_store_idx %arg14[%get3A_288], %broadcast_in_dim3A_101 {add = true} : memref<10240xf32, #tpu.memory_space<vmem>>[vector<16xi32>], vector<16xf32>,
    %get3A_289 = arith.constant 8 : i32
    %get3A_290 = arith.index_cast %get3A_289 : i32 to index
    %get3A_291 = arith.constant 64 : index
    %get3A_292 = tpu.vector_load %arg9[%get3A_290, %get3A_291] {strides = array<i32>} : memref<25x80xi32, #tpu.memory_space<vmem>>, vector<16xi32>,
    tpu.vector_store_idx %arg14[%get3A_292], %broadcast_in_dim3A_101 {add = true} : memref<10240xf32, #tpu.memory_space<vmem>>[vector<16xi32>], vector<16xf32>,
    %get3A_293 = arith.constant 9 : i32
    %get3A_294 = arith.index_cast %get3A_293 : i32 to index
    %get3A_295 = arith.constant 0 : index
    %get3A_296 = tpu.vector_load %arg9[%get3A_294, %get3A_295] {strides = array<i32>} : memref<25x80xi32, #tpu.memory_space<vmem>>, vector<16xi32>,
    tpu.vector_store_idx %arg14[%get3A_296], %broadcast_in_dim3A_101 {add = true} : memref<10240xf32, #tpu.memory_space<vmem>>[vector<16xi32>], vector<16xf32>,
    %get3A_297 = arith.constant 9 : i32
    %get3A_298 = arith.index_cast %get3A_297 : i32 to index
    %get3A_299 = arith.constant 16 : index
    %get3A_300 = tpu.vector_load %arg9[%get3A_298, %get3A_299] {strides = array<i32>} : memref<25x80xi32, #tpu.memory_space<vmem>>, vector<16xi32>,
    tpu.vector_store_idx %arg14[%get3A_300], %broadcast_in_dim3A_101 {add = true} : memref<10240xf32, #tpu.memory_space<vmem>>[vector<16xi32>], vector<16xf32>,
    %get3A_301 = arith.constant 9 : i32
    %get3A_302 = arith.index_cast %get3A_301 : i32 to index
    %get3A_303 = arith.constant 32 : index
    %get3A_304 = tpu.vector_load %arg9[%get3A_302, %get3A_303] {strides = array<i32>} : memref<25x80xi32, #tpu.memory_space<vmem>>, vector<16xi32>,
    tpu.vector_store_idx %arg14[%get3A_304], %broadcast_in_dim3A_101 {add = true} : memref<10240xf32, #tpu.memory_space<vmem>>[vector<16xi32>], vector<16xf32>,
    %get3A_305 = arith.constant 9 : i32
    %get3A_306 = arith.index_cast %get3A_305 : i32 to index
    %get3A_307 = arith.constant 48 : index
    %get3A_308 = tpu.vector_load %arg9[%get3A_306, %get3A_307] {strides = array<i32>} : memref<25x80xi32, #tpu.memory_space<vmem>>, vector<16xi32>,
    tpu.vector_store_idx %arg14[%get3A_308], %broadcast_in_dim3A_101 {add = true} : memref<10240xf32, #tpu.memory_space<vmem>>[vector<16xi32>], vector<16xf32>,
    %get3A_309 = arith.constant 9 : i32
    %get3A_310 = arith.index_cast %get3A_309 : i32 to index
    %get3A_311 = arith.constant 64 : index
    %get3A_312 = tpu.vector_load %arg9[%get3A_310, %get3A_311] {strides = array<i32>} : memref<25x80xi32, #tpu.memory_space<vmem>>, vector<16xi32>,
    tpu.vector_store_idx %arg14[%get3A_312], %broadcast_in_dim3A_101 {add = true} : memref<10240xf32, #tpu.memory_space<vmem>>[vector<16xi32>], vector<16xf32>,
    %get3A_313 = arith.constant 10 : i32
    %get3A_314 = arith.index_cast %get3A_313 : i32 to index
    %get3A_315 = arith.constant 0 : index
    %get3A_316 = tpu.vector_load %arg9[%get3A_314, %get3A_315] {strides = array<i32>} : memref<25x80xi32, #tpu.memory_space<vmem>>, vector<16xi32>,
    tpu.vector_store_idx %arg14[%get3A_316], %broadcast_in_dim3A_101 {add = true} : memref<10240xf32, #tpu.memory_space<vmem>>[vector<16xi32>], vector<16xf32>,
    %get3A_317 = arith.constant 10 : i32
    %get3A_318 = arith.index_cast %get3A_317 : i32 to index
    %get3A_319 = arith.constant 16 : index
    %get3A_320 = tpu.vector_load %arg9[%get3A_318, %get3A_319] {strides = array<i32>} : memref<25x80xi32, #tpu.memory_space<vmem>>, vector<16xi32>,
    tpu.vector_store_idx %arg14[%get3A_320], %broadcast_in_dim3A_101 {add = true} : memref<10240xf32, #tpu.memory_space<vmem>>[vector<16xi32>], vector<16xf32>,
    %get3A_321 = arith.constant 10 : i32
    %get3A_322 = arith.index_cast %get3A_321 : i32 to index
    %get3A_323 = arith.constant 32 : index
    %get3A_324 = tpu.vector_load %arg9[%get3A_322, %get3A_323] {strides = array<i32>} : memref<25x80xi32, #tpu.memory_space<vmem>>, vector<16xi32>,
    tpu.vector_store_idx %arg14[%get3A_324], %broadcast_in_dim3A_101 {add = true} : memref<10240xf32, #tpu.memory_space<vmem>>[vector<16xi32>], vector<16xf32>,
    %get3A_325 = arith.constant 10 : i32
    %get3A_326 = arith.index_cast %get3A_325 : i32 to index
    %get3A_327 = arith.constant 48 : index
    %get3A_328 = tpu.vector_load %arg9[%get3A_326, %get3A_327] {strides = array<i32>} : memref<25x80xi32, #tpu.memory_space<vmem>>, vector<16xi32>,
    tpu.vector_store_idx %arg14[%get3A_328], %broadcast_in_dim3A_101 {add = true} : memref<10240xf32, #tpu.memory_space<vmem>>[vector<16xi32>], vector<16xf32>,
    %get3A_329 = arith.constant 10 : i32
    %get3A_330 = arith.index_cast %get3A_329 : i32 to index
    %get3A_331 = arith.constant 64 : index
    %get3A_332 = tpu.vector_load %arg9[%get3A_330, %get3A_331] {strides = array<i32>} : memref<25x80xi32, #tpu.memory_space<vmem>>, vector<16xi32>,
    tpu.vector_store_idx %arg14[%get3A_332], %broadcast_in_dim3A_101 {add = true} : memref<10240xf32, #tpu.memory_space<vmem>>[vector<16xi32>], vector<16xf32>,
    %get3A_333 = arith.constant 11 : i32
    %get3A_334 = arith.index_cast %get3A_333 : i32 to index
    %get3A_335 = arith.constant 0 : index
    %get3A_336 = tpu.vector_load %arg9[%get3A_334, %get3A_335] {strides = array<i32>} : memref<25x80xi32, #tpu.memory_space<vmem>>, vector<16xi32>,
    tpu.vector_store_idx %arg14[%get3A_336], %broadcast_in_dim3A_101 {add = true} : memref<10240xf32, #tpu.memory_space<vmem>>[vector<16xi32>], vector<16xf32>,
    %get3A_337 = arith.constant 11 : i32
    %get3A_338 = arith.index_cast %get3A_337 : i32 to index
    %get3A_339 = arith.constant 16 : index
    %get3A_340 = tpu.vector_load %arg9[%get3A_338, %get3A_339] {strides = array<i32>} : memref<25x80xi32, #tpu.memory_space<vmem>>, vector<16xi32>,
    tpu.vector_store_idx %arg14[%get3A_340], %broadcast_in_dim3A_101 {add = true} : memref<10240xf32, #tpu.memory_space<vmem>>[vector<16xi32>], vector<16xf32>,
    %get3A_341 = arith.constant 11 : i32
    %get3A_342 = arith.index_cast %get3A_341 : i32 to index
    %get3A_343 = arith.constant 32 : index
    %get3A_344 = tpu.vector_load %arg9[%get3A_342, %get3A_343] {strides = array<i32>} : memref<25x80xi32, #tpu.memory_space<vmem>>, vector<16xi32>,
    tpu.vector_store_idx %arg14[%get3A_344], %broadcast_in_dim3A_101 {add = true} : memref<10240xf32, #tpu.memory_space<vmem>>[vector<16xi32>], vector<16xf32>,
    %get3A_345 = arith.constant 11 : i32
    %get3A_346 = arith.index_cast %get3A_345 : i32 to index
    %get3A_347 = arith.constant 48 : index
    %get3A_348 = tpu.vector_load %arg9[%get3A_346, %get3A_347] {strides = array<i32>} : memref<25x80xi32, #tpu.memory_space<vmem>>, vector<16xi32>,
    tpu.vector_store_idx %arg14[%get3A_348], %broadcast_in_dim3A_101 {add = true} : memref<10240xf32, #tpu.memory_space<vmem>>[vector<16xi32>], vector<16xf32>,
    %get3A_349 = arith.constant 11 : i32
    %get3A_350 = arith.index_cast %get3A_349 : i32 to index
    %get3A_351 = arith.constant 64 : index
    %get3A_352 = tpu.vector_load %arg9[%get3A_350, %get3A_351] {strides = array<i32>} : memref<25x80xi32, #tpu.memory_space<vmem>>, vector<16xi32>,
    tpu.vector_store_idx %arg14[%get3A_352], %broadcast_in_dim3A_101 {add = true} : memref<10240xf32, #tpu.memory_space<vmem>>[vector<16xi32>], vector<16xf32>,
    %get3A_353 = arith.constant 12 : i32
    %get3A_354 = arith.index_cast %get3A_353 : i32 to index
    %get3A_355 = arith.constant 0 : index
    %get3A_356 = tpu.vector_load %arg9[%get3A_354, %get3A_355] {strides = array<i32>} : memref<25x80xi32, #tpu.memory_space<vmem>>, vector<16xi32>,
    tpu.vector_store_idx %arg14[%get3A_356], %broadcast_in_dim3A_101 {add = true} : memref<10240xf32, #tpu.memory_space<vmem>>[vector<16xi32>], vector<16xf32>,
    %get3A_357 = arith.constant 12 : i32
    %get3A_358 = arith.index_cast %get3A_357 : i32 to index
    %get3A_359 = arith.constant 16 : index
    %get3A_360 = tpu.vector_load %arg9[%get3A_358, %get3A_359] {strides = array<i32>} : memref<25x80xi32, #tpu.memory_space<vmem>>, vector<16xi32>,
    tpu.vector_store_idx %arg14[%get3A_360], %broadcast_in_dim3A_101 {add = true} : memref<10240xf32, #tpu.memory_space<vmem>>[vector<16xi32>], vector<16xf32>,
    %get3A_361 = arith.constant 12 : i32
    %get3A_362 = arith.index_cast %get3A_361 : i32 to index
    %get3A_363 = arith.constant 32 : index
    %get3A_364 = tpu.vector_load %arg9[%get3A_362, %get3A_363] {strides = array<i32>} : memref<25x80xi32, #tpu.memory_space<vmem>>, vector<16xi32>,
    tpu.vector_store_idx %arg14[%get3A_364], %broadcast_in_dim3A_101 {add = true} : memref<10240xf32, #tpu.memory_space<vmem>>[vector<16xi32>], vector<16xf32>,
    %get3A_365 = arith.constant 12 : i32
    %get3A_366 = arith.index_cast %get3A_365 : i32 to index
    %get3A_367 = arith.constant 48 : index
    %get3A_368 = tpu.vector_load %arg9[%get3A_366, %get3A_367] {strides = array<i32>} : memref<25x80xi32, #tpu.memory_space<vmem>>, vector<16xi32>,
    tpu.vector_store_idx %arg14[%get3A_368], %broadcast_in_dim3A_101 {add = true} : memref<10240xf32, #tpu.memory_space<vmem>>[vector<16xi32>], vector<16xf32>,
    %get3A_369 = arith.constant 12 : i32
    %get3A_370 = arith.index_cast %get3A_369 : i32 to index
    %get3A_371 = arith.constant 64 : index
    %get3A_372 = tpu.vector_load %arg9[%get3A_370, %get3A_371] {strides = array<i32>} : memref<25x80xi32, #tpu.memory_space<vmem>>, vector<16xi32>,
    tpu.vector_store_idx %arg14[%get3A_372], %broadcast_in_dim3A_101 {add = true} : memref<10240xf32, #tpu.memory_space<vmem>>[vector<16xi32>], vector<16xf32>,
    %get3A_373 = arith.constant 13 : i32
    %get3A_374 = arith.index_cast %get3A_373 : i32 to index
    %get3A_375 = arith.constant 0 : index
    %get3A_376 = tpu.vector_load %arg9[%get3A_374, %get3A_375] {strides = array<i32>} : memref<25x80xi32, #tpu.memory_space<vmem>>, vector<16xi32>,
    tpu.vector_store_idx %arg14[%get3A_376], %broadcast_in_dim3A_101 {add = true} : memref<10240xf32, #tpu.memory_space<vmem>>[vector<16xi32>], vector<16xf32>,
    %get3A_377 = arith.constant 13 : i32
    %get3A_378 = arith.index_cast %get3A_377 : i32 to index
    %get3A_379 = arith.constant 16 : index
    %get3A_380 = tpu.vector_load %arg9[%get3A_378, %get3A_379] {strides = array<i32>} : memref<25x80xi32, #tpu.memory_space<vmem>>, vector<16xi32>,
    tpu.vector_store_idx %arg14[%get3A_380], %broadcast_in_dim3A_101 {add = true} : memref<10240xf32, #tpu.memory_space<vmem>>[vector<16xi32>], vector<16xf32>,
    %get3A_381 = arith.constant 13 : i32
    %get3A_382 = arith.index_cast %get3A_381 : i32 to index
    %get3A_383 = arith.constant 32 : index
    %get3A_384 = tpu.vector_load %arg9[%get3A_382, %get3A_383] {strides = array<i32>} : memref<25x80xi32, #tpu.memory_space<vmem>>, vector<16xi32>,
    tpu.vector_store_idx %arg14[%get3A_384], %broadcast_in_dim3A_101 {add = true} : memref<10240xf32, #tpu.memory_space<vmem>>[vector<16xi32>], vector<16xf32>,
    %get3A_385 = arith.constant 13 : i32
    %get3A_386 = arith.index_cast %get3A_385 : i32 to index
    %get3A_387 = arith.constant 48 : index
    %get3A_388 = tpu.vector_load %arg9[%get3A_386, %get3A_387] {strides = array<i32>} : memref<25x80xi32, #tpu.memory_space<vmem>>, vector<16xi32>,
    tpu.vector_store_idx %arg14[%get3A_388], %broadcast_in_dim3A_101 {add = true} : memref<10240xf32, #tpu.memory_space<vmem>>[vector<16xi32>], vector<16xf32>,
    %get3A_389 = arith.constant 13 : i32
    %get3A_390 = arith.index_cast %get3A_389 : i32 to index
    %get3A_391 = arith.constant 64 : index
    %get3A_392 = tpu.vector_load %arg9[%get3A_390, %get3A_391] {strides = array<i32>} : memref<25x80xi32, #tpu.memory_space<vmem>>, vector<16xi32>,
    tpu.vector_store_idx %arg14[%get3A_392], %broadcast_in_dim3A_101 {add = true} : memref<10240xf32, #tpu.memory_space<vmem>>[vector<16xi32>], vector<16xf32>,
    %get3A_393 = arith.constant 14 : i32
    %get3A_394 = arith.index_cast %get3A_393 : i32 to index
    %get3A_395 = arith.constant 0 : index
    %get3A_396 = tpu.vector_load %arg9[%get3A_394, %get3A_395] {strides = array<i32>} : memref<25x80xi32, #tpu.memory_space<vmem>>, vector<16xi32>,
    tpu.vector_store_idx %arg14[%get3A_396], %broadcast_in_dim3A_101 {add = true} : memref<10240xf32, #tpu.memory_space<vmem>>[vector<16xi32>], vector<16xf32>,
    %get3A_397 = arith.constant 14 : i32
    %get3A_398 = arith.index_cast %get3A_397 : i32 to index
    %get3A_399 = arith.constant 16 : index
    %get3A_400 = tpu.vector_load %arg9[%get3A_398, %get3A_399] {strides = array<i32>} : memref<25x80xi32, #tpu.memory_space<vmem>>, vector<16xi32>,
    tpu.vector_store_idx %arg14[%get3A_400], %broadcast_in_dim3A_101 {add = true} : memref<10240xf32, #tpu.memory_space<vmem>>[vector<16xi32>], vector<16xf32>,
    %get3A_401 = arith.constant 14 : i32
    %get3A_402 = arith.index_cast %get3A_401 : i32 to index
    %get3A_403 = arith.constant 32 : index
    %get3A_404 = tpu.vector_load %arg9[%get3A_402, %get3A_403] {strides = array<i32>} : memref<25x80xi32, #tpu.memory_space<vmem>>, vector<16xi32>,
    tpu.vector_store_idx %arg14[%get3A_404], %broadcast_in_dim3A_101 {add = true} : memref<10240xf32, #tpu.memory_space<vmem>>[vector<16xi32>], vector<16xf32>,
    %get3A_405 = arith.constant 14 : i32
    %get3A_406 = arith.index_cast %get3A_405 : i32 to index
    %get3A_407 = arith.constant 48 : index
    %get3A_408 = tpu.vector_load %arg9[%get3A_406, %get3A_407] {strides = array<i32>} : memref<25x80xi32, #tpu.memory_space<vmem>>, vector<16xi32>,
    tpu.vector_store_idx %arg14[%get3A_408], %broadcast_in_dim3A_101 {add = true} : memref<10240xf32, #tpu.memory_space<vmem>>[vector<16xi32>], vector<16xf32>,
    %get3A_409 = arith.constant 14 : i32
    %get3A_410 = arith.index_cast %get3A_409 : i32 to index
    %get3A_411 = arith.constant 64 : index
    %get3A_412 = tpu.vector_load %arg9[%get3A_410, %get3A_411] {strides = array<i32>} : memref<25x80xi32, #tpu.memory_space<vmem>>, vector<16xi32>,
    tpu.vector_store_idx %arg14[%get3A_412], %broadcast_in_dim3A_101 {add = true} : memref<10240xf32, #tpu.memory_space<vmem>>[vector<16xi32>], vector<16xf32>,
    %get3A_413 = arith.constant 15 : i32
    %get3A_414 = arith.index_cast %get3A_413 : i32 to index
    %get3A_415 = arith.constant 0 : index
    %get3A_416 = tpu.vector_load %arg9[%get3A_414, %get3A_415] {strides = array<i32>} : memref<25x80xi32, #tpu.memory_space<vmem>>, vector<16xi32>,
    tpu.vector_store_idx %arg14[%get3A_416], %broadcast_in_dim3A_101 {add = true} : memref<10240xf32, #tpu.memory_space<vmem>>[vector<16xi32>], vector<16xf32>,
    %get3A_417 = arith.constant 15 : i32
    %get3A_418 = arith.index_cast %get3A_417 : i32 to index
    %get3A_419 = arith.constant 16 : index
    %get3A_420 = tpu.vector_load %arg9[%get3A_418, %get3A_419] {strides = array<i32>} : memref<25x80xi32, #tpu.memory_space<vmem>>, vector<16xi32>,
    tpu.vector_store_idx %arg14[%get3A_420], %broadcast_in_dim3A_101 {add = true} : memref<10240xf32, #tpu.memory_space<vmem>>[vector<16xi32>], vector<16xf32>,
    %get3A_421 = arith.constant 15 : i32
    %get3A_422 = arith.index_cast %get3A_421 : i32 to index
    %get3A_423 = arith.constant 32 : index
    %get3A_424 = tpu.vector_load %arg9[%get3A_422, %get3A_423] {strides = array<i32>} : memref<25x80xi32, #tpu.memory_space<vmem>>, vector<16xi32>,
    tpu.vector_store_idx %arg14[%get3A_424], %broadcast_in_dim3A_101 {add = true} : memref<10240xf32, #tpu.memory_space<vmem>>[vector<16xi32>], vector<16xf32>,
    %get3A_425 = arith.constant 15 : i32
    %get3A_426 = arith.index_cast %get3A_425 : i32 to index
    %get3A_427 = arith.constant 48 : index
    %get3A_428 = tpu.vector_load %arg9[%get3A_426, %get3A_427] {strides = array<i32>} : memref<25x80xi32, #tpu.memory_space<vmem>>, vector<16xi32>,
    tpu.vector_store_idx %arg14[%get3A_428], %broadcast_in_dim3A_101 {add = true} : memref<10240xf32, #tpu.memory_space<vmem>>[vector<16xi32>], vector<16xf32>,
    %get3A_429 = arith.constant 15 : i32
    %get3A_430 = arith.index_cast %get3A_429 : i32 to index
    %get3A_431 = arith.constant 64 : index
    %get3A_432 = tpu.vector_load %arg9[%get3A_430, %get3A_431] {strides = array<i32>} : memref<25x80xi32, #tpu.memory_space<vmem>>, vector<16xi32>,
    tpu.vector_store_idx %arg14[%get3A_432], %broadcast_in_dim3A_101 {add = true} : memref<10240xf32, #tpu.memory_space<vmem>>[vector<16xi32>], vector<16xf32>,
    %get3A_433 = arith.constant 16 : i32
    %get3A_434 = arith.index_cast %get3A_433 : i32 to index
    %get3A_435 = arith.constant 0 : index
    %get3A_436 = tpu.vector_load %arg9[%get3A_434, %get3A_435] {strides = array<i32>} : memref<25x80xi32, #tpu.memory_space<vmem>>, vector<16xi32>,
    tpu.vector_store_idx %arg14[%get3A_436], %broadcast_in_dim3A_101 {add = true} : memref<10240xf32, #tpu.memory_space<vmem>>[vector<16xi32>], vector<16xf32>,
    %get3A_437 = arith.constant 16 : i32
    %get3A_438 = arith.index_cast %get3A_437 : i32 to index
    %get3A_439 = arith.constant 16 : index
    %get3A_440 = tpu.vector_load %arg9[%get3A_438, %get3A_439] {strides = array<i32>} : memref<25x80xi32, #tpu.memory_space<vmem>>, vector<16xi32>,
    tpu.vector_store_idx %arg14[%get3A_440], %broadcast_in_dim3A_101 {add = true} : memref<10240xf32, #tpu.memory_space<vmem>>[vector<16xi32>], vector<16xf32>,
    %get3A_441 = arith.constant 16 : i32
    %get3A_442 = arith.index_cast %get3A_441 : i32 to index
    %get3A_443 = arith.constant 32 : index
    %get3A_444 = tpu.vector_load %arg9[%get3A_442, %get3A_443] {strides = array<i32>} : memref<25x80xi32, #tpu.memory_space<vmem>>, vector<16xi32>,
    tpu.vector_store_idx %arg14[%get3A_444], %broadcast_in_dim3A_101 {add = true} : memref<10240xf32, #tpu.memory_space<vmem>>[vector<16xi32>], vector<16xf32>,
    %get3A_445 = arith.constant 16 : i32
    %get3A_446 = arith.index_cast %get3A_445 : i32 to index
    %get3A_447 = arith.constant 48 : index
    %get3A_448 = tpu.vector_load %arg9[%get3A_446, %get3A_447] {strides = array<i32>} : memref<25x80xi32, #tpu.memory_space<vmem>>, vector<16xi32>,
    tpu.vector_store_idx %arg14[%get3A_448], %broadcast_in_dim3A_101 {add = true} : memref<10240xf32, #tpu.memory_space<vmem>>[vector<16xi32>], vector<16xf32>,
    %get3A_449 = arith.constant 16 : i32
    %get3A_450 = arith.index_cast %get3A_449 : i32 to index
    %get3A_451 = arith.constant 64 : index
    %get3A_452 = tpu.vector_load %arg9[%get3A_450, %get3A_451] {strides = array<i32>} : memref<25x80xi32, #tpu.memory_space<vmem>>, vector<16xi32>,
    tpu.vector_store_idx %arg14[%get3A_452], %broadcast_in_dim3A_101 {add = true} : memref<10240xf32, #tpu.memory_space<vmem>>[vector<16xi32>], vector<16xf32>,
    %get3A_453 = arith.constant 17 : i32
    %get3A_454 = arith.index_cast %get3A_453 : i32 to index
    %get3A_455 = arith.constant 0 : index
    %get3A_456 = tpu.vector_load %arg9[%get3A_454, %get3A_455] {strides = array<i32>} : memref<25x80xi32, #tpu.memory_space<vmem>>, vector<16xi32>,
    tpu.vector_store_idx %arg14[%get3A_456], %broadcast_in_dim3A_101 {add = true} : memref<10240xf32, #tpu.memory_space<vmem>>[vector<16xi32>], vector<16xf32>,
    %get3A_457 = arith.constant 17 : i32
    %get3A_458 = arith.index_cast %get3A_457 : i32 to index
    %get3A_459 = arith.constant 16 : index
    %get3A_460 = tpu.vector_load %arg9[%get3A_458, %get3A_459] {strides = array<i32>} : memref<25x80xi32, #tpu.memory_space<vmem>>, vector<16xi32>,
    tpu.vector_store_idx %arg14[%get3A_460], %broadcast_in_dim3A_101 {add = true} : memref<10240xf32, #tpu.memory_space<vmem>>[vector<16xi32>], vector<16xf32>,
    %get3A_461 = arith.constant 17 : i32
    %get3A_462 = arith.index_cast %get3A_461 : i32 to index
    %get3A_463 = arith.constant 32 : index
    %get3A_464 = tpu.vector_load %arg9[%get3A_462, %get3A_463] {strides = array<i32>} : memref<25x80xi32, #tpu.memory_space<vmem>>, vector<16xi32>,
    tpu.vector_store_idx %arg14[%get3A_464], %broadcast_in_dim3A_101 {add = true} : memref<10240xf32, #tpu.memory_space<vmem>>[vector<16xi32>], vector<16xf32>,
    %get3A_465 = arith.constant 17 : i32
    %get3A_466 = arith.index_cast %get3A_465 : i32 to index
    %get3A_467 = arith.constant 48 : index
    %get3A_468 = tpu.vector_load %arg9[%get3A_466, %get3A_467] {strides = array<i32>} : memref<25x80xi32, #tpu.memory_space<vmem>>, vector<16xi32>,
    tpu.vector_store_idx %arg14[%get3A_468], %broadcast_in_dim3A_101 {add = true} : memref<10240xf32, #tpu.memory_space<vmem>>[vector<16xi32>], vector<16xf32>,
    %get3A_469 = arith.constant 17 : i32
    %get3A_470 = arith.index_cast %get3A_469 : i32 to index
    %get3A_471 = arith.constant 64 : index
    %get3A_472 = tpu.vector_load %arg9[%get3A_470, %get3A_471] {strides = array<i32>} : memref<25x80xi32, #tpu.memory_space<vmem>>, vector<16xi32>,
    tpu.vector_store_idx %arg14[%get3A_472], %broadcast_in_dim3A_101 {add = true} : memref<10240xf32, #tpu.memory_space<vmem>>[vector<16xi32>], vector<16xf32>,
    %get3A_473 = arith.constant 18 : i32
    %get3A_474 = arith.index_cast %get3A_473 : i32 to index
    %get3A_475 = arith.constant 0 : index
    %get3A_476 = tpu.vector_load %arg9[%get3A_474, %get3A_475] {strides = array<i32>} : memref<25x80xi32, #tpu.memory_space<vmem>>, vector<16xi32>,
    tpu.vector_store_idx %arg14[%get3A_476], %broadcast_in_dim3A_101 {add = true} : memref<10240xf32, #tpu.memory_space<vmem>>[vector<16xi32>], vector<16xf32>,
    %get3A_477 = arith.constant 18 : i32
    %get3A_478 = arith.index_cast %get3A_477 : i32 to index
    %get3A_479 = arith.constant 16 : index
    %get3A_480 = tpu.vector_load %arg9[%get3A_478, %get3A_479] {strides = array<i32>} : memref<25x80xi32, #tpu.memory_space<vmem>>, vector<16xi32>,
    tpu.vector_store_idx %arg14[%get3A_480], %broadcast_in_dim3A_101 {add = true} : memref<10240xf32, #tpu.memory_space<vmem>>[vector<16xi32>], vector<16xf32>,
    %get3A_481 = arith.constant 18 : i32
    %get3A_482 = arith.index_cast %get3A_481 : i32 to index
    %get3A_483 = arith.constant 32 : index
    %get3A_484 = tpu.vector_load %arg9[%get3A_482, %get3A_483] {strides = array<i32>} : memref<25x80xi32, #tpu.memory_space<vmem>>, vector<16xi32>,
    tpu.vector_store_idx %arg14[%get3A_484], %broadcast_in_dim3A_101 {add = true} : memref<10240xf32, #tpu.memory_space<vmem>>[vector<16xi32>], vector<16xf32>,
    %get3A_485 = arith.constant 18 : i32
    %get3A_486 = arith.index_cast %get3A_485 : i32 to index
    %get3A_487 = arith.constant 48 : index
    %get3A_488 = tpu.vector_load %arg9[%get3A_486, %get3A_487] {strides = array<i32>} : memref<25x80xi32, #tpu.memory_space<vmem>>, vector<16xi32>,
    tpu.vector_store_idx %arg14[%get3A_488], %broadcast_in_dim3A_101 {add = true} : memref<10240xf32, #tpu.memory_space<vmem>>[vector<16xi32>], vector<16xf32>,
    %get3A_489 = arith.constant 18 : i32
    %get3A_490 = arith.index_cast %get3A_489 : i32 to index
    %get3A_491 = arith.constant 64 : index
    %get3A_492 = tpu.vector_load %arg9[%get3A_490, %get3A_491] {strides = array<i32>} : memref<25x80xi32, #tpu.memory_space<vmem>>, vector<16xi32>,
    tpu.vector_store_idx %arg14[%get3A_492], %broadcast_in_dim3A_101 {add = true} : memref<10240xf32, #tpu.memory_space<vmem>>[vector<16xi32>], vector<16xf32>,
    %get3A_493 = arith.constant 19 : i32
    %get3A_494 = arith.index_cast %get3A_493 : i32 to index
    %get3A_495 = arith.constant 0 : index
    %get3A_496 = tpu.vector_load %arg9[%get3A_494, %get3A_495] {strides = array<i32>} : memref<25x80xi32, #tpu.memory_space<vmem>>, vector<16xi32>,
    tpu.vector_store_idx %arg14[%get3A_496], %broadcast_in_dim3A_101 {add = true} : memref<10240xf32, #tpu.memory_space<vmem>>[vector<16xi32>], vector<16xf32>,
    %get3A_497 = arith.constant 19 : i32
    %get3A_498 = arith.index_cast %get3A_497 : i32 to index
    %get3A_499 = arith.constant 16 : index
    %get3A_500 = tpu.vector_load %arg9[%get3A_498, %get3A_499] {strides = array<i32>} : memref<25x80xi32, #tpu.memory_space<vmem>>, vector<16xi32>,
    tpu.vector_store_idx %arg14[%get3A_500], %broadcast_in_dim3A_101 {add = true} : memref<10240xf32, #tpu.memory_space<vmem>>[vector<16xi32>], vector<16xf32>,
    %get3A_501 = arith.constant 19 : i32
    %get3A_502 = arith.index_cast %get3A_501 : i32 to index
    %get3A_503 = arith.constant 32 : index
    %get3A_504 = tpu.vector_load %arg9[%get3A_502, %get3A_503] {strides = array<i32>} : memref<25x80xi32, #tpu.memory_space<vmem>>, vector<16xi32>,
    tpu.vector_store_idx %arg14[%get3A_504], %broadcast_in_dim3A_101 {add = true} : memref<10240xf32, #tpu.memory_space<vmem>>[vector<16xi32>], vector<16xf32>,
    %get3A_505 = arith.constant 19 : i32
    %get3A_506 = arith.index_cast %get3A_505 : i32 to index
    %get3A_507 = arith.constant 48 : index
    %get3A_508 = tpu.vector_load %arg9[%get3A_506, %get3A_507] {strides = array<i32>} : memref<25x80xi32, #tpu.memory_space<vmem>>, vector<16xi32>,
    tpu.vector_store_idx %arg14[%get3A_508], %broadcast_in_dim3A_101 {add = true} : memref<10240xf32, #tpu.memory_space<vmem>>[vector<16xi32>], vector<16xf32>,
    %get3A_509 = arith.constant 19 : i32
    %get3A_510 = arith.index_cast %get3A_509 : i32 to index
    %get3A_511 = arith.constant 64 : index
    %get3A_512 = tpu.vector_load %arg9[%get3A_510, %get3A_511] {strides = array<i32>} : memref<25x80xi32, #tpu.memory_space<vmem>>, vector<16xi32>,
    tpu.vector_store_idx %arg14[%get3A_512], %broadcast_in_dim3A_101 {add = true} : memref<10240xf32, #tpu.memory_space<vmem>>[vector<16xi32>], vector<16xf32>,
    %get3A_513 = arith.constant 20 : i32
    %get3A_514 = arith.index_cast %get3A_513 : i32 to index
    %get3A_515 = arith.constant 0 : index
    %get3A_516 = tpu.vector_load %arg9[%get3A_514, %get3A_515] {strides = array<i32>} : memref<25x80xi32, #tpu.memory_space<vmem>>, vector<16xi32>,
    tpu.vector_store_idx %arg14[%get3A_516], %broadcast_in_dim3A_101 {add = true} : memref<10240xf32, #tpu.memory_space<vmem>>[vector<16xi32>], vector<16xf32>,
    %get3A_517 = arith.constant 20 : i32
    %get3A_518 = arith.index_cast %get3A_517 : i32 to index
    %get3A_519 = arith.constant 16 : index
    %get3A_520 = tpu.vector_load %arg9[%get3A_518, %get3A_519] {strides = array<i32>} : memref<25x80xi32, #tpu.memory_space<vmem>>, vector<16xi32>,
    tpu.vector_store_idx %arg14[%get3A_520], %broadcast_in_dim3A_101 {add = true} : memref<10240xf32, #tpu.memory_space<vmem>>[vector<16xi32>], vector<16xf32>,
    %get3A_521 = arith.constant 20 : i32
    %get3A_522 = arith.index_cast %get3A_521 : i32 to index
    %get3A_523 = arith.constant 32 : index
    %get3A_524 = tpu.vector_load %arg9[%get3A_522, %get3A_523] {strides = array<i32>} : memref<25x80xi32, #tpu.memory_space<vmem>>, vector<16xi32>,
    tpu.vector_store_idx %arg14[%get3A_524], %broadcast_in_dim3A_101 {add = true} : memref<10240xf32, #tpu.memory_space<vmem>>[vector<16xi32>], vector<16xf32>,
    %get3A_525 = arith.constant 20 : i32
    %get3A_526 = arith.index_cast %get3A_525 : i32 to index
    %get3A_527 = arith.constant 48 : index
    %get3A_528 = tpu.vector_load %arg9[%get3A_526, %get3A_527] {strides = array<i32>} : memref<25x80xi32, #tpu.memory_space<vmem>>, vector<16xi32>,
    tpu.vector_store_idx %arg14[%get3A_528], %broadcast_in_dim3A_101 {add = true} : memref<10240xf32, #tpu.memory_space<vmem>>[vector<16xi32>], vector<16xf32>,
    %get3A_529 = arith.constant 20 : i32
    %get3A_530 = arith.index_cast %get3A_529 : i32 to index
    %get3A_531 = arith.constant 64 : index
    %get3A_532 = tpu.vector_load %arg9[%get3A_530, %get3A_531] {strides = array<i32>} : memref<25x80xi32, #tpu.memory_space<vmem>>, vector<16xi32>,
    tpu.vector_store_idx %arg14[%get3A_532], %broadcast_in_dim3A_101 {add = true} : memref<10240xf32, #tpu.memory_space<vmem>>[vector<16xi32>], vector<16xf32>,
    %get3A_533 = arith.constant 21 : i32
    %get3A_534 = arith.index_cast %get3A_533 : i32 to index
    %get3A_535 = arith.constant 0 : index
    %get3A_536 = tpu.vector_load %arg9[%get3A_534, %get3A_535] {strides = array<i32>} : memref<25x80xi32, #tpu.memory_space<vmem>>, vector<16xi32>,
    tpu.vector_store_idx %arg14[%get3A_536], %broadcast_in_dim3A_101 {add = true} : memref<10240xf32, #tpu.memory_space<vmem>>[vector<16xi32>], vector<16xf32>,
    %get3A_537 = arith.constant 21 : i32
    %get3A_538 = arith.index_cast %get3A_537 : i32 to index
    %get3A_539 = arith.constant 16 : index
    %get3A_540 = tpu.vector_load %arg9[%get3A_538, %get3A_539] {strides = array<i32>} : memref<25x80xi32, #tpu.memory_space<vmem>>, vector<16xi32>,
    tpu.vector_store_idx %arg14[%get3A_540], %broadcast_in_dim3A_101 {add = true} : memref<10240xf32, #tpu.memory_space<vmem>>[vector<16xi32>], vector<16xf32>,
    %get3A_541 = arith.constant 21 : i32
    %get3A_542 = arith.index_cast %get3A_541 : i32 to index
    %get3A_543 = arith.constant 32 : index
    %get3A_544 = tpu.vector_load %arg9[%get3A_542, %get3A_543] {strides = array<i32>} : memref<25x80xi32, #tpu.memory_space<vmem>>, vector<16xi32>,
    tpu.vector_store_idx %arg14[%get3A_544], %broadcast_in_dim3A_101 {add = true} : memref<10240xf32, #tpu.memory_space<vmem>>[vector<16xi32>], vector<16xf32>,
    %get3A_545 = arith.constant 21 : i32
    %get3A_546 = arith.index_cast %get3A_545 : i32 to index
    %get3A_547 = arith.constant 48 : index
    %get3A_548 = tpu.vector_load %arg9[%get3A_546, %get3A_547] {strides = array<i32>} : memref<25x80xi32, #tpu.memory_space<vmem>>, vector<16xi32>,
    tpu.vector_store_idx %arg14[%get3A_548], %broadcast_in_dim3A_101 {add = true} : memref<10240xf32, #tpu.memory_space<vmem>>[vector<16xi32>], vector<16xf32>,
    %get3A_549 = arith.constant 21 : i32
    %get3A_550 = arith.index_cast %get3A_549 : i32 to index
    %get3A_551 = arith.constant 64 : index
    %get3A_552 = tpu.vector_load %arg9[%get3A_550, %get3A_551] {strides = array<i32>} : memref<25x80xi32, #tpu.memory_space<vmem>>, vector<16xi32>,
    tpu.vector_store_idx %arg14[%get3A_552], %broadcast_in_dim3A_101 {add = true} : memref<10240xf32, #tpu.memory_space<vmem>>[vector<16xi32>], vector<16xf32>,
    %get3A_553 = arith.constant 22 : i32
    %get3A_554 = arith.index_cast %get3A_553 : i32 to index
    %get3A_555 = arith.constant 0 : index
    %get3A_556 = tpu.vector_load %arg9[%get3A_554, %get3A_555] {strides = array<i32>} : memref<25x80xi32, #tpu.memory_space<vmem>>, vector<16xi32>,
    tpu.vector_store_idx %arg14[%get3A_556], %broadcast_in_dim3A_101 {add = true} : memref<10240xf32, #tpu.memory_space<vmem>>[vector<16xi32>], vector<16xf32>,
    %get3A_557 = arith.constant 22 : i32
    %get3A_558 = arith.index_cast %get3A_557 : i32 to index
    %get3A_559 = arith.constant 16 : index
    %get3A_560 = tpu.vector_load %arg9[%get3A_558, %get3A_559] {strides = array<i32>} : memref<25x80xi32, #tpu.memory_space<vmem>>, vector<16xi32>,
    tpu.vector_store_idx %arg14[%get3A_560], %broadcast_in_dim3A_101 {add = true} : memref<10240xf32, #tpu.memory_space<vmem>>[vector<16xi32>], vector<16xf32>,
    %get3A_561 = arith.constant 22 : i32
    %get3A_562 = arith.index_cast %get3A_561 : i32 to index
    %get3A_563 = arith.constant 32 : index
    %get3A_564 = tpu.vector_load %arg9[%get3A_562, %get3A_563] {strides = array<i32>} : memref<25x80xi32, #tpu.memory_space<vmem>>, vector<16xi32>,
    tpu.vector_store_idx %arg14[%get3A_564], %broadcast_in_dim3A_101 {add = true} : memref<10240xf32, #tpu.memory_space<vmem>>[vector<16xi32>], vector<16xf32>,
    %get3A_565 = arith.constant 22 : i32
    %get3A_566 = arith.index_cast %get3A_565 : i32 to index
    %get3A_567 = arith.constant 48 : index
    %get3A_568 = tpu.vector_load %arg9[%get3A_566, %get3A_567] {strides = array<i32>} : memref<25x80xi32, #tpu.memory_space<vmem>>, vector<16xi32>,
    tpu.vector_store_idx %arg14[%get3A_568], %broadcast_in_dim3A_101 {add = true} : memref<10240xf32, #tpu.memory_space<vmem>>[vector<16xi32>], vector<16xf32>,
    %get3A_569 = arith.constant 22 : i32
    %get3A_570 = arith.index_cast %get3A_569 : i32 to index
    %get3A_571 = arith.constant 64 : index
    %get3A_572 = tpu.vector_load %arg9[%get3A_570, %get3A_571] {strides = array<i32>} : memref<25x80xi32, #tpu.memory_space<vmem>>, vector<16xi32>,
    tpu.vector_store_idx %arg14[%get3A_572], %broadcast_in_dim3A_101 {add = true} : memref<10240xf32, #tpu.memory_space<vmem>>[vector<16xi32>], vector<16xf32>,
    %get3A_573 = arith.constant 23 : i32
    %get3A_574 = arith.index_cast %get3A_573 : i32 to index
    %get3A_575 = arith.constant 0 : index
    %get3A_576 = tpu.vector_load %arg9[%get3A_574, %get3A_575] {strides = array<i32>} : memref<25x80xi32, #tpu.memory_space<vmem>>, vector<16xi32>,
    tpu.vector_store_idx %arg14[%get3A_576], %broadcast_in_dim3A_101 {add = true} : memref<10240xf32, #tpu.memory_space<vmem>>[vector<16xi32>], vector<16xf32>,
    %get3A_577 = arith.constant 23 : i32
    %get3A_578 = arith.index_cast %get3A_577 : i32 to index
    %get3A_579 = arith.constant 16 : index
    %get3A_580 = tpu.vector_load %arg9[%get3A_578, %get3A_579] {strides = array<i32>} : memref<25x80xi32, #tpu.memory_space<vmem>>, vector<16xi32>,
    tpu.vector_store_idx %arg14[%get3A_580], %broadcast_in_dim3A_101 {add = true} : memref<10240xf32, #tpu.memory_space<vmem>>[vector<16xi32>], vector<16xf32>,
    %get3A_581 = arith.constant 23 : i32
    %get3A_582 = arith.index_cast %get3A_581 : i32 to index
    %get3A_583 = arith.constant 32 : index
    %get3A_584 = tpu.vector_load %arg9[%get3A_582, %get3A_583] {strides = array<i32>} : memref<25x80xi32, #tpu.memory_space<vmem>>, vector<16xi32>,
    tpu.vector_store_idx %arg14[%get3A_584], %broadcast_in_dim3A_101 {add = true} : memref<10240xf32, #tpu.memory_space<vmem>>[vector<16xi32>], vector<16xf32>,
    %get3A_585 = arith.constant 23 : i32
    %get3A_586 = arith.index_cast %get3A_585 : i32 to index
    %get3A_587 = arith.constant 48 : index
    %get3A_588 = tpu.vector_load %arg9[%get3A_586, %get3A_587] {strides = array<i32>} : memref<25x80xi32, #tpu.memory_space<vmem>>, vector<16xi32>,
    tpu.vector_store_idx %arg14[%get3A_588], %broadcast_in_dim3A_101 {add = true} : memref<10240xf32, #tpu.memory_space<vmem>>[vector<16xi32>], vector<16xf32>,
    %get3A_589 = arith.constant 23 : i32
    %get3A_590 = arith.index_cast %get3A_589 : i32 to index
    %get3A_591 = arith.constant 64 : index
    %get3A_592 = tpu.vector_load %arg9[%get3A_590, %get3A_591] {strides = array<i32>} : memref<25x80xi32, #tpu.memory_space<vmem>>, vector<16xi32>,
    tpu.vector_store_idx %arg14[%get3A_592], %broadcast_in_dim3A_101 {add = true} : memref<10240xf32, #tpu.memory_space<vmem>>[vector<16xi32>], vector<16xf32>,
    %get3A_593 = arith.constant 24 : i32
    %get3A_594 = arith.index_cast %get3A_593 : i32 to index
    %get3A_595 = arith.constant 0 : index
    %get3A_596 = tpu.vector_load %arg9[%get3A_594, %get3A_595] {strides = array<i32>} : memref<25x80xi32, #tpu.memory_space<vmem>>, vector<16xi32>,
    tpu.vector_store_idx %arg14[%get3A_596], %broadcast_in_dim3A_101 {add = true} : memref<10240xf32, #tpu.memory_space<vmem>>[vector<16xi32>], vector<16xf32>,
    %get3A_597 = arith.constant 24 : i32
    %get3A_598 = arith.index_cast %get3A_597 : i32 to index
    %get3A_599 = arith.constant 16 : index
    %get3A_600 = tpu.vector_load %arg9[%get3A_598, %get3A_599] {strides = array<i32>} : memref<25x80xi32, #tpu.memory_space<vmem>>, vector<16xi32>,
    tpu.vector_store_idx %arg14[%get3A_600], %broadcast_in_dim3A_101 {add = true} : memref<10240xf32, #tpu.memory_space<vmem>>[vector<16xi32>], vector<16xf32>,
    %get3A_601 = arith.constant 24 : i32
    %get3A_602 = arith.index_cast %get3A_601 : i32 to index
    %get3A_603 = arith.constant 32 : index
    %get3A_604 = tpu.vector_load %arg9[%get3A_602, %get3A_603] {strides = array<i32>} : memref<25x80xi32, #tpu.memory_space<vmem>>, vector<16xi32>,
    tpu.vector_store_idx %arg14[%get3A_604], %broadcast_in_dim3A_101 {add = true} : memref<10240xf32, #tpu.memory_space<vmem>>[vector<16xi32>], vector<16xf32>,
    %get3A_605 = arith.constant 24 : i32
    %get3A_606 = arith.index_cast %get3A_605 : i32 to index
    %get3A_607 = arith.constant 48 : index
    %get3A_608 = tpu.vector_load %arg9[%get3A_606, %get3A_607] {strides = array<i32>} : memref<25x80xi32, #tpu.memory_space<vmem>>, vector<16xi32>,
    tpu.vector_store_idx %arg14[%get3A_608], %broadcast_in_dim3A_101 {add = true} : memref<10240xf32, #tpu.memory_space<vmem>>[vector<16xi32>], vector<16xf32>,
    %get3A_609 = arith.constant 24 : i32
    %get3A_610 = arith.index_cast %get3A_609 : i32 to index
    %get3A_611 = arith.constant 64 : index
    %get3A_612 = tpu.vector_load %arg9[%get3A_610, %get3A_611] {strides = array<i32>} : memref<25x80xi32, #tpu.memory_space<vmem>>, vector<16xi32>,
    tpu.vector_store_idx %arg14[%get3A_612], %broadcast_in_dim3A_101 {add = true} : memref<10240xf32, #tpu.memory_space<vmem>>[vector<16xi32>], vector<16xf32>,
    %dma_wait3A_613 = arith.constant 1 : i32
    %dma_wait3A_614 = arith.constant 0 : i32
    %dma_wait3A_615 = arith.constant 0 : i32
    %dma_wait3A_616 = tpu.memref_slice %arg4[%dma_wait3A_613, %add3A_50, %dma_wait3A_614, %dma_wait3A_615] : memref<2x160x25x80xi32, #tpu.memory_space<hbm>> -> memref<1x1x25x80xi32, #tpu.memory_space<hbm>>
    %dma_wait3A_617 = tpu.memref_squeeze %dma_wait3A_616 : memref<1x1x25x80xi32, #tpu.memory_space<hbm>> -> memref<25x80xi32, #tpu.memory_space<hbm>>
    %dma_wait3A_618 = arith.constant 0 : i32
    %dma_wait3A_619 = arith.constant 0 : i32
    %dma_wait3A_620 = tpu.memref_slice %arg4[%dma_wait3A_613, %add3A_50, %dma_wait3A_618, %dma_wait3A_619] : memref<2x160x25x80xi32, #tpu.memory_space<hbm>> -> memref<1x1x25x80xi32, #tpu.memory_space<hbm>>
    %dma_wait3A_621 = tpu.memref_squeeze %dma_wait3A_620 : memref<1x1x25x80xi32, #tpu.memory_space<hbm>> -> memref<25x80xi32, #tpu.memory_space<hbm>>
    tpu.wait_dma2 semaphore(%arg16 : memref<!tpu.dma_semaphore, #tpu.memory_space<semaphore_mem>>) src(%dma_wait3A_621 : memref<25x80xi32, #tpu.memory_space<hbm>>) dst(%arg10 : memref<25x80xi32, #tpu.memory_space<vmem>>)
    %get3A_622 = arith.constant 0 : i32
    %get3A_623 = arith.index_cast %get3A_622 : i32 to index
    %get3A_624 = arith.constant 0 : index
    %get3A_625 = tpu.vector_load %arg10[%get3A_623, %get3A_624] {strides = array<i32>} : memref<25x80xi32, #tpu.memory_space<vmem>>, vector<16xi32>,
    tpu.vector_store_idx %arg14[%get3A_625], %broadcast_in_dim3A_101 {add = true} : memref<10240xf32, #tpu.memory_space<vmem>>[vector<16xi32>], vector<16xf32>,
    %get3A_626 = arith.constant 0 : i32
    %get3A_627 = arith.index_cast %get3A_626 : i32 to index
    %get3A_628 = arith.constant 16 : index
    %get3A_629 = tpu.vector_load %arg10[%get3A_627, %get3A_628] {strides = array<i32>} : memref<25x80xi32, #tpu.memory_space<vmem>>, vector<16xi32>,
    tpu.vector_store_idx %arg14[%get3A_629], %broadcast_in_dim3A_101 {add = true} : memref<10240xf32, #tpu.memory_space<vmem>>[vector<16xi32>], vector<16xf32>,
    %get3A_630 = arith.constant 0 : i32
    %get3A_631 = arith.index_cast %get3A_630 : i32 to index
    %get3A_632 = arith.constant 32 : index
    %get3A_633 = tpu.vector_load %arg10[%get3A_631, %get3A_632] {strides = array<i32>} : memref<25x80xi32, #tpu.memory_space<vmem>>, vector<16xi32>,
    tpu.vector_store_idx %arg14[%get3A_633], %broadcast_in_dim3A_101 {add = true} : memref<10240xf32, #tpu.memory_space<vmem>>[vector<16xi32>], vector<16xf32>,
    %get3A_634 = arith.constant 0 : i32
    %get3A_635 = arith.index_cast %get3A_634 : i32 to index
    %get3A_636 = arith.constant 48 : index
    %get3A_637 = tpu.vector_load %arg10[%get3A_635, %get3A_636] {strides = array<i32>} : memref<25x80xi32, #tpu.memory_space<vmem>>, vector<16xi32>,
    tpu.vector_store_idx %arg14[%get3A_637], %broadcast_in_dim3A_101 {add = true} : memref<10240xf32, #tpu.memory_space<vmem>>[vector<16xi32>], vector<16xf32>,
    %get3A_638 = arith.constant 0 : i32
    %get3A_639 = arith.index_cast %get3A_638 : i32 to index
    %get3A_640 = arith.constant 64 : index
    %get3A_641 = tpu.vector_load %arg10[%get3A_639, %get3A_640] {strides = array<i32>} : memref<25x80xi32, #tpu.memory_space<vmem>>, vector<16xi32>,
    tpu.vector_store_idx %arg14[%get3A_641], %broadcast_in_dim3A_101 {add = true} : memref<10240xf32, #tpu.memory_space<vmem>>[vector<16xi32>], vector<16xf32>,
    %get3A_642 = arith.constant 1 : i32
    %get3A_643 = arith.index_cast %get3A_642 : i32 to index
    %get3A_644 = arith.constant 0 : index
    %get3A_645 = tpu.vector_load %arg10[%get3A_643, %get3A_644] {strides = array<i32>} : memref<25x80xi32, #tpu.memory_space<vmem>>, vector<16xi32>,
    tpu.vector_store_idx %arg14[%get3A_645], %broadcast_in_dim3A_101 {add = true} : memref<10240xf32, #tpu.memory_space<vmem>>[vector<16xi32>], vector<16xf32>,
    %get3A_646 = arith.constant 1 : i32
    %get3A_647 = arith.index_cast %get3A_646 : i32 to index
    %get3A_648 = arith.constant 16 : index
    %get3A_649 = tpu.vector_load %arg10[%get3A_647, %get3A_648] {strides = array<i32>} : memref<25x80xi32, #tpu.memory_space<vmem>>, vector<16xi32>,
    tpu.vector_store_idx %arg14[%get3A_649], %broadcast_in_dim3A_101 {add = true} : memref<10240xf32, #tpu.memory_space<vmem>>[vector<16xi32>], vector<16xf32>,
    %get3A_650 = arith.constant 1 : i32
    %get3A_651 = arith.index_cast %get3A_650 : i32 to index
    %get3A_652 = arith.constant 32 : index
    %get3A_653 = tpu.vector_load %arg10[%get3A_651, %get3A_652] {strides = array<i32>} : memref<25x80xi32, #tpu.memory_space<vmem>>, vector<16xi32>,
    tpu.vector_store_idx %arg14[%get3A_653], %broadcast_in_dim3A_101 {add = true} : memref<10240xf32, #tpu.memory_space<vmem>>[vector<16xi32>], vector<16xf32>,
    %get3A_654 = arith.constant 1 : i32
    %get3A_655 = arith.index_cast %get3A_654 : i32 to index
    %get3A_656 = arith.constant 48 : index
    %get3A_657 = tpu.vector_load %arg10[%get3A_655, %get3A_656] {strides = array<i32>} : memref<25x80xi32, #tpu.memory_space<vmem>>, vector<16xi32>,
    tpu.vector_store_idx %arg14[%get3A_657], %broadcast_in_dim3A_101 {add = true} : memref<10240xf32, #tpu.memory_space<vmem>>[vector<16xi32>], vector<16xf32>,
    %get3A_658 = arith.constant 1 : i32
    %get3A_659 = arith.index_cast %get3A_658 : i32 to index
    %get3A_660 = arith.constant 64 : index
    %get3A_661 = tpu.vector_load %arg10[%get3A_659, %get3A_660] {strides = array<i32>} : memref<25x80xi32, #tpu.memory_space<vmem>>, vector<16xi32>,
    tpu.vector_store_idx %arg14[%get3A_661], %broadcast_in_dim3A_101 {add = true} : memref<10240xf32, #tpu.memory_space<vmem>>[vector<16xi32>], vector<16xf32>,
    %get3A_662 = arith.constant 2 : i32
    %get3A_663 = arith.index_cast %get3A_662 : i32 to index
    %get3A_664 = arith.constant 0 : index
    %get3A_665 = tpu.vector_load %arg10[%get3A_663, %get3A_664] {strides = array<i32>} : memref<25x80xi32, #tpu.memory_space<vmem>>, vector<16xi32>,
    tpu.vector_store_idx %arg14[%get3A_665], %broadcast_in_dim3A_101 {add = true} : memref<10240xf32, #tpu.memory_space<vmem>>[vector<16xi32>], vector<16xf32>,
    %get3A_666 = arith.constant 2 : i32
    %get3A_667 = arith.index_cast %get3A_666 : i32 to index
    %get3A_668 = arith.constant 16 : index
    %get3A_669 = tpu.vector_load %arg10[%get3A_667, %get3A_668] {strides = array<i32>} : memref<25x80xi32, #tpu.memory_space<vmem>>, vector<16xi32>,
    tpu.vector_store_idx %arg14[%get3A_669], %broadcast_in_dim3A_101 {add = true} : memref<10240xf32, #tpu.memory_space<vmem>>[vector<16xi32>], vector<16xf32>,
    %get3A_670 = arith.constant 2 : i32
    %get3A_671 = arith.index_cast %get3A_670 : i32 to index
    %get3A_672 = arith.constant 32 : index
    %get3A_673 = tpu.vector_load %arg10[%get3A_671, %get3A_672] {strides = array<i32>} : memref<25x80xi32, #tpu.memory_space<vmem>>, vector<16xi32>,
    tpu.vector_store_idx %arg14[%get3A_673], %broadcast_in_dim3A_101 {add = true} : memref<10240xf32, #tpu.memory_space<vmem>>[vector<16xi32>], vector<16xf32>,
    %get3A_674 = arith.constant 2 : i32
    %get3A_675 = arith.index_cast %get3A_674 : i32 to index
    %get3A_676 = arith.constant 48 : index
    %get3A_677 = tpu.vector_load %arg10[%get3A_675, %get3A_676] {strides = array<i32>} : memref<25x80xi32, #tpu.memory_space<vmem>>, vector<16xi32>,
    tpu.vector_store_idx %arg14[%get3A_677], %broadcast_in_dim3A_101 {add = true} : memref<10240xf32, #tpu.memory_space<vmem>>[vector<16xi32>], vector<16xf32>,
    %get3A_678 = arith.constant 2 : i32
    %get3A_679 = arith.index_cast %get3A_678 : i32 to index
    %get3A_680 = arith.constant 64 : index
    %get3A_681 = tpu.vector_load %arg10[%get3A_679, %get3A_680] {strides = array<i32>} : memref<25x80xi32, #tpu.memory_space<vmem>>, vector<16xi32>,
    tpu.vector_store_idx %arg14[%get3A_681], %broadcast_in_dim3A_101 {add = true} : memref<10240xf32, #tpu.memory_space<vmem>>[vector<16xi32>], vector<16xf32>,
    %get3A_682 = arith.constant 3 : i32
    %get3A_683 = arith.index_cast %get3A_682 : i32 to index
    %get3A_684 = arith.constant 0 : index
    %get3A_685 = tpu.vector_load %arg10[%get3A_683, %get3A_684] {strides = array<i32>} : memref<25x80xi32, #tpu.memory_space<vmem>>, vector<16xi32>,
    tpu.vector_store_idx %arg14[%get3A_685], %broadcast_in_dim3A_101 {add = true} : memref<10240xf32, #tpu.memory_space<vmem>>[vector<16xi32>], vector<16xf32>,
    %get3A_686 = arith.constant 3 : i32
    %get3A_687 = arith.index_cast %get3A_686 : i32 to index
    %get3A_688 = arith.constant 16 : index
    %get3A_689 = tpu.vector_load %arg10[%get3A_687, %get3A_688] {strides = array<i32>} : memref<25x80xi32, #tpu.memory_space<vmem>>, vector<16xi32>,
    tpu.vector_store_idx %arg14[%get3A_689], %broadcast_in_dim3A_101 {add = true} : memref<10240xf32, #tpu.memory_space<vmem>>[vector<16xi32>], vector<16xf32>,
    %get3A_690 = arith.constant 3 : i32
    %get3A_691 = arith.index_cast %get3A_690 : i32 to index
    %get3A_692 = arith.constant 32 : index
    %get3A_693 = tpu.vector_load %arg10[%get3A_691, %get3A_692] {strides = array<i32>} : memref<25x80xi32, #tpu.memory_space<vmem>>, vector<16xi32>,
    tpu.vector_store_idx %arg14[%get3A_693], %broadcast_in_dim3A_101 {add = true} : memref<10240xf32, #tpu.memory_space<vmem>>[vector<16xi32>], vector<16xf32>,
    %get3A_694 = arith.constant 3 : i32
    %get3A_695 = arith.index_cast %get3A_694 : i32 to index
    %get3A_696 = arith.constant 48 : index
    %get3A_697 = tpu.vector_load %arg10[%get3A_695, %get3A_696] {strides = array<i32>} : memref<25x80xi32, #tpu.memory_space<vmem>>, vector<16xi32>,
    tpu.vector_store_idx %arg14[%get3A_697], %broadcast_in_dim3A_101 {add = true} : memref<10240xf32, #tpu.memory_space<vmem>>[vector<16xi32>], vector<16xf32>,
    %get3A_698 = arith.constant 3 : i32
    %get3A_699 = arith.index_cast %get3A_698 : i32 to index
    %get3A_700 = arith.constant 64 : index
    %get3A_701 = tpu.vector_load %arg10[%get3A_699, %get3A_700] {strides = array<i32>} : memref<25x80xi32, #tpu.memory_space<vmem>>, vector<16xi32>,
    tpu.vector_store_idx %arg14[%get3A_701], %broadcast_in_dim3A_101 {add = true} : memref<10240xf32, #tpu.memory_space<vmem>>[vector<16xi32>], vector<16xf32>,
    %get3A_702 = arith.constant 4 : i32
    %get3A_703 = arith.index_cast %get3A_702 : i32 to index
    %get3A_704 = arith.constant 0 : index
    %get3A_705 = tpu.vector_load %arg10[%get3A_703, %get3A_704] {strides = array<i32>} : memref<25x80xi32, #tpu.memory_space<vmem>>, vector<16xi32>,
    tpu.vector_store_idx %arg14[%get3A_705], %broadcast_in_dim3A_101 {add = true} : memref<10240xf32, #tpu.memory_space<vmem>>[vector<16xi32>], vector<16xf32>,
    %get3A_706 = arith.constant 4 : i32
    %get3A_707 = arith.index_cast %get3A_706 : i32 to index
    %get3A_708 = arith.constant 16 : index
    %get3A_709 = tpu.vector_load %arg10[%get3A_707, %get3A_708] {strides = array<i32>} : memref<25x80xi32, #tpu.memory_space<vmem>>, vector<16xi32>,
    tpu.vector_store_idx %arg14[%get3A_709], %broadcast_in_dim3A_101 {add = true} : memref<10240xf32, #tpu.memory_space<vmem>>[vector<16xi32>], vector<16xf32>,
    %get3A_710 = arith.constant 4 : i32
    %get3A_711 = arith.index_cast %get3A_710 : i32 to index
    %get3A_712 = arith.constant 32 : index
    %get3A_713 = tpu.vector_load %arg10[%get3A_711, %get3A_712] {strides = array<i32>} : memref<25x80xi32, #tpu.memory_space<vmem>>, vector<16xi32>,
    tpu.vector_store_idx %arg14[%get3A_713], %broadcast_in_dim3A_101 {add = true} : memref<10240xf32, #tpu.memory_space<vmem>>[vector<16xi32>], vector<16xf32>,
    %get3A_714 = arith.constant 4 : i32
    %get3A_715 = arith.index_cast %get3A_714 : i32 to index
    %get3A_716 = arith.constant 48 : index
    %get3A_717 = tpu.vector_load %arg10[%get3A_715, %get3A_716] {strides = array<i32>} : memref<25x80xi32, #tpu.memory_space<vmem>>, vector<16xi32>,
    tpu.vector_store_idx %arg14[%get3A_717], %broadcast_in_dim3A_101 {add = true} : memref<10240xf32, #tpu.memory_space<vmem>>[vector<16xi32>], vector<16xf32>,
    %get3A_718 = arith.constant 4 : i32
    %get3A_719 = arith.index_cast %get3A_718 : i32 to index
    %get3A_720 = arith.constant 64 : index
    %get3A_721 = tpu.vector_load %arg10[%get3A_719, %get3A_720] {strides = array<i32>} : memref<25x80xi32, #tpu.memory_space<vmem>>, vector<16xi32>,
    tpu.vector_store_idx %arg14[%get3A_721], %broadcast_in_dim3A_101 {add = true} : memref<10240xf32, #tpu.memory_space<vmem>>[vector<16xi32>], vector<16xf32>,
    %get3A_722 = arith.constant 5 : i32
    %get3A_723 = arith.index_cast %get3A_722 : i32 to index
    %get3A_724 = arith.constant 0 : index
    %get3A_725 = tpu.vector_load %arg10[%get3A_723, %get3A_724] {strides = array<i32>} : memref<25x80xi32, #tpu.memory_space<vmem>>, vector<16xi32>,
    tpu.vector_store_idx %arg14[%get3A_725], %broadcast_in_dim3A_101 {add = true} : memref<10240xf32, #tpu.memory_space<vmem>>[vector<16xi32>], vector<16xf32>,
    %get3A_726 = arith.constant 5 : i32
    %get3A_727 = arith.index_cast %get3A_726 : i32 to index
    %get3A_728 = arith.constant 16 : index
    %get3A_729 = tpu.vector_load %arg10[%get3A_727, %get3A_728] {strides = array<i32>} : memref<25x80xi32, #tpu.memory_space<vmem>>, vector<16xi32>,
    tpu.vector_store_idx %arg14[%get3A_729], %broadcast_in_dim3A_101 {add = true} : memref<10240xf32, #tpu.memory_space<vmem>>[vector<16xi32>], vector<16xf32>,
    %get3A_730 = arith.constant 5 : i32
    %get3A_731 = arith.index_cast %get3A_730 : i32 to index
    %get3A_732 = arith.constant 32 : index
    %get3A_733 = tpu.vector_load %arg10[%get3A_731, %get3A_732] {strides = array<i32>} : memref<25x80xi32, #tpu.memory_space<vmem>>, vector<16xi32>,
    tpu.vector_store_idx %arg14[%get3A_733], %broadcast_in_dim3A_101 {add = true} : memref<10240xf32, #tpu.memory_space<vmem>>[vector<16xi32>], vector<16xf32>,
    %get3A_734 = arith.constant 5 : i32
    %get3A_735 = arith.index_cast %get3A_734 : i32 to index
    %get3A_736 = arith.constant 48 : index
    %get3A_737 = tpu.vector_load %arg10[%get3A_735, %get3A_736] {strides = array<i32>} : memref<25x80xi32, #tpu.memory_space<vmem>>, vector<16xi32>,
    tpu.vector_store_idx %arg14[%get3A_737], %broadcast_in_dim3A_101 {add = true} : memref<10240xf32, #tpu.memory_space<vmem>>[vector<16xi32>], vector<16xf32>,
    %get3A_738 = arith.constant 5 : i32
    %get3A_739 = arith.index_cast %get3A_738 : i32 to index
    %get3A_740 = arith.constant 64 : index
    %get3A_741 = tpu.vector_load %arg10[%get3A_739, %get3A_740] {strides = array<i32>} : memref<25x80xi32, #tpu.memory_space<vmem>>, vector<16xi32>,
    tpu.vector_store_idx %arg14[%get3A_741], %broadcast_in_dim3A_101 {add = true} : memref<10240xf32, #tpu.memory_space<vmem>>[vector<16xi32>], vector<16xf32>,
    %get3A_742 = arith.constant 6 : i32
    %get3A_743 = arith.index_cast %get3A_742 : i32 to index
    %get3A_744 = arith.constant 0 : index
    %get3A_745 = tpu.vector_load %arg10[%get3A_743, %get3A_744] {strides = array<i32>} : memref<25x80xi32, #tpu.memory_space<vmem>>, vector<16xi32>,
    tpu.vector_store_idx %arg14[%get3A_745], %broadcast_in_dim3A_101 {add = true} : memref<10240xf32, #tpu.memory_space<vmem>>[vector<16xi32>], vector<16xf32>,
    %get3A_746 = arith.constant 6 : i32
    %get3A_747 = arith.index_cast %get3A_746 : i32 to index
    %get3A_748 = arith.constant 16 : index
    %get3A_749 = tpu.vector_load %arg10[%get3A_747, %get3A_748] {strides = array<i32>} : memref<25x80xi32, #tpu.memory_space<vmem>>, vector<16xi32>,
    tpu.vector_store_idx %arg14[%get3A_749], %broadcast_in_dim3A_101 {add = true} : memref<10240xf32, #tpu.memory_space<vmem>>[vector<16xi32>], vector<16xf32>,
    %get3A_750 = arith.constant 6 : i32
    %get3A_751 = arith.index_cast %get3A_750 : i32 to index
    %get3A_752 = arith.constant 32 : index
    %get3A_753 = tpu.vector_load %arg10[%get3A_751, %get3A_752] {strides = array<i32>} : memref<25x80xi32, #tpu.memory_space<vmem>>, vector<16xi32>,
    tpu.vector_store_idx %arg14[%get3A_753], %broadcast_in_dim3A_101 {add = true} : memref<10240xf32, #tpu.memory_space<vmem>>[vector<16xi32>], vector<16xf32>,
    %get3A_754 = arith.constant 6 : i32
    %get3A_755 = arith.index_cast %get3A_754 : i32 to index
    %get3A_756 = arith.constant 48 : index
    %get3A_757 = tpu.vector_load %arg10[%get3A_755, %get3A_756] {strides = array<i32>} : memref<25x80xi32, #tpu.memory_space<vmem>>, vector<16xi32>,
    tpu.vector_store_idx %arg14[%get3A_757], %broadcast_in_dim3A_101 {add = true} : memref<10240xf32, #tpu.memory_space<vmem>>[vector<16xi32>], vector<16xf32>,
    %get3A_758 = arith.constant 6 : i32
    %get3A_759 = arith.index_cast %get3A_758 : i32 to index
    %get3A_760 = arith.constant 64 : index
    %get3A_761 = tpu.vector_load %arg10[%get3A_759, %get3A_760] {strides = array<i32>} : memref<25x80xi32, #tpu.memory_space<vmem>>, vector<16xi32>,
    tpu.vector_store_idx %arg14[%get3A_761], %broadcast_in_dim3A_101 {add = true} : memref<10240xf32, #tpu.memory_space<vmem>>[vector<16xi32>], vector<16xf32>,
    %get3A_762 = arith.constant 7 : i32
    %get3A_763 = arith.index_cast %get3A_762 : i32 to index
    %get3A_764 = arith.constant 0 : index
    %get3A_765 = tpu.vector_load %arg10[%get3A_763, %get3A_764] {strides = array<i32>} : memref<25x80xi32, #tpu.memory_space<vmem>>, vector<16xi32>,
    tpu.vector_store_idx %arg14[%get3A_765], %broadcast_in_dim3A_101 {add = true} : memref<10240xf32, #tpu.memory_space<vmem>>[vector<16xi32>], vector<16xf32>,
    %get3A_766 = arith.constant 7 : i32
    %get3A_767 = arith.index_cast %get3A_766 : i32 to index
    %get3A_768 = arith.constant 16 : index
    %get3A_769 = tpu.vector_load %arg10[%get3A_767, %get3A_768] {strides = array<i32>} : memref<25x80xi32, #tpu.memory_space<vmem>>, vector<16xi32>,
    tpu.vector_store_idx %arg14[%get3A_769], %broadcast_in_dim3A_101 {add = true} : memref<10240xf32, #tpu.memory_space<vmem>>[vector<16xi32>], vector<16xf32>,
    %get3A_770 = arith.constant 7 : i32
    %get3A_771 = arith.index_cast %get3A_770 : i32 to index
    %get3A_772 = arith.constant 32 : index
    %get3A_773 = tpu.vector_load %arg10[%get3A_771, %get3A_772] {strides = array<i32>} : memref<25x80xi32, #tpu.memory_space<vmem>>, vector<16xi32>,
    tpu.vector_store_idx %arg14[%get3A_773], %broadcast_in_dim3A_101 {add = true} : memref<10240xf32, #tpu.memory_space<vmem>>[vector<16xi32>], vector<16xf32>,
    %get3A_774 = arith.constant 7 : i32
    %get3A_775 = arith.index_cast %get3A_774 : i32 to index
    %get3A_776 = arith.constant 48 : index
    %get3A_777 = tpu.vector_load %arg10[%get3A_775, %get3A_776] {strides = array<i32>} : memref<25x80xi32, #tpu.memory_space<vmem>>, vector<16xi32>,
    tpu.vector_store_idx %arg14[%get3A_777], %broadcast_in_dim3A_101 {add = true} : memref<10240xf32, #tpu.memory_space<vmem>>[vector<16xi32>], vector<16xf32>,
    %get3A_778 = arith.constant 7 : i32
    %get3A_779 = arith.index_cast %get3A_778 : i32 to index
    %get3A_780 = arith.constant 64 : index
    %get3A_781 = tpu.vector_load %arg10[%get3A_779, %get3A_780] {strides = array<i32>} : memref<25x80xi32, #tpu.memory_space<vmem>>, vector<16xi32>,
    tpu.vector_store_idx %arg14[%get3A_781], %broadcast_in_dim3A_101 {add = true} : memref<10240xf32, #tpu.memory_space<vmem>>[vector<16xi32>], vector<16xf32>,
    %get3A_782 = arith.constant 8 : i32
    %get3A_783 = arith.index_cast %get3A_782 : i32 to index
    %get3A_784 = arith.constant 0 : index
    %get3A_785 = tpu.vector_load %arg10[%get3A_783, %get3A_784] {strides = array<i32>} : memref<25x80xi32, #tpu.memory_space<vmem>>, vector<16xi32>,
    tpu.vector_store_idx %arg14[%get3A_785], %broadcast_in_dim3A_101 {add = true} : memref<10240xf32, #tpu.memory_space<vmem>>[vector<16xi32>], vector<16xf32>,
    %get3A_786 = arith.constant 8 : i32
    %get3A_787 = arith.index_cast %get3A_786 : i32 to index
    %get3A_788 = arith.constant 16 : index
    %get3A_789 = tpu.vector_load %arg10[%get3A_787, %get3A_788] {strides = array<i32>} : memref<25x80xi32, #tpu.memory_space<vmem>>, vector<16xi32>,
    tpu.vector_store_idx %arg14[%get3A_789], %broadcast_in_dim3A_101 {add = true} : memref<10240xf32, #tpu.memory_space<vmem>>[vector<16xi32>], vector<16xf32>,
    %get3A_790 = arith.constant 8 : i32
    %get3A_791 = arith.index_cast %get3A_790 : i32 to index
    %get3A_792 = arith.constant 32 : index
    %get3A_793 = tpu.vector_load %arg10[%get3A_791, %get3A_792] {strides = array<i32>} : memref<25x80xi32, #tpu.memory_space<vmem>>, vector<16xi32>,
    tpu.vector_store_idx %arg14[%get3A_793], %broadcast_in_dim3A_101 {add = true} : memref<10240xf32, #tpu.memory_space<vmem>>[vector<16xi32>], vector<16xf32>,
    %get3A_794 = arith.constant 8 : i32
    %get3A_795 = arith.index_cast %get3A_794 : i32 to index
    %get3A_796 = arith.constant 48 : index
    %get3A_797 = tpu.vector_load %arg10[%get3A_795, %get3A_796] {strides = array<i32>} : memref<25x80xi32, #tpu.memory_space<vmem>>, vector<16xi32>,
    tpu.vector_store_idx %arg14[%get3A_797], %broadcast_in_dim3A_101 {add = true} : memref<10240xf32, #tpu.memory_space<vmem>>[vector<16xi32>], vector<16xf32>,
    %get3A_798 = arith.constant 8 : i32
    %get3A_799 = arith.index_cast %get3A_798 : i32 to index
    %get3A_800 = arith.constant 64 : index
    %get3A_801 = tpu.vector_load %arg10[%get3A_799, %get3A_800] {strides = array<i32>} : memref<25x80xi32, #tpu.memory_space<vmem>>, vector<16xi32>,
    tpu.vector_store_idx %arg14[%get3A_801], %broadcast_in_dim3A_101 {add = true} : memref<10240xf32, #tpu.memory_space<vmem>>[vector<16xi32>], vector<16xf32>,
    %get3A_802 = arith.constant 9 : i32
    %get3A_803 = arith.index_cast %get3A_802 : i32 to index
    %get3A_804 = arith.constant 0 : index
    %get3A_805 = tpu.vector_load %arg10[%get3A_803, %get3A_804] {strides = array<i32>} : memref<25x80xi32, #tpu.memory_space<vmem>>, vector<16xi32>,
    tpu.vector_store_idx %arg14[%get3A_805], %broadcast_in_dim3A_101 {add = true} : memref<10240xf32, #tpu.memory_space<vmem>>[vector<16xi32>], vector<16xf32>,
    %get3A_806 = arith.constant 9 : i32
    %get3A_807 = arith.index_cast %get3A_806 : i32 to index
    %get3A_808 = arith.constant 16 : index
    %get3A_809 = tpu.vector_load %arg10[%get3A_807, %get3A_808] {strides = array<i32>} : memref<25x80xi32, #tpu.memory_space<vmem>>, vector<16xi32>,
    tpu.vector_store_idx %arg14[%get3A_809], %broadcast_in_dim3A_101 {add = true} : memref<10240xf32, #tpu.memory_space<vmem>>[vector<16xi32>], vector<16xf32>,
    %get3A_810 = arith.constant 9 : i32
    %get3A_811 = arith.index_cast %get3A_810 : i32 to index
    %get3A_812 = arith.constant 32 : index
    %get3A_813 = tpu.vector_load %arg10[%get3A_811, %get3A_812] {strides = array<i32>} : memref<25x80xi32, #tpu.memory_space<vmem>>, vector<16xi32>,
    tpu.vector_store_idx %arg14[%get3A_813], %broadcast_in_dim3A_101 {add = true} : memref<10240xf32, #tpu.memory_space<vmem>>[vector<16xi32>], vector<16xf32>,
    %get3A_814 = arith.constant 9 : i32
    %get3A_815 = arith.index_cast %get3A_814 : i32 to index
    %get3A_816 = arith.constant 48 : index
    %get3A_817 = tpu.vector_load %arg10[%get3A_815, %get3A_816] {strides = array<i32>} : memref<25x80xi32, #tpu.memory_space<vmem>>, vector<16xi32>,
    tpu.vector_store_idx %arg14[%get3A_817], %broadcast_in_dim3A_101 {add = true} : memref<10240xf32, #tpu.memory_space<vmem>>[vector<16xi32>], vector<16xf32>,
    %get3A_818 = arith.constant 9 : i32
    %get3A_819 = arith.index_cast %get3A_818 : i32 to index
    %get3A_820 = arith.constant 64 : index
    %get3A_821 = tpu.vector_load %arg10[%get3A_819, %get3A_820] {strides = array<i32>} : memref<25x80xi32, #tpu.memory_space<vmem>>, vector<16xi32>,
    tpu.vector_store_idx %arg14[%get3A_821], %broadcast_in_dim3A_101 {add = true} : memref<10240xf32, #tpu.memory_space<vmem>>[vector<16xi32>], vector<16xf32>,
    %get3A_822 = arith.constant 10 : i32
    %get3A_823 = arith.index_cast %get3A_822 : i32 to index
    %get3A_824 = arith.constant 0 : index
    %get3A_825 = tpu.vector_load %arg10[%get3A_823, %get3A_824] {strides = array<i32>} : memref<25x80xi32, #tpu.memory_space<vmem>>, vector<16xi32>,
    tpu.vector_store_idx %arg14[%get3A_825], %broadcast_in_dim3A_101 {add = true} : memref<10240xf32, #tpu.memory_space<vmem>>[vector<16xi32>], vector<16xf32>,
    %get3A_826 = arith.constant 10 : i32
    %get3A_827 = arith.index_cast %get3A_826 : i32 to index
    %get3A_828 = arith.constant 16 : index
    %get3A_829 = tpu.vector_load %arg10[%get3A_827, %get3A_828] {strides = array<i32>} : memref<25x80xi32, #tpu.memory_space<vmem>>, vector<16xi32>,
    tpu.vector_store_idx %arg14[%get3A_829], %broadcast_in_dim3A_101 {add = true} : memref<10240xf32, #tpu.memory_space<vmem>>[vector<16xi32>], vector<16xf32>,
    %get3A_830 = arith.constant 10 : i32
    %get3A_831 = arith.index_cast %get3A_830 : i32 to index
    %get3A_832 = arith.constant 32 : index
    %get3A_833 = tpu.vector_load %arg10[%get3A_831, %get3A_832] {strides = array<i32>} : memref<25x80xi32, #tpu.memory_space<vmem>>, vector<16xi32>,
    tpu.vector_store_idx %arg14[%get3A_833], %broadcast_in_dim3A_101 {add = true} : memref<10240xf32, #tpu.memory_space<vmem>>[vector<16xi32>], vector<16xf32>,
    %get3A_834 = arith.constant 10 : i32
    %get3A_835 = arith.index_cast %get3A_834 : i32 to index
    %get3A_836 = arith.constant 48 : index
    %get3A_837 = tpu.vector_load %arg10[%get3A_835, %get3A_836] {strides = array<i32>} : memref<25x80xi32, #tpu.memory_space<vmem>>, vector<16xi32>,
    tpu.vector_store_idx %arg14[%get3A_837], %broadcast_in_dim3A_101 {add = true} : memref<10240xf32, #tpu.memory_space<vmem>>[vector<16xi32>], vector<16xf32>,
    %get3A_838 = arith.constant 10 : i32
    %get3A_839 = arith.index_cast %get3A_838 : i32 to index
    %get3A_840 = arith.constant 64 : index
    %get3A_841 = tpu.vector_load %arg10[%get3A_839, %get3A_840] {strides = array<i32>} : memref<25x80xi32, #tpu.memory_space<vmem>>, vector<16xi32>,
    tpu.vector_store_idx %arg14[%get3A_841], %broadcast_in_dim3A_101 {add = true} : memref<10240xf32, #tpu.memory_space<vmem>>[vector<16xi32>], vector<16xf32>,
    %get3A_842 = arith.constant 11 : i32
    %get3A_843 = arith.index_cast %get3A_842 : i32 to index
    %get3A_844 = arith.constant 0 : index
    %get3A_845 = tpu.vector_load %arg10[%get3A_843, %get3A_844] {strides = array<i32>} : memref<25x80xi32, #tpu.memory_space<vmem>>, vector<16xi32>,
    tpu.vector_store_idx %arg14[%get3A_845], %broadcast_in_dim3A_101 {add = true} : memref<10240xf32, #tpu.memory_space<vmem>>[vector<16xi32>], vector<16xf32>,
    %get3A_846 = arith.constant 11 : i32
    %get3A_847 = arith.index_cast %get3A_846 : i32 to index
    %get3A_848 = arith.constant 16 : index
    %get3A_849 = tpu.vector_load %arg10[%get3A_847, %get3A_848] {strides = array<i32>} : memref<25x80xi32, #tpu.memory_space<vmem>>, vector<16xi32>,
    tpu.vector_store_idx %arg14[%get3A_849], %broadcast_in_dim3A_101 {add = true} : memref<10240xf32, #tpu.memory_space<vmem>>[vector<16xi32>], vector<16xf32>,
    %get3A_850 = arith.constant 11 : i32
    %get3A_851 = arith.index_cast %get3A_850 : i32 to index
    %get3A_852 = arith.constant 32 : index
    %get3A_853 = tpu.vector_load %arg10[%get3A_851, %get3A_852] {strides = array<i32>} : memref<25x80xi32, #tpu.memory_space<vmem>>, vector<16xi32>,
    tpu.vector_store_idx %arg14[%get3A_853], %broadcast_in_dim3A_101 {add = true} : memref<10240xf32, #tpu.memory_space<vmem>>[vector<16xi32>], vector<16xf32>,
    %get3A_854 = arith.constant 11 : i32
    %get3A_855 = arith.index_cast %get3A_854 : i32 to index
    %get3A_856 = arith.constant 48 : index
    %get3A_857 = tpu.vector_load %arg10[%get3A_855, %get3A_856] {strides = array<i32>} : memref<25x80xi32, #tpu.memory_space<vmem>>, vector<16xi32>,
    tpu.vector_store_idx %arg14[%get3A_857], %broadcast_in_dim3A_101 {add = true} : memref<10240xf32, #tpu.memory_space<vmem>>[vector<16xi32>], vector<16xf32>,
    %get3A_858 = arith.constant 11 : i32
    %get3A_859 = arith.index_cast %get3A_858 : i32 to index
    %get3A_860 = arith.constant 64 : index
    %get3A_861 = tpu.vector_load %arg10[%get3A_859, %get3A_860] {strides = array<i32>} : memref<25x80xi32, #tpu.memory_space<vmem>>, vector<16xi32>,
    tpu.vector_store_idx %arg14[%get3A_861], %broadcast_in_dim3A_101 {add = true} : memref<10240xf32, #tpu.memory_space<vmem>>[vector<16xi32>], vector<16xf32>,
    %get3A_862 = arith.constant 12 : i32
    %get3A_863 = arith.index_cast %get3A_862 : i32 to index
    %get3A_864 = arith.constant 0 : index
    %get3A_865 = tpu.vector_load %arg10[%get3A_863, %get3A_864] {strides = array<i32>} : memref<25x80xi32, #tpu.memory_space<vmem>>, vector<16xi32>,
    tpu.vector_store_idx %arg14[%get3A_865], %broadcast_in_dim3A_101 {add = true} : memref<10240xf32, #tpu.memory_space<vmem>>[vector<16xi32>], vector<16xf32>,
    %get3A_866 = arith.constant 12 : i32
    %get3A_867 = arith.index_cast %get3A_866 : i32 to index
    %get3A_868 = arith.constant 16 : index
    %get3A_869 = tpu.vector_load %arg10[%get3A_867, %get3A_868] {strides = array<i32>} : memref<25x80xi32, #tpu.memory_space<vmem>>, vector<16xi32>,
    tpu.vector_store_idx %arg14[%get3A_869], %broadcast_in_dim3A_101 {add = true} : memref<10240xf32, #tpu.memory_space<vmem>>[vector<16xi32>], vector<16xf32>,
    %get3A_870 = arith.constant 12 : i32
    %get3A_871 = arith.index_cast %get3A_870 : i32 to index
    %get3A_872 = arith.constant 32 : index
    %get3A_873 = tpu.vector_load %arg10[%get3A_871, %get3A_872] {strides = array<i32>} : memref<25x80xi32, #tpu.memory_space<vmem>>, vector<16xi32>,
    tpu.vector_store_idx %arg14[%get3A_873], %broadcast_in_dim3A_101 {add = true} : memref<10240xf32, #tpu.memory_space<vmem>>[vector<16xi32>], vector<16xf32>,
    %get3A_874 = arith.constant 12 : i32
    %get3A_875 = arith.index_cast %get3A_874 : i32 to index
    %get3A_876 = arith.constant 48 : index
    %get3A_877 = tpu.vector_load %arg10[%get3A_875, %get3A_876] {strides = array<i32>} : memref<25x80xi32, #tpu.memory_space<vmem>>, vector<16xi32>,
    tpu.vector_store_idx %arg14[%get3A_877], %broadcast_in_dim3A_101 {add = true} : memref<10240xf32, #tpu.memory_space<vmem>>[vector<16xi32>], vector<16xf32>,
    %get3A_878 = arith.constant 12 : i32
    %get3A_879 = arith.index_cast %get3A_878 : i32 to index
    %get3A_880 = arith.constant 64 : index
    %get3A_881 = tpu.vector_load %arg10[%get3A_879, %get3A_880] {strides = array<i32>} : memref<25x80xi32, #tpu.memory_space<vmem>>, vector<16xi32>,
    tpu.vector_store_idx %arg14[%get3A_881], %broadcast_in_dim3A_101 {add = true} : memref<10240xf32, #tpu.memory_space<vmem>>[vector<16xi32>], vector<16xf32>,
    %get3A_882 = arith.constant 13 : i32
    %get3A_883 = arith.index_cast %get3A_882 : i32 to index
    %get3A_884 = arith.constant 0 : index
    %get3A_885 = tpu.vector_load %arg10[%get3A_883, %get3A_884] {strides = array<i32>} : memref<25x80xi32, #tpu.memory_space<vmem>>, vector<16xi32>,
    tpu.vector_store_idx %arg14[%get3A_885], %broadcast_in_dim3A_101 {add = true} : memref<10240xf32, #tpu.memory_space<vmem>>[vector<16xi32>], vector<16xf32>,
    %get3A_886 = arith.constant 13 : i32
    %get3A_887 = arith.index_cast %get3A_886 : i32 to index
    %get3A_888 = arith.constant 16 : index
    %get3A_889 = tpu.vector_load %arg10[%get3A_887, %get3A_888] {strides = array<i32>} : memref<25x80xi32, #tpu.memory_space<vmem>>, vector<16xi32>,
    tpu.vector_store_idx %arg14[%get3A_889], %broadcast_in_dim3A_101 {add = true} : memref<10240xf32, #tpu.memory_space<vmem>>[vector<16xi32>], vector<16xf32>,
    %get3A_890 = arith.constant 13 : i32
    %get3A_891 = arith.index_cast %get3A_890 : i32 to index
    %get3A_892 = arith.constant 32 : index
    %get3A_893 = tpu.vector_load %arg10[%get3A_891, %get3A_892] {strides = array<i32>} : memref<25x80xi32, #tpu.memory_space<vmem>>, vector<16xi32>,
    tpu.vector_store_idx %arg14[%get3A_893], %broadcast_in_dim3A_101 {add = true} : memref<10240xf32, #tpu.memory_space<vmem>>[vector<16xi32>], vector<16xf32>,
    %get3A_894 = arith.constant 13 : i32
    %get3A_895 = arith.index_cast %get3A_894 : i32 to index
    %get3A_896 = arith.constant 48 : index
    %get3A_897 = tpu.vector_load %arg10[%get3A_895, %get3A_896] {strides = array<i32>} : memref<25x80xi32, #tpu.memory_space<vmem>>, vector<16xi32>,
    tpu.vector_store_idx %arg14[%get3A_897], %broadcast_in_dim3A_101 {add = true} : memref<10240xf32, #tpu.memory_space<vmem>>[vector<16xi32>], vector<16xf32>,
    %get3A_898 = arith.constant 13 : i32
    %get3A_899 = arith.index_cast %get3A_898 : i32 to index
    %get3A_900 = arith.constant 64 : index
    %get3A_901 = tpu.vector_load %arg10[%get3A_899, %get3A_900] {strides = array<i32>} : memref<25x80xi32, #tpu.memory_space<vmem>>, vector<16xi32>,
    tpu.vector_store_idx %arg14[%get3A_901], %broadcast_in_dim3A_101 {add = true} : memref<10240xf32, #tpu.memory_space<vmem>>[vector<16xi32>], vector<16xf32>,
    %get3A_902 = arith.constant 14 : i32
    %get3A_903 = arith.index_cast %get3A_902 : i32 to index
    %get3A_904 = arith.constant 0 : index
    %get3A_905 = tpu.vector_load %arg10[%get3A_903, %get3A_904] {strides = array<i32>} : memref<25x80xi32, #tpu.memory_space<vmem>>, vector<16xi32>,
    tpu.vector_store_idx %arg14[%get3A_905], %broadcast_in_dim3A_101 {add = true} : memref<10240xf32, #tpu.memory_space<vmem>>[vector<16xi32>], vector<16xf32>,
    %get3A_906 = arith.constant 14 : i32
    %get3A_907 = arith.index_cast %get3A_906 : i32 to index
    %get3A_908 = arith.constant 16 : index
    %get3A_909 = tpu.vector_load %arg10[%get3A_907, %get3A_908] {strides = array<i32>} : memref<25x80xi32, #tpu.memory_space<vmem>>, vector<16xi32>,
    tpu.vector_store_idx %arg14[%get3A_909], %broadcast_in_dim3A_101 {add = true} : memref<10240xf32, #tpu.memory_space<vmem>>[vector<16xi32>], vector<16xf32>,
    %get3A_910 = arith.constant 14 : i32
    %get3A_911 = arith.index_cast %get3A_910 : i32 to index
    %get3A_912 = arith.constant 32 : index
    %get3A_913 = tpu.vector_load %arg10[%get3A_911, %get3A_912] {strides = array<i32>} : memref<25x80xi32, #tpu.memory_space<vmem>>, vector<16xi32>,
    tpu.vector_store_idx %arg14[%get3A_913], %broadcast_in_dim3A_101 {add = true} : memref<10240xf32, #tpu.memory_space<vmem>>[vector<16xi32>], vector<16xf32>,
    %get3A_914 = arith.constant 14 : i32
    %get3A_915 = arith.index_cast %get3A_914 : i32 to index
    %get3A_916 = arith.constant 48 : index
    %get3A_917 = tpu.vector_load %arg10[%get3A_915, %get3A_916] {strides = array<i32>} : memref<25x80xi32, #tpu.memory_space<vmem>>, vector<16xi32>,
    tpu.vector_store_idx %arg14[%get3A_917], %broadcast_in_dim3A_101 {add = true} : memref<10240xf32, #tpu.memory_space<vmem>>[vector<16xi32>], vector<16xf32>,
    %get3A_918 = arith.constant 14 : i32
    %get3A_919 = arith.index_cast %get3A_918 : i32 to index
    %get3A_920 = arith.constant 64 : index
    %get3A_921 = tpu.vector_load %arg10[%get3A_919, %get3A_920] {strides = array<i32>} : memref<25x80xi32, #tpu.memory_space<vmem>>, vector<16xi32>,
    tpu.vector_store_idx %arg14[%get3A_921], %broadcast_in_dim3A_101 {add = true} : memref<10240xf32, #tpu.memory_space<vmem>>[vector<16xi32>], vector<16xf32>,
    %get3A_922 = arith.constant 15 : i32
    %get3A_923 = arith.index_cast %get3A_922 : i32 to index
    %get3A_924 = arith.constant 0 : index
    %get3A_925 = tpu.vector_load %arg10[%get3A_923, %get3A_924] {strides = array<i32>} : memref<25x80xi32, #tpu.memory_space<vmem>>, vector<16xi32>,
    tpu.vector_store_idx %arg14[%get3A_925], %broadcast_in_dim3A_101 {add = true} : memref<10240xf32, #tpu.memory_space<vmem>>[vector<16xi32>], vector<16xf32>,
    %get3A_926 = arith.constant 15 : i32
    %get3A_927 = arith.index_cast %get3A_926 : i32 to index
    %get3A_928 = arith.constant 16 : index
    %get3A_929 = tpu.vector_load %arg10[%get3A_927, %get3A_928] {strides = array<i32>} : memref<25x80xi32, #tpu.memory_space<vmem>>, vector<16xi32>,
    tpu.vector_store_idx %arg14[%get3A_929], %broadcast_in_dim3A_101 {add = true} : memref<10240xf32, #tpu.memory_space<vmem>>[vector<16xi32>], vector<16xf32>,
    %get3A_930 = arith.constant 15 : i32
    %get3A_931 = arith.index_cast %get3A_930 : i32 to index
    %get3A_932 = arith.constant 32 : index
    %get3A_933 = tpu.vector_load %arg10[%get3A_931, %get3A_932] {strides = array<i32>} : memref<25x80xi32, #tpu.memory_space<vmem>>, vector<16xi32>,
    tpu.vector_store_idx %arg14[%get3A_933], %broadcast_in_dim3A_101 {add = true} : memref<10240xf32, #tpu.memory_space<vmem>>[vector<16xi32>], vector<16xf32>,
    %get3A_934 = arith.constant 15 : i32
    %get3A_935 = arith.index_cast %get3A_934 : i32 to index
    %get3A_936 = arith.constant 48 : index
    %get3A_937 = tpu.vector_load %arg10[%get3A_935, %get3A_936] {strides = array<i32>} : memref<25x80xi32, #tpu.memory_space<vmem>>, vector<16xi32>,
    tpu.vector_store_idx %arg14[%get3A_937], %broadcast_in_dim3A_101 {add = true} : memref<10240xf32, #tpu.memory_space<vmem>>[vector<16xi32>], vector<16xf32>,
    %get3A_938 = arith.constant 15 : i32
    %get3A_939 = arith.index_cast %get3A_938 : i32 to index
    %get3A_940 = arith.constant 64 : index
    %get3A_941 = tpu.vector_load %arg10[%get3A_939, %get3A_940] {strides = array<i32>} : memref<25x80xi32, #tpu.memory_space<vmem>>, vector<16xi32>,
    tpu.vector_store_idx %arg14[%get3A_941], %broadcast_in_dim3A_101 {add = true} : memref<10240xf32, #tpu.memory_space<vmem>>[vector<16xi32>], vector<16xf32>,
    %get3A_942 = arith.constant 16 : i32
    %get3A_943 = arith.index_cast %get3A_942 : i32 to index
    %get3A_944 = arith.constant 0 : index
    %get3A_945 = tpu.vector_load %arg10[%get3A_943, %get3A_944] {strides = array<i32>} : memref<25x80xi32, #tpu.memory_space<vmem>>, vector<16xi32>,
    tpu.vector_store_idx %arg14[%get3A_945], %broadcast_in_dim3A_101 {add = true} : memref<10240xf32, #tpu.memory_space<vmem>>[vector<16xi32>], vector<16xf32>,
    %get3A_946 = arith.constant 16 : i32
    %get3A_947 = arith.index_cast %get3A_946 : i32 to index
    %get3A_948 = arith.constant 16 : index
    %get3A_949 = tpu.vector_load %arg10[%get3A_947, %get3A_948] {strides = array<i32>} : memref<25x80xi32, #tpu.memory_space<vmem>>, vector<16xi32>,
    tpu.vector_store_idx %arg14[%get3A_949], %broadcast_in_dim3A_101 {add = true} : memref<10240xf32, #tpu.memory_space<vmem>>[vector<16xi32>], vector<16xf32>,
    %get3A_950 = arith.constant 16 : i32
    %get3A_951 = arith.index_cast %get3A_950 : i32 to index
    %get3A_952 = arith.constant 32 : index
    %get3A_953 = tpu.vector_load %arg10[%get3A_951, %get3A_952] {strides = array<i32>} : memref<25x80xi32, #tpu.memory_space<vmem>>, vector<16xi32>,
    tpu.vector_store_idx %arg14[%get3A_953], %broadcast_in_dim3A_101 {add = true} : memref<10240xf32, #tpu.memory_space<vmem>>[vector<16xi32>], vector<16xf32>,
    %get3A_954 = arith.constant 16 : i32
    %get3A_955 = arith.index_cast %get3A_954 : i32 to index
    %get3A_956 = arith.constant 48 : index
    %get3A_957 = tpu.vector_load %arg10[%get3A_955, %get3A_956] {strides = array<i32>} : memref<25x80xi32, #tpu.memory_space<vmem>>, vector<16xi32>,
    tpu.vector_store_idx %arg14[%get3A_957], %broadcast_in_dim3A_101 {add = true} : memref<10240xf32, #tpu.memory_space<vmem>>[vector<16xi32>], vector<16xf32>,
    %get3A_958 = arith.constant 16 : i32
    %get3A_959 = arith.index_cast %get3A_958 : i32 to index
    %get3A_960 = arith.constant 64 : index
    %get3A_961 = tpu.vector_load %arg10[%get3A_959, %get3A_960] {strides = array<i32>} : memref<25x80xi32, #tpu.memory_space<vmem>>, vector<16xi32>,
    tpu.vector_store_idx %arg14[%get3A_961], %broadcast_in_dim3A_101 {add = true} : memref<10240xf32, #tpu.memory_space<vmem>>[vector<16xi32>], vector<16xf32>,
    %get3A_962 = arith.constant 17 : i32
    %get3A_963 = arith.index_cast %get3A_962 : i32 to index
    %get3A_964 = arith.constant 0 : index
    %get3A_965 = tpu.vector_load %arg10[%get3A_963, %get3A_964] {strides = array<i32>} : memref<25x80xi32, #tpu.memory_space<vmem>>, vector<16xi32>,
    tpu.vector_store_idx %arg14[%get3A_965], %broadcast_in_dim3A_101 {add = true} : memref<10240xf32, #tpu.memory_space<vmem>>[vector<16xi32>], vector<16xf32>,
    %get3A_966 = arith.constant 17 : i32
    %get3A_967 = arith.index_cast %get3A_966 : i32 to index
    %get3A_968 = arith.constant 16 : index
    %get3A_969 = tpu.vector_load %arg10[%get3A_967, %get3A_968] {strides = array<i32>} : memref<25x80xi32, #tpu.memory_space<vmem>>, vector<16xi32>,
    tpu.vector_store_idx %arg14[%get3A_969], %broadcast_in_dim3A_101 {add = true} : memref<10240xf32, #tpu.memory_space<vmem>>[vector<16xi32>], vector<16xf32>,
    %get3A_970 = arith.constant 17 : i32
    %get3A_971 = arith.index_cast %get3A_970 : i32 to index
    %get3A_972 = arith.constant 32 : index
    %get3A_973 = tpu.vector_load %arg10[%get3A_971, %get3A_972] {strides = array<i32>} : memref<25x80xi32, #tpu.memory_space<vmem>>, vector<16xi32>,
    tpu.vector_store_idx %arg14[%get3A_973], %broadcast_in_dim3A_101 {add = true} : memref<10240xf32, #tpu.memory_space<vmem>>[vector<16xi32>], vector<16xf32>,
    %get3A_974 = arith.constant 17 : i32
    %get3A_975 = arith.index_cast %get3A_974 : i32 to index
    %get3A_976 = arith.constant 48 : index
    %get3A_977 = tpu.vector_load %arg10[%get3A_975, %get3A_976] {strides = array<i32>} : memref<25x80xi32, #tpu.memory_space<vmem>>, vector<16xi32>,
    tpu.vector_store_idx %arg14[%get3A_977], %broadcast_in_dim3A_101 {add = true} : memref<10240xf32, #tpu.memory_space<vmem>>[vector<16xi32>], vector<16xf32>,
    %get3A_978 = arith.constant 17 : i32
    %get3A_979 = arith.index_cast %get3A_978 : i32 to index
    %get3A_980 = arith.constant 64 : index
    %get3A_981 = tpu.vector_load %arg10[%get3A_979, %get3A_980] {strides = array<i32>} : memref<25x80xi32, #tpu.memory_space<vmem>>, vector<16xi32>,
    tpu.vector_store_idx %arg14[%get3A_981], %broadcast_in_dim3A_101 {add = true} : memref<10240xf32, #tpu.memory_space<vmem>>[vector<16xi32>], vector<16xf32>,
    %get3A_982 = arith.constant 18 : i32
    %get3A_983 = arith.index_cast %get3A_982 : i32 to index
    %get3A_984 = arith.constant 0 : index
    %get3A_985 = tpu.vector_load %arg10[%get3A_983, %get3A_984] {strides = array<i32>} : memref<25x80xi32, #tpu.memory_space<vmem>>, vector<16xi32>,
    tpu.vector_store_idx %arg14[%get3A_985], %broadcast_in_dim3A_101 {add = true} : memref<10240xf32, #tpu.memory_space<vmem>>[vector<16xi32>], vector<16xf32>,
    %get3A_986 = arith.constant 18 : i32
    %get3A_987 = arith.index_cast %get3A_986 : i32 to index
    %get3A_988 = arith.constant 16 : index
    %get3A_989 = tpu.vector_load %arg10[%get3A_987, %get3A_988] {strides = array<i32>} : memref<25x80xi32, #tpu.memory_space<vmem>>, vector<16xi32>,
    tpu.vector_store_idx %arg14[%get3A_989], %broadcast_in_dim3A_101 {add = true} : memref<10240xf32, #tpu.memory_space<vmem>>[vector<16xi32>], vector<16xf32>,
    %get3A_990 = arith.constant 18 : i32
    %get3A_991 = arith.index_cast %get3A_990 : i32 to index
    %get3A_992 = arith.constant 32 : index
    %get3A_993 = tpu.vector_load %arg10[%get3A_991, %get3A_992] {strides = array<i32>} : memref<25x80xi32, #tpu.memory_space<vmem>>, vector<16xi32>,
    tpu.vector_store_idx %arg14[%get3A_993], %broadcast_in_dim3A_101 {add = true} : memref<10240xf32, #tpu.memory_space<vmem>>[vector<16xi32>], vector<16xf32>,
    %get3A_994 = arith.constant 18 : i32
    %get3A_995 = arith.index_cast %get3A_994 : i32 to index
    %get3A_996 = arith.constant 48 : index
    %get3A_997 = tpu.vector_load %arg10[%get3A_995, %get3A_996] {strides = array<i32>} : memref<25x80xi32, #tpu.memory_space<vmem>>, vector<16xi32>,
    tpu.vector_store_idx %arg14[%get3A_997], %broadcast_in_dim3A_101 {add = true} : memref<10240xf32, #tpu.memory_space<vmem>>[vector<16xi32>], vector<16xf32>,
    %get3A_998 = arith.constant 18 : i32
    %get3A_999 = arith.index_cast %get3A_998 : i32 to index
    %get3A_1000 = arith.constant 64 : index
    %get3A_1001 = tpu.vector_load %arg10[%get3A_999, %get3A_1000] {strides = array<i32>} : memref<25x80xi32, #tpu.memory_space<vmem>>, vector<16xi32>,
    tpu.vector_store_idx %arg14[%get3A_1001], %broadcast_in_dim3A_101 {add = true} : memref<10240xf32, #tpu.memory_space<vmem>>[vector<16xi32>], vector<16xf32>,
    %get3A_1002 = arith.constant 19 : i32
    %get3A_1003 = arith.index_cast %get3A_1002 : i32 to index
    %get3A_1004 = arith.constant 0 : index
    %get3A_1005 = tpu.vector_load %arg10[%get3A_1003, %get3A_1004] {strides = array<i32>} : memref<25x80xi32, #tpu.memory_space<vmem>>, vector<16xi32>,
    tpu.vector_store_idx %arg14[%get3A_1005], %broadcast_in_dim3A_101 {add = true} : memref<10240xf32, #tpu.memory_space<vmem>>[vector<16xi32>], vector<16xf32>,
    %get3A_1006 = arith.constant 19 : i32
    %get3A_1007 = arith.index_cast %get3A_1006 : i32 to index
    %get3A_1008 = arith.constant 16 : index
    %get3A_1009 = tpu.vector_load %arg10[%get3A_1007, %get3A_1008] {strides = array<i32>} : memref<25x80xi32, #tpu.memory_space<vmem>>, vector<16xi32>,
    tpu.vector_store_idx %arg14[%get3A_1009], %broadcast_in_dim3A_101 {add = true} : memref<10240xf32, #tpu.memory_space<vmem>>[vector<16xi32>], vector<16xf32>,
    %get3A_1010 = arith.constant 19 : i32
    %get3A_1011 = arith.index_cast %get3A_1010 : i32 to index
    %get3A_1012 = arith.constant 32 : index
    %get3A_1013 = tpu.vector_load %arg10[%get3A_1011, %get3A_1012] {strides = array<i32>} : memref<25x80xi32, #tpu.memory_space<vmem>>, vector<16xi32>,
    tpu.vector_store_idx %arg14[%get3A_1013], %broadcast_in_dim3A_101 {add = true} : memref<10240xf32, #tpu.memory_space<vmem>>[vector<16xi32>], vector<16xf32>,
    %get3A_1014 = arith.constant 19 : i32
    %get3A_1015 = arith.index_cast %get3A_1014 : i32 to index
    %get3A_1016 = arith.constant 48 : index
    %get3A_1017 = tpu.vector_load %arg10[%get3A_1015, %get3A_1016] {strides = array<i32>} : memref<25x80xi32, #tpu.memory_space<vmem>>, vector<16xi32>,
    tpu.vector_store_idx %arg14[%get3A_1017], %broadcast_in_dim3A_101 {add = true} : memref<10240xf32, #tpu.memory_space<vmem>>[vector<16xi32>], vector<16xf32>,
    %get3A_1018 = arith.constant 19 : i32
    %get3A_1019 = arith.index_cast %get3A_1018 : i32 to index
    %get3A_1020 = arith.constant 64 : index
    %get3A_1021 = tpu.vector_load %arg10[%get3A_1019, %get3A_1020] {strides = array<i32>} : memref<25x80xi32, #tpu.memory_space<vmem>>, vector<16xi32>,
    tpu.vector_store_idx %arg14[%get3A_1021], %broadcast_in_dim3A_101 {add = true} : memref<10240xf32, #tpu.memory_space<vmem>>[vector<16xi32>], vector<16xf32>,
    %get3A_1022 = arith.constant 20 : i32
    %get3A_1023 = arith.index_cast %get3A_1022 : i32 to index
    %get3A_1024 = arith.constant 0 : index
    %get3A_1025 = tpu.vector_load %arg10[%get3A_1023, %get3A_1024] {strides = array<i32>} : memref<25x80xi32, #tpu.memory_space<vmem>>, vector<16xi32>,
    tpu.vector_store_idx %arg14[%get3A_1025], %broadcast_in_dim3A_101 {add = true} : memref<10240xf32, #tpu.memory_space<vmem>>[vector<16xi32>], vector<16xf32>,
    %get3A_1026 = arith.constant 20 : i32
    %get3A_1027 = arith.index_cast %get3A_1026 : i32 to index
    %get3A_1028 = arith.constant 16 : index
    %get3A_1029 = tpu.vector_load %arg10[%get3A_1027, %get3A_1028] {strides = array<i32>} : memref<25x80xi32, #tpu.memory_space<vmem>>, vector<16xi32>,
    tpu.vector_store_idx %arg14[%get3A_1029], %broadcast_in_dim3A_101 {add = true} : memref<10240xf32, #tpu.memory_space<vmem>>[vector<16xi32>], vector<16xf32>,
    %get3A_1030 = arith.constant 20 : i32
    %get3A_1031 = arith.index_cast %get3A_1030 : i32 to index
    %get3A_1032 = arith.constant 32 : index
    %get3A_1033 = tpu.vector_load %arg10[%get3A_1031, %get3A_1032] {strides = array<i32>} : memref<25x80xi32, #tpu.memory_space<vmem>>, vector<16xi32>,
    tpu.vector_store_idx %arg14[%get3A_1033], %broadcast_in_dim3A_101 {add = true} : memref<10240xf32, #tpu.memory_space<vmem>>[vector<16xi32>], vector<16xf32>,
    %get3A_1034 = arith.constant 20 : i32
    %get3A_1035 = arith.index_cast %get3A_1034 : i32 to index
    %get3A_1036 = arith.constant 48 : index
    %get3A_1037 = tpu.vector_load %arg10[%get3A_1035, %get3A_1036] {strides = array<i32>} : memref<25x80xi32, #tpu.memory_space<vmem>>, vector<16xi32>,
    tpu.vector_store_idx %arg14[%get3A_1037], %broadcast_in_dim3A_101 {add = true} : memref<10240xf32, #tpu.memory_space<vmem>>[vector<16xi32>], vector<16xf32>,
    %get3A_1038 = arith.constant 20 : i32
    %get3A_1039 = arith.index_cast %get3A_1038 : i32 to index
    %get3A_1040 = arith.constant 64 : index
    %get3A_1041 = tpu.vector_load %arg10[%get3A_1039, %get3A_1040] {strides = array<i32>} : memref<25x80xi32, #tpu.memory_space<vmem>>, vector<16xi32>,
    tpu.vector_store_idx %arg14[%get3A_1041], %broadcast_in_dim3A_101 {add = true} : memref<10240xf32, #tpu.memory_space<vmem>>[vector<16xi32>], vector<16xf32>,
    %get3A_1042 = arith.constant 21 : i32
    %get3A_1043 = arith.index_cast %get3A_1042 : i32 to index
    %get3A_1044 = arith.constant 0 : index
    %get3A_1045 = tpu.vector_load %arg10[%get3A_1043, %get3A_1044] {strides = array<i32>} : memref<25x80xi32, #tpu.memory_space<vmem>>, vector<16xi32>,
    tpu.vector_store_idx %arg14[%get3A_1045], %broadcast_in_dim3A_101 {add = true} : memref<10240xf32, #tpu.memory_space<vmem>>[vector<16xi32>], vector<16xf32>,
    %get3A_1046 = arith.constant 21 : i32
    %get3A_1047 = arith.index_cast %get3A_1046 : i32 to index
    %get3A_1048 = arith.constant 16 : index
    %get3A_1049 = tpu.vector_load %arg10[%get3A_1047, %get3A_1048] {strides = array<i32>} : memref<25x80xi32, #tpu.memory_space<vmem>>, vector<16xi32>,
    tpu.vector_store_idx %arg14[%get3A_1049], %broadcast_in_dim3A_101 {add = true} : memref<10240xf32, #tpu.memory_space<vmem>>[vector<16xi32>], vector<16xf32>,
    %get3A_1050 = arith.constant 21 : i32
    %get3A_1051 = arith.index_cast %get3A_1050 : i32 to index
    %get3A_1052 = arith.constant 32 : index
    %get3A_1053 = tpu.vector_load %arg10[%get3A_1051, %get3A_1052] {strides = array<i32>} : memref<25x80xi32, #tpu.memory_space<vmem>>, vector<16xi32>,
    tpu.vector_store_idx %arg14[%get3A_1053], %broadcast_in_dim3A_101 {add = true} : memref<10240xf32, #tpu.memory_space<vmem>>[vector<16xi32>], vector<16xf32>,
    %get3A_1054 = arith.constant 21 : i32
    %get3A_1055 = arith.index_cast %get3A_1054 : i32 to index
    %get3A_1056 = arith.constant 48 : index
    %get3A_1057 = tpu.vector_load %arg10[%get3A_1055, %get3A_1056] {strides = array<i32>} : memref<25x80xi32, #tpu.memory_space<vmem>>, vector<16xi32>,
    tpu.vector_store_idx %arg14[%get3A_1057], %broadcast_in_dim3A_101 {add = true} : memref<10240xf32, #tpu.memory_space<vmem>>[vector<16xi32>], vector<16xf32>,
    %get3A_1058 = arith.constant 21 : i32
    %get3A_1059 = arith.index_cast %get3A_1058 : i32 to index
    %get3A_1060 = arith.constant 64 : index
    %get3A_1061 = tpu.vector_load %arg10[%get3A_1059, %get3A_1060] {strides = array<i32>} : memref<25x80xi32, #tpu.memory_space<vmem>>, vector<16xi32>,
    tpu.vector_store_idx %arg14[%get3A_1061], %broadcast_in_dim3A_101 {add = true} : memref<10240xf32, #tpu.memory_space<vmem>>[vector<16xi32>], vector<16xf32>,
    %get3A_1062 = arith.constant 22 : i32
    %get3A_1063 = arith.index_cast %get3A_1062 : i32 to index
    %get3A_1064 = arith.constant 0 : index
    %get3A_1065 = tpu.vector_load %arg10[%get3A_1063, %get3A_1064] {strides = array<i32>} : memref<25x80xi32, #tpu.memory_space<vmem>>, vector<16xi32>,
    tpu.vector_store_idx %arg14[%get3A_1065], %broadcast_in_dim3A_101 {add = true} : memref<10240xf32, #tpu.memory_space<vmem>>[vector<16xi32>], vector<16xf32>,
    %get3A_1066 = arith.constant 22 : i32
    %get3A_1067 = arith.index_cast %get3A_1066 : i32 to index
    %get3A_1068 = arith.constant 16 : index
    %get3A_1069 = tpu.vector_load %arg10[%get3A_1067, %get3A_1068] {strides = array<i32>} : memref<25x80xi32, #tpu.memory_space<vmem>>, vector<16xi32>,
    tpu.vector_store_idx %arg14[%get3A_1069], %broadcast_in_dim3A_101 {add = true} : memref<10240xf32, #tpu.memory_space<vmem>>[vector<16xi32>], vector<16xf32>,
    %get3A_1070 = arith.constant 22 : i32
    %get3A_1071 = arith.index_cast %get3A_1070 : i32 to index
    %get3A_1072 = arith.constant 32 : index
    %get3A_1073 = tpu.vector_load %arg10[%get3A_1071, %get3A_1072] {strides = array<i32>} : memref<25x80xi32, #tpu.memory_space<vmem>>, vector<16xi32>,
    tpu.vector_store_idx %arg14[%get3A_1073], %broadcast_in_dim3A_101 {add = true} : memref<10240xf32, #tpu.memory_space<vmem>>[vector<16xi32>], vector<16xf32>,
    %get3A_1074 = arith.constant 22 : i32
    %get3A_1075 = arith.index_cast %get3A_1074 : i32 to index
    %get3A_1076 = arith.constant 48 : index
    %get3A_1077 = tpu.vector_load %arg10[%get3A_1075, %get3A_1076] {strides = array<i32>} : memref<25x80xi32, #tpu.memory_space<vmem>>, vector<16xi32>,
    tpu.vector_store_idx %arg14[%get3A_1077], %broadcast_in_dim3A_101 {add = true} : memref<10240xf32, #tpu.memory_space<vmem>>[vector<16xi32>], vector<16xf32>,
    %get3A_1078 = arith.constant 22 : i32
    %get3A_1079 = arith.index_cast %get3A_1078 : i32 to index
    %get3A_1080 = arith.constant 64 : index
    %get3A_1081 = tpu.vector_load %arg10[%get3A_1079, %get3A_1080] {strides = array<i32>} : memref<25x80xi32, #tpu.memory_space<vmem>>, vector<16xi32>,
    tpu.vector_store_idx %arg14[%get3A_1081], %broadcast_in_dim3A_101 {add = true} : memref<10240xf32, #tpu.memory_space<vmem>>[vector<16xi32>], vector<16xf32>,
    %get3A_1082 = arith.constant 23 : i32
    %get3A_1083 = arith.index_cast %get3A_1082 : i32 to index
    %get3A_1084 = arith.constant 0 : index
    %get3A_1085 = tpu.vector_load %arg10[%get3A_1083, %get3A_1084] {strides = array<i32>} : memref<25x80xi32, #tpu.memory_space<vmem>>, vector<16xi32>,
    tpu.vector_store_idx %arg14[%get3A_1085], %broadcast_in_dim3A_101 {add = true} : memref<10240xf32, #tpu.memory_space<vmem>>[vector<16xi32>], vector<16xf32>,
    %get3A_1086 = arith.constant 23 : i32
    %get3A_1087 = arith.index_cast %get3A_1086 : i32 to index
    %get3A_1088 = arith.constant 16 : index
    %get3A_1089 = tpu.vector_load %arg10[%get3A_1087, %get3A_1088] {strides = array<i32>} : memref<25x80xi32, #tpu.memory_space<vmem>>, vector<16xi32>,
    tpu.vector_store_idx %arg14[%get3A_1089], %broadcast_in_dim3A_101 {add = true} : memref<10240xf32, #tpu.memory_space<vmem>>[vector<16xi32>], vector<16xf32>,
    %get3A_1090 = arith.constant 23 : i32
    %get3A_1091 = arith.index_cast %get3A_1090 : i32 to index
    %get3A_1092 = arith.constant 32 : index
    %get3A_1093 = tpu.vector_load %arg10[%get3A_1091, %get3A_1092] {strides = array<i32>} : memref<25x80xi32, #tpu.memory_space<vmem>>, vector<16xi32>,
    tpu.vector_store_idx %arg14[%get3A_1093], %broadcast_in_dim3A_101 {add = true} : memref<10240xf32, #tpu.memory_space<vmem>>[vector<16xi32>], vector<16xf32>,
    %get3A_1094 = arith.constant 23 : i32
    %get3A_1095 = arith.index_cast %get3A_1094 : i32 to index
    %get3A_1096 = arith.constant 48 : index
    %get3A_1097 = tpu.vector_load %arg10[%get3A_1095, %get3A_1096] {strides = array<i32>} : memref<25x80xi32, #tpu.memory_space<vmem>>, vector<16xi32>,
    tpu.vector_store_idx %arg14[%get3A_1097], %broadcast_in_dim3A_101 {add = true} : memref<10240xf32, #tpu.memory_space<vmem>>[vector<16xi32>], vector<16xf32>,
    %get3A_1098 = arith.constant 23 : i32
    %get3A_1099 = arith.index_cast %get3A_1098 : i32 to index
    %get3A_1100 = arith.constant 64 : index
    %get3A_1101 = tpu.vector_load %arg10[%get3A_1099, %get3A_1100] {strides = array<i32>} : memref<25x80xi32, #tpu.memory_space<vmem>>, vector<16xi32>,
    tpu.vector_store_idx %arg14[%get3A_1101], %broadcast_in_dim3A_101 {add = true} : memref<10240xf32, #tpu.memory_space<vmem>>[vector<16xi32>], vector<16xf32>,
    %get3A_1102 = arith.constant 24 : i32
    %get3A_1103 = arith.index_cast %get3A_1102 : i32 to index
    %get3A_1104 = arith.constant 0 : index
    %get3A_1105 = tpu.vector_load %arg10[%get3A_1103, %get3A_1104] {strides = array<i32>} : memref<25x80xi32, #tpu.memory_space<vmem>>, vector<16xi32>,
    tpu.vector_store_idx %arg14[%get3A_1105], %broadcast_in_dim3A_101 {add = true} : memref<10240xf32, #tpu.memory_space<vmem>>[vector<16xi32>], vector<16xf32>,
    %get3A_1106 = arith.constant 24 : i32
    %get3A_1107 = arith.index_cast %get3A_1106 : i32 to index
    %get3A_1108 = arith.constant 16 : index
    %get3A_1109 = tpu.vector_load %arg10[%get3A_1107, %get3A_1108] {strides = array<i32>} : memref<25x80xi32, #tpu.memory_space<vmem>>, vector<16xi32>,
    tpu.vector_store_idx %arg14[%get3A_1109], %broadcast_in_dim3A_101 {add = true} : memref<10240xf32, #tpu.memory_space<vmem>>[vector<16xi32>], vector<16xf32>,
    %get3A_1110 = arith.constant 24 : i32
    %get3A_1111 = arith.index_cast %get3A_1110 : i32 to index
    %get3A_1112 = arith.constant 32 : index
    %get3A_1113 = tpu.vector_load %arg10[%get3A_1111, %get3A_1112] {strides = array<i32>} : memref<25x80xi32, #tpu.memory_space<vmem>>, vector<16xi32>,
    tpu.vector_store_idx %arg14[%get3A_1113], %broadcast_in_dim3A_101 {add = true} : memref<10240xf32, #tpu.memory_space<vmem>>[vector<16xi32>], vector<16xf32>,
    %get3A_1114 = arith.constant 24 : i32
    %get3A_1115 = arith.index_cast %get3A_1114 : i32 to index
    %get3A_1116 = arith.constant 48 : index
    %get3A_1117 = tpu.vector_load %arg10[%get3A_1115, %get3A_1116] {strides = array<i32>} : memref<25x80xi32, #tpu.memory_space<vmem>>, vector<16xi32>,
    tpu.vector_store_idx %arg14[%get3A_1117], %broadcast_in_dim3A_101 {add = true} : memref<10240xf32, #tpu.memory_space<vmem>>[vector<16xi32>], vector<16xf32>,
    %get3A_1118 = arith.constant 24 : i32
    %get3A_1119 = arith.index_cast %get3A_1118 : i32 to index
    %get3A_1120 = arith.constant 64 : index
    %get3A_1121 = tpu.vector_load %arg10[%get3A_1119, %get3A_1120] {strides = array<i32>} : memref<25x80xi32, #tpu.memory_space<vmem>>, vector<16xi32>,
    tpu.vector_store_idx %arg14[%get3A_1121], %broadcast_in_dim3A_101 {add = true} : memref<10240xf32, #tpu.memory_space<vmem>>[vector<16xi32>], vector<16xf32>,
    %dma_wait3A_1122 = arith.constant 1 : i32
    %dma_wait3A_1123 = arith.constant 0 : i32
    %dma_wait3A_1124 = arith.constant 0 : i32
    %dma_wait3A_1125 = tpu.memref_slice %arg4[%dma_wait3A_1122, %add3A_63, %dma_wait3A_1123, %dma_wait3A_1124] : memref<2x160x25x80xi32, #tpu.memory_space<hbm>> -> memref<1x1x25x80xi32, #tpu.memory_space<hbm>>
    %dma_wait3A_1126 = tpu.memref_squeeze %dma_wait3A_1125 : memref<1x1x25x80xi32, #tpu.memory_space<hbm>> -> memref<25x80xi32, #tpu.memory_space<hbm>>
    %dma_wait3A_1127 = arith.constant 0 : i32
    %dma_wait3A_1128 = arith.constant 0 : i32
    %dma_wait3A_1129 = tpu.memref_slice %arg4[%dma_wait3A_1122, %add3A_63, %dma_wait3A_1127, %dma_wait3A_1128] : memref<2x160x25x80xi32, #tpu.memory_space<hbm>> -> memref<1x1x25x80xi32, #tpu.memory_space<hbm>>
    %dma_wait3A_1130 = tpu.memref_squeeze %dma_wait3A_1129 : memref<1x1x25x80xi32, #tpu.memory_space<hbm>> -> memref<25x80xi32, #tpu.memory_space<hbm>>
    tpu.wait_dma2 semaphore(%arg16 : memref<!tpu.dma_semaphore, #tpu.memory_space<semaphore_mem>>) src(%dma_wait3A_1130 : memref<25x80xi32, #tpu.memory_space<hbm>>) dst(%arg11 : memref<25x80xi32, #tpu.memory_space<vmem>>)
    %get3A_1131 = arith.constant 0 : i32
    %get3A_1132 = arith.index_cast %get3A_1131 : i32 to index
    %get3A_1133 = arith.constant 0 : index
    %get3A_1134 = tpu.vector_load %arg11[%get3A_1132, %get3A_1133] {strides = array<i32>} : memref<25x80xi32, #tpu.memory_space<vmem>>, vector<16xi32>,
    tpu.vector_store_idx %arg14[%get3A_1134], %broadcast_in_dim3A_101 {add = true} : memref<10240xf32, #tpu.memory_space<vmem>>[vector<16xi32>], vector<16xf32>,
    %get3A_1135 = arith.constant 0 : i32
    %get3A_1136 = arith.index_cast %get3A_1135 : i32 to index
    %get3A_1137 = arith.constant 16 : index
    %get3A_1138 = tpu.vector_load %arg11[%get3A_1136, %get3A_1137] {strides = array<i32>} : memref<25x80xi32, #tpu.memory_space<vmem>>, vector<16xi32>,
    tpu.vector_store_idx %arg14[%get3A_1138], %broadcast_in_dim3A_101 {add = true} : memref<10240xf32, #tpu.memory_space<vmem>>[vector<16xi32>], vector<16xf32>,
    %get3A_1139 = arith.constant 0 : i32
    %get3A_1140 = arith.index_cast %get3A_1139 : i32 to index
    %get3A_1141 = arith.constant 32 : index
    %get3A_1142 = tpu.vector_load %arg11[%get3A_1140, %get3A_1141] {strides = array<i32>} : memref<25x80xi32, #tpu.memory_space<vmem>>, vector<16xi32>,
    tpu.vector_store_idx %arg14[%get3A_1142], %broadcast_in_dim3A_101 {add = true} : memref<10240xf32, #tpu.memory_space<vmem>>[vector<16xi32>], vector<16xf32>,
    %get3A_1143 = arith.constant 0 : i32
    %get3A_1144 = arith.index_cast %get3A_1143 : i32 to index
    %get3A_1145 = arith.constant 48 : index
    %get3A_1146 = tpu.vector_load %arg11[%get3A_1144, %get3A_1145] {strides = array<i32>} : memref<25x80xi32, #tpu.memory_space<vmem>>, vector<16xi32>,
    tpu.vector_store_idx %arg14[%get3A_1146], %broadcast_in_dim3A_101 {add = true} : memref<10240xf32, #tpu.memory_space<vmem>>[vector<16xi32>], vector<16xf32>,
    %get3A_1147 = arith.constant 0 : i32
    %get3A_1148 = arith.index_cast %get3A_1147 : i32 to index
    %get3A_1149 = arith.constant 64 : index
    %get3A_1150 = tpu.vector_load %arg11[%get3A_1148, %get3A_1149] {strides = array<i32>} : memref<25x80xi32, #tpu.memory_space<vmem>>, vector<16xi32>,
    tpu.vector_store_idx %arg14[%get3A_1150], %broadcast_in_dim3A_101 {add = true} : memref<10240xf32, #tpu.memory_space<vmem>>[vector<16xi32>], vector<16xf32>,
    %get3A_1151 = arith.constant 1 : i32
    %get3A_1152 = arith.index_cast %get3A_1151 : i32 to index
    %get3A_1153 = arith.constant 0 : index
    %get3A_1154 = tpu.vector_load %arg11[%get3A_1152, %get3A_1153] {strides = array<i32>} : memref<25x80xi32, #tpu.memory_space<vmem>>, vector<16xi32>,
    tpu.vector_store_idx %arg14[%get3A_1154], %broadcast_in_dim3A_101 {add = true} : memref<10240xf32, #tpu.memory_space<vmem>>[vector<16xi32>], vector<16xf32>,
    %get3A_1155 = arith.constant 1 : i32
    %get3A_1156 = arith.index_cast %get3A_1155 : i32 to index
    %get3A_1157 = arith.constant 16 : index
    %get3A_1158 = tpu.vector_load %arg11[%get3A_1156, %get3A_1157] {strides = array<i32>} : memref<25x80xi32, #tpu.memory_space<vmem>>, vector<16xi32>,
    tpu.vector_store_idx %arg14[%get3A_1158], %broadcast_in_dim3A_101 {add = true} : memref<10240xf32, #tpu.memory_space<vmem>>[vector<16xi32>], vector<16xf32>,
    %get3A_1159 = arith.constant 1 : i32
    %get3A_1160 = arith.index_cast %get3A_1159 : i32 to index
    %get3A_1161 = arith.constant 32 : index
    %get3A_1162 = tpu.vector_load %arg11[%get3A_1160, %get3A_1161] {strides = array<i32>} : memref<25x80xi32, #tpu.memory_space<vmem>>, vector<16xi32>,
    tpu.vector_store_idx %arg14[%get3A_1162], %broadcast_in_dim3A_101 {add = true} : memref<10240xf32, #tpu.memory_space<vmem>>[vector<16xi32>], vector<16xf32>,
    %get3A_1163 = arith.constant 1 : i32
    %get3A_1164 = arith.index_cast %get3A_1163 : i32 to index
    %get3A_1165 = arith.constant 48 : index
    %get3A_1166 = tpu.vector_load %arg11[%get3A_1164, %get3A_1165] {strides = array<i32>} : memref<25x80xi32, #tpu.memory_space<vmem>>, vector<16xi32>,
    tpu.vector_store_idx %arg14[%get3A_1166], %broadcast_in_dim3A_101 {add = true} : memref<10240xf32, #tpu.memory_space<vmem>>[vector<16xi32>], vector<16xf32>,
    %get3A_1167 = arith.constant 1 : i32
    %get3A_1168 = arith.index_cast %get3A_1167 : i32 to index
    %get3A_1169 = arith.constant 64 : index
    %get3A_1170 = tpu.vector_load %arg11[%get3A_1168, %get3A_1169] {strides = array<i32>} : memref<25x80xi32, #tpu.memory_space<vmem>>, vector<16xi32>,
    tpu.vector_store_idx %arg14[%get3A_1170], %broadcast_in_dim3A_101 {add = true} : memref<10240xf32, #tpu.memory_space<vmem>>[vector<16xi32>], vector<16xf32>,
    %get3A_1171 = arith.constant 2 : i32
    %get3A_1172 = arith.index_cast %get3A_1171 : i32 to index
    %get3A_1173 = arith.constant 0 : index
    %get3A_1174 = tpu.vector_load %arg11[%get3A_1172, %get3A_1173] {strides = array<i32>} : memref<25x80xi32, #tpu.memory_space<vmem>>, vector<16xi32>,
    tpu.vector_store_idx %arg14[%get3A_1174], %broadcast_in_dim3A_101 {add = true} : memref<10240xf32, #tpu.memory_space<vmem>>[vector<16xi32>], vector<16xf32>,
    %get3A_1175 = arith.constant 2 : i32
    %get3A_1176 = arith.index_cast %get3A_1175 : i32 to index
    %get3A_1177 = arith.constant 16 : index
    %get3A_1178 = tpu.vector_load %arg11[%get3A_1176, %get3A_1177] {strides = array<i32>} : memref<25x80xi32, #tpu.memory_space<vmem>>, vector<16xi32>,
    tpu.vector_store_idx %arg14[%get3A_1178], %broadcast_in_dim3A_101 {add = true} : memref<10240xf32, #tpu.memory_space<vmem>>[vector<16xi32>], vector<16xf32>,
    %get3A_1179 = arith.constant 2 : i32
    %get3A_1180 = arith.index_cast %get3A_1179 : i32 to index
    %get3A_1181 = arith.constant 32 : index
    %get3A_1182 = tpu.vector_load %arg11[%get3A_1180, %get3A_1181] {strides = array<i32>} : memref<25x80xi32, #tpu.memory_space<vmem>>, vector<16xi32>,
    tpu.vector_store_idx %arg14[%get3A_1182], %broadcast_in_dim3A_101 {add = true} : memref<10240xf32, #tpu.memory_space<vmem>>[vector<16xi32>], vector<16xf32>,
    %get3A_1183 = arith.constant 2 : i32
    %get3A_1184 = arith.index_cast %get3A_1183 : i32 to index
    %get3A_1185 = arith.constant 48 : index
    %get3A_1186 = tpu.vector_load %arg11[%get3A_1184, %get3A_1185] {strides = array<i32>} : memref<25x80xi32, #tpu.memory_space<vmem>>, vector<16xi32>,
    tpu.vector_store_idx %arg14[%get3A_1186], %broadcast_in_dim3A_101 {add = true} : memref<10240xf32, #tpu.memory_space<vmem>>[vector<16xi32>], vector<16xf32>,
    %get3A_1187 = arith.constant 2 : i32
    %get3A_1188 = arith.index_cast %get3A_1187 : i32 to index
    %get3A_1189 = arith.constant 64 : index
    %get3A_1190 = tpu.vector_load %arg11[%get3A_1188, %get3A_1189] {strides = array<i32>} : memref<25x80xi32, #tpu.memory_space<vmem>>, vector<16xi32>,
    tpu.vector_store_idx %arg14[%get3A_1190], %broadcast_in_dim3A_101 {add = true} : memref<10240xf32, #tpu.memory_space<vmem>>[vector<16xi32>], vector<16xf32>,
    %get3A_1191 = arith.constant 3 : i32
    %get3A_1192 = arith.index_cast %get3A_1191 : i32 to index
    %get3A_1193 = arith.constant 0 : index
    %get3A_1194 = tpu.vector_load %arg11[%get3A_1192, %get3A_1193] {strides = array<i32>} : memref<25x80xi32, #tpu.memory_space<vmem>>, vector<16xi32>,
    tpu.vector_store_idx %arg14[%get3A_1194], %broadcast_in_dim3A_101 {add = true} : memref<10240xf32, #tpu.memory_space<vmem>>[vector<16xi32>], vector<16xf32>,
    %get3A_1195 = arith.constant 3 : i32
    %get3A_1196 = arith.index_cast %get3A_1195 : i32 to index
    %get3A_1197 = arith.constant 16 : index
    %get3A_1198 = tpu.vector_load %arg11[%get3A_1196, %get3A_1197] {strides = array<i32>} : memref<25x80xi32, #tpu.memory_space<vmem>>, vector<16xi32>,
    tpu.vector_store_idx %arg14[%get3A_1198], %broadcast_in_dim3A_101 {add = true} : memref<10240xf32, #tpu.memory_space<vmem>>[vector<16xi32>], vector<16xf32>,
    %get3A_1199 = arith.constant 3 : i32
    %get3A_1200 = arith.index_cast %get3A_1199 : i32 to index
    %get3A_1201 = arith.constant 32 : index
    %get3A_1202 = tpu.vector_load %arg11[%get3A_1200, %get3A_1201] {strides = array<i32>} : memref<25x80xi32, #tpu.memory_space<vmem>>, vector<16xi32>,
    tpu.vector_store_idx %arg14[%get3A_1202], %broadcast_in_dim3A_101 {add = true} : memref<10240xf32, #tpu.memory_space<vmem>>[vector<16xi32>], vector<16xf32>,
    %get3A_1203 = arith.constant 3 : i32
    %get3A_1204 = arith.index_cast %get3A_1203 : i32 to index
    %get3A_1205 = arith.constant 48 : index
    %get3A_1206 = tpu.vector_load %arg11[%get3A_1204, %get3A_1205] {strides = array<i32>} : memref<25x80xi32, #tpu.memory_space<vmem>>, vector<16xi32>,
    tpu.vector_store_idx %arg14[%get3A_1206], %broadcast_in_dim3A_101 {add = true} : memref<10240xf32, #tpu.memory_space<vmem>>[vector<16xi32>], vector<16xf32>,
    %get3A_1207 = arith.constant 3 : i32
    %get3A_1208 = arith.index_cast %get3A_1207 : i32 to index
    %get3A_1209 = arith.constant 64 : index
    %get3A_1210 = tpu.vector_load %arg11[%get3A_1208, %get3A_1209] {strides = array<i32>} : memref<25x80xi32, #tpu.memory_space<vmem>>, vector<16xi32>,
    tpu.vector_store_idx %arg14[%get3A_1210], %broadcast_in_dim3A_101 {add = true} : memref<10240xf32, #tpu.memory_space<vmem>>[vector<16xi32>], vector<16xf32>,
    %get3A_1211 = arith.constant 4 : i32
    %get3A_1212 = arith.index_cast %get3A_1211 : i32 to index
    %get3A_1213 = arith.constant 0 : index
    %get3A_1214 = tpu.vector_load %arg11[%get3A_1212, %get3A_1213] {strides = array<i32>} : memref<25x80xi32, #tpu.memory_space<vmem>>, vector<16xi32>,
    tpu.vector_store_idx %arg14[%get3A_1214], %broadcast_in_dim3A_101 {add = true} : memref<10240xf32, #tpu.memory_space<vmem>>[vector<16xi32>], vector<16xf32>,
    %get3A_1215 = arith.constant 4 : i32
    %get3A_1216 = arith.index_cast %get3A_1215 : i32 to index
    %get3A_1217 = arith.constant 16 : index
    %get3A_1218 = tpu.vector_load %arg11[%get3A_1216, %get3A_1217] {strides = array<i32>} : memref<25x80xi32, #tpu.memory_space<vmem>>, vector<16xi32>,
    tpu.vector_store_idx %arg14[%get3A_1218], %broadcast_in_dim3A_101 {add = true} : memref<10240xf32, #tpu.memory_space<vmem>>[vector<16xi32>], vector<16xf32>,
    %get3A_1219 = arith.constant 4 : i32
    %get3A_1220 = arith.index_cast %get3A_1219 : i32 to index
    %get3A_1221 = arith.constant 32 : index
    %get3A_1222 = tpu.vector_load %arg11[%get3A_1220, %get3A_1221] {strides = array<i32>} : memref<25x80xi32, #tpu.memory_space<vmem>>, vector<16xi32>,
    tpu.vector_store_idx %arg14[%get3A_1222], %broadcast_in_dim3A_101 {add = true} : memref<10240xf32, #tpu.memory_space<vmem>>[vector<16xi32>], vector<16xf32>,
    %get3A_1223 = arith.constant 4 : i32
    %get3A_1224 = arith.index_cast %get3A_1223 : i32 to index
    %get3A_1225 = arith.constant 48 : index
    %get3A_1226 = tpu.vector_load %arg11[%get3A_1224, %get3A_1225] {strides = array<i32>} : memref<25x80xi32, #tpu.memory_space<vmem>>, vector<16xi32>,
    tpu.vector_store_idx %arg14[%get3A_1226], %broadcast_in_dim3A_101 {add = true} : memref<10240xf32, #tpu.memory_space<vmem>>[vector<16xi32>], vector<16xf32>,
    %get3A_1227 = arith.constant 4 : i32
    %get3A_1228 = arith.index_cast %get3A_1227 : i32 to index
    %get3A_1229 = arith.constant 64 : index
    %get3A_1230 = tpu.vector_load %arg11[%get3A_1228, %get3A_1229] {strides = array<i32>} : memref<25x80xi32, #tpu.memory_space<vmem>>, vector<16xi32>,
    tpu.vector_store_idx %arg14[%get3A_1230], %broadcast_in_dim3A_101 {add = true} : memref<10240xf32, #tpu.memory_space<vmem>>[vector<16xi32>], vector<16xf32>,
    %get3A_1231 = arith.constant 5 : i32
    %get3A_1232 = arith.index_cast %get3A_1231 : i32 to index
    %get3A_1233 = arith.constant 0 : index
    %get3A_1234 = tpu.vector_load %arg11[%get3A_1232, %get3A_1233] {strides = array<i32>} : memref<25x80xi32, #tpu.memory_space<vmem>>, vector<16xi32>,
    tpu.vector_store_idx %arg14[%get3A_1234], %broadcast_in_dim3A_101 {add = true} : memref<10240xf32, #tpu.memory_space<vmem>>[vector<16xi32>], vector<16xf32>,
    %get3A_1235 = arith.constant 5 : i32
    %get3A_1236 = arith.index_cast %get3A_1235 : i32 to index
    %get3A_1237 = arith.constant 16 : index
    %get3A_1238 = tpu.vector_load %arg11[%get3A_1236, %get3A_1237] {strides = array<i32>} : memref<25x80xi32, #tpu.memory_space<vmem>>, vector<16xi32>,
    tpu.vector_store_idx %arg14[%get3A_1238], %broadcast_in_dim3A_101 {add = true} : memref<10240xf32, #tpu.memory_space<vmem>>[vector<16xi32>], vector<16xf32>,
    %get3A_1239 = arith.constant 5 : i32
    %get3A_1240 = arith.index_cast %get3A_1239 : i32 to index
    %get3A_1241 = arith.constant 32 : index
    %get3A_1242 = tpu.vector_load %arg11[%get3A_1240, %get3A_1241] {strides = array<i32>} : memref<25x80xi32, #tpu.memory_space<vmem>>, vector<16xi32>,
    tpu.vector_store_idx %arg14[%get3A_1242], %broadcast_in_dim3A_101 {add = true} : memref<10240xf32, #tpu.memory_space<vmem>>[vector<16xi32>], vector<16xf32>,
    %get3A_1243 = arith.constant 5 : i32
    %get3A_1244 = arith.index_cast %get3A_1243 : i32 to index
    %get3A_1245 = arith.constant 48 : index
    %get3A_1246 = tpu.vector_load %arg11[%get3A_1244, %get3A_1245] {strides = array<i32>} : memref<25x80xi32, #tpu.memory_space<vmem>>, vector<16xi32>,
    tpu.vector_store_idx %arg14[%get3A_1246], %broadcast_in_dim3A_101 {add = true} : memref<10240xf32, #tpu.memory_space<vmem>>[vector<16xi32>], vector<16xf32>,
    %get3A_1247 = arith.constant 5 : i32
    %get3A_1248 = arith.index_cast %get3A_1247 : i32 to index
    %get3A_1249 = arith.constant 64 : index
    %get3A_1250 = tpu.vector_load %arg11[%get3A_1248, %get3A_1249] {strides = array<i32>} : memref<25x80xi32, #tpu.memory_space<vmem>>, vector<16xi32>,
    tpu.vector_store_idx %arg14[%get3A_1250], %broadcast_in_dim3A_101 {add = true} : memref<10240xf32, #tpu.memory_space<vmem>>[vector<16xi32>], vector<16xf32>,
    %get3A_1251 = arith.constant 6 : i32
    %get3A_1252 = arith.index_cast %get3A_1251 : i32 to index
    %get3A_1253 = arith.constant 0 : index
    %get3A_1254 = tpu.vector_load %arg11[%get3A_1252, %get3A_1253] {strides = array<i32>} : memref<25x80xi32, #tpu.memory_space<vmem>>, vector<16xi32>,
    tpu.vector_store_idx %arg14[%get3A_1254], %broadcast_in_dim3A_101 {add = true} : memref<10240xf32, #tpu.memory_space<vmem>>[vector<16xi32>], vector<16xf32>,
    %get3A_1255 = arith.constant 6 : i32
    %get3A_1256 = arith.index_cast %get3A_1255 : i32 to index
    %get3A_1257 = arith.constant 16 : index
    %get3A_1258 = tpu.vector_load %arg11[%get3A_1256, %get3A_1257] {strides = array<i32>} : memref<25x80xi32, #tpu.memory_space<vmem>>, vector<16xi32>,
    tpu.vector_store_idx %arg14[%get3A_1258], %broadcast_in_dim3A_101 {add = true} : memref<10240xf32, #tpu.memory_space<vmem>>[vector<16xi32>], vector<16xf32>,
    %get3A_1259 = arith.constant 6 : i32
    %get3A_1260 = arith.index_cast %get3A_1259 : i32 to index
    %get3A_1261 = arith.constant 32 : index
    %get3A_1262 = tpu.vector_load %arg11[%get3A_1260, %get3A_1261] {strides = array<i32>} : memref<25x80xi32, #tpu.memory_space<vmem>>, vector<16xi32>,
    tpu.vector_store_idx %arg14[%get3A_1262], %broadcast_in_dim3A_101 {add = true} : memref<10240xf32, #tpu.memory_space<vmem>>[vector<16xi32>], vector<16xf32>,
    %get3A_1263 = arith.constant 6 : i32
    %get3A_1264 = arith.index_cast %get3A_1263 : i32 to index
    %get3A_1265 = arith.constant 48 : index
    %get3A_1266 = tpu.vector_load %arg11[%get3A_1264, %get3A_1265] {strides = array<i32>} : memref<25x80xi32, #tpu.memory_space<vmem>>, vector<16xi32>,
    tpu.vector_store_idx %arg14[%get3A_1266], %broadcast_in_dim3A_101 {add = true} : memref<10240xf32, #tpu.memory_space<vmem>>[vector<16xi32>], vector<16xf32>,
    %get3A_1267 = arith.constant 6 : i32
    %get3A_1268 = arith.index_cast %get3A_1267 : i32 to index
    %get3A_1269 = arith.constant 64 : index
    %get3A_1270 = tpu.vector_load %arg11[%get3A_1268, %get3A_1269] {strides = array<i32>} : memref<25x80xi32, #tpu.memory_space<vmem>>, vector<16xi32>,
    tpu.vector_store_idx %arg14[%get3A_1270], %broadcast_in_dim3A_101 {add = true} : memref<10240xf32, #tpu.memory_space<vmem>>[vector<16xi32>], vector<16xf32>,
    %get3A_1271 = arith.constant 7 : i32
    %get3A_1272 = arith.index_cast %get3A_1271 : i32 to index
    %get3A_1273 = arith.constant 0 : index
    %get3A_1274 = tpu.vector_load %arg11[%get3A_1272, %get3A_1273] {strides = array<i32>} : memref<25x80xi32, #tpu.memory_space<vmem>>, vector<16xi32>,
    tpu.vector_store_idx %arg14[%get3A_1274], %broadcast_in_dim3A_101 {add = true} : memref<10240xf32, #tpu.memory_space<vmem>>[vector<16xi32>], vector<16xf32>,
    %get3A_1275 = arith.constant 7 : i32
    %get3A_1276 = arith.index_cast %get3A_1275 : i32 to index
    %get3A_1277 = arith.constant 16 : index
    %get3A_1278 = tpu.vector_load %arg11[%get3A_1276, %get3A_1277] {strides = array<i32>} : memref<25x80xi32, #tpu.memory_space<vmem>>, vector<16xi32>,
    tpu.vector_store_idx %arg14[%get3A_1278], %broadcast_in_dim3A_101 {add = true} : memref<10240xf32, #tpu.memory_space<vmem>>[vector<16xi32>], vector<16xf32>,
    %get3A_1279 = arith.constant 7 : i32
    %get3A_1280 = arith.index_cast %get3A_1279 : i32 to index
    %get3A_1281 = arith.constant 32 : index
    %get3A_1282 = tpu.vector_load %arg11[%get3A_1280, %get3A_1281] {strides = array<i32>} : memref<25x80xi32, #tpu.memory_space<vmem>>, vector<16xi32>,
    tpu.vector_store_idx %arg14[%get3A_1282], %broadcast_in_dim3A_101 {add = true} : memref<10240xf32, #tpu.memory_space<vmem>>[vector<16xi32>], vector<16xf32>,
    %get3A_1283 = arith.constant 7 : i32
    %get3A_1284 = arith.index_cast %get3A_1283 : i32 to index
    %get3A_1285 = arith.constant 48 : index
    %get3A_1286 = tpu.vector_load %arg11[%get3A_1284, %get3A_1285] {strides = array<i32>} : memref<25x80xi32, #tpu.memory_space<vmem>>, vector<16xi32>,
    tpu.vector_store_idx %arg14[%get3A_1286], %broadcast_in_dim3A_101 {add = true} : memref<10240xf32, #tpu.memory_space<vmem>>[vector<16xi32>], vector<16xf32>,
    %get3A_1287 = arith.constant 7 : i32
    %get3A_1288 = arith.index_cast %get3A_1287 : i32 to index
    %get3A_1289 = arith.constant 64 : index
    %get3A_1290 = tpu.vector_load %arg11[%get3A_1288, %get3A_1289] {strides = array<i32>} : memref<25x80xi32, #tpu.memory_space<vmem>>, vector<16xi32>,
    tpu.vector_store_idx %arg14[%get3A_1290], %broadcast_in_dim3A_101 {add = true} : memref<10240xf32, #tpu.memory_space<vmem>>[vector<16xi32>], vector<16xf32>,
    %get3A_1291 = arith.constant 8 : i32
    %get3A_1292 = arith.index_cast %get3A_1291 : i32 to index
    %get3A_1293 = arith.constant 0 : index
    %get3A_1294 = tpu.vector_load %arg11[%get3A_1292, %get3A_1293] {strides = array<i32>} : memref<25x80xi32, #tpu.memory_space<vmem>>, vector<16xi32>,
    tpu.vector_store_idx %arg14[%get3A_1294], %broadcast_in_dim3A_101 {add = true} : memref<10240xf32, #tpu.memory_space<vmem>>[vector<16xi32>], vector<16xf32>,
    %get3A_1295 = arith.constant 8 : i32
    %get3A_1296 = arith.index_cast %get3A_1295 : i32 to index
    %get3A_1297 = arith.constant 16 : index
    %get3A_1298 = tpu.vector_load %arg11[%get3A_1296, %get3A_1297] {strides = array<i32>} : memref<25x80xi32, #tpu.memory_space<vmem>>, vector<16xi32>,
    tpu.vector_store_idx %arg14[%get3A_1298], %broadcast_in_dim3A_101 {add = true} : memref<10240xf32, #tpu.memory_space<vmem>>[vector<16xi32>], vector<16xf32>,
    %get3A_1299 = arith.constant 8 : i32
    %get3A_1300 = arith.index_cast %get3A_1299 : i32 to index
    %get3A_1301 = arith.constant 32 : index
    %get3A_1302 = tpu.vector_load %arg11[%get3A_1300, %get3A_1301] {strides = array<i32>} : memref<25x80xi32, #tpu.memory_space<vmem>>, vector<16xi32>,
    tpu.vector_store_idx %arg14[%get3A_1302], %broadcast_in_dim3A_101 {add = true} : memref<10240xf32, #tpu.memory_space<vmem>>[vector<16xi32>], vector<16xf32>,
    %get3A_1303 = arith.constant 8 : i32
    %get3A_1304 = arith.index_cast %get3A_1303 : i32 to index
    %get3A_1305 = arith.constant 48 : index
    %get3A_1306 = tpu.vector_load %arg11[%get3A_1304, %get3A_1305] {strides = array<i32>} : memref<25x80xi32, #tpu.memory_space<vmem>>, vector<16xi32>,
    tpu.vector_store_idx %arg14[%get3A_1306], %broadcast_in_dim3A_101 {add = true} : memref<10240xf32, #tpu.memory_space<vmem>>[vector<16xi32>], vector<16xf32>,
    %get3A_1307 = arith.constant 8 : i32
    %get3A_1308 = arith.index_cast %get3A_1307 : i32 to index
    %get3A_1309 = arith.constant 64 : index
    %get3A_1310 = tpu.vector_load %arg11[%get3A_1308, %get3A_1309] {strides = array<i32>} : memref<25x80xi32, #tpu.memory_space<vmem>>, vector<16xi32>,
    tpu.vector_store_idx %arg14[%get3A_1310], %broadcast_in_dim3A_101 {add = true} : memref<10240xf32, #tpu.memory_space<vmem>>[vector<16xi32>], vector<16xf32>,
    %get3A_1311 = arith.constant 9 : i32
    %get3A_1312 = arith.index_cast %get3A_1311 : i32 to index
    %get3A_1313 = arith.constant 0 : index
    %get3A_1314 = tpu.vector_load %arg11[%get3A_1312, %get3A_1313] {strides = array<i32>} : memref<25x80xi32, #tpu.memory_space<vmem>>, vector<16xi32>,
    tpu.vector_store_idx %arg14[%get3A_1314], %broadcast_in_dim3A_101 {add = true} : memref<10240xf32, #tpu.memory_space<vmem>>[vector<16xi32>], vector<16xf32>,
    %get3A_1315 = arith.constant 9 : i32
    %get3A_1316 = arith.index_cast %get3A_1315 : i32 to index
    %get3A_1317 = arith.constant 16 : index
    %get3A_1318 = tpu.vector_load %arg11[%get3A_1316, %get3A_1317] {strides = array<i32>} : memref<25x80xi32, #tpu.memory_space<vmem>>, vector<16xi32>,
    tpu.vector_store_idx %arg14[%get3A_1318], %broadcast_in_dim3A_101 {add = true} : memref<10240xf32, #tpu.memory_space<vmem>>[vector<16xi32>], vector<16xf32>,
    %get3A_1319 = arith.constant 9 : i32
    %get3A_1320 = arith.index_cast %get3A_1319 : i32 to index
    %get3A_1321 = arith.constant 32 : index
    %get3A_1322 = tpu.vector_load %arg11[%get3A_1320, %get3A_1321] {strides = array<i32>} : memref<25x80xi32, #tpu.memory_space<vmem>>, vector<16xi32>,
    tpu.vector_store_idx %arg14[%get3A_1322], %broadcast_in_dim3A_101 {add = true} : memref<10240xf32, #tpu.memory_space<vmem>>[vector<16xi32>], vector<16xf32>,
    %get3A_1323 = arith.constant 9 : i32
    %get3A_1324 = arith.index_cast %get3A_1323 : i32 to index
    %get3A_1325 = arith.constant 48 : index
    %get3A_1326 = tpu.vector_load %arg11[%get3A_1324, %get3A_1325] {strides = array<i32>} : memref<25x80xi32, #tpu.memory_space<vmem>>, vector<16xi32>,
    tpu.vector_store_idx %arg14[%get3A_1326], %broadcast_in_dim3A_101 {add = true} : memref<10240xf32, #tpu.memory_space<vmem>>[vector<16xi32>], vector<16xf32>,
    %get3A_1327 = arith.constant 9 : i32
    %get3A_1328 = arith.index_cast %get3A_1327 : i32 to index
    %get3A_1329 = arith.constant 64 : index
    %get3A_1330 = tpu.vector_load %arg11[%get3A_1328, %get3A_1329] {strides = array<i32>} : memref<25x80xi32, #tpu.memory_space<vmem>>, vector<16xi32>,
    tpu.vector_store_idx %arg14[%get3A_1330], %broadcast_in_dim3A_101 {add = true} : memref<10240xf32, #tpu.memory_space<vmem>>[vector<16xi32>], vector<16xf32>,
    %get3A_1331 = arith.constant 10 : i32
    %get3A_1332 = arith.index_cast %get3A_1331 : i32 to index
    %get3A_1333 = arith.constant 0 : index
    %get3A_1334 = tpu.vector_load %arg11[%get3A_1332, %get3A_1333] {strides = array<i32>} : memref<25x80xi32, #tpu.memory_space<vmem>>, vector<16xi32>,
    tpu.vector_store_idx %arg14[%get3A_1334], %broadcast_in_dim3A_101 {add = true} : memref<10240xf32, #tpu.memory_space<vmem>>[vector<16xi32>], vector<16xf32>,
    %get3A_1335 = arith.constant 10 : i32
    %get3A_1336 = arith.index_cast %get3A_1335 : i32 to index
    %get3A_1337 = arith.constant 16 : index
    %get3A_1338 = tpu.vector_load %arg11[%get3A_1336, %get3A_1337] {strides = array<i32>} : memref<25x80xi32, #tpu.memory_space<vmem>>, vector<16xi32>,
    tpu.vector_store_idx %arg14[%get3A_1338], %broadcast_in_dim3A_101 {add = true} : memref<10240xf32, #tpu.memory_space<vmem>>[vector<16xi32>], vector<16xf32>,
    %get3A_1339 = arith.constant 10 : i32
    %get3A_1340 = arith.index_cast %get3A_1339 : i32 to index
    %get3A_1341 = arith.constant 32 : index
    %get3A_1342 = tpu.vector_load %arg11[%get3A_1340, %get3A_1341] {strides = array<i32>} : memref<25x80xi32, #tpu.memory_space<vmem>>, vector<16xi32>,
    tpu.vector_store_idx %arg14[%get3A_1342], %broadcast_in_dim3A_101 {add = true} : memref<10240xf32, #tpu.memory_space<vmem>>[vector<16xi32>], vector<16xf32>,
    %get3A_1343 = arith.constant 10 : i32
    %get3A_1344 = arith.index_cast %get3A_1343 : i32 to index
    %get3A_1345 = arith.constant 48 : index
    %get3A_1346 = tpu.vector_load %arg11[%get3A_1344, %get3A_1345] {strides = array<i32>} : memref<25x80xi32, #tpu.memory_space<vmem>>, vector<16xi32>,
    tpu.vector_store_idx %arg14[%get3A_1346], %broadcast_in_dim3A_101 {add = true} : memref<10240xf32, #tpu.memory_space<vmem>>[vector<16xi32>], vector<16xf32>,
    %get3A_1347 = arith.constant 10 : i32
    %get3A_1348 = arith.index_cast %get3A_1347 : i32 to index
    %get3A_1349 = arith.constant 64 : index
    %get3A_1350 = tpu.vector_load %arg11[%get3A_1348, %get3A_1349] {strides = array<i32>} : memref<25x80xi32, #tpu.memory_space<vmem>>, vector<16xi32>,
    tpu.vector_store_idx %arg14[%get3A_1350], %broadcast_in_dim3A_101 {add = true} : memref<10240xf32, #tpu.memory_space<vmem>>[vector<16xi32>], vector<16xf32>,
    %get3A_1351 = arith.constant 11 : i32
    %get3A_1352 = arith.index_cast %get3A_1351 : i32 to index
    %get3A_1353 = arith.constant 0 : index
    %get3A_1354 = tpu.vector_load %arg11[%get3A_1352, %get3A_1353] {strides = array<i32>} : memref<25x80xi32, #tpu.memory_space<vmem>>, vector<16xi32>,
    tpu.vector_store_idx %arg14[%get3A_1354], %broadcast_in_dim3A_101 {add = true} : memref<10240xf32, #tpu.memory_space<vmem>>[vector<16xi32>], vector<16xf32>,
    %get3A_1355 = arith.constant 11 : i32
    %get3A_1356 = arith.index_cast %get3A_1355 : i32 to index
    %get3A_1357 = arith.constant 16 : index
    %get3A_1358 = tpu.vector_load %arg11[%get3A_1356, %get3A_1357] {strides = array<i32>} : memref<25x80xi32, #tpu.memory_space<vmem>>, vector<16xi32>,
    tpu.vector_store_idx %arg14[%get3A_1358], %broadcast_in_dim3A_101 {add = true} : memref<10240xf32, #tpu.memory_space<vmem>>[vector<16xi32>], vector<16xf32>,
    %get3A_1359 = arith.constant 11 : i32
    %get3A_1360 = arith.index_cast %get3A_1359 : i32 to index
    %get3A_1361 = arith.constant 32 : index
    %get3A_1362 = tpu.vector_load %arg11[%get3A_1360, %get3A_1361] {strides = array<i32>} : memref<25x80xi32, #tpu.memory_space<vmem>>, vector<16xi32>,
    tpu.vector_store_idx %arg14[%get3A_1362], %broadcast_in_dim3A_101 {add = true} : memref<10240xf32, #tpu.memory_space<vmem>>[vector<16xi32>], vector<16xf32>,
    %get3A_1363 = arith.constant 11 : i32
    %get3A_1364 = arith.index_cast %get3A_1363 : i32 to index
    %get3A_1365 = arith.constant 48 : index
    %get3A_1366 = tpu.vector_load %arg11[%get3A_1364, %get3A_1365] {strides = array<i32>} : memref<25x80xi32, #tpu.memory_space<vmem>>, vector<16xi32>,
    tpu.vector_store_idx %arg14[%get3A_1366], %broadcast_in_dim3A_101 {add = true} : memref<10240xf32, #tpu.memory_space<vmem>>[vector<16xi32>], vector<16xf32>,
    %get3A_1367 = arith.constant 11 : i32
    %get3A_1368 = arith.index_cast %get3A_1367 : i32 to index
    %get3A_1369 = arith.constant 64 : index
    %get3A_1370 = tpu.vector_load %arg11[%get3A_1368, %get3A_1369] {strides = array<i32>} : memref<25x80xi32, #tpu.memory_space<vmem>>, vector<16xi32>,
    tpu.vector_store_idx %arg14[%get3A_1370], %broadcast_in_dim3A_101 {add = true} : memref<10240xf32, #tpu.memory_space<vmem>>[vector<16xi32>], vector<16xf32>,
    %get3A_1371 = arith.constant 12 : i32
    %get3A_1372 = arith.index_cast %get3A_1371 : i32 to index
    %get3A_1373 = arith.constant 0 : index
    %get3A_1374 = tpu.vector_load %arg11[%get3A_1372, %get3A_1373] {strides = array<i32>} : memref<25x80xi32, #tpu.memory_space<vmem>>, vector<16xi32>,
    tpu.vector_store_idx %arg14[%get3A_1374], %broadcast_in_dim3A_101 {add = true} : memref<10240xf32, #tpu.memory_space<vmem>>[vector<16xi32>], vector<16xf32>,
    %get3A_1375 = arith.constant 12 : i32
    %get3A_1376 = arith.index_cast %get3A_1375 : i32 to index
    %get3A_1377 = arith.constant 16 : index
    %get3A_1378 = tpu.vector_load %arg11[%get3A_1376, %get3A_1377] {strides = array<i32>} : memref<25x80xi32, #tpu.memory_space<vmem>>, vector<16xi32>,
    tpu.vector_store_idx %arg14[%get3A_1378], %broadcast_in_dim3A_101 {add = true} : memref<10240xf32, #tpu.memory_space<vmem>>[vector<16xi32>], vector<16xf32>,
    %get3A_1379 = arith.constant 12 : i32
    %get3A_1380 = arith.index_cast %get3A_1379 : i32 to index
    %get3A_1381 = arith.constant 32 : index
    %get3A_1382 = tpu.vector_load %arg11[%get3A_1380, %get3A_1381] {strides = array<i32>} : memref<25x80xi32, #tpu.memory_space<vmem>>, vector<16xi32>,
    tpu.vector_store_idx %arg14[%get3A_1382], %broadcast_in_dim3A_101 {add = true} : memref<10240xf32, #tpu.memory_space<vmem>>[vector<16xi32>], vector<16xf32>,
    %get3A_1383 = arith.constant 12 : i32
    %get3A_1384 = arith.index_cast %get3A_1383 : i32 to index
    %get3A_1385 = arith.constant 48 : index
    %get3A_1386 = tpu.vector_load %arg11[%get3A_1384, %get3A_1385] {strides = array<i32>} : memref<25x80xi32, #tpu.memory_space<vmem>>, vector<16xi32>,
    tpu.vector_store_idx %arg14[%get3A_1386], %broadcast_in_dim3A_101 {add = true} : memref<10240xf32, #tpu.memory_space<vmem>>[vector<16xi32>], vector<16xf32>,
    %get3A_1387 = arith.constant 12 : i32
    %get3A_1388 = arith.index_cast %get3A_1387 : i32 to index
    %get3A_1389 = arith.constant 64 : index
    %get3A_1390 = tpu.vector_load %arg11[%get3A_1388, %get3A_1389] {strides = array<i32>} : memref<25x80xi32, #tpu.memory_space<vmem>>, vector<16xi32>,
    tpu.vector_store_idx %arg14[%get3A_1390], %broadcast_in_dim3A_101 {add = true} : memref<10240xf32, #tpu.memory_space<vmem>>[vector<16xi32>], vector<16xf32>,
    %get3A_1391 = arith.constant 13 : i32
    %get3A_1392 = arith.index_cast %get3A_1391 : i32 to index
    %get3A_1393 = arith.constant 0 : index
    %get3A_1394 = tpu.vector_load %arg11[%get3A_1392, %get3A_1393] {strides = array<i32>} : memref<25x80xi32, #tpu.memory_space<vmem>>, vector<16xi32>,
    tpu.vector_store_idx %arg14[%get3A_1394], %broadcast_in_dim3A_101 {add = true} : memref<10240xf32, #tpu.memory_space<vmem>>[vector<16xi32>], vector<16xf32>,
    %get3A_1395 = arith.constant 13 : i32
    %get3A_1396 = arith.index_cast %get3A_1395 : i32 to index
    %get3A_1397 = arith.constant 16 : index
    %get3A_1398 = tpu.vector_load %arg11[%get3A_1396, %get3A_1397] {strides = array<i32>} : memref<25x80xi32, #tpu.memory_space<vmem>>, vector<16xi32>,
    tpu.vector_store_idx %arg14[%get3A_1398], %broadcast_in_dim3A_101 {add = true} : memref<10240xf32, #tpu.memory_space<vmem>>[vector<16xi32>], vector<16xf32>,
    %get3A_1399 = arith.constant 13 : i32
    %get3A_1400 = arith.index_cast %get3A_1399 : i32 to index
    %get3A_1401 = arith.constant 32 : index
    %get3A_1402 = tpu.vector_load %arg11[%get3A_1400, %get3A_1401] {strides = array<i32>} : memref<25x80xi32, #tpu.memory_space<vmem>>, vector<16xi32>,
    tpu.vector_store_idx %arg14[%get3A_1402], %broadcast_in_dim3A_101 {add = true} : memref<10240xf32, #tpu.memory_space<vmem>>[vector<16xi32>], vector<16xf32>,
    %get3A_1403 = arith.constant 13 : i32
    %get3A_1404 = arith.index_cast %get3A_1403 : i32 to index
    %get3A_1405 = arith.constant 48 : index
    %get3A_1406 = tpu.vector_load %arg11[%get3A_1404, %get3A_1405] {strides = array<i32>} : memref<25x80xi32, #tpu.memory_space<vmem>>, vector<16xi32>,
    tpu.vector_store_idx %arg14[%get3A_1406], %broadcast_in_dim3A_101 {add = true} : memref<10240xf32, #tpu.memory_space<vmem>>[vector<16xi32>], vector<16xf32>,
    %get3A_1407 = arith.constant 13 : i32
    %get3A_1408 = arith.index_cast %get3A_1407 : i32 to index
    %get3A_1409 = arith.constant 64 : index
    %get3A_1410 = tpu.vector_load %arg11[%get3A_1408, %get3A_1409] {strides = array<i32>} : memref<25x80xi32, #tpu.memory_space<vmem>>, vector<16xi32>,
    tpu.vector_store_idx %arg14[%get3A_1410], %broadcast_in_dim3A_101 {add = true} : memref<10240xf32, #tpu.memory_space<vmem>>[vector<16xi32>], vector<16xf32>,
    %get3A_1411 = arith.constant 14 : i32
    %get3A_1412 = arith.index_cast %get3A_1411 : i32 to index
    %get3A_1413 = arith.constant 0 : index
    %get3A_1414 = tpu.vector_load %arg11[%get3A_1412, %get3A_1413] {strides = array<i32>} : memref<25x80xi32, #tpu.memory_space<vmem>>, vector<16xi32>,
    tpu.vector_store_idx %arg14[%get3A_1414], %broadcast_in_dim3A_101 {add = true} : memref<10240xf32, #tpu.memory_space<vmem>>[vector<16xi32>], vector<16xf32>,
    %get3A_1415 = arith.constant 14 : i32
    %get3A_1416 = arith.index_cast %get3A_1415 : i32 to index
    %get3A_1417 = arith.constant 16 : index
    %get3A_1418 = tpu.vector_load %arg11[%get3A_1416, %get3A_1417] {strides = array<i32>} : memref<25x80xi32, #tpu.memory_space<vmem>>, vector<16xi32>,
    tpu.vector_store_idx %arg14[%get3A_1418], %broadcast_in_dim3A_101 {add = true} : memref<10240xf32, #tpu.memory_space<vmem>>[vector<16xi32>], vector<16xf32>,
    %get3A_1419 = arith.constant 14 : i32
    %get3A_1420 = arith.index_cast %get3A_1419 : i32 to index
    %get3A_1421 = arith.constant 32 : index
    %get3A_1422 = tpu.vector_load %arg11[%get3A_1420, %get3A_1421] {strides = array<i32>} : memref<25x80xi32, #tpu.memory_space<vmem>>, vector<16xi32>,
    tpu.vector_store_idx %arg14[%get3A_1422], %broadcast_in_dim3A_101 {add = true} : memref<10240xf32, #tpu.memory_space<vmem>>[vector<16xi32>], vector<16xf32>,
    %get3A_1423 = arith.constant 14 : i32
    %get3A_1424 = arith.index_cast %get3A_1423 : i32 to index
    %get3A_1425 = arith.constant 48 : index
    %get3A_1426 = tpu.vector_load %arg11[%get3A_1424, %get3A_1425] {strides = array<i32>} : memref<25x80xi32, #tpu.memory_space<vmem>>, vector<16xi32>,
    tpu.vector_store_idx %arg14[%get3A_1426], %broadcast_in_dim3A_101 {add = true} : memref<10240xf32, #tpu.memory_space<vmem>>[vector<16xi32>], vector<16xf32>,
    %get3A_1427 = arith.constant 14 : i32
    %get3A_1428 = arith.index_cast %get3A_1427 : i32 to index
    %get3A_1429 = arith.constant 64 : index
    %get3A_1430 = tpu.vector_load %arg11[%get3A_1428, %get3A_1429] {strides = array<i32>} : memref<25x80xi32, #tpu.memory_space<vmem>>, vector<16xi32>,
    tpu.vector_store_idx %arg14[%get3A_1430], %broadcast_in_dim3A_101 {add = true} : memref<10240xf32, #tpu.memory_space<vmem>>[vector<16xi32>], vector<16xf32>,
    %get3A_1431 = arith.constant 15 : i32
    %get3A_1432 = arith.index_cast %get3A_1431 : i32 to index
    %get3A_1433 = arith.constant 0 : index
    %get3A_1434 = tpu.vector_load %arg11[%get3A_1432, %get3A_1433] {strides = array<i32>} : memref<25x80xi32, #tpu.memory_space<vmem>>, vector<16xi32>,
    tpu.vector_store_idx %arg14[%get3A_1434], %broadcast_in_dim3A_101 {add = true} : memref<10240xf32, #tpu.memory_space<vmem>>[vector<16xi32>], vector<16xf32>,
    %get3A_1435 = arith.constant 15 : i32
    %get3A_1436 = arith.index_cast %get3A_1435 : i32 to index
    %get3A_1437 = arith.constant 16 : index
    %get3A_1438 = tpu.vector_load %arg11[%get3A_1436, %get3A_1437] {strides = array<i32>} : memref<25x80xi32, #tpu.memory_space<vmem>>, vector<16xi32>,
    tpu.vector_store_idx %arg14[%get3A_1438], %broadcast_in_dim3A_101 {add = true} : memref<10240xf32, #tpu.memory_space<vmem>>[vector<16xi32>], vector<16xf32>,
    %get3A_1439 = arith.constant 15 : i32
    %get3A_1440 = arith.index_cast %get3A_1439 : i32 to index
    %get3A_1441 = arith.constant 32 : index
    %get3A_1442 = tpu.vector_load %arg11[%get3A_1440, %get3A_1441] {strides = array<i32>} : memref<25x80xi32, #tpu.memory_space<vmem>>, vector<16xi32>,
    tpu.vector_store_idx %arg14[%get3A_1442], %broadcast_in_dim3A_101 {add = true} : memref<10240xf32, #tpu.memory_space<vmem>>[vector<16xi32>], vector<16xf32>,
    %get3A_1443 = arith.constant 15 : i32
    %get3A_1444 = arith.index_cast %get3A_1443 : i32 to index
    %get3A_1445 = arith.constant 48 : index
    %get3A_1446 = tpu.vector_load %arg11[%get3A_1444, %get3A_1445] {strides = array<i32>} : memref<25x80xi32, #tpu.memory_space<vmem>>, vector<16xi32>,
    tpu.vector_store_idx %arg14[%get3A_1446], %broadcast_in_dim3A_101 {add = true} : memref<10240xf32, #tpu.memory_space<vmem>>[vector<16xi32>], vector<16xf32>,
    %get3A_1447 = arith.constant 15 : i32
    %get3A_1448 = arith.index_cast %get3A_1447 : i32 to index
    %get3A_1449 = arith.constant 64 : index
    %get3A_1450 = tpu.vector_load %arg11[%get3A_1448, %get3A_1449] {strides = array<i32>} : memref<25x80xi32, #tpu.memory_space<vmem>>, vector<16xi32>,
    tpu.vector_store_idx %arg14[%get3A_1450], %broadcast_in_dim3A_101 {add = true} : memref<10240xf32, #tpu.memory_space<vmem>>[vector<16xi32>], vector<16xf32>,
    %get3A_1451 = arith.constant 16 : i32
    %get3A_1452 = arith.index_cast %get3A_1451 : i32 to index
    %get3A_1453 = arith.constant 0 : index
    %get3A_1454 = tpu.vector_load %arg11[%get3A_1452, %get3A_1453] {strides = array<i32>} : memref<25x80xi32, #tpu.memory_space<vmem>>, vector<16xi32>,
    tpu.vector_store_idx %arg14[%get3A_1454], %broadcast_in_dim3A_101 {add = true} : memref<10240xf32, #tpu.memory_space<vmem>>[vector<16xi32>], vector<16xf32>,
    %get3A_1455 = arith.constant 16 : i32
    %get3A_1456 = arith.index_cast %get3A_1455 : i32 to index
    %get3A_1457 = arith.constant 16 : index
    %get3A_1458 = tpu.vector_load %arg11[%get3A_1456, %get3A_1457] {strides = array<i32>} : memref<25x80xi32, #tpu.memory_space<vmem>>, vector<16xi32>,
    tpu.vector_store_idx %arg14[%get3A_1458], %broadcast_in_dim3A_101 {add = true} : memref<10240xf32, #tpu.memory_space<vmem>>[vector<16xi32>], vector<16xf32>,
    %get3A_1459 = arith.constant 16 : i32
    %get3A_1460 = arith.index_cast %get3A_1459 : i32 to index
    %get3A_1461 = arith.constant 32 : index
    %get3A_1462 = tpu.vector_load %arg11[%get3A_1460, %get3A_1461] {strides = array<i32>} : memref<25x80xi32, #tpu.memory_space<vmem>>, vector<16xi32>,
    tpu.vector_store_idx %arg14[%get3A_1462], %broadcast_in_dim3A_101 {add = true} : memref<10240xf32, #tpu.memory_space<vmem>>[vector<16xi32>], vector<16xf32>,
    %get3A_1463 = arith.constant 16 : i32
    %get3A_1464 = arith.index_cast %get3A_1463 : i32 to index
    %get3A_1465 = arith.constant 48 : index
    %get3A_1466 = tpu.vector_load %arg11[%get3A_1464, %get3A_1465] {strides = array<i32>} : memref<25x80xi32, #tpu.memory_space<vmem>>, vector<16xi32>,
    tpu.vector_store_idx %arg14[%get3A_1466], %broadcast_in_dim3A_101 {add = true} : memref<10240xf32, #tpu.memory_space<vmem>>[vector<16xi32>], vector<16xf32>,
    %get3A_1467 = arith.constant 16 : i32
    %get3A_1468 = arith.index_cast %get3A_1467 : i32 to index
    %get3A_1469 = arith.constant 64 : index
    %get3A_1470 = tpu.vector_load %arg11[%get3A_1468, %get3A_1469] {strides = array<i32>} : memref<25x80xi32, #tpu.memory_space<vmem>>, vector<16xi32>,
    tpu.vector_store_idx %arg14[%get3A_1470], %broadcast_in_dim3A_101 {add = true} : memref<10240xf32, #tpu.memory_space<vmem>>[vector<16xi32>], vector<16xf32>,
    %get3A_1471 = arith.constant 17 : i32
    %get3A_1472 = arith.index_cast %get3A_1471 : i32 to index
    %get3A_1473 = arith.constant 0 : index
    %get3A_1474 = tpu.vector_load %arg11[%get3A_1472, %get3A_1473] {strides = array<i32>} : memref<25x80xi32, #tpu.memory_space<vmem>>, vector<16xi32>,
    tpu.vector_store_idx %arg14[%get3A_1474], %broadcast_in_dim3A_101 {add = true} : memref<10240xf32, #tpu.memory_space<vmem>>[vector<16xi32>], vector<16xf32>,
    %get3A_1475 = arith.constant 17 : i32
    %get3A_1476 = arith.index_cast %get3A_1475 : i32 to index
    %get3A_1477 = arith.constant 16 : index
    %get3A_1478 = tpu.vector_load %arg11[%get3A_1476, %get3A_1477] {strides = array<i32>} : memref<25x80xi32, #tpu.memory_space<vmem>>, vector<16xi32>,
    tpu.vector_store_idx %arg14[%get3A_1478], %broadcast_in_dim3A_101 {add = true} : memref<10240xf32, #tpu.memory_space<vmem>>[vector<16xi32>], vector<16xf32>,
    %get3A_1479 = arith.constant 17 : i32
    %get3A_1480 = arith.index_cast %get3A_1479 : i32 to index
    %get3A_1481 = arith.constant 32 : index
    %get3A_1482 = tpu.vector_load %arg11[%get3A_1480, %get3A_1481] {strides = array<i32>} : memref<25x80xi32, #tpu.memory_space<vmem>>, vector<16xi32>,
    tpu.vector_store_idx %arg14[%get3A_1482], %broadcast_in_dim3A_101 {add = true} : memref<10240xf32, #tpu.memory_space<vmem>>[vector<16xi32>], vector<16xf32>,
    %get3A_1483 = arith.constant 17 : i32
    %get3A_1484 = arith.index_cast %get3A_1483 : i32 to index
    %get3A_1485 = arith.constant 48 : index
    %get3A_1486 = tpu.vector_load %arg11[%get3A_1484, %get3A_1485] {strides = array<i32>} : memref<25x80xi32, #tpu.memory_space<vmem>>, vector<16xi32>,
    tpu.vector_store_idx %arg14[%get3A_1486], %broadcast_in_dim3A_101 {add = true} : memref<10240xf32, #tpu.memory_space<vmem>>[vector<16xi32>], vector<16xf32>,
    %get3A_1487 = arith.constant 17 : i32
    %get3A_1488 = arith.index_cast %get3A_1487 : i32 to index
    %get3A_1489 = arith.constant 64 : index
    %get3A_1490 = tpu.vector_load %arg11[%get3A_1488, %get3A_1489] {strides = array<i32>} : memref<25x80xi32, #tpu.memory_space<vmem>>, vector<16xi32>,
    tpu.vector_store_idx %arg14[%get3A_1490], %broadcast_in_dim3A_101 {add = true} : memref<10240xf32, #tpu.memory_space<vmem>>[vector<16xi32>], vector<16xf32>,
    %get3A_1491 = arith.constant 18 : i32
    %get3A_1492 = arith.index_cast %get3A_1491 : i32 to index
    %get3A_1493 = arith.constant 0 : index
    %get3A_1494 = tpu.vector_load %arg11[%get3A_1492, %get3A_1493] {strides = array<i32>} : memref<25x80xi32, #tpu.memory_space<vmem>>, vector<16xi32>,
    tpu.vector_store_idx %arg14[%get3A_1494], %broadcast_in_dim3A_101 {add = true} : memref<10240xf32, #tpu.memory_space<vmem>>[vector<16xi32>], vector<16xf32>,
    %get3A_1495 = arith.constant 18 : i32
    %get3A_1496 = arith.index_cast %get3A_1495 : i32 to index
    %get3A_1497 = arith.constant 16 : index
    %get3A_1498 = tpu.vector_load %arg11[%get3A_1496, %get3A_1497] {strides = array<i32>} : memref<25x80xi32, #tpu.memory_space<vmem>>, vector<16xi32>,
    tpu.vector_store_idx %arg14[%get3A_1498], %broadcast_in_dim3A_101 {add = true} : memref<10240xf32, #tpu.memory_space<vmem>>[vector<16xi32>], vector<16xf32>,
    %get3A_1499 = arith.constant 18 : i32
    %get3A_1500 = arith.index_cast %get3A_1499 : i32 to index
    %get3A_1501 = arith.constant 32 : index
    %get3A_1502 = tpu.vector_load %arg11[%get3A_1500, %get3A_1501] {strides = array<i32>} : memref<25x80xi32, #tpu.memory_space<vmem>>, vector<16xi32>,
    tpu.vector_store_idx %arg14[%get3A_1502], %broadcast_in_dim3A_101 {add = true} : memref<10240xf32, #tpu.memory_space<vmem>>[vector<16xi32>], vector<16xf32>,
    %get3A_1503 = arith.constant 18 : i32
    %get3A_1504 = arith.index_cast %get3A_1503 : i32 to index
    %get3A_1505 = arith.constant 48 : index
    %get3A_1506 = tpu.vector_load %arg11[%get3A_1504, %get3A_1505] {strides = array<i32>} : memref<25x80xi32, #tpu.memory_space<vmem>>, vector<16xi32>,
    tpu.vector_store_idx %arg14[%get3A_1506], %broadcast_in_dim3A_101 {add = true} : memref<10240xf32, #tpu.memory_space<vmem>>[vector<16xi32>], vector<16xf32>,
    %get3A_1507 = arith.constant 18 : i32
    %get3A_1508 = arith.index_cast %get3A_1507 : i32 to index
    %get3A_1509 = arith.constant 64 : index
    %get3A_1510 = tpu.vector_load %arg11[%get3A_1508, %get3A_1509] {strides = array<i32>} : memref<25x80xi32, #tpu.memory_space<vmem>>, vector<16xi32>,
    tpu.vector_store_idx %arg14[%get3A_1510], %broadcast_in_dim3A_101 {add = true} : memref<10240xf32, #tpu.memory_space<vmem>>[vector<16xi32>], vector<16xf32>,
    %get3A_1511 = arith.constant 19 : i32
    %get3A_1512 = arith.index_cast %get3A_1511 : i32 to index
    %get3A_1513 = arith.constant 0 : index
    %get3A_1514 = tpu.vector_load %arg11[%get3A_1512, %get3A_1513] {strides = array<i32>} : memref<25x80xi32, #tpu.memory_space<vmem>>, vector<16xi32>,
    tpu.vector_store_idx %arg14[%get3A_1514], %broadcast_in_dim3A_101 {add = true} : memref<10240xf32, #tpu.memory_space<vmem>>[vector<16xi32>], vector<16xf32>,
    %get3A_1515 = arith.constant 19 : i32
    %get3A_1516 = arith.index_cast %get3A_1515 : i32 to index
    %get3A_1517 = arith.constant 16 : index
    %get3A_1518 = tpu.vector_load %arg11[%get3A_1516, %get3A_1517] {strides = array<i32>} : memref<25x80xi32, #tpu.memory_space<vmem>>, vector<16xi32>,
    tpu.vector_store_idx %arg14[%get3A_1518], %broadcast_in_dim3A_101 {add = true} : memref<10240xf32, #tpu.memory_space<vmem>>[vector<16xi32>], vector<16xf32>,
    %get3A_1519 = arith.constant 19 : i32
    %get3A_1520 = arith.index_cast %get3A_1519 : i32 to index
    %get3A_1521 = arith.constant 32 : index
    %get3A_1522 = tpu.vector_load %arg11[%get3A_1520, %get3A_1521] {strides = array<i32>} : memref<25x80xi32, #tpu.memory_space<vmem>>, vector<16xi32>,
    tpu.vector_store_idx %arg14[%get3A_1522], %broadcast_in_dim3A_101 {add = true} : memref<10240xf32, #tpu.memory_space<vmem>>[vector<16xi32>], vector<16xf32>,
    %get3A_1523 = arith.constant 19 : i32
    %get3A_1524 = arith.index_cast %get3A_1523 : i32 to index
    %get3A_1525 = arith.constant 48 : index
    %get3A_1526 = tpu.vector_load %arg11[%get3A_1524, %get3A_1525] {strides = array<i32>} : memref<25x80xi32, #tpu.memory_space<vmem>>, vector<16xi32>,
    tpu.vector_store_idx %arg14[%get3A_1526], %broadcast_in_dim3A_101 {add = true} : memref<10240xf32, #tpu.memory_space<vmem>>[vector<16xi32>], vector<16xf32>,
    %get3A_1527 = arith.constant 19 : i32
    %get3A_1528 = arith.index_cast %get3A_1527 : i32 to index
    %get3A_1529 = arith.constant 64 : index
    %get3A_1530 = tpu.vector_load %arg11[%get3A_1528, %get3A_1529] {strides = array<i32>} : memref<25x80xi32, #tpu.memory_space<vmem>>, vector<16xi32>,
    tpu.vector_store_idx %arg14[%get3A_1530], %broadcast_in_dim3A_101 {add = true} : memref<10240xf32, #tpu.memory_space<vmem>>[vector<16xi32>], vector<16xf32>,
    %get3A_1531 = arith.constant 20 : i32
    %get3A_1532 = arith.index_cast %get3A_1531 : i32 to index
    %get3A_1533 = arith.constant 0 : index
    %get3A_1534 = tpu.vector_load %arg11[%get3A_1532, %get3A_1533] {strides = array<i32>} : memref<25x80xi32, #tpu.memory_space<vmem>>, vector<16xi32>,
    tpu.vector_store_idx %arg14[%get3A_1534], %broadcast_in_dim3A_101 {add = true} : memref<10240xf32, #tpu.memory_space<vmem>>[vector<16xi32>], vector<16xf32>,
    %get3A_1535 = arith.constant 20 : i32
    %get3A_1536 = arith.index_cast %get3A_1535 : i32 to index
    %get3A_1537 = arith.constant 16 : index
    %get3A_1538 = tpu.vector_load %arg11[%get3A_1536, %get3A_1537] {strides = array<i32>} : memref<25x80xi32, #tpu.memory_space<vmem>>, vector<16xi32>,
    tpu.vector_store_idx %arg14[%get3A_1538], %broadcast_in_dim3A_101 {add = true} : memref<10240xf32, #tpu.memory_space<vmem>>[vector<16xi32>], vector<16xf32>,
    %get3A_1539 = arith.constant 20 : i32
    %get3A_1540 = arith.index_cast %get3A_1539 : i32 to index
    %get3A_1541 = arith.constant 32 : index
    %get3A_1542 = tpu.vector_load %arg11[%get3A_1540, %get3A_1541] {strides = array<i32>} : memref<25x80xi32, #tpu.memory_space<vmem>>, vector<16xi32>,
    tpu.vector_store_idx %arg14[%get3A_1542], %broadcast_in_dim3A_101 {add = true} : memref<10240xf32, #tpu.memory_space<vmem>>[vector<16xi32>], vector<16xf32>,
    %get3A_1543 = arith.constant 20 : i32
    %get3A_1544 = arith.index_cast %get3A_1543 : i32 to index
    %get3A_1545 = arith.constant 48 : index
    %get3A_1546 = tpu.vector_load %arg11[%get3A_1544, %get3A_1545] {strides = array<i32>} : memref<25x80xi32, #tpu.memory_space<vmem>>, vector<16xi32>,
    tpu.vector_store_idx %arg14[%get3A_1546], %broadcast_in_dim3A_101 {add = true} : memref<10240xf32, #tpu.memory_space<vmem>>[vector<16xi32>], vector<16xf32>,
    %get3A_1547 = arith.constant 20 : i32
    %get3A_1548 = arith.index_cast %get3A_1547 : i32 to index
    %get3A_1549 = arith.constant 64 : index
    %get3A_1550 = tpu.vector_load %arg11[%get3A_1548, %get3A_1549] {strides = array<i32>} : memref<25x80xi32, #tpu.memory_space<vmem>>, vector<16xi32>,
    tpu.vector_store_idx %arg14[%get3A_1550], %broadcast_in_dim3A_101 {add = true} : memref<10240xf32, #tpu.memory_space<vmem>>[vector<16xi32>], vector<16xf32>,
    %get3A_1551 = arith.constant 21 : i32
    %get3A_1552 = arith.index_cast %get3A_1551 : i32 to index
    %get3A_1553 = arith.constant 0 : index
    %get3A_1554 = tpu.vector_load %arg11[%get3A_1552, %get3A_1553] {strides = array<i32>} : memref<25x80xi32, #tpu.memory_space<vmem>>, vector<16xi32>,
    tpu.vector_store_idx %arg14[%get3A_1554], %broadcast_in_dim3A_101 {add = true} : memref<10240xf32, #tpu.memory_space<vmem>>[vector<16xi32>], vector<16xf32>,
    %get3A_1555 = arith.constant 21 : i32
    %get3A_1556 = arith.index_cast %get3A_1555 : i32 to index
    %get3A_1557 = arith.constant 16 : index
    %get3A_1558 = tpu.vector_load %arg11[%get3A_1556, %get3A_1557] {strides = array<i32>} : memref<25x80xi32, #tpu.memory_space<vmem>>, vector<16xi32>,
    tpu.vector_store_idx %arg14[%get3A_1558], %broadcast_in_dim3A_101 {add = true} : memref<10240xf32, #tpu.memory_space<vmem>>[vector<16xi32>], vector<16xf32>,
    %get3A_1559 = arith.constant 21 : i32
    %get3A_1560 = arith.index_cast %get3A_1559 : i32 to index
    %get3A_1561 = arith.constant 32 : index
    %get3A_1562 = tpu.vector_load %arg11[%get3A_1560, %get3A_1561] {strides = array<i32>} : memref<25x80xi32, #tpu.memory_space<vmem>>, vector<16xi32>,
    tpu.vector_store_idx %arg14[%get3A_1562], %broadcast_in_dim3A_101 {add = true} : memref<10240xf32, #tpu.memory_space<vmem>>[vector<16xi32>], vector<16xf32>,
    %get3A_1563 = arith.constant 21 : i32
    %get3A_1564 = arith.index_cast %get3A_1563 : i32 to index
    %get3A_1565 = arith.constant 48 : index
    %get3A_1566 = tpu.vector_load %arg11[%get3A_1564, %get3A_1565] {strides = array<i32>} : memref<25x80xi32, #tpu.memory_space<vmem>>, vector<16xi32>,
    tpu.vector_store_idx %arg14[%get3A_1566], %broadcast_in_dim3A_101 {add = true} : memref<10240xf32, #tpu.memory_space<vmem>>[vector<16xi32>], vector<16xf32>,
    %get3A_1567 = arith.constant 21 : i32
    %get3A_1568 = arith.index_cast %get3A_1567 : i32 to index
    %get3A_1569 = arith.constant 64 : index
    %get3A_1570 = tpu.vector_load %arg11[%get3A_1568, %get3A_1569] {strides = array<i32>} : memref<25x80xi32, #tpu.memory_space<vmem>>, vector<16xi32>,
    tpu.vector_store_idx %arg14[%get3A_1570], %broadcast_in_dim3A_101 {add = true} : memref<10240xf32, #tpu.memory_space<vmem>>[vector<16xi32>], vector<16xf32>,
    %get3A_1571 = arith.constant 22 : i32
    %get3A_1572 = arith.index_cast %get3A_1571 : i32 to index
    %get3A_1573 = arith.constant 0 : index
    %get3A_1574 = tpu.vector_load %arg11[%get3A_1572, %get3A_1573] {strides = array<i32>} : memref<25x80xi32, #tpu.memory_space<vmem>>, vector<16xi32>,
    tpu.vector_store_idx %arg14[%get3A_1574], %broadcast_in_dim3A_101 {add = true} : memref<10240xf32, #tpu.memory_space<vmem>>[vector<16xi32>], vector<16xf32>,
    %get3A_1575 = arith.constant 22 : i32
    %get3A_1576 = arith.index_cast %get3A_1575 : i32 to index
    %get3A_1577 = arith.constant 16 : index
    %get3A_1578 = tpu.vector_load %arg11[%get3A_1576, %get3A_1577] {strides = array<i32>} : memref<25x80xi32, #tpu.memory_space<vmem>>, vector<16xi32>,
    tpu.vector_store_idx %arg14[%get3A_1578], %broadcast_in_dim3A_101 {add = true} : memref<10240xf32, #tpu.memory_space<vmem>>[vector<16xi32>], vector<16xf32>,
    %get3A_1579 = arith.constant 22 : i32
    %get3A_1580 = arith.index_cast %get3A_1579 : i32 to index
    %get3A_1581 = arith.constant 32 : index
    %get3A_1582 = tpu.vector_load %arg11[%get3A_1580, %get3A_1581] {strides = array<i32>} : memref<25x80xi32, #tpu.memory_space<vmem>>, vector<16xi32>,
    tpu.vector_store_idx %arg14[%get3A_1582], %broadcast_in_dim3A_101 {add = true} : memref<10240xf32, #tpu.memory_space<vmem>>[vector<16xi32>], vector<16xf32>,
    %get3A_1583 = arith.constant 22 : i32
    %get3A_1584 = arith.index_cast %get3A_1583 : i32 to index
    %get3A_1585 = arith.constant 48 : index
    %get3A_1586 = tpu.vector_load %arg11[%get3A_1584, %get3A_1585] {strides = array<i32>} : memref<25x80xi32, #tpu.memory_space<vmem>>, vector<16xi32>,
    tpu.vector_store_idx %arg14[%get3A_1586], %broadcast_in_dim3A_101 {add = true} : memref<10240xf32, #tpu.memory_space<vmem>>[vector<16xi32>], vector<16xf32>,
    %get3A_1587 = arith.constant 22 : i32
    %get3A_1588 = arith.index_cast %get3A_1587 : i32 to index
    %get3A_1589 = arith.constant 64 : index
    %get3A_1590 = tpu.vector_load %arg11[%get3A_1588, %get3A_1589] {strides = array<i32>} : memref<25x80xi32, #tpu.memory_space<vmem>>, vector<16xi32>,
    tpu.vector_store_idx %arg14[%get3A_1590], %broadcast_in_dim3A_101 {add = true} : memref<10240xf32, #tpu.memory_space<vmem>>[vector<16xi32>], vector<16xf32>,
    %get3A_1591 = arith.constant 23 : i32
    %get3A_1592 = arith.index_cast %get3A_1591 : i32 to index
    %get3A_1593 = arith.constant 0 : index
    %get3A_1594 = tpu.vector_load %arg11[%get3A_1592, %get3A_1593] {strides = array<i32>} : memref<25x80xi32, #tpu.memory_space<vmem>>, vector<16xi32>,
    tpu.vector_store_idx %arg14[%get3A_1594], %broadcast_in_dim3A_101 {add = true} : memref<10240xf32, #tpu.memory_space<vmem>>[vector<16xi32>], vector<16xf32>,
    %get3A_1595 = arith.constant 23 : i32
    %get3A_1596 = arith.index_cast %get3A_1595 : i32 to index
    %get3A_1597 = arith.constant 16 : index
    %get3A_1598 = tpu.vector_load %arg11[%get3A_1596, %get3A_1597] {strides = array<i32>} : memref<25x80xi32, #tpu.memory_space<vmem>>, vector<16xi32>,
    tpu.vector_store_idx %arg14[%get3A_1598], %broadcast_in_dim3A_101 {add = true} : memref<10240xf32, #tpu.memory_space<vmem>>[vector<16xi32>], vector<16xf32>,
    %get3A_1599 = arith.constant 23 : i32
    %get3A_1600 = arith.index_cast %get3A_1599 : i32 to index
    %get3A_1601 = arith.constant 32 : index
    %get3A_1602 = tpu.vector_load %arg11[%get3A_1600, %get3A_1601] {strides = array<i32>} : memref<25x80xi32, #tpu.memory_space<vmem>>, vector<16xi32>,
    tpu.vector_store_idx %arg14[%get3A_1602], %broadcast_in_dim3A_101 {add = true} : memref<10240xf32, #tpu.memory_space<vmem>>[vector<16xi32>], vector<16xf32>,
    %get3A_1603 = arith.constant 23 : i32
    %get3A_1604 = arith.index_cast %get3A_1603 : i32 to index
    %get3A_1605 = arith.constant 48 : index
    %get3A_1606 = tpu.vector_load %arg11[%get3A_1604, %get3A_1605] {strides = array<i32>} : memref<25x80xi32, #tpu.memory_space<vmem>>, vector<16xi32>,
    tpu.vector_store_idx %arg14[%get3A_1606], %broadcast_in_dim3A_101 {add = true} : memref<10240xf32, #tpu.memory_space<vmem>>[vector<16xi32>], vector<16xf32>,
    %get3A_1607 = arith.constant 23 : i32
    %get3A_1608 = arith.index_cast %get3A_1607 : i32 to index
    %get3A_1609 = arith.constant 64 : index
    %get3A_1610 = tpu.vector_load %arg11[%get3A_1608, %get3A_1609] {strides = array<i32>} : memref<25x80xi32, #tpu.memory_space<vmem>>, vector<16xi32>,
    tpu.vector_store_idx %arg14[%get3A_1610], %broadcast_in_dim3A_101 {add = true} : memref<10240xf32, #tpu.memory_space<vmem>>[vector<16xi32>], vector<16xf32>,
    %get3A_1611 = arith.constant 24 : i32
    %get3A_1612 = arith.index_cast %get3A_1611 : i32 to index
    %get3A_1613 = arith.constant 0 : index
    %get3A_1614 = tpu.vector_load %arg11[%get3A_1612, %get3A_1613] {strides = array<i32>} : memref<25x80xi32, #tpu.memory_space<vmem>>, vector<16xi32>,
    tpu.vector_store_idx %arg14[%get3A_1614], %broadcast_in_dim3A_101 {add = true} : memref<10240xf32, #tpu.memory_space<vmem>>[vector<16xi32>], vector<16xf32>,
    %get3A_1615 = arith.constant 24 : i32
    %get3A_1616 = arith.index_cast %get3A_1615 : i32 to index
    %get3A_1617 = arith.constant 16 : index
    %get3A_1618 = tpu.vector_load %arg11[%get3A_1616, %get3A_1617] {strides = array<i32>} : memref<25x80xi32, #tpu.memory_space<vmem>>, vector<16xi32>,
    tpu.vector_store_idx %arg14[%get3A_1618], %broadcast_in_dim3A_101 {add = true} : memref<10240xf32, #tpu.memory_space<vmem>>[vector<16xi32>], vector<16xf32>,
    %get3A_1619 = arith.constant 24 : i32
    %get3A_1620 = arith.index_cast %get3A_1619 : i32 to index
    %get3A_1621 = arith.constant 32 : index
    %get3A_1622 = tpu.vector_load %arg11[%get3A_1620, %get3A_1621] {strides = array<i32>} : memref<25x80xi32, #tpu.memory_space<vmem>>, vector<16xi32>,
    tpu.vector_store_idx %arg14[%get3A_1622], %broadcast_in_dim3A_101 {add = true} : memref<10240xf32, #tpu.memory_space<vmem>>[vector<16xi32>], vector<16xf32>,
    %get3A_1623 = arith.constant 24 : i32
    %get3A_1624 = arith.index_cast %get3A_1623 : i32 to index
    %get3A_1625 = arith.constant 48 : index
    %get3A_1626 = tpu.vector_load %arg11[%get3A_1624, %get3A_1625] {strides = array<i32>} : memref<25x80xi32, #tpu.memory_space<vmem>>, vector<16xi32>,
    tpu.vector_store_idx %arg14[%get3A_1626], %broadcast_in_dim3A_101 {add = true} : memref<10240xf32, #tpu.memory_space<vmem>>[vector<16xi32>], vector<16xf32>,
    %get3A_1627 = arith.constant 24 : i32
    %get3A_1628 = arith.index_cast %get3A_1627 : i32 to index
    %get3A_1629 = arith.constant 64 : index
    %get3A_1630 = tpu.vector_load %arg11[%get3A_1628, %get3A_1629] {strides = array<i32>} : memref<25x80xi32, #tpu.memory_space<vmem>>, vector<16xi32>,
    tpu.vector_store_idx %arg14[%get3A_1630], %broadcast_in_dim3A_101 {add = true} : memref<10240xf32, #tpu.memory_space<vmem>>[vector<16xi32>], vector<16xf32>,
    %dma_wait3A_1631 = arith.constant 1 : i32
    %dma_wait3A_1632 = arith.constant 0 : i32
    %dma_wait3A_1633 = arith.constant 0 : i32
    %dma_wait3A_1634 = tpu.memref_slice %arg4[%dma_wait3A_1631, %add3A_76, %dma_wait3A_1632, %dma_wait3A_1633] : memref<2x160x25x80xi32, #tpu.memory_space<hbm>> -> memref<1x1x25x80xi32, #tpu.memory_space<hbm>>
    %dma_wait3A_1635 = tpu.memref_squeeze %dma_wait3A_1634 : memref<1x1x25x80xi32, #tpu.memory_space<hbm>> -> memref<25x80xi32, #tpu.memory_space<hbm>>
    %dma_wait3A_1636 = arith.constant 0 : i32
    %dma_wait3A_1637 = arith.constant 0 : i32
    %dma_wait3A_1638 = tpu.memref_slice %arg4[%dma_wait3A_1631, %add3A_76, %dma_wait3A_1636, %dma_wait3A_1637] : memref<2x160x25x80xi32, #tpu.memory_space<hbm>> -> memref<1x1x25x80xi32, #tpu.memory_space<hbm>>
    %dma_wait3A_1639 = tpu.memref_squeeze %dma_wait3A_1638 : memref<1x1x25x80xi32, #tpu.memory_space<hbm>> -> memref<25x80xi32, #tpu.memory_space<hbm>>
    tpu.wait_dma2 semaphore(%arg16 : memref<!tpu.dma_semaphore, #tpu.memory_space<semaphore_mem>>) src(%dma_wait3A_1639 : memref<25x80xi32, #tpu.memory_space<hbm>>) dst(%arg12 : memref<25x80xi32, #tpu.memory_space<vmem>>)
    %get3A_1640 = arith.constant 0 : i32
    %get3A_1641 = arith.index_cast %get3A_1640 : i32 to index
    %get3A_1642 = arith.constant 0 : index
    %get3A_1643 = tpu.vector_load %arg12[%get3A_1641, %get3A_1642] {strides = array<i32>} : memref<25x80xi32, #tpu.memory_space<vmem>>, vector<16xi32>,
    tpu.vector_store_idx %arg14[%get3A_1643], %broadcast_in_dim3A_101 {add = true} : memref<10240xf32, #tpu.memory_space<vmem>>[vector<16xi32>], vector<16xf32>,
    %get3A_1644 = arith.constant 0 : i32
    %get3A_1645 = arith.index_cast %get3A_1644 : i32 to index
    %get3A_1646 = arith.constant 16 : index
    %get3A_1647 = tpu.vector_load %arg12[%get3A_1645, %get3A_1646] {strides = array<i32>} : memref<25x80xi32, #tpu.memory_space<vmem>>, vector<16xi32>,
    tpu.vector_store_idx %arg14[%get3A_1647], %broadcast_in_dim3A_101 {add = true} : memref<10240xf32, #tpu.memory_space<vmem>>[vector<16xi32>], vector<16xf32>,
    %get3A_1648 = arith.constant 0 : i32
    %get3A_1649 = arith.index_cast %get3A_1648 : i32 to index
    %get3A_1650 = arith.constant 32 : index
    %get3A_1651 = tpu.vector_load %arg12[%get3A_1649, %get3A_1650] {strides = array<i32>} : memref<25x80xi32, #tpu.memory_space<vmem>>, vector<16xi32>,
    tpu.vector_store_idx %arg14[%get3A_1651], %broadcast_in_dim3A_101 {add = true} : memref<10240xf32, #tpu.memory_space<vmem>>[vector<16xi32>], vector<16xf32>,
    %get3A_1652 = arith.constant 0 : i32
    %get3A_1653 = arith.index_cast %get3A_1652 : i32 to index
    %get3A_1654 = arith.constant 48 : index
    %get3A_1655 = tpu.vector_load %arg12[%get3A_1653, %get3A_1654] {strides = array<i32>} : memref<25x80xi32, #tpu.memory_space<vmem>>, vector<16xi32>,
    tpu.vector_store_idx %arg14[%get3A_1655], %broadcast_in_dim3A_101 {add = true} : memref<10240xf32, #tpu.memory_space<vmem>>[vector<16xi32>], vector<16xf32>,
    %get3A_1656 = arith.constant 0 : i32
    %get3A_1657 = arith.index_cast %get3A_1656 : i32 to index
    %get3A_1658 = arith.constant 64 : index
    %get3A_1659 = tpu.vector_load %arg12[%get3A_1657, %get3A_1658] {strides = array<i32>} : memref<25x80xi32, #tpu.memory_space<vmem>>, vector<16xi32>,
    tpu.vector_store_idx %arg14[%get3A_1659], %broadcast_in_dim3A_101 {add = true} : memref<10240xf32, #tpu.memory_space<vmem>>[vector<16xi32>], vector<16xf32>,
    %get3A_1660 = arith.constant 1 : i32
    %get3A_1661 = arith.index_cast %get3A_1660 : i32 to index
    %get3A_1662 = arith.constant 0 : index
    %get3A_1663 = tpu.vector_load %arg12[%get3A_1661, %get3A_1662] {strides = array<i32>} : memref<25x80xi32, #tpu.memory_space<vmem>>, vector<16xi32>,
    tpu.vector_store_idx %arg14[%get3A_1663], %broadcast_in_dim3A_101 {add = true} : memref<10240xf32, #tpu.memory_space<vmem>>[vector<16xi32>], vector<16xf32>,
    %get3A_1664 = arith.constant 1 : i32
    %get3A_1665 = arith.index_cast %get3A_1664 : i32 to index
    %get3A_1666 = arith.constant 16 : index
    %get3A_1667 = tpu.vector_load %arg12[%get3A_1665, %get3A_1666] {strides = array<i32>} : memref<25x80xi32, #tpu.memory_space<vmem>>, vector<16xi32>,
    tpu.vector_store_idx %arg14[%get3A_1667], %broadcast_in_dim3A_101 {add = true} : memref<10240xf32, #tpu.memory_space<vmem>>[vector<16xi32>], vector<16xf32>,
    %get3A_1668 = arith.constant 1 : i32
    %get3A_1669 = arith.index_cast %get3A_1668 : i32 to index
    %get3A_1670 = arith.constant 32 : index
    %get3A_1671 = tpu.vector_load %arg12[%get3A_1669, %get3A_1670] {strides = array<i32>} : memref<25x80xi32, #tpu.memory_space<vmem>>, vector<16xi32>,
    tpu.vector_store_idx %arg14[%get3A_1671], %broadcast_in_dim3A_101 {add = true} : memref<10240xf32, #tpu.memory_space<vmem>>[vector<16xi32>], vector<16xf32>,
    %get3A_1672 = arith.constant 1 : i32
    %get3A_1673 = arith.index_cast %get3A_1672 : i32 to index
    %get3A_1674 = arith.constant 48 : index
    %get3A_1675 = tpu.vector_load %arg12[%get3A_1673, %get3A_1674] {strides = array<i32>} : memref<25x80xi32, #tpu.memory_space<vmem>>, vector<16xi32>,
    tpu.vector_store_idx %arg14[%get3A_1675], %broadcast_in_dim3A_101 {add = true} : memref<10240xf32, #tpu.memory_space<vmem>>[vector<16xi32>], vector<16xf32>,
    %get3A_1676 = arith.constant 1 : i32
    %get3A_1677 = arith.index_cast %get3A_1676 : i32 to index
    %get3A_1678 = arith.constant 64 : index
    %get3A_1679 = tpu.vector_load %arg12[%get3A_1677, %get3A_1678] {strides = array<i32>} : memref<25x80xi32, #tpu.memory_space<vmem>>, vector<16xi32>,
    tpu.vector_store_idx %arg14[%get3A_1679], %broadcast_in_dim3A_101 {add = true} : memref<10240xf32, #tpu.memory_space<vmem>>[vector<16xi32>], vector<16xf32>,
    %get3A_1680 = arith.constant 2 : i32
    %get3A_1681 = arith.index_cast %get3A_1680 : i32 to index
    %get3A_1682 = arith.constant 0 : index
    %get3A_1683 = tpu.vector_load %arg12[%get3A_1681, %get3A_1682] {strides = array<i32>} : memref<25x80xi32, #tpu.memory_space<vmem>>, vector<16xi32>,
    tpu.vector_store_idx %arg14[%get3A_1683], %broadcast_in_dim3A_101 {add = true} : memref<10240xf32, #tpu.memory_space<vmem>>[vector<16xi32>], vector<16xf32>,
    %get3A_1684 = arith.constant 2 : i32
    %get3A_1685 = arith.index_cast %get3A_1684 : i32 to index
    %get3A_1686 = arith.constant 16 : index
    %get3A_1687 = tpu.vector_load %arg12[%get3A_1685, %get3A_1686] {strides = array<i32>} : memref<25x80xi32, #tpu.memory_space<vmem>>, vector<16xi32>,
    tpu.vector_store_idx %arg14[%get3A_1687], %broadcast_in_dim3A_101 {add = true} : memref<10240xf32, #tpu.memory_space<vmem>>[vector<16xi32>], vector<16xf32>,
    %get3A_1688 = arith.constant 2 : i32
    %get3A_1689 = arith.index_cast %get3A_1688 : i32 to index
    %get3A_1690 = arith.constant 32 : index
    %get3A_1691 = tpu.vector_load %arg12[%get3A_1689, %get3A_1690] {strides = array<i32>} : memref<25x80xi32, #tpu.memory_space<vmem>>, vector<16xi32>,
    tpu.vector_store_idx %arg14[%get3A_1691], %broadcast_in_dim3A_101 {add = true} : memref<10240xf32, #tpu.memory_space<vmem>>[vector<16xi32>], vector<16xf32>,
    %get3A_1692 = arith.constant 2 : i32
    %get3A_1693 = arith.index_cast %get3A_1692 : i32 to index
    %get3A_1694 = arith.constant 48 : index
    %get3A_1695 = tpu.vector_load %arg12[%get3A_1693, %get3A_1694] {strides = array<i32>} : memref<25x80xi32, #tpu.memory_space<vmem>>, vector<16xi32>,
    tpu.vector_store_idx %arg14[%get3A_1695], %broadcast_in_dim3A_101 {add = true} : memref<10240xf32, #tpu.memory_space<vmem>>[vector<16xi32>], vector<16xf32>,
    %get3A_1696 = arith.constant 2 : i32
    %get3A_1697 = arith.index_cast %get3A_1696 : i32 to index
    %get3A_1698 = arith.constant 64 : index
    %get3A_1699 = tpu.vector_load %arg12[%get3A_1697, %get3A_1698] {strides = array<i32>} : memref<25x80xi32, #tpu.memory_space<vmem>>, vector<16xi32>,
    tpu.vector_store_idx %arg14[%get3A_1699], %broadcast_in_dim3A_101 {add = true} : memref<10240xf32, #tpu.memory_space<vmem>>[vector<16xi32>], vector<16xf32>,
    %get3A_1700 = arith.constant 3 : i32
    %get3A_1701 = arith.index_cast %get3A_1700 : i32 to index
    %get3A_1702 = arith.constant 0 : index
    %get3A_1703 = tpu.vector_load %arg12[%get3A_1701, %get3A_1702] {strides = array<i32>} : memref<25x80xi32, #tpu.memory_space<vmem>>, vector<16xi32>,
    tpu.vector_store_idx %arg14[%get3A_1703], %broadcast_in_dim3A_101 {add = true} : memref<10240xf32, #tpu.memory_space<vmem>>[vector<16xi32>], vector<16xf32>,
    %get3A_1704 = arith.constant 3 : i32
    %get3A_1705 = arith.index_cast %get3A_1704 : i32 to index
    %get3A_1706 = arith.constant 16 : index
    %get3A_1707 = tpu.vector_load %arg12[%get3A_1705, %get3A_1706] {strides = array<i32>} : memref<25x80xi32, #tpu.memory_space<vmem>>, vector<16xi32>,
    tpu.vector_store_idx %arg14[%get3A_1707], %broadcast_in_dim3A_101 {add = true} : memref<10240xf32, #tpu.memory_space<vmem>>[vector<16xi32>], vector<16xf32>,
    %get3A_1708 = arith.constant 3 : i32
    %get3A_1709 = arith.index_cast %get3A_1708 : i32 to index
    %get3A_1710 = arith.constant 32 : index
    %get3A_1711 = tpu.vector_load %arg12[%get3A_1709, %get3A_1710] {strides = array<i32>} : memref<25x80xi32, #tpu.memory_space<vmem>>, vector<16xi32>,
    tpu.vector_store_idx %arg14[%get3A_1711], %broadcast_in_dim3A_101 {add = true} : memref<10240xf32, #tpu.memory_space<vmem>>[vector<16xi32>], vector<16xf32>,
    %get3A_1712 = arith.constant 3 : i32
    %get3A_1713 = arith.index_cast %get3A_1712 : i32 to index
    %get3A_1714 = arith.constant 48 : index
    %get3A_1715 = tpu.vector_load %arg12[%get3A_1713, %get3A_1714] {strides = array<i32>} : memref<25x80xi32, #tpu.memory_space<vmem>>, vector<16xi32>,
    tpu.vector_store_idx %arg14[%get3A_1715], %broadcast_in_dim3A_101 {add = true} : memref<10240xf32, #tpu.memory_space<vmem>>[vector<16xi32>], vector<16xf32>,
    %get3A_1716 = arith.constant 3 : i32
    %get3A_1717 = arith.index_cast %get3A_1716 : i32 to index
    %get3A_1718 = arith.constant 64 : index
    %get3A_1719 = tpu.vector_load %arg12[%get3A_1717, %get3A_1718] {strides = array<i32>} : memref<25x80xi32, #tpu.memory_space<vmem>>, vector<16xi32>,
    tpu.vector_store_idx %arg14[%get3A_1719], %broadcast_in_dim3A_101 {add = true} : memref<10240xf32, #tpu.memory_space<vmem>>[vector<16xi32>], vector<16xf32>,
    %get3A_1720 = arith.constant 4 : i32
    %get3A_1721 = arith.index_cast %get3A_1720 : i32 to index
    %get3A_1722 = arith.constant 0 : index
    %get3A_1723 = tpu.vector_load %arg12[%get3A_1721, %get3A_1722] {strides = array<i32>} : memref<25x80xi32, #tpu.memory_space<vmem>>, vector<16xi32>,
    tpu.vector_store_idx %arg14[%get3A_1723], %broadcast_in_dim3A_101 {add = true} : memref<10240xf32, #tpu.memory_space<vmem>>[vector<16xi32>], vector<16xf32>,
    %get3A_1724 = arith.constant 4 : i32
    %get3A_1725 = arith.index_cast %get3A_1724 : i32 to index
    %get3A_1726 = arith.constant 16 : index
    %get3A_1727 = tpu.vector_load %arg12[%get3A_1725, %get3A_1726] {strides = array<i32>} : memref<25x80xi32, #tpu.memory_space<vmem>>, vector<16xi32>,
    tpu.vector_store_idx %arg14[%get3A_1727], %broadcast_in_dim3A_101 {add = true} : memref<10240xf32, #tpu.memory_space<vmem>>[vector<16xi32>], vector<16xf32>,
    %get3A_1728 = arith.constant 4 : i32
    %get3A_1729 = arith.index_cast %get3A_1728 : i32 to index
    %get3A_1730 = arith.constant 32 : index
    %get3A_1731 = tpu.vector_load %arg12[%get3A_1729, %get3A_1730] {strides = array<i32>} : memref<25x80xi32, #tpu.memory_space<vmem>>, vector<16xi32>,
    tpu.vector_store_idx %arg14[%get3A_1731], %broadcast_in_dim3A_101 {add = true} : memref<10240xf32, #tpu.memory_space<vmem>>[vector<16xi32>], vector<16xf32>,
    %get3A_1732 = arith.constant 4 : i32
    %get3A_1733 = arith.index_cast %get3A_1732 : i32 to index
    %get3A_1734 = arith.constant 48 : index
    %get3A_1735 = tpu.vector_load %arg12[%get3A_1733, %get3A_1734] {strides = array<i32>} : memref<25x80xi32, #tpu.memory_space<vmem>>, vector<16xi32>,
    tpu.vector_store_idx %arg14[%get3A_1735], %broadcast_in_dim3A_101 {add = true} : memref<10240xf32, #tpu.memory_space<vmem>>[vector<16xi32>], vector<16xf32>,
    %get3A_1736 = arith.constant 4 : i32
    %get3A_1737 = arith.index_cast %get3A_1736 : i32 to index
    %get3A_1738 = arith.constant 64 : index
    %get3A_1739 = tpu.vector_load %arg12[%get3A_1737, %get3A_1738] {strides = array<i32>} : memref<25x80xi32, #tpu.memory_space<vmem>>, vector<16xi32>,
    tpu.vector_store_idx %arg14[%get3A_1739], %broadcast_in_dim3A_101 {add = true} : memref<10240xf32, #tpu.memory_space<vmem>>[vector<16xi32>], vector<16xf32>,
    %get3A_1740 = arith.constant 5 : i32
    %get3A_1741 = arith.index_cast %get3A_1740 : i32 to index
    %get3A_1742 = arith.constant 0 : index
    %get3A_1743 = tpu.vector_load %arg12[%get3A_1741, %get3A_1742] {strides = array<i32>} : memref<25x80xi32, #tpu.memory_space<vmem>>, vector<16xi32>,
    tpu.vector_store_idx %arg14[%get3A_1743], %broadcast_in_dim3A_101 {add = true} : memref<10240xf32, #tpu.memory_space<vmem>>[vector<16xi32>], vector<16xf32>,
    %get3A_1744 = arith.constant 5 : i32
    %get3A_1745 = arith.index_cast %get3A_1744 : i32 to index
    %get3A_1746 = arith.constant 16 : index
    %get3A_1747 = tpu.vector_load %arg12[%get3A_1745, %get3A_1746] {strides = array<i32>} : memref<25x80xi32, #tpu.memory_space<vmem>>, vector<16xi32>,
    tpu.vector_store_idx %arg14[%get3A_1747], %broadcast_in_dim3A_101 {add = true} : memref<10240xf32, #tpu.memory_space<vmem>>[vector<16xi32>], vector<16xf32>,
    %get3A_1748 = arith.constant 5 : i32
    %get3A_1749 = arith.index_cast %get3A_1748 : i32 to index
    %get3A_1750 = arith.constant 32 : index
    %get3A_1751 = tpu.vector_load %arg12[%get3A_1749, %get3A_1750] {strides = array<i32>} : memref<25x80xi32, #tpu.memory_space<vmem>>, vector<16xi32>,
    tpu.vector_store_idx %arg14[%get3A_1751], %broadcast_in_dim3A_101 {add = true} : memref<10240xf32, #tpu.memory_space<vmem>>[vector<16xi32>], vector<16xf32>,
    %get3A_1752 = arith.constant 5 : i32
    %get3A_1753 = arith.index_cast %get3A_1752 : i32 to index
    %get3A_1754 = arith.constant 48 : index
    %get3A_1755 = tpu.vector_load %arg12[%get3A_1753, %get3A_1754] {strides = array<i32>} : memref<25x80xi32, #tpu.memory_space<vmem>>, vector<16xi32>,
    tpu.vector_store_idx %arg14[%get3A_1755], %broadcast_in_dim3A_101 {add = true} : memref<10240xf32, #tpu.memory_space<vmem>>[vector<16xi32>], vector<16xf32>,
    %get3A_1756 = arith.constant 5 : i32
    %get3A_1757 = arith.index_cast %get3A_1756 : i32 to index
    %get3A_1758 = arith.constant 64 : index
    %get3A_1759 = tpu.vector_load %arg12[%get3A_1757, %get3A_1758] {strides = array<i32>} : memref<25x80xi32, #tpu.memory_space<vmem>>, vector<16xi32>,
    tpu.vector_store_idx %arg14[%get3A_1759], %broadcast_in_dim3A_101 {add = true} : memref<10240xf32, #tpu.memory_space<vmem>>[vector<16xi32>], vector<16xf32>,
    %get3A_1760 = arith.constant 6 : i32
    %get3A_1761 = arith.index_cast %get3A_1760 : i32 to index
    %get3A_1762 = arith.constant 0 : index
    %get3A_1763 = tpu.vector_load %arg12[%get3A_1761, %get3A_1762] {strides = array<i32>} : memref<25x80xi32, #tpu.memory_space<vmem>>, vector<16xi32>,
    tpu.vector_store_idx %arg14[%get3A_1763], %broadcast_in_dim3A_101 {add = true} : memref<10240xf32, #tpu.memory_space<vmem>>[vector<16xi32>], vector<16xf32>,
    %get3A_1764 = arith.constant 6 : i32
    %get3A_1765 = arith.index_cast %get3A_1764 : i32 to index
    %get3A_1766 = arith.constant 16 : index
    %get3A_1767 = tpu.vector_load %arg12[%get3A_1765, %get3A_1766] {strides = array<i32>} : memref<25x80xi32, #tpu.memory_space<vmem>>, vector<16xi32>,
    tpu.vector_store_idx %arg14[%get3A_1767], %broadcast_in_dim3A_101 {add = true} : memref<10240xf32, #tpu.memory_space<vmem>>[vector<16xi32>], vector<16xf32>,
    %get3A_1768 = arith.constant 6 : i32
    %get3A_1769 = arith.index_cast %get3A_1768 : i32 to index
    %get3A_1770 = arith.constant 32 : index
    %get3A_1771 = tpu.vector_load %arg12[%get3A_1769, %get3A_1770] {strides = array<i32>} : memref<25x80xi32, #tpu.memory_space<vmem>>, vector<16xi32>,
    tpu.vector_store_idx %arg14[%get3A_1771], %broadcast_in_dim3A_101 {add = true} : memref<10240xf32, #tpu.memory_space<vmem>>[vector<16xi32>], vector<16xf32>,
    %get3A_1772 = arith.constant 6 : i32
    %get3A_1773 = arith.index_cast %get3A_1772 : i32 to index
    %get3A_1774 = arith.constant 48 : index
    %get3A_1775 = tpu.vector_load %arg12[%get3A_1773, %get3A_1774] {strides = array<i32>} : memref<25x80xi32, #tpu.memory_space<vmem>>, vector<16xi32>,
    tpu.vector_store_idx %arg14[%get3A_1775], %broadcast_in_dim3A_101 {add = true} : memref<10240xf32, #tpu.memory_space<vmem>>[vector<16xi32>], vector<16xf32>,
    %get3A_1776 = arith.constant 6 : i32
    %get3A_1777 = arith.index_cast %get3A_1776 : i32 to index
    %get3A_1778 = arith.constant 64 : index
    %get3A_1779 = tpu.vector_load %arg12[%get3A_1777, %get3A_1778] {strides = array<i32>} : memref<25x80xi32, #tpu.memory_space<vmem>>, vector<16xi32>,
    tpu.vector_store_idx %arg14[%get3A_1779], %broadcast_in_dim3A_101 {add = true} : memref<10240xf32, #tpu.memory_space<vmem>>[vector<16xi32>], vector<16xf32>,
    %get3A_1780 = arith.constant 7 : i32
    %get3A_1781 = arith.index_cast %get3A_1780 : i32 to index
    %get3A_1782 = arith.constant 0 : index
    %get3A_1783 = tpu.vector_load %arg12[%get3A_1781, %get3A_1782] {strides = array<i32>} : memref<25x80xi32, #tpu.memory_space<vmem>>, vector<16xi32>,
    tpu.vector_store_idx %arg14[%get3A_1783], %broadcast_in_dim3A_101 {add = true} : memref<10240xf32, #tpu.memory_space<vmem>>[vector<16xi32>], vector<16xf32>,
    %get3A_1784 = arith.constant 7 : i32
    %get3A_1785 = arith.index_cast %get3A_1784 : i32 to index
    %get3A_1786 = arith.constant 16 : index
    %get3A_1787 = tpu.vector_load %arg12[%get3A_1785, %get3A_1786] {strides = array<i32>} : memref<25x80xi32, #tpu.memory_space<vmem>>, vector<16xi32>,
    tpu.vector_store_idx %arg14[%get3A_1787], %broadcast_in_dim3A_101 {add = true} : memref<10240xf32, #tpu.memory_space<vmem>>[vector<16xi32>], vector<16xf32>,
    %get3A_1788 = arith.constant 7 : i32
    %get3A_1789 = arith.index_cast %get3A_1788 : i32 to index
    %get3A_1790 = arith.constant 32 : index
    %get3A_1791 = tpu.vector_load %arg12[%get3A_1789, %get3A_1790] {strides = array<i32>} : memref<25x80xi32, #tpu.memory_space<vmem>>, vector<16xi32>,
    tpu.vector_store_idx %arg14[%get3A_1791], %broadcast_in_dim3A_101 {add = true} : memref<10240xf32, #tpu.memory_space<vmem>>[vector<16xi32>], vector<16xf32>,
    %get3A_1792 = arith.constant 7 : i32
    %get3A_1793 = arith.index_cast %get3A_1792 : i32 to index
    %get3A_1794 = arith.constant 48 : index
    %get3A_1795 = tpu.vector_load %arg12[%get3A_1793, %get3A_1794] {strides = array<i32>} : memref<25x80xi32, #tpu.memory_space<vmem>>, vector<16xi32>,
    tpu.vector_store_idx %arg14[%get3A_1795], %broadcast_in_dim3A_101 {add = true} : memref<10240xf32, #tpu.memory_space<vmem>>[vector<16xi32>], vector<16xf32>,
    %get3A_1796 = arith.constant 7 : i32
    %get3A_1797 = arith.index_cast %get3A_1796 : i32 to index
    %get3A_1798 = arith.constant 64 : index
    %get3A_1799 = tpu.vector_load %arg12[%get3A_1797, %get3A_1798] {strides = array<i32>} : memref<25x80xi32, #tpu.memory_space<vmem>>, vector<16xi32>,
    tpu.vector_store_idx %arg14[%get3A_1799], %broadcast_in_dim3A_101 {add = true} : memref<10240xf32, #tpu.memory_space<vmem>>[vector<16xi32>], vector<16xf32>,
    %get3A_1800 = arith.constant 8 : i32
    %get3A_1801 = arith.index_cast %get3A_1800 : i32 to index
    %get3A_1802 = arith.constant 0 : index
    %get3A_1803 = tpu.vector_load %arg12[%get3A_1801, %get3A_1802] {strides = array<i32>} : memref<25x80xi32, #tpu.memory_space<vmem>>, vector<16xi32>,
    tpu.vector_store_idx %arg14[%get3A_1803], %broadcast_in_dim3A_101 {add = true} : memref<10240xf32, #tpu.memory_space<vmem>>[vector<16xi32>], vector<16xf32>,
    %get3A_1804 = arith.constant 8 : i32
    %get3A_1805 = arith.index_cast %get3A_1804 : i32 to index
    %get3A_1806 = arith.constant 16 : index
    %get3A_1807 = tpu.vector_load %arg12[%get3A_1805, %get3A_1806] {strides = array<i32>} : memref<25x80xi32, #tpu.memory_space<vmem>>, vector<16xi32>,
    tpu.vector_store_idx %arg14[%get3A_1807], %broadcast_in_dim3A_101 {add = true} : memref<10240xf32, #tpu.memory_space<vmem>>[vector<16xi32>], vector<16xf32>,
    %get3A_1808 = arith.constant 8 : i32
    %get3A_1809 = arith.index_cast %get3A_1808 : i32 to index
    %get3A_1810 = arith.constant 32 : index
    %get3A_1811 = tpu.vector_load %arg12[%get3A_1809, %get3A_1810] {strides = array<i32>} : memref<25x80xi32, #tpu.memory_space<vmem>>, vector<16xi32>,
    tpu.vector_store_idx %arg14[%get3A_1811], %broadcast_in_dim3A_101 {add = true} : memref<10240xf32, #tpu.memory_space<vmem>>[vector<16xi32>], vector<16xf32>,
    %get3A_1812 = arith.constant 8 : i32
    %get3A_1813 = arith.index_cast %get3A_1812 : i32 to index
    %get3A_1814 = arith.constant 48 : index
    %get3A_1815 = tpu.vector_load %arg12[%get3A_1813, %get3A_1814] {strides = array<i32>} : memref<25x80xi32, #tpu.memory_space<vmem>>, vector<16xi32>,
    tpu.vector_store_idx %arg14[%get3A_1815], %broadcast_in_dim3A_101 {add = true} : memref<10240xf32, #tpu.memory_space<vmem>>[vector<16xi32>], vector<16xf32>,
    %get3A_1816 = arith.constant 8 : i32
    %get3A_1817 = arith.index_cast %get3A_1816 : i32 to index
    %get3A_1818 = arith.constant 64 : index
    %get3A_1819 = tpu.vector_load %arg12[%get3A_1817, %get3A_1818] {strides = array<i32>} : memref<25x80xi32, #tpu.memory_space<vmem>>, vector<16xi32>,
    tpu.vector_store_idx %arg14[%get3A_1819], %broadcast_in_dim3A_101 {add = true} : memref<10240xf32, #tpu.memory_space<vmem>>[vector<16xi32>], vector<16xf32>,
    %get3A_1820 = arith.constant 9 : i32
    %get3A_1821 = arith.index_cast %get3A_1820 : i32 to index
    %get3A_1822 = arith.constant 0 : index
    %get3A_1823 = tpu.vector_load %arg12[%get3A_1821, %get3A_1822] {strides = array<i32>} : memref<25x80xi32, #tpu.memory_space<vmem>>, vector<16xi32>,
    tpu.vector_store_idx %arg14[%get3A_1823], %broadcast_in_dim3A_101 {add = true} : memref<10240xf32, #tpu.memory_space<vmem>>[vector<16xi32>], vector<16xf32>,
    %get3A_1824 = arith.constant 9 : i32
    %get3A_1825 = arith.index_cast %get3A_1824 : i32 to index
    %get3A_1826 = arith.constant 16 : index
    %get3A_1827 = tpu.vector_load %arg12[%get3A_1825, %get3A_1826] {strides = array<i32>} : memref<25x80xi32, #tpu.memory_space<vmem>>, vector<16xi32>,
    tpu.vector_store_idx %arg14[%get3A_1827], %broadcast_in_dim3A_101 {add = true} : memref<10240xf32, #tpu.memory_space<vmem>>[vector<16xi32>], vector<16xf32>,
    %get3A_1828 = arith.constant 9 : i32
    %get3A_1829 = arith.index_cast %get3A_1828 : i32 to index
    %get3A_1830 = arith.constant 32 : index
    %get3A_1831 = tpu.vector_load %arg12[%get3A_1829, %get3A_1830] {strides = array<i32>} : memref<25x80xi32, #tpu.memory_space<vmem>>, vector<16xi32>,
    tpu.vector_store_idx %arg14[%get3A_1831], %broadcast_in_dim3A_101 {add = true} : memref<10240xf32, #tpu.memory_space<vmem>>[vector<16xi32>], vector<16xf32>,
    %get3A_1832 = arith.constant 9 : i32
    %get3A_1833 = arith.index_cast %get3A_1832 : i32 to index
    %get3A_1834 = arith.constant 48 : index
    %get3A_1835 = tpu.vector_load %arg12[%get3A_1833, %get3A_1834] {strides = array<i32>} : memref<25x80xi32, #tpu.memory_space<vmem>>, vector<16xi32>,
    tpu.vector_store_idx %arg14[%get3A_1835], %broadcast_in_dim3A_101 {add = true} : memref<10240xf32, #tpu.memory_space<vmem>>[vector<16xi32>], vector<16xf32>,
    %get3A_1836 = arith.constant 9 : i32
    %get3A_1837 = arith.index_cast %get3A_1836 : i32 to index
    %get3A_1838 = arith.constant 64 : index
    %get3A_1839 = tpu.vector_load %arg12[%get3A_1837, %get3A_1838] {strides = array<i32>} : memref<25x80xi32, #tpu.memory_space<vmem>>, vector<16xi32>,
    tpu.vector_store_idx %arg14[%get3A_1839], %broadcast_in_dim3A_101 {add = true} : memref<10240xf32, #tpu.memory_space<vmem>>[vector<16xi32>], vector<16xf32>,
    %get3A_1840 = arith.constant 10 : i32
    %get3A_1841 = arith.index_cast %get3A_1840 : i32 to index
    %get3A_1842 = arith.constant 0 : index
    %get3A_1843 = tpu.vector_load %arg12[%get3A_1841, %get3A_1842] {strides = array<i32>} : memref<25x80xi32, #tpu.memory_space<vmem>>, vector<16xi32>,
    tpu.vector_store_idx %arg14[%get3A_1843], %broadcast_in_dim3A_101 {add = true} : memref<10240xf32, #tpu.memory_space<vmem>>[vector<16xi32>], vector<16xf32>,
    %get3A_1844 = arith.constant 10 : i32
    %get3A_1845 = arith.index_cast %get3A_1844 : i32 to index
    %get3A_1846 = arith.constant 16 : index
    %get3A_1847 = tpu.vector_load %arg12[%get3A_1845, %get3A_1846] {strides = array<i32>} : memref<25x80xi32, #tpu.memory_space<vmem>>, vector<16xi32>,
    tpu.vector_store_idx %arg14[%get3A_1847], %broadcast_in_dim3A_101 {add = true} : memref<10240xf32, #tpu.memory_space<vmem>>[vector<16xi32>], vector<16xf32>,
    %get3A_1848 = arith.constant 10 : i32
    %get3A_1849 = arith.index_cast %get3A_1848 : i32 to index
    %get3A_1850 = arith.constant 32 : index
    %get3A_1851 = tpu.vector_load %arg12[%get3A_1849, %get3A_1850] {strides = array<i32>} : memref<25x80xi32, #tpu.memory_space<vmem>>, vector<16xi32>,
    tpu.vector_store_idx %arg14[%get3A_1851], %broadcast_in_dim3A_101 {add = true} : memref<10240xf32, #tpu.memory_space<vmem>>[vector<16xi32>], vector<16xf32>,
    %get3A_1852 = arith.constant 10 : i32
    %get3A_1853 = arith.index_cast %get3A_1852 : i32 to index
    %get3A_1854 = arith.constant 48 : index
    %get3A_1855 = tpu.vector_load %arg12[%get3A_1853, %get3A_1854] {strides = array<i32>} : memref<25x80xi32, #tpu.memory_space<vmem>>, vector<16xi32>,
    tpu.vector_store_idx %arg14[%get3A_1855], %broadcast_in_dim3A_101 {add = true} : memref<10240xf32, #tpu.memory_space<vmem>>[vector<16xi32>], vector<16xf32>,
    %get3A_1856 = arith.constant 10 : i32
    %get3A_1857 = arith.index_cast %get3A_1856 : i32 to index
    %get3A_1858 = arith.constant 64 : index
    %get3A_1859 = tpu.vector_load %arg12[%get3A_1857, %get3A_1858] {strides = array<i32>} : memref<25x80xi32, #tpu.memory_space<vmem>>, vector<16xi32>,
    tpu.vector_store_idx %arg14[%get3A_1859], %broadcast_in_dim3A_101 {add = true} : memref<10240xf32, #tpu.memory_space<vmem>>[vector<16xi32>], vector<16xf32>,
    %get3A_1860 = arith.constant 11 : i32
    %get3A_1861 = arith.index_cast %get3A_1860 : i32 to index
    %get3A_1862 = arith.constant 0 : index
    %get3A_1863 = tpu.vector_load %arg12[%get3A_1861, %get3A_1862] {strides = array<i32>} : memref<25x80xi32, #tpu.memory_space<vmem>>, vector<16xi32>,
    tpu.vector_store_idx %arg14[%get3A_1863], %broadcast_in_dim3A_101 {add = true} : memref<10240xf32, #tpu.memory_space<vmem>>[vector<16xi32>], vector<16xf32>,
    %get3A_1864 = arith.constant 11 : i32
    %get3A_1865 = arith.index_cast %get3A_1864 : i32 to index
    %get3A_1866 = arith.constant 16 : index
    %get3A_1867 = tpu.vector_load %arg12[%get3A_1865, %get3A_1866] {strides = array<i32>} : memref<25x80xi32, #tpu.memory_space<vmem>>, vector<16xi32>,
    tpu.vector_store_idx %arg14[%get3A_1867], %broadcast_in_dim3A_101 {add = true} : memref<10240xf32, #tpu.memory_space<vmem>>[vector<16xi32>], vector<16xf32>,
    %get3A_1868 = arith.constant 11 : i32
    %get3A_1869 = arith.index_cast %get3A_1868 : i32 to index
    %get3A_1870 = arith.constant 32 : index
    %get3A_1871 = tpu.vector_load %arg12[%get3A_1869, %get3A_1870] {strides = array<i32>} : memref<25x80xi32, #tpu.memory_space<vmem>>, vector<16xi32>,
    tpu.vector_store_idx %arg14[%get3A_1871], %broadcast_in_dim3A_101 {add = true} : memref<10240xf32, #tpu.memory_space<vmem>>[vector<16xi32>], vector<16xf32>,
    %get3A_1872 = arith.constant 11 : i32
    %get3A_1873 = arith.index_cast %get3A_1872 : i32 to index
    %get3A_1874 = arith.constant 48 : index
    %get3A_1875 = tpu.vector_load %arg12[%get3A_1873, %get3A_1874] {strides = array<i32>} : memref<25x80xi32, #tpu.memory_space<vmem>>, vector<16xi32>,
    tpu.vector_store_idx %arg14[%get3A_1875], %broadcast_in_dim3A_101 {add = true} : memref<10240xf32, #tpu.memory_space<vmem>>[vector<16xi32>], vector<16xf32>,
    %get3A_1876 = arith.constant 11 : i32
    %get3A_1877 = arith.index_cast %get3A_1876 : i32 to index
    %get3A_1878 = arith.constant 64 : index
    %get3A_1879 = tpu.vector_load %arg12[%get3A_1877, %get3A_1878] {strides = array<i32>} : memref<25x80xi32, #tpu.memory_space<vmem>>, vector<16xi32>,
    tpu.vector_store_idx %arg14[%get3A_1879], %broadcast_in_dim3A_101 {add = true} : memref<10240xf32, #tpu.memory_space<vmem>>[vector<16xi32>], vector<16xf32>,
    %get3A_1880 = arith.constant 12 : i32
    %get3A_1881 = arith.index_cast %get3A_1880 : i32 to index
    %get3A_1882 = arith.constant 0 : index
    %get3A_1883 = tpu.vector_load %arg12[%get3A_1881, %get3A_1882] {strides = array<i32>} : memref<25x80xi32, #tpu.memory_space<vmem>>, vector<16xi32>,
    tpu.vector_store_idx %arg14[%get3A_1883], %broadcast_in_dim3A_101 {add = true} : memref<10240xf32, #tpu.memory_space<vmem>>[vector<16xi32>], vector<16xf32>,
    %get3A_1884 = arith.constant 12 : i32
    %get3A_1885 = arith.index_cast %get3A_1884 : i32 to index
    %get3A_1886 = arith.constant 16 : index
    %get3A_1887 = tpu.vector_load %arg12[%get3A_1885, %get3A_1886] {strides = array<i32>} : memref<25x80xi32, #tpu.memory_space<vmem>>, vector<16xi32>,
    tpu.vector_store_idx %arg14[%get3A_1887], %broadcast_in_dim3A_101 {add = true} : memref<10240xf32, #tpu.memory_space<vmem>>[vector<16xi32>], vector<16xf32>,
    %get3A_1888 = arith.constant 12 : i32
    %get3A_1889 = arith.index_cast %get3A_1888 : i32 to index
    %get3A_1890 = arith.constant 32 : index
    %get3A_1891 = tpu.vector_load %arg12[%get3A_1889, %get3A_1890] {strides = array<i32>} : memref<25x80xi32, #tpu.memory_space<vmem>>, vector<16xi32>,
    tpu.vector_store_idx %arg14[%get3A_1891], %broadcast_in_dim3A_101 {add = true} : memref<10240xf32, #tpu.memory_space<vmem>>[vector<16xi32>], vector<16xf32>,
    %get3A_1892 = arith.constant 12 : i32
    %get3A_1893 = arith.index_cast %get3A_1892 : i32 to index
    %get3A_1894 = arith.constant 48 : index
    %get3A_1895 = tpu.vector_load %arg12[%get3A_1893, %get3A_1894] {strides = array<i32>} : memref<25x80xi32, #tpu.memory_space<vmem>>, vector<16xi32>,
    tpu.vector_store_idx %arg14[%get3A_1895], %broadcast_in_dim3A_101 {add = true} : memref<10240xf32, #tpu.memory_space<vmem>>[vector<16xi32>], vector<16xf32>,
    %get3A_1896 = arith.constant 12 : i32
    %get3A_1897 = arith.index_cast %get3A_1896 : i32 to index
    %get3A_1898 = arith.constant 64 : index
    %get3A_1899 = tpu.vector_load %arg12[%get3A_1897, %get3A_1898] {strides = array<i32>} : memref<25x80xi32, #tpu.memory_space<vmem>>, vector<16xi32>,
    tpu.vector_store_idx %arg14[%get3A_1899], %broadcast_in_dim3A_101 {add = true} : memref<10240xf32, #tpu.memory_space<vmem>>[vector<16xi32>], vector<16xf32>,
    %get3A_1900 = arith.constant 13 : i32
    %get3A_1901 = arith.index_cast %get3A_1900 : i32 to index
    %get3A_1902 = arith.constant 0 : index
    %get3A_1903 = tpu.vector_load %arg12[%get3A_1901, %get3A_1902] {strides = array<i32>} : memref<25x80xi32, #tpu.memory_space<vmem>>, vector<16xi32>,
    tpu.vector_store_idx %arg14[%get3A_1903], %broadcast_in_dim3A_101 {add = true} : memref<10240xf32, #tpu.memory_space<vmem>>[vector<16xi32>], vector<16xf32>,
    %get3A_1904 = arith.constant 13 : i32
    %get3A_1905 = arith.index_cast %get3A_1904 : i32 to index
    %get3A_1906 = arith.constant 16 : index
    %get3A_1907 = tpu.vector_load %arg12[%get3A_1905, %get3A_1906] {strides = array<i32>} : memref<25x80xi32, #tpu.memory_space<vmem>>, vector<16xi32>,
    tpu.vector_store_idx %arg14[%get3A_1907], %broadcast_in_dim3A_101 {add = true} : memref<10240xf32, #tpu.memory_space<vmem>>[vector<16xi32>], vector<16xf32>,
    %get3A_1908 = arith.constant 13 : i32
    %get3A_1909 = arith.index_cast %get3A_1908 : i32 to index
    %get3A_1910 = arith.constant 32 : index
    %get3A_1911 = tpu.vector_load %arg12[%get3A_1909, %get3A_1910] {strides = array<i32>} : memref<25x80xi32, #tpu.memory_space<vmem>>, vector<16xi32>,
    tpu.vector_store_idx %arg14[%get3A_1911], %broadcast_in_dim3A_101 {add = true} : memref<10240xf32, #tpu.memory_space<vmem>>[vector<16xi32>], vector<16xf32>,
    %get3A_1912 = arith.constant 13 : i32
    %get3A_1913 = arith.index_cast %get3A_1912 : i32 to index
    %get3A_1914 = arith.constant 48 : index
    %get3A_1915 = tpu.vector_load %arg12[%get3A_1913, %get3A_1914] {strides = array<i32>} : memref<25x80xi32, #tpu.memory_space<vmem>>, vector<16xi32>,
    tpu.vector_store_idx %arg14[%get3A_1915], %broadcast_in_dim3A_101 {add = true} : memref<10240xf32, #tpu.memory_space<vmem>>[vector<16xi32>], vector<16xf32>,
    %get3A_1916 = arith.constant 13 : i32
    %get3A_1917 = arith.index_cast %get3A_1916 : i32 to index
    %get3A_1918 = arith.constant 64 : index
    %get3A_1919 = tpu.vector_load %arg12[%get3A_1917, %get3A_1918] {strides = array<i32>} : memref<25x80xi32, #tpu.memory_space<vmem>>, vector<16xi32>,
    tpu.vector_store_idx %arg14[%get3A_1919], %broadcast_in_dim3A_101 {add = true} : memref<10240xf32, #tpu.memory_space<vmem>>[vector<16xi32>], vector<16xf32>,
    %get3A_1920 = arith.constant 14 : i32
    %get3A_1921 = arith.index_cast %get3A_1920 : i32 to index
    %get3A_1922 = arith.constant 0 : index
    %get3A_1923 = tpu.vector_load %arg12[%get3A_1921, %get3A_1922] {strides = array<i32>} : memref<25x80xi32, #tpu.memory_space<vmem>>, vector<16xi32>,
    tpu.vector_store_idx %arg14[%get3A_1923], %broadcast_in_dim3A_101 {add = true} : memref<10240xf32, #tpu.memory_space<vmem>>[vector<16xi32>], vector<16xf32>,
    %get3A_1924 = arith.constant 14 : i32
    %get3A_1925 = arith.index_cast %get3A_1924 : i32 to index
    %get3A_1926 = arith.constant 16 : index
    %get3A_1927 = tpu.vector_load %arg12[%get3A_1925, %get3A_1926] {strides = array<i32>} : memref<25x80xi32, #tpu.memory_space<vmem>>, vector<16xi32>,
    tpu.vector_store_idx %arg14[%get3A_1927], %broadcast_in_dim3A_101 {add = true} : memref<10240xf32, #tpu.memory_space<vmem>>[vector<16xi32>], vector<16xf32>,
    %get3A_1928 = arith.constant 14 : i32
    %get3A_1929 = arith.index_cast %get3A_1928 : i32 to index
    %get3A_1930 = arith.constant 32 : index
    %get3A_1931 = tpu.vector_load %arg12[%get3A_1929, %get3A_1930] {strides = array<i32>} : memref<25x80xi32, #tpu.memory_space<vmem>>, vector<16xi32>,
    tpu.vector_store_idx %arg14[%get3A_1931], %broadcast_in_dim3A_101 {add = true} : memref<10240xf32, #tpu.memory_space<vmem>>[vector<16xi32>], vector<16xf32>,
    %get3A_1932 = arith.constant 14 : i32
    %get3A_1933 = arith.index_cast %get3A_1932 : i32 to index
    %get3A_1934 = arith.constant 48 : index
    %get3A_1935 = tpu.vector_load %arg12[%get3A_1933, %get3A_1934] {strides = array<i32>} : memref<25x80xi32, #tpu.memory_space<vmem>>, vector<16xi32>,
    tpu.vector_store_idx %arg14[%get3A_1935], %broadcast_in_dim3A_101 {add = true} : memref<10240xf32, #tpu.memory_space<vmem>>[vector<16xi32>], vector<16xf32>,
    %get3A_1936 = arith.constant 14 : i32
    %get3A_1937 = arith.index_cast %get3A_1936 : i32 to index
    %get3A_1938 = arith.constant 64 : index
    %get3A_1939 = tpu.vector_load %arg12[%get3A_1937, %get3A_1938] {strides = array<i32>} : memref<25x80xi32, #tpu.memory_space<vmem>>, vector<16xi32>,
    tpu.vector_store_idx %arg14[%get3A_1939], %broadcast_in_dim3A_101 {add = true} : memref<10240xf32, #tpu.memory_space<vmem>>[vector<16xi32>], vector<16xf32>,
    %get3A_1940 = arith.constant 15 : i32
    %get3A_1941 = arith.index_cast %get3A_1940 : i32 to index
    %get3A_1942 = arith.constant 0 : index
    %get3A_1943 = tpu.vector_load %arg12[%get3A_1941, %get3A_1942] {strides = array<i32>} : memref<25x80xi32, #tpu.memory_space<vmem>>, vector<16xi32>,
    tpu.vector_store_idx %arg14[%get3A_1943], %broadcast_in_dim3A_101 {add = true} : memref<10240xf32, #tpu.memory_space<vmem>>[vector<16xi32>], vector<16xf32>,
    %get3A_1944 = arith.constant 15 : i32
    %get3A_1945 = arith.index_cast %get3A_1944 : i32 to index
    %get3A_1946 = arith.constant 16 : index
    %get3A_1947 = tpu.vector_load %arg12[%get3A_1945, %get3A_1946] {strides = array<i32>} : memref<25x80xi32, #tpu.memory_space<vmem>>, vector<16xi32>,
    tpu.vector_store_idx %arg14[%get3A_1947], %broadcast_in_dim3A_101 {add = true} : memref<10240xf32, #tpu.memory_space<vmem>>[vector<16xi32>], vector<16xf32>,
    %get3A_1948 = arith.constant 15 : i32
    %get3A_1949 = arith.index_cast %get3A_1948 : i32 to index
    %get3A_1950 = arith.constant 32 : index
    %get3A_1951 = tpu.vector_load %arg12[%get3A_1949, %get3A_1950] {strides = array<i32>} : memref<25x80xi32, #tpu.memory_space<vmem>>, vector<16xi32>,
    tpu.vector_store_idx %arg14[%get3A_1951], %broadcast_in_dim3A_101 {add = true} : memref<10240xf32, #tpu.memory_space<vmem>>[vector<16xi32>], vector<16xf32>,
    %get3A_1952 = arith.constant 15 : i32
    %get3A_1953 = arith.index_cast %get3A_1952 : i32 to index
    %get3A_1954 = arith.constant 48 : index
    %get3A_1955 = tpu.vector_load %arg12[%get3A_1953, %get3A_1954] {strides = array<i32>} : memref<25x80xi32, #tpu.memory_space<vmem>>, vector<16xi32>,
    tpu.vector_store_idx %arg14[%get3A_1955], %broadcast_in_dim3A_101 {add = true} : memref<10240xf32, #tpu.memory_space<vmem>>[vector<16xi32>], vector<16xf32>,
    %get3A_1956 = arith.constant 15 : i32
    %get3A_1957 = arith.index_cast %get3A_1956 : i32 to index
    %get3A_1958 = arith.constant 64 : index
    %get3A_1959 = tpu.vector_load %arg12[%get3A_1957, %get3A_1958] {strides = array<i32>} : memref<25x80xi32, #tpu.memory_space<vmem>>, vector<16xi32>,
    tpu.vector_store_idx %arg14[%get3A_1959], %broadcast_in_dim3A_101 {add = true} : memref<10240xf32, #tpu.memory_space<vmem>>[vector<16xi32>], vector<16xf32>,
    %get3A_1960 = arith.constant 16 : i32
    %get3A_1961 = arith.index_cast %get3A_1960 : i32 to index
    %get3A_1962 = arith.constant 0 : index
    %get3A_1963 = tpu.vector_load %arg12[%get3A_1961, %get3A_1962] {strides = array<i32>} : memref<25x80xi32, #tpu.memory_space<vmem>>, vector<16xi32>,
    tpu.vector_store_idx %arg14[%get3A_1963], %broadcast_in_dim3A_101 {add = true} : memref<10240xf32, #tpu.memory_space<vmem>>[vector<16xi32>], vector<16xf32>,
    %get3A_1964 = arith.constant 16 : i32
    %get3A_1965 = arith.index_cast %get3A_1964 : i32 to index
    %get3A_1966 = arith.constant 16 : index
    %get3A_1967 = tpu.vector_load %arg12[%get3A_1965, %get3A_1966] {strides = array<i32>} : memref<25x80xi32, #tpu.memory_space<vmem>>, vector<16xi32>,
    tpu.vector_store_idx %arg14[%get3A_1967], %broadcast_in_dim3A_101 {add = true} : memref<10240xf32, #tpu.memory_space<vmem>>[vector<16xi32>], vector<16xf32>,
    %get3A_1968 = arith.constant 16 : i32
    %get3A_1969 = arith.index_cast %get3A_1968 : i32 to index
    %get3A_1970 = arith.constant 32 : index
    %get3A_1971 = tpu.vector_load %arg12[%get3A_1969, %get3A_1970] {strides = array<i32>} : memref<25x80xi32, #tpu.memory_space<vmem>>, vector<16xi32>,
    tpu.vector_store_idx %arg14[%get3A_1971], %broadcast_in_dim3A_101 {add = true} : memref<10240xf32, #tpu.memory_space<vmem>>[vector<16xi32>], vector<16xf32>,
    %get3A_1972 = arith.constant 16 : i32
    %get3A_1973 = arith.index_cast %get3A_1972 : i32 to index
    %get3A_1974 = arith.constant 48 : index
    %get3A_1975 = tpu.vector_load %arg12[%get3A_1973, %get3A_1974] {strides = array<i32>} : memref<25x80xi32, #tpu.memory_space<vmem>>, vector<16xi32>,
    tpu.vector_store_idx %arg14[%get3A_1975], %broadcast_in_dim3A_101 {add = true} : memref<10240xf32, #tpu.memory_space<vmem>>[vector<16xi32>], vector<16xf32>,
    %get3A_1976 = arith.constant 16 : i32
    %get3A_1977 = arith.index_cast %get3A_1976 : i32 to index
    %get3A_1978 = arith.constant 64 : index
    %get3A_1979 = tpu.vector_load %arg12[%get3A_1977, %get3A_1978] {strides = array<i32>} : memref<25x80xi32, #tpu.memory_space<vmem>>, vector<16xi32>,
    tpu.vector_store_idx %arg14[%get3A_1979], %broadcast_in_dim3A_101 {add = true} : memref<10240xf32, #tpu.memory_space<vmem>>[vector<16xi32>], vector<16xf32>,
    %get3A_1980 = arith.constant 17 : i32
    %get3A_1981 = arith.index_cast %get3A_1980 : i32 to index
    %get3A_1982 = arith.constant 0 : index
    %get3A_1983 = tpu.vector_load %arg12[%get3A_1981, %get3A_1982] {strides = array<i32>} : memref<25x80xi32, #tpu.memory_space<vmem>>, vector<16xi32>,
    tpu.vector_store_idx %arg14[%get3A_1983], %broadcast_in_dim3A_101 {add = true} : memref<10240xf32, #tpu.memory_space<vmem>>[vector<16xi32>], vector<16xf32>,
    %get3A_1984 = arith.constant 17 : i32
    %get3A_1985 = arith.index_cast %get3A_1984 : i32 to index
    %get3A_1986 = arith.constant 16 : index
    %get3A_1987 = tpu.vector_load %arg12[%get3A_1985, %get3A_1986] {strides = array<i32>} : memref<25x80xi32, #tpu.memory_space<vmem>>, vector<16xi32>,
    tpu.vector_store_idx %arg14[%get3A_1987], %broadcast_in_dim3A_101 {add = true} : memref<10240xf32, #tpu.memory_space<vmem>>[vector<16xi32>], vector<16xf32>,
    %get3A_1988 = arith.constant 17 : i32
    %get3A_1989 = arith.index_cast %get3A_1988 : i32 to index
    %get3A_1990 = arith.constant 32 : index
    %get3A_1991 = tpu.vector_load %arg12[%get3A_1989, %get3A_1990] {strides = array<i32>} : memref<25x80xi32, #tpu.memory_space<vmem>>, vector<16xi32>,
    tpu.vector_store_idx %arg14[%get3A_1991], %broadcast_in_dim3A_101 {add = true} : memref<10240xf32, #tpu.memory_space<vmem>>[vector<16xi32>], vector<16xf32>,
    %get3A_1992 = arith.constant 17 : i32
    %get3A_1993 = arith.index_cast %get3A_1992 : i32 to index
    %get3A_1994 = arith.constant 48 : index
    %get3A_1995 = tpu.vector_load %arg12[%get3A_1993, %get3A_1994] {strides = array<i32>} : memref<25x80xi32, #tpu.memory_space<vmem>>, vector<16xi32>,
    tpu.vector_store_idx %arg14[%get3A_1995], %broadcast_in_dim3A_101 {add = true} : memref<10240xf32, #tpu.memory_space<vmem>>[vector<16xi32>], vector<16xf32>,
    %get3A_1996 = arith.constant 17 : i32
    %get3A_1997 = arith.index_cast %get3A_1996 : i32 to index
    %get3A_1998 = arith.constant 64 : index
    %get3A_1999 = tpu.vector_load %arg12[%get3A_1997, %get3A_1998] {strides = array<i32>} : memref<25x80xi32, #tpu.memory_space<vmem>>, vector<16xi32>,
    tpu.vector_store_idx %arg14[%get3A_1999], %broadcast_in_dim3A_101 {add = true} : memref<10240xf32, #tpu.memory_space<vmem>>[vector<16xi32>], vector<16xf32>,
    %get3A_2000 = arith.constant 18 : i32
    %get3A_2001 = arith.index_cast %get3A_2000 : i32 to index
    %get3A_2002 = arith.constant 0 : index
    %get3A_2003 = tpu.vector_load %arg12[%get3A_2001, %get3A_2002] {strides = array<i32>} : memref<25x80xi32, #tpu.memory_space<vmem>>, vector<16xi32>,
    tpu.vector_store_idx %arg14[%get3A_2003], %broadcast_in_dim3A_101 {add = true} : memref<10240xf32, #tpu.memory_space<vmem>>[vector<16xi32>], vector<16xf32>,
    %get3A_2004 = arith.constant 18 : i32
    %get3A_2005 = arith.index_cast %get3A_2004 : i32 to index
    %get3A_2006 = arith.constant 16 : index
    %get3A_2007 = tpu.vector_load %arg12[%get3A_2005, %get3A_2006] {strides = array<i32>} : memref<25x80xi32, #tpu.memory_space<vmem>>, vector<16xi32>,
    tpu.vector_store_idx %arg14[%get3A_2007], %broadcast_in_dim3A_101 {add = true} : memref<10240xf32, #tpu.memory_space<vmem>>[vector<16xi32>], vector<16xf32>,
    %get3A_2008 = arith.constant 18 : i32
    %get3A_2009 = arith.index_cast %get3A_2008 : i32 to index
    %get3A_2010 = arith.constant 32 : index
    %get3A_2011 = tpu.vector_load %arg12[%get3A_2009, %get3A_2010] {strides = array<i32>} : memref<25x80xi32, #tpu.memory_space<vmem>>, vector<16xi32>,
    tpu.vector_store_idx %arg14[%get3A_2011], %broadcast_in_dim3A_101 {add = true} : memref<10240xf32, #tpu.memory_space<vmem>>[vector<16xi32>], vector<16xf32>,
    %get3A_2012 = arith.constant 18 : i32
    %get3A_2013 = arith.index_cast %get3A_2012 : i32 to index
    %get3A_2014 = arith.constant 48 : index
    %get3A_2015 = tpu.vector_load %arg12[%get3A_2013, %get3A_2014] {strides = array<i32>} : memref<25x80xi32, #tpu.memory_space<vmem>>, vector<16xi32>,
    tpu.vector_store_idx %arg14[%get3A_2015], %broadcast_in_dim3A_101 {add = true} : memref<10240xf32, #tpu.memory_space<vmem>>[vector<16xi32>], vector<16xf32>,
    %get3A_2016 = arith.constant 18 : i32
    %get3A_2017 = arith.index_cast %get3A_2016 : i32 to index
    %get3A_2018 = arith.constant 64 : index
    %get3A_2019 = tpu.vector_load %arg12[%get3A_2017, %get3A_2018] {strides = array<i32>} : memref<25x80xi32, #tpu.memory_space<vmem>>, vector<16xi32>,
    tpu.vector_store_idx %arg14[%get3A_2019], %broadcast_in_dim3A_101 {add = true} : memref<10240xf32, #tpu.memory_space<vmem>>[vector<16xi32>], vector<16xf32>,
    %get3A_2020 = arith.constant 19 : i32
    %get3A_2021 = arith.index_cast %get3A_2020 : i32 to index
    %get3A_2022 = arith.constant 0 : index
    %get3A_2023 = tpu.vector_load %arg12[%get3A_2021, %get3A_2022] {strides = array<i32>} : memref<25x80xi32, #tpu.memory_space<vmem>>, vector<16xi32>,
    tpu.vector_store_idx %arg14[%get3A_2023], %broadcast_in_dim3A_101 {add = true} : memref<10240xf32, #tpu.memory_space<vmem>>[vector<16xi32>], vector<16xf32>,
    %get3A_2024 = arith.constant 19 : i32
    %get3A_2025 = arith.index_cast %get3A_2024 : i32 to index
    %get3A_2026 = arith.constant 16 : index
    %get3A_2027 = tpu.vector_load %arg12[%get3A_2025, %get3A_2026] {strides = array<i32>} : memref<25x80xi32, #tpu.memory_space<vmem>>, vector<16xi32>,
    tpu.vector_store_idx %arg14[%get3A_2027], %broadcast_in_dim3A_101 {add = true} : memref<10240xf32, #tpu.memory_space<vmem>>[vector<16xi32>], vector<16xf32>,
    %get3A_2028 = arith.constant 19 : i32
    %get3A_2029 = arith.index_cast %get3A_2028 : i32 to index
    %get3A_2030 = arith.constant 32 : index
    %get3A_2031 = tpu.vector_load %arg12[%get3A_2029, %get3A_2030] {strides = array<i32>} : memref<25x80xi32, #tpu.memory_space<vmem>>, vector<16xi32>,
    tpu.vector_store_idx %arg14[%get3A_2031], %broadcast_in_dim3A_101 {add = true} : memref<10240xf32, #tpu.memory_space<vmem>>[vector<16xi32>], vector<16xf32>,
    %get3A_2032 = arith.constant 19 : i32
    %get3A_2033 = arith.index_cast %get3A_2032 : i32 to index
    %get3A_2034 = arith.constant 48 : index
    %get3A_2035 = tpu.vector_load %arg12[%get3A_2033, %get3A_2034] {strides = array<i32>} : memref<25x80xi32, #tpu.memory_space<vmem>>, vector<16xi32>,
    tpu.vector_store_idx %arg14[%get3A_2035], %broadcast_in_dim3A_101 {add = true} : memref<10240xf32, #tpu.memory_space<vmem>>[vector<16xi32>], vector<16xf32>,
    %get3A_2036 = arith.constant 19 : i32
    %get3A_2037 = arith.index_cast %get3A_2036 : i32 to index
    %get3A_2038 = arith.constant 64 : index
    %get3A_2039 = tpu.vector_load %arg12[%get3A_2037, %get3A_2038] {strides = array<i32>} : memref<25x80xi32, #tpu.memory_space<vmem>>, vector<16xi32>,
    tpu.vector_store_idx %arg14[%get3A_2039], %broadcast_in_dim3A_101 {add = true} : memref<10240xf32, #tpu.memory_space<vmem>>[vector<16xi32>], vector<16xf32>,
    %get3A_2040 = arith.constant 20 : i32
    %get3A_2041 = arith.index_cast %get3A_2040 : i32 to index
    %get3A_2042 = arith.constant 0 : index
    %get3A_2043 = tpu.vector_load %arg12[%get3A_2041, %get3A_2042] {strides = array<i32>} : memref<25x80xi32, #tpu.memory_space<vmem>>, vector<16xi32>,
    tpu.vector_store_idx %arg14[%get3A_2043], %broadcast_in_dim3A_101 {add = true} : memref<10240xf32, #tpu.memory_space<vmem>>[vector<16xi32>], vector<16xf32>,
    %get3A_2044 = arith.constant 20 : i32
    %get3A_2045 = arith.index_cast %get3A_2044 : i32 to index
    %get3A_2046 = arith.constant 16 : index
    %get3A_2047 = tpu.vector_load %arg12[%get3A_2045, %get3A_2046] {strides = array<i32>} : memref<25x80xi32, #tpu.memory_space<vmem>>, vector<16xi32>,
    tpu.vector_store_idx %arg14[%get3A_2047], %broadcast_in_dim3A_101 {add = true} : memref<10240xf32, #tpu.memory_space<vmem>>[vector<16xi32>], vector<16xf32>,
    %get3A_2048 = arith.constant 20 : i32
    %get3A_2049 = arith.index_cast %get3A_2048 : i32 to index
    %get3A_2050 = arith.constant 32 : index
    %get3A_2051 = tpu.vector_load %arg12[%get3A_2049, %get3A_2050] {strides = array<i32>} : memref<25x80xi32, #tpu.memory_space<vmem>>, vector<16xi32>,
    tpu.vector_store_idx %arg14[%get3A_2051], %broadcast_in_dim3A_101 {add = true} : memref<10240xf32, #tpu.memory_space<vmem>>[vector<16xi32>], vector<16xf32>,
    %get3A_2052 = arith.constant 20 : i32
    %get3A_2053 = arith.index_cast %get3A_2052 : i32 to index
    %get3A_2054 = arith.constant 48 : index
    %get3A_2055 = tpu.vector_load %arg12[%get3A_2053, %get3A_2054] {strides = array<i32>} : memref<25x80xi32, #tpu.memory_space<vmem>>, vector<16xi32>,
    tpu.vector_store_idx %arg14[%get3A_2055], %broadcast_in_dim3A_101 {add = true} : memref<10240xf32, #tpu.memory_space<vmem>>[vector<16xi32>], vector<16xf32>,
    %get3A_2056 = arith.constant 20 : i32
    %get3A_2057 = arith.index_cast %get3A_2056 : i32 to index
    %get3A_2058 = arith.constant 64 : index
    %get3A_2059 = tpu.vector_load %arg12[%get3A_2057, %get3A_2058] {strides = array<i32>} : memref<25x80xi32, #tpu.memory_space<vmem>>, vector<16xi32>,
    tpu.vector_store_idx %arg14[%get3A_2059], %broadcast_in_dim3A_101 {add = true} : memref<10240xf32, #tpu.memory_space<vmem>>[vector<16xi32>], vector<16xf32>,
    %get3A_2060 = arith.constant 21 : i32
    %get3A_2061 = arith.index_cast %get3A_2060 : i32 to index
    %get3A_2062 = arith.constant 0 : index
    %get3A_2063 = tpu.vector_load %arg12[%get3A_2061, %get3A_2062] {strides = array<i32>} : memref<25x80xi32, #tpu.memory_space<vmem>>, vector<16xi32>,
    tpu.vector_store_idx %arg14[%get3A_2063], %broadcast_in_dim3A_101 {add = true} : memref<10240xf32, #tpu.memory_space<vmem>>[vector<16xi32>], vector<16xf32>,
    %get3A_2064 = arith.constant 21 : i32
    %get3A_2065 = arith.index_cast %get3A_2064 : i32 to index
    %get3A_2066 = arith.constant 16 : index
    %get3A_2067 = tpu.vector_load %arg12[%get3A_2065, %get3A_2066] {strides = array<i32>} : memref<25x80xi32, #tpu.memory_space<vmem>>, vector<16xi32>,
    tpu.vector_store_idx %arg14[%get3A_2067], %broadcast_in_dim3A_101 {add = true} : memref<10240xf32, #tpu.memory_space<vmem>>[vector<16xi32>], vector<16xf32>,
    %get3A_2068 = arith.constant 21 : i32
    %get3A_2069 = arith.index_cast %get3A_2068 : i32 to index
    %get3A_2070 = arith.constant 32 : index
    %get3A_2071 = tpu.vector_load %arg12[%get3A_2069, %get3A_2070] {strides = array<i32>} : memref<25x80xi32, #tpu.memory_space<vmem>>, vector<16xi32>,
    tpu.vector_store_idx %arg14[%get3A_2071], %broadcast_in_dim3A_101 {add = true} : memref<10240xf32, #tpu.memory_space<vmem>>[vector<16xi32>], vector<16xf32>,
    %get3A_2072 = arith.constant 21 : i32
    %get3A_2073 = arith.index_cast %get3A_2072 : i32 to index
    %get3A_2074 = arith.constant 48 : index
    %get3A_2075 = tpu.vector_load %arg12[%get3A_2073, %get3A_2074] {strides = array<i32>} : memref<25x80xi32, #tpu.memory_space<vmem>>, vector<16xi32>,
    tpu.vector_store_idx %arg14[%get3A_2075], %broadcast_in_dim3A_101 {add = true} : memref<10240xf32, #tpu.memory_space<vmem>>[vector<16xi32>], vector<16xf32>,
    %get3A_2076 = arith.constant 21 : i32
    %get3A_2077 = arith.index_cast %get3A_2076 : i32 to index
    %get3A_2078 = arith.constant 64 : index
    %get3A_2079 = tpu.vector_load %arg12[%get3A_2077, %get3A_2078] {strides = array<i32>} : memref<25x80xi32, #tpu.memory_space<vmem>>, vector<16xi32>,
    tpu.vector_store_idx %arg14[%get3A_2079], %broadcast_in_dim3A_101 {add = true} : memref<10240xf32, #tpu.memory_space<vmem>>[vector<16xi32>], vector<16xf32>,
    %get3A_2080 = arith.constant 22 : i32
    %get3A_2081 = arith.index_cast %get3A_2080 : i32 to index
    %get3A_2082 = arith.constant 0 : index
    %get3A_2083 = tpu.vector_load %arg12[%get3A_2081, %get3A_2082] {strides = array<i32>} : memref<25x80xi32, #tpu.memory_space<vmem>>, vector<16xi32>,
    tpu.vector_store_idx %arg14[%get3A_2083], %broadcast_in_dim3A_101 {add = true} : memref<10240xf32, #tpu.memory_space<vmem>>[vector<16xi32>], vector<16xf32>,
    %get3A_2084 = arith.constant 22 : i32
    %get3A_2085 = arith.index_cast %get3A_2084 : i32 to index
    %get3A_2086 = arith.constant 16 : index
    %get3A_2087 = tpu.vector_load %arg12[%get3A_2085, %get3A_2086] {strides = array<i32>} : memref<25x80xi32, #tpu.memory_space<vmem>>, vector<16xi32>,
    tpu.vector_store_idx %arg14[%get3A_2087], %broadcast_in_dim3A_101 {add = true} : memref<10240xf32, #tpu.memory_space<vmem>>[vector<16xi32>], vector<16xf32>,
    %get3A_2088 = arith.constant 22 : i32
    %get3A_2089 = arith.index_cast %get3A_2088 : i32 to index
    %get3A_2090 = arith.constant 32 : index
    %get3A_2091 = tpu.vector_load %arg12[%get3A_2089, %get3A_2090] {strides = array<i32>} : memref<25x80xi32, #tpu.memory_space<vmem>>, vector<16xi32>,
    tpu.vector_store_idx %arg14[%get3A_2091], %broadcast_in_dim3A_101 {add = true} : memref<10240xf32, #tpu.memory_space<vmem>>[vector<16xi32>], vector<16xf32>,
    %get3A_2092 = arith.constant 22 : i32
    %get3A_2093 = arith.index_cast %get3A_2092 : i32 to index
    %get3A_2094 = arith.constant 48 : index
    %get3A_2095 = tpu.vector_load %arg12[%get3A_2093, %get3A_2094] {strides = array<i32>} : memref<25x80xi32, #tpu.memory_space<vmem>>, vector<16xi32>,
    tpu.vector_store_idx %arg14[%get3A_2095], %broadcast_in_dim3A_101 {add = true} : memref<10240xf32, #tpu.memory_space<vmem>>[vector<16xi32>], vector<16xf32>,
    %get3A_2096 = arith.constant 22 : i32
    %get3A_2097 = arith.index_cast %get3A_2096 : i32 to index
    %get3A_2098 = arith.constant 64 : index
    %get3A_2099 = tpu.vector_load %arg12[%get3A_2097, %get3A_2098] {strides = array<i32>} : memref<25x80xi32, #tpu.memory_space<vmem>>, vector<16xi32>,
    tpu.vector_store_idx %arg14[%get3A_2099], %broadcast_in_dim3A_101 {add = true} : memref<10240xf32, #tpu.memory_space<vmem>>[vector<16xi32>], vector<16xf32>,
    %get3A_2100 = arith.constant 23 : i32
    %get3A_2101 = arith.index_cast %get3A_2100 : i32 to index
    %get3A_2102 = arith.constant 0 : index
    %get3A_2103 = tpu.vector_load %arg12[%get3A_2101, %get3A_2102] {strides = array<i32>} : memref<25x80xi32, #tpu.memory_space<vmem>>, vector<16xi32>,
    tpu.vector_store_idx %arg14[%get3A_2103], %broadcast_in_dim3A_101 {add = true} : memref<10240xf32, #tpu.memory_space<vmem>>[vector<16xi32>], vector<16xf32>,
    %get3A_2104 = arith.constant 23 : i32
    %get3A_2105 = arith.index_cast %get3A_2104 : i32 to index
    %get3A_2106 = arith.constant 16 : index
    %get3A_2107 = tpu.vector_load %arg12[%get3A_2105, %get3A_2106] {strides = array<i32>} : memref<25x80xi32, #tpu.memory_space<vmem>>, vector<16xi32>,
    tpu.vector_store_idx %arg14[%get3A_2107], %broadcast_in_dim3A_101 {add = true} : memref<10240xf32, #tpu.memory_space<vmem>>[vector<16xi32>], vector<16xf32>,
    %get3A_2108 = arith.constant 23 : i32
    %get3A_2109 = arith.index_cast %get3A_2108 : i32 to index
    %get3A_2110 = arith.constant 32 : index
    %get3A_2111 = tpu.vector_load %arg12[%get3A_2109, %get3A_2110] {strides = array<i32>} : memref<25x80xi32, #tpu.memory_space<vmem>>, vector<16xi32>,
    tpu.vector_store_idx %arg14[%get3A_2111], %broadcast_in_dim3A_101 {add = true} : memref<10240xf32, #tpu.memory_space<vmem>>[vector<16xi32>], vector<16xf32>,
    %get3A_2112 = arith.constant 23 : i32
    %get3A_2113 = arith.index_cast %get3A_2112 : i32 to index
    %get3A_2114 = arith.constant 48 : index
    %get3A_2115 = tpu.vector_load %arg12[%get3A_2113, %get3A_2114] {strides = array<i32>} : memref<25x80xi32, #tpu.memory_space<vmem>>, vector<16xi32>,
    tpu.vector_store_idx %arg14[%get3A_2115], %broadcast_in_dim3A_101 {add = true} : memref<10240xf32, #tpu.memory_space<vmem>>[vector<16xi32>], vector<16xf32>,
    %get3A_2116 = arith.constant 23 : i32
    %get3A_2117 = arith.index_cast %get3A_2116 : i32 to index
    %get3A_2118 = arith.constant 64 : index
    %get3A_2119 = tpu.vector_load %arg12[%get3A_2117, %get3A_2118] {strides = array<i32>} : memref<25x80xi32, #tpu.memory_space<vmem>>, vector<16xi32>,
    tpu.vector_store_idx %arg14[%get3A_2119], %broadcast_in_dim3A_101 {add = true} : memref<10240xf32, #tpu.memory_space<vmem>>[vector<16xi32>], vector<16xf32>,
    %get3A_2120 = arith.constant 24 : i32
    %get3A_2121 = arith.index_cast %get3A_2120 : i32 to index
    %get3A_2122 = arith.constant 0 : index
    %get3A_2123 = tpu.vector_load %arg12[%get3A_2121, %get3A_2122] {strides = array<i32>} : memref<25x80xi32, #tpu.memory_space<vmem>>, vector<16xi32>,
    tpu.vector_store_idx %arg14[%get3A_2123], %broadcast_in_dim3A_101 {add = true} : memref<10240xf32, #tpu.memory_space<vmem>>[vector<16xi32>], vector<16xf32>,
    %get3A_2124 = arith.constant 24 : i32
    %get3A_2125 = arith.index_cast %get3A_2124 : i32 to index
    %get3A_2126 = arith.constant 16 : index
    %get3A_2127 = tpu.vector_load %arg12[%get3A_2125, %get3A_2126] {strides = array<i32>} : memref<25x80xi32, #tpu.memory_space<vmem>>, vector<16xi32>,
    tpu.vector_store_idx %arg14[%get3A_2127], %broadcast_in_dim3A_101 {add = true} : memref<10240xf32, #tpu.memory_space<vmem>>[vector<16xi32>], vector<16xf32>,
    %get3A_2128 = arith.constant 24 : i32
    %get3A_2129 = arith.index_cast %get3A_2128 : i32 to index
    %get3A_2130 = arith.constant 32 : index
    %get3A_2131 = tpu.vector_load %arg12[%get3A_2129, %get3A_2130] {strides = array<i32>} : memref<25x80xi32, #tpu.memory_space<vmem>>, vector<16xi32>,
    tpu.vector_store_idx %arg14[%get3A_2131], %broadcast_in_dim3A_101 {add = true} : memref<10240xf32, #tpu.memory_space<vmem>>[vector<16xi32>], vector<16xf32>,
    %get3A_2132 = arith.constant 24 : i32
    %get3A_2133 = arith.index_cast %get3A_2132 : i32 to index
    %get3A_2134 = arith.constant 48 : index
    %get3A_2135 = tpu.vector_load %arg12[%get3A_2133, %get3A_2134] {strides = array<i32>} : memref<25x80xi32, #tpu.memory_space<vmem>>, vector<16xi32>,
    tpu.vector_store_idx %arg14[%get3A_2135], %broadcast_in_dim3A_101 {add = true} : memref<10240xf32, #tpu.memory_space<vmem>>[vector<16xi32>], vector<16xf32>,
    %get3A_2136 = arith.constant 24 : i32
    %get3A_2137 = arith.index_cast %get3A_2136 : i32 to index
    %get3A_2138 = arith.constant 64 : index
    %get3A_2139 = tpu.vector_load %arg12[%get3A_2137, %get3A_2138] {strides = array<i32>} : memref<25x80xi32, #tpu.memory_space<vmem>>, vector<16xi32>,
    tpu.vector_store_idx %arg14[%get3A_2139], %broadcast_in_dim3A_101 {add = true} : memref<10240xf32, #tpu.memory_space<vmem>>[vector<16xi32>], vector<16xf32>,
    %dma_wait3A_2140 = arith.constant 1 : i32
    %dma_wait3A_2141 = arith.constant 0 : i32
    %dma_wait3A_2142 = arith.constant 0 : i32
    %dma_wait3A_2143 = tpu.memref_slice %arg4[%dma_wait3A_2140, %add3A_89, %dma_wait3A_2141, %dma_wait3A_2142] : memref<2x160x25x80xi32, #tpu.memory_space<hbm>> -> memref<1x1x25x80xi32, #tpu.memory_space<hbm>>
    %dma_wait3A_2144 = tpu.memref_squeeze %dma_wait3A_2143 : memref<1x1x25x80xi32, #tpu.memory_space<hbm>> -> memref<25x80xi32, #tpu.memory_space<hbm>>
    %dma_wait3A_2145 = arith.constant 0 : i32
    %dma_wait3A_2146 = arith.constant 0 : i32
    %dma_wait3A_2147 = tpu.memref_slice %arg4[%dma_wait3A_2140, %add3A_89, %dma_wait3A_2145, %dma_wait3A_2146] : memref<2x160x25x80xi32, #tpu.memory_space<hbm>> -> memref<1x1x25x80xi32, #tpu.memory_space<hbm>>
    %dma_wait3A_2148 = tpu.memref_squeeze %dma_wait3A_2147 : memref<1x1x25x80xi32, #tpu.memory_space<hbm>> -> memref<25x80xi32, #tpu.memory_space<hbm>>
    tpu.wait_dma2 semaphore(%arg16 : memref<!tpu.dma_semaphore, #tpu.memory_space<semaphore_mem>>) src(%dma_wait3A_2148 : memref<25x80xi32, #tpu.memory_space<hbm>>) dst(%arg13 : memref<25x80xi32, #tpu.memory_space<vmem>>)
    %get3A_2149 = arith.constant 0 : i32
    %get3A_2150 = arith.index_cast %get3A_2149 : i32 to index
    %get3A_2151 = arith.constant 0 : index
    %get3A_2152 = tpu.vector_load %arg13[%get3A_2150, %get3A_2151] {strides = array<i32>} : memref<25x80xi32, #tpu.memory_space<vmem>>, vector<16xi32>,
    tpu.vector_store_idx %arg14[%get3A_2152], %broadcast_in_dim3A_101 {add = true} : memref<10240xf32, #tpu.memory_space<vmem>>[vector<16xi32>], vector<16xf32>,
    %get3A_2153 = arith.constant 0 : i32
    %get3A_2154 = arith.index_cast %get3A_2153 : i32 to index
    %get3A_2155 = arith.constant 16 : index
    %get3A_2156 = tpu.vector_load %arg13[%get3A_2154, %get3A_2155] {strides = array<i32>} : memref<25x80xi32, #tpu.memory_space<vmem>>, vector<16xi32>,
    tpu.vector_store_idx %arg14[%get3A_2156], %broadcast_in_dim3A_101 {add = true} : memref<10240xf32, #tpu.memory_space<vmem>>[vector<16xi32>], vector<16xf32>,
    %get3A_2157 = arith.constant 0 : i32
    %get3A_2158 = arith.index_cast %get3A_2157 : i32 to index
    %get3A_2159 = arith.constant 32 : index
    %get3A_2160 = tpu.vector_load %arg13[%get3A_2158, %get3A_2159] {strides = array<i32>} : memref<25x80xi32, #tpu.memory_space<vmem>>, vector<16xi32>,
    tpu.vector_store_idx %arg14[%get3A_2160], %broadcast_in_dim3A_101 {add = true} : memref<10240xf32, #tpu.memory_space<vmem>>[vector<16xi32>], vector<16xf32>,
    %get3A_2161 = arith.constant 0 : i32
    %get3A_2162 = arith.index_cast %get3A_2161 : i32 to index
    %get3A_2163 = arith.constant 48 : index
    %get3A_2164 = tpu.vector_load %arg13[%get3A_2162, %get3A_2163] {strides = array<i32>} : memref<25x80xi32, #tpu.memory_space<vmem>>, vector<16xi32>,
    tpu.vector_store_idx %arg14[%get3A_2164], %broadcast_in_dim3A_101 {add = true} : memref<10240xf32, #tpu.memory_space<vmem>>[vector<16xi32>], vector<16xf32>,
    %get3A_2165 = arith.constant 0 : i32
    %get3A_2166 = arith.index_cast %get3A_2165 : i32 to index
    %get3A_2167 = arith.constant 64 : index
    %get3A_2168 = tpu.vector_load %arg13[%get3A_2166, %get3A_2167] {strides = array<i32>} : memref<25x80xi32, #tpu.memory_space<vmem>>, vector<16xi32>,
    tpu.vector_store_idx %arg14[%get3A_2168], %broadcast_in_dim3A_101 {add = true} : memref<10240xf32, #tpu.memory_space<vmem>>[vector<16xi32>], vector<16xf32>,
    %get3A_2169 = arith.constant 1 : i32
    %get3A_2170 = arith.index_cast %get3A_2169 : i32 to index
    %get3A_2171 = arith.constant 0 : index
    %get3A_2172 = tpu.vector_load %arg13[%get3A_2170, %get3A_2171] {strides = array<i32>} : memref<25x80xi32, #tpu.memory_space<vmem>>, vector<16xi32>,
    tpu.vector_store_idx %arg14[%get3A_2172], %broadcast_in_dim3A_101 {add = true} : memref<10240xf32, #tpu.memory_space<vmem>>[vector<16xi32>], vector<16xf32>,
    %get3A_2173 = arith.constant 1 : i32
    %get3A_2174 = arith.index_cast %get3A_2173 : i32 to index
    %get3A_2175 = arith.constant 16 : index
    %get3A_2176 = tpu.vector_load %arg13[%get3A_2174, %get3A_2175] {strides = array<i32>} : memref<25x80xi32, #tpu.memory_space<vmem>>, vector<16xi32>,
    tpu.vector_store_idx %arg14[%get3A_2176], %broadcast_in_dim3A_101 {add = true} : memref<10240xf32, #tpu.memory_space<vmem>>[vector<16xi32>], vector<16xf32>,
    %get3A_2177 = arith.constant 1 : i32
    %get3A_2178 = arith.index_cast %get3A_2177 : i32 to index
    %get3A_2179 = arith.constant 32 : index
    %get3A_2180 = tpu.vector_load %arg13[%get3A_2178, %get3A_2179] {strides = array<i32>} : memref<25x80xi32, #tpu.memory_space<vmem>>, vector<16xi32>,
    tpu.vector_store_idx %arg14[%get3A_2180], %broadcast_in_dim3A_101 {add = true} : memref<10240xf32, #tpu.memory_space<vmem>>[vector<16xi32>], vector<16xf32>,
    %get3A_2181 = arith.constant 1 : i32
    %get3A_2182 = arith.index_cast %get3A_2181 : i32 to index
    %get3A_2183 = arith.constant 48 : index
    %get3A_2184 = tpu.vector_load %arg13[%get3A_2182, %get3A_2183] {strides = array<i32>} : memref<25x80xi32, #tpu.memory_space<vmem>>, vector<16xi32>,
    tpu.vector_store_idx %arg14[%get3A_2184], %broadcast_in_dim3A_101 {add = true} : memref<10240xf32, #tpu.memory_space<vmem>>[vector<16xi32>], vector<16xf32>,
    %get3A_2185 = arith.constant 1 : i32
    %get3A_2186 = arith.index_cast %get3A_2185 : i32 to index
    %get3A_2187 = arith.constant 64 : index
    %get3A_2188 = tpu.vector_load %arg13[%get3A_2186, %get3A_2187] {strides = array<i32>} : memref<25x80xi32, #tpu.memory_space<vmem>>, vector<16xi32>,
    tpu.vector_store_idx %arg14[%get3A_2188], %broadcast_in_dim3A_101 {add = true} : memref<10240xf32, #tpu.memory_space<vmem>>[vector<16xi32>], vector<16xf32>,
    %get3A_2189 = arith.constant 2 : i32
    %get3A_2190 = arith.index_cast %get3A_2189 : i32 to index
    %get3A_2191 = arith.constant 0 : index
    %get3A_2192 = tpu.vector_load %arg13[%get3A_2190, %get3A_2191] {strides = array<i32>} : memref<25x80xi32, #tpu.memory_space<vmem>>, vector<16xi32>,
    tpu.vector_store_idx %arg14[%get3A_2192], %broadcast_in_dim3A_101 {add = true} : memref<10240xf32, #tpu.memory_space<vmem>>[vector<16xi32>], vector<16xf32>,
    %get3A_2193 = arith.constant 2 : i32
    %get3A_2194 = arith.index_cast %get3A_2193 : i32 to index
    %get3A_2195 = arith.constant 16 : index
    %get3A_2196 = tpu.vector_load %arg13[%get3A_2194, %get3A_2195] {strides = array<i32>} : memref<25x80xi32, #tpu.memory_space<vmem>>, vector<16xi32>,
    tpu.vector_store_idx %arg14[%get3A_2196], %broadcast_in_dim3A_101 {add = true} : memref<10240xf32, #tpu.memory_space<vmem>>[vector<16xi32>], vector<16xf32>,
    %get3A_2197 = arith.constant 2 : i32
    %get3A_2198 = arith.index_cast %get3A_2197 : i32 to index
    %get3A_2199 = arith.constant 32 : index
    %get3A_2200 = tpu.vector_load %arg13[%get3A_2198, %get3A_2199] {strides = array<i32>} : memref<25x80xi32, #tpu.memory_space<vmem>>, vector<16xi32>,
    tpu.vector_store_idx %arg14[%get3A_2200], %broadcast_in_dim3A_101 {add = true} : memref<10240xf32, #tpu.memory_space<vmem>>[vector<16xi32>], vector<16xf32>,
    %get3A_2201 = arith.constant 2 : i32
    %get3A_2202 = arith.index_cast %get3A_2201 : i32 to index
    %get3A_2203 = arith.constant 48 : index
    %get3A_2204 = tpu.vector_load %arg13[%get3A_2202, %get3A_2203] {strides = array<i32>} : memref<25x80xi32, #tpu.memory_space<vmem>>, vector<16xi32>,
    tpu.vector_store_idx %arg14[%get3A_2204], %broadcast_in_dim3A_101 {add = true} : memref<10240xf32, #tpu.memory_space<vmem>>[vector<16xi32>], vector<16xf32>,
    %get3A_2205 = arith.constant 2 : i32
    %get3A_2206 = arith.index_cast %get3A_2205 : i32 to index
    %get3A_2207 = arith.constant 64 : index
    %get3A_2208 = tpu.vector_load %arg13[%get3A_2206, %get3A_2207] {strides = array<i32>} : memref<25x80xi32, #tpu.memory_space<vmem>>, vector<16xi32>,
    tpu.vector_store_idx %arg14[%get3A_2208], %broadcast_in_dim3A_101 {add = true} : memref<10240xf32, #tpu.memory_space<vmem>>[vector<16xi32>], vector<16xf32>,
    %get3A_2209 = arith.constant 3 : i32
    %get3A_2210 = arith.index_cast %get3A_2209 : i32 to index
    %get3A_2211 = arith.constant 0 : index
    %get3A_2212 = tpu.vector_load %arg13[%get3A_2210, %get3A_2211] {strides = array<i32>} : memref<25x80xi32, #tpu.memory_space<vmem>>, vector<16xi32>,
    tpu.vector_store_idx %arg14[%get3A_2212], %broadcast_in_dim3A_101 {add = true} : memref<10240xf32, #tpu.memory_space<vmem>>[vector<16xi32>], vector<16xf32>,
    %get3A_2213 = arith.constant 3 : i32
    %get3A_2214 = arith.index_cast %get3A_2213 : i32 to index
    %get3A_2215 = arith.constant 16 : index
    %get3A_2216 = tpu.vector_load %arg13[%get3A_2214, %get3A_2215] {strides = array<i32>} : memref<25x80xi32, #tpu.memory_space<vmem>>, vector<16xi32>,
    tpu.vector_store_idx %arg14[%get3A_2216], %broadcast_in_dim3A_101 {add = true} : memref<10240xf32, #tpu.memory_space<vmem>>[vector<16xi32>], vector<16xf32>,
    %get3A_2217 = arith.constant 3 : i32
    %get3A_2218 = arith.index_cast %get3A_2217 : i32 to index
    %get3A_2219 = arith.constant 32 : index
    %get3A_2220 = tpu.vector_load %arg13[%get3A_2218, %get3A_2219] {strides = array<i32>} : memref<25x80xi32, #tpu.memory_space<vmem>>, vector<16xi32>,
    tpu.vector_store_idx %arg14[%get3A_2220], %broadcast_in_dim3A_101 {add = true} : memref<10240xf32, #tpu.memory_space<vmem>>[vector<16xi32>], vector<16xf32>,
    %get3A_2221 = arith.constant 3 : i32
    %get3A_2222 = arith.index_cast %get3A_2221 : i32 to index
    %get3A_2223 = arith.constant 48 : index
    %get3A_2224 = tpu.vector_load %arg13[%get3A_2222, %get3A_2223] {strides = array<i32>} : memref<25x80xi32, #tpu.memory_space<vmem>>, vector<16xi32>,
    tpu.vector_store_idx %arg14[%get3A_2224], %broadcast_in_dim3A_101 {add = true} : memref<10240xf32, #tpu.memory_space<vmem>>[vector<16xi32>], vector<16xf32>,
    %get3A_2225 = arith.constant 3 : i32
    %get3A_2226 = arith.index_cast %get3A_2225 : i32 to index
    %get3A_2227 = arith.constant 64 : index
    %get3A_2228 = tpu.vector_load %arg13[%get3A_2226, %get3A_2227] {strides = array<i32>} : memref<25x80xi32, #tpu.memory_space<vmem>>, vector<16xi32>,
    tpu.vector_store_idx %arg14[%get3A_2228], %broadcast_in_dim3A_101 {add = true} : memref<10240xf32, #tpu.memory_space<vmem>>[vector<16xi32>], vector<16xf32>,
    %get3A_2229 = arith.constant 4 : i32
    %get3A_2230 = arith.index_cast %get3A_2229 : i32 to index
    %get3A_2231 = arith.constant 0 : index
    %get3A_2232 = tpu.vector_load %arg13[%get3A_2230, %get3A_2231] {strides = array<i32>} : memref<25x80xi32, #tpu.memory_space<vmem>>, vector<16xi32>,
    tpu.vector_store_idx %arg14[%get3A_2232], %broadcast_in_dim3A_101 {add = true} : memref<10240xf32, #tpu.memory_space<vmem>>[vector<16xi32>], vector<16xf32>,
    %get3A_2233 = arith.constant 4 : i32
    %get3A_2234 = arith.index_cast %get3A_2233 : i32 to index
    %get3A_2235 = arith.constant 16 : index
    %get3A_2236 = tpu.vector_load %arg13[%get3A_2234, %get3A_2235] {strides = array<i32>} : memref<25x80xi32, #tpu.memory_space<vmem>>, vector<16xi32>,
    tpu.vector_store_idx %arg14[%get3A_2236], %broadcast_in_dim3A_101 {add = true} : memref<10240xf32, #tpu.memory_space<vmem>>[vector<16xi32>], vector<16xf32>,
    %get3A_2237 = arith.constant 4 : i32
    %get3A_2238 = arith.index_cast %get3A_2237 : i32 to index
    %get3A_2239 = arith.constant 32 : index
    %get3A_2240 = tpu.vector_load %arg13[%get3A_2238, %get3A_2239] {strides = array<i32>} : memref<25x80xi32, #tpu.memory_space<vmem>>, vector<16xi32>,
    tpu.vector_store_idx %arg14[%get3A_2240], %broadcast_in_dim3A_101 {add = true} : memref<10240xf32, #tpu.memory_space<vmem>>[vector<16xi32>], vector<16xf32>,
    %get3A_2241 = arith.constant 4 : i32
    %get3A_2242 = arith.index_cast %get3A_2241 : i32 to index
    %get3A_2243 = arith.constant 48 : index
    %get3A_2244 = tpu.vector_load %arg13[%get3A_2242, %get3A_2243] {strides = array<i32>} : memref<25x80xi32, #tpu.memory_space<vmem>>, vector<16xi32>,
    tpu.vector_store_idx %arg14[%get3A_2244], %broadcast_in_dim3A_101 {add = true} : memref<10240xf32, #tpu.memory_space<vmem>>[vector<16xi32>], vector<16xf32>,
    %get3A_2245 = arith.constant 4 : i32
    %get3A_2246 = arith.index_cast %get3A_2245 : i32 to index
    %get3A_2247 = arith.constant 64 : index
    %get3A_2248 = tpu.vector_load %arg13[%get3A_2246, %get3A_2247] {strides = array<i32>} : memref<25x80xi32, #tpu.memory_space<vmem>>, vector<16xi32>,
    tpu.vector_store_idx %arg14[%get3A_2248], %broadcast_in_dim3A_101 {add = true} : memref<10240xf32, #tpu.memory_space<vmem>>[vector<16xi32>], vector<16xf32>,
    %get3A_2249 = arith.constant 5 : i32
    %get3A_2250 = arith.index_cast %get3A_2249 : i32 to index
    %get3A_2251 = arith.constant 0 : index
    %get3A_2252 = tpu.vector_load %arg13[%get3A_2250, %get3A_2251] {strides = array<i32>} : memref<25x80xi32, #tpu.memory_space<vmem>>, vector<16xi32>,
    tpu.vector_store_idx %arg14[%get3A_2252], %broadcast_in_dim3A_101 {add = true} : memref<10240xf32, #tpu.memory_space<vmem>>[vector<16xi32>], vector<16xf32>,
    %get3A_2253 = arith.constant 5 : i32
    %get3A_2254 = arith.index_cast %get3A_2253 : i32 to index
    %get3A_2255 = arith.constant 16 : index
    %get3A_2256 = tpu.vector_load %arg13[%get3A_2254, %get3A_2255] {strides = array<i32>} : memref<25x80xi32, #tpu.memory_space<vmem>>, vector<16xi32>,
    tpu.vector_store_idx %arg14[%get3A_2256], %broadcast_in_dim3A_101 {add = true} : memref<10240xf32, #tpu.memory_space<vmem>>[vector<16xi32>], vector<16xf32>,
    %get3A_2257 = arith.constant 5 : i32
    %get3A_2258 = arith.index_cast %get3A_2257 : i32 to index
    %get3A_2259 = arith.constant 32 : index
    %get3A_2260 = tpu.vector_load %arg13[%get3A_2258, %get3A_2259] {strides = array<i32>} : memref<25x80xi32, #tpu.memory_space<vmem>>, vector<16xi32>,
    tpu.vector_store_idx %arg14[%get3A_2260], %broadcast_in_dim3A_101 {add = true} : memref<10240xf32, #tpu.memory_space<vmem>>[vector<16xi32>], vector<16xf32>,
    %get3A_2261 = arith.constant 5 : i32
    %get3A_2262 = arith.index_cast %get3A_2261 : i32 to index
    %get3A_2263 = arith.constant 48 : index
    %get3A_2264 = tpu.vector_load %arg13[%get3A_2262, %get3A_2263] {strides = array<i32>} : memref<25x80xi32, #tpu.memory_space<vmem>>, vector<16xi32>,
    tpu.vector_store_idx %arg14[%get3A_2264], %broadcast_in_dim3A_101 {add = true} : memref<10240xf32, #tpu.memory_space<vmem>>[vector<16xi32>], vector<16xf32>,
    %get3A_2265 = arith.constant 5 : i32
    %get3A_2266 = arith.index_cast %get3A_2265 : i32 to index
    %get3A_2267 = arith.constant 64 : index
    %get3A_2268 = tpu.vector_load %arg13[%get3A_2266, %get3A_2267] {strides = array<i32>} : memref<25x80xi32, #tpu.memory_space<vmem>>, vector<16xi32>,
    tpu.vector_store_idx %arg14[%get3A_2268], %broadcast_in_dim3A_101 {add = true} : memref<10240xf32, #tpu.memory_space<vmem>>[vector<16xi32>], vector<16xf32>,
    %get3A_2269 = arith.constant 6 : i32
    %get3A_2270 = arith.index_cast %get3A_2269 : i32 to index
    %get3A_2271 = arith.constant 0 : index
    %get3A_2272 = tpu.vector_load %arg13[%get3A_2270, %get3A_2271] {strides = array<i32>} : memref<25x80xi32, #tpu.memory_space<vmem>>, vector<16xi32>,
    tpu.vector_store_idx %arg14[%get3A_2272], %broadcast_in_dim3A_101 {add = true} : memref<10240xf32, #tpu.memory_space<vmem>>[vector<16xi32>], vector<16xf32>,
    %get3A_2273 = arith.constant 6 : i32
    %get3A_2274 = arith.index_cast %get3A_2273 : i32 to index
    %get3A_2275 = arith.constant 16 : index
    %get3A_2276 = tpu.vector_load %arg13[%get3A_2274, %get3A_2275] {strides = array<i32>} : memref<25x80xi32, #tpu.memory_space<vmem>>, vector<16xi32>,
    tpu.vector_store_idx %arg14[%get3A_2276], %broadcast_in_dim3A_101 {add = true} : memref<10240xf32, #tpu.memory_space<vmem>>[vector<16xi32>], vector<16xf32>,
    %get3A_2277 = arith.constant 6 : i32
    %get3A_2278 = arith.index_cast %get3A_2277 : i32 to index
    %get3A_2279 = arith.constant 32 : index
    %get3A_2280 = tpu.vector_load %arg13[%get3A_2278, %get3A_2279] {strides = array<i32>} : memref<25x80xi32, #tpu.memory_space<vmem>>, vector<16xi32>,
    tpu.vector_store_idx %arg14[%get3A_2280], %broadcast_in_dim3A_101 {add = true} : memref<10240xf32, #tpu.memory_space<vmem>>[vector<16xi32>], vector<16xf32>,
    %get3A_2281 = arith.constant 6 : i32
    %get3A_2282 = arith.index_cast %get3A_2281 : i32 to index
    %get3A_2283 = arith.constant 48 : index
    %get3A_2284 = tpu.vector_load %arg13[%get3A_2282, %get3A_2283] {strides = array<i32>} : memref<25x80xi32, #tpu.memory_space<vmem>>, vector<16xi32>,
    tpu.vector_store_idx %arg14[%get3A_2284], %broadcast_in_dim3A_101 {add = true} : memref<10240xf32, #tpu.memory_space<vmem>>[vector<16xi32>], vector<16xf32>,
    %get3A_2285 = arith.constant 6 : i32
    %get3A_2286 = arith.index_cast %get3A_2285 : i32 to index
    %get3A_2287 = arith.constant 64 : index
    %get3A_2288 = tpu.vector_load %arg13[%get3A_2286, %get3A_2287] {strides = array<i32>} : memref<25x80xi32, #tpu.memory_space<vmem>>, vector<16xi32>,
    tpu.vector_store_idx %arg14[%get3A_2288], %broadcast_in_dim3A_101 {add = true} : memref<10240xf32, #tpu.memory_space<vmem>>[vector<16xi32>], vector<16xf32>,
    %get3A_2289 = arith.constant 7 : i32
    %get3A_2290 = arith.index_cast %get3A_2289 : i32 to index
    %get3A_2291 = arith.constant 0 : index
    %get3A_2292 = tpu.vector_load %arg13[%get3A_2290, %get3A_2291] {strides = array<i32>} : memref<25x80xi32, #tpu.memory_space<vmem>>, vector<16xi32>,
    tpu.vector_store_idx %arg14[%get3A_2292], %broadcast_in_dim3A_101 {add = true} : memref<10240xf32, #tpu.memory_space<vmem>>[vector<16xi32>], vector<16xf32>,
    %get3A_2293 = arith.constant 7 : i32
    %get3A_2294 = arith.index_cast %get3A_2293 : i32 to index
    %get3A_2295 = arith.constant 16 : index
    %get3A_2296 = tpu.vector_load %arg13[%get3A_2294, %get3A_2295] {strides = array<i32>} : memref<25x80xi32, #tpu.memory_space<vmem>>, vector<16xi32>,
    tpu.vector_store_idx %arg14[%get3A_2296], %broadcast_in_dim3A_101 {add = true} : memref<10240xf32, #tpu.memory_space<vmem>>[vector<16xi32>], vector<16xf32>,
    %get3A_2297 = arith.constant 7 : i32
    %get3A_2298 = arith.index_cast %get3A_2297 : i32 to index
    %get3A_2299 = arith.constant 32 : index
    %get3A_2300 = tpu.vector_load %arg13[%get3A_2298, %get3A_2299] {strides = array<i32>} : memref<25x80xi32, #tpu.memory_space<vmem>>, vector<16xi32>,
    tpu.vector_store_idx %arg14[%get3A_2300], %broadcast_in_dim3A_101 {add = true} : memref<10240xf32, #tpu.memory_space<vmem>>[vector<16xi32>], vector<16xf32>,
    %get3A_2301 = arith.constant 7 : i32
    %get3A_2302 = arith.index_cast %get3A_2301 : i32 to index
    %get3A_2303 = arith.constant 48 : index
    %get3A_2304 = tpu.vector_load %arg13[%get3A_2302, %get3A_2303] {strides = array<i32>} : memref<25x80xi32, #tpu.memory_space<vmem>>, vector<16xi32>,
    tpu.vector_store_idx %arg14[%get3A_2304], %broadcast_in_dim3A_101 {add = true} : memref<10240xf32, #tpu.memory_space<vmem>>[vector<16xi32>], vector<16xf32>,
    %get3A_2305 = arith.constant 7 : i32
    %get3A_2306 = arith.index_cast %get3A_2305 : i32 to index
    %get3A_2307 = arith.constant 64 : index
    %get3A_2308 = tpu.vector_load %arg13[%get3A_2306, %get3A_2307] {strides = array<i32>} : memref<25x80xi32, #tpu.memory_space<vmem>>, vector<16xi32>,
    tpu.vector_store_idx %arg14[%get3A_2308], %broadcast_in_dim3A_101 {add = true} : memref<10240xf32, #tpu.memory_space<vmem>>[vector<16xi32>], vector<16xf32>,
    %get3A_2309 = arith.constant 8 : i32
    %get3A_2310 = arith.index_cast %get3A_2309 : i32 to index
    %get3A_2311 = arith.constant 0 : index
    %get3A_2312 = tpu.vector_load %arg13[%get3A_2310, %get3A_2311] {strides = array<i32>} : memref<25x80xi32, #tpu.memory_space<vmem>>, vector<16xi32>,
    tpu.vector_store_idx %arg14[%get3A_2312], %broadcast_in_dim3A_101 {add = true} : memref<10240xf32, #tpu.memory_space<vmem>>[vector<16xi32>], vector<16xf32>,
    %get3A_2313 = arith.constant 8 : i32
    %get3A_2314 = arith.index_cast %get3A_2313 : i32 to index
    %get3A_2315 = arith.constant 16 : index
    %get3A_2316 = tpu.vector_load %arg13[%get3A_2314, %get3A_2315] {strides = array<i32>} : memref<25x80xi32, #tpu.memory_space<vmem>>, vector<16xi32>,
    tpu.vector_store_idx %arg14[%get3A_2316], %broadcast_in_dim3A_101 {add = true} : memref<10240xf32, #tpu.memory_space<vmem>>[vector<16xi32>], vector<16xf32>,
    %get3A_2317 = arith.constant 8 : i32
    %get3A_2318 = arith.index_cast %get3A_2317 : i32 to index
    %get3A_2319 = arith.constant 32 : index
    %get3A_2320 = tpu.vector_load %arg13[%get3A_2318, %get3A_2319] {strides = array<i32>} : memref<25x80xi32, #tpu.memory_space<vmem>>, vector<16xi32>,
    tpu.vector_store_idx %arg14[%get3A_2320], %broadcast_in_dim3A_101 {add = true} : memref<10240xf32, #tpu.memory_space<vmem>>[vector<16xi32>], vector<16xf32>,
    %get3A_2321 = arith.constant 8 : i32
    %get3A_2322 = arith.index_cast %get3A_2321 : i32 to index
    %get3A_2323 = arith.constant 48 : index
    %get3A_2324 = tpu.vector_load %arg13[%get3A_2322, %get3A_2323] {strides = array<i32>} : memref<25x80xi32, #tpu.memory_space<vmem>>, vector<16xi32>,
    tpu.vector_store_idx %arg14[%get3A_2324], %broadcast_in_dim3A_101 {add = true} : memref<10240xf32, #tpu.memory_space<vmem>>[vector<16xi32>], vector<16xf32>,
    %get3A_2325 = arith.constant 8 : i32
    %get3A_2326 = arith.index_cast %get3A_2325 : i32 to index
    %get3A_2327 = arith.constant 64 : index
    %get3A_2328 = tpu.vector_load %arg13[%get3A_2326, %get3A_2327] {strides = array<i32>} : memref<25x80xi32, #tpu.memory_space<vmem>>, vector<16xi32>,
    tpu.vector_store_idx %arg14[%get3A_2328], %broadcast_in_dim3A_101 {add = true} : memref<10240xf32, #tpu.memory_space<vmem>>[vector<16xi32>], vector<16xf32>,
    %get3A_2329 = arith.constant 9 : i32
    %get3A_2330 = arith.index_cast %get3A_2329 : i32 to index
    %get3A_2331 = arith.constant 0 : index
    %get3A_2332 = tpu.vector_load %arg13[%get3A_2330, %get3A_2331] {strides = array<i32>} : memref<25x80xi32, #tpu.memory_space<vmem>>, vector<16xi32>,
    tpu.vector_store_idx %arg14[%get3A_2332], %broadcast_in_dim3A_101 {add = true} : memref<10240xf32, #tpu.memory_space<vmem>>[vector<16xi32>], vector<16xf32>,
    %get3A_2333 = arith.constant 9 : i32
    %get3A_2334 = arith.index_cast %get3A_2333 : i32 to index
    %get3A_2335 = arith.constant 16 : index
    %get3A_2336 = tpu.vector_load %arg13[%get3A_2334, %get3A_2335] {strides = array<i32>} : memref<25x80xi32, #tpu.memory_space<vmem>>, vector<16xi32>,
    tpu.vector_store_idx %arg14[%get3A_2336], %broadcast_in_dim3A_101 {add = true} : memref<10240xf32, #tpu.memory_space<vmem>>[vector<16xi32>], vector<16xf32>,
    %get3A_2337 = arith.constant 9 : i32
    %get3A_2338 = arith.index_cast %get3A_2337 : i32 to index
    %get3A_2339 = arith.constant 32 : index
    %get3A_2340 = tpu.vector_load %arg13[%get3A_2338, %get3A_2339] {strides = array<i32>} : memref<25x80xi32, #tpu.memory_space<vmem>>, vector<16xi32>,
    tpu.vector_store_idx %arg14[%get3A_2340], %broadcast_in_dim3A_101 {add = true} : memref<10240xf32, #tpu.memory_space<vmem>>[vector<16xi32>], vector<16xf32>,
    %get3A_2341 = arith.constant 9 : i32
    %get3A_2342 = arith.index_cast %get3A_2341 : i32 to index
    %get3A_2343 = arith.constant 48 : index
    %get3A_2344 = tpu.vector_load %arg13[%get3A_2342, %get3A_2343] {strides = array<i32>} : memref<25x80xi32, #tpu.memory_space<vmem>>, vector<16xi32>,
    tpu.vector_store_idx %arg14[%get3A_2344], %broadcast_in_dim3A_101 {add = true} : memref<10240xf32, #tpu.memory_space<vmem>>[vector<16xi32>], vector<16xf32>,
    %get3A_2345 = arith.constant 9 : i32
    %get3A_2346 = arith.index_cast %get3A_2345 : i32 to index
    %get3A_2347 = arith.constant 64 : index
    %get3A_2348 = tpu.vector_load %arg13[%get3A_2346, %get3A_2347] {strides = array<i32>} : memref<25x80xi32, #tpu.memory_space<vmem>>, vector<16xi32>,
    tpu.vector_store_idx %arg14[%get3A_2348], %broadcast_in_dim3A_101 {add = true} : memref<10240xf32, #tpu.memory_space<vmem>>[vector<16xi32>], vector<16xf32>,
    %get3A_2349 = arith.constant 10 : i32
    %get3A_2350 = arith.index_cast %get3A_2349 : i32 to index
    %get3A_2351 = arith.constant 0 : index
    %get3A_2352 = tpu.vector_load %arg13[%get3A_2350, %get3A_2351] {strides = array<i32>} : memref<25x80xi32, #tpu.memory_space<vmem>>, vector<16xi32>,
    tpu.vector_store_idx %arg14[%get3A_2352], %broadcast_in_dim3A_101 {add = true} : memref<10240xf32, #tpu.memory_space<vmem>>[vector<16xi32>], vector<16xf32>,
    %get3A_2353 = arith.constant 10 : i32
    %get3A_2354 = arith.index_cast %get3A_2353 : i32 to index
    %get3A_2355 = arith.constant 16 : index
    %get3A_2356 = tpu.vector_load %arg13[%get3A_2354, %get3A_2355] {strides = array<i32>} : memref<25x80xi32, #tpu.memory_space<vmem>>, vector<16xi32>,
    tpu.vector_store_idx %arg14[%get3A_2356], %broadcast_in_dim3A_101 {add = true} : memref<10240xf32, #tpu.memory_space<vmem>>[vector<16xi32>], vector<16xf32>,
    %get3A_2357 = arith.constant 10 : i32
    %get3A_2358 = arith.index_cast %get3A_2357 : i32 to index
    %get3A_2359 = arith.constant 32 : index
    %get3A_2360 = tpu.vector_load %arg13[%get3A_2358, %get3A_2359] {strides = array<i32>} : memref<25x80xi32, #tpu.memory_space<vmem>>, vector<16xi32>,
    tpu.vector_store_idx %arg14[%get3A_2360], %broadcast_in_dim3A_101 {add = true} : memref<10240xf32, #tpu.memory_space<vmem>>[vector<16xi32>], vector<16xf32>,
    %get3A_2361 = arith.constant 10 : i32
    %get3A_2362 = arith.index_cast %get3A_2361 : i32 to index
    %get3A_2363 = arith.constant 48 : index
    %get3A_2364 = tpu.vector_load %arg13[%get3A_2362, %get3A_2363] {strides = array<i32>} : memref<25x80xi32, #tpu.memory_space<vmem>>, vector<16xi32>,
    tpu.vector_store_idx %arg14[%get3A_2364], %broadcast_in_dim3A_101 {add = true} : memref<10240xf32, #tpu.memory_space<vmem>>[vector<16xi32>], vector<16xf32>,
    %get3A_2365 = arith.constant 10 : i32
    %get3A_2366 = arith.index_cast %get3A_2365 : i32 to index
    %get3A_2367 = arith.constant 64 : index
    %get3A_2368 = tpu.vector_load %arg13[%get3A_2366, %get3A_2367] {strides = array<i32>} : memref<25x80xi32, #tpu.memory_space<vmem>>, vector<16xi32>,
    tpu.vector_store_idx %arg14[%get3A_2368], %broadcast_in_dim3A_101 {add = true} : memref<10240xf32, #tpu.memory_space<vmem>>[vector<16xi32>], vector<16xf32>,
    %get3A_2369 = arith.constant 11 : i32
    %get3A_2370 = arith.index_cast %get3A_2369 : i32 to index
    %get3A_2371 = arith.constant 0 : index
    %get3A_2372 = tpu.vector_load %arg13[%get3A_2370, %get3A_2371] {strides = array<i32>} : memref<25x80xi32, #tpu.memory_space<vmem>>, vector<16xi32>,
    tpu.vector_store_idx %arg14[%get3A_2372], %broadcast_in_dim3A_101 {add = true} : memref<10240xf32, #tpu.memory_space<vmem>>[vector<16xi32>], vector<16xf32>,
    %get3A_2373 = arith.constant 11 : i32
    %get3A_2374 = arith.index_cast %get3A_2373 : i32 to index
    %get3A_2375 = arith.constant 16 : index
    %get3A_2376 = tpu.vector_load %arg13[%get3A_2374, %get3A_2375] {strides = array<i32>} : memref<25x80xi32, #tpu.memory_space<vmem>>, vector<16xi32>,
    tpu.vector_store_idx %arg14[%get3A_2376], %broadcast_in_dim3A_101 {add = true} : memref<10240xf32, #tpu.memory_space<vmem>>[vector<16xi32>], vector<16xf32>,
    %get3A_2377 = arith.constant 11 : i32
    %get3A_2378 = arith.index_cast %get3A_2377 : i32 to index
    %get3A_2379 = arith.constant 32 : index
    %get3A_2380 = tpu.vector_load %arg13[%get3A_2378, %get3A_2379] {strides = array<i32>} : memref<25x80xi32, #tpu.memory_space<vmem>>, vector<16xi32>,
    tpu.vector_store_idx %arg14[%get3A_2380], %broadcast_in_dim3A_101 {add = true} : memref<10240xf32, #tpu.memory_space<vmem>>[vector<16xi32>], vector<16xf32>,
    %get3A_2381 = arith.constant 11 : i32
    %get3A_2382 = arith.index_cast %get3A_2381 : i32 to index
    %get3A_2383 = arith.constant 48 : index
    %get3A_2384 = tpu.vector_load %arg13[%get3A_2382, %get3A_2383] {strides = array<i32>} : memref<25x80xi32, #tpu.memory_space<vmem>>, vector<16xi32>,
    tpu.vector_store_idx %arg14[%get3A_2384], %broadcast_in_dim3A_101 {add = true} : memref<10240xf32, #tpu.memory_space<vmem>>[vector<16xi32>], vector<16xf32>,
    %get3A_2385 = arith.constant 11 : i32
    %get3A_2386 = arith.index_cast %get3A_2385 : i32 to index
    %get3A_2387 = arith.constant 64 : index
    %get3A_2388 = tpu.vector_load %arg13[%get3A_2386, %get3A_2387] {strides = array<i32>} : memref<25x80xi32, #tpu.memory_space<vmem>>, vector<16xi32>,
    tpu.vector_store_idx %arg14[%get3A_2388], %broadcast_in_dim3A_101 {add = true} : memref<10240xf32, #tpu.memory_space<vmem>>[vector<16xi32>], vector<16xf32>,
    %get3A_2389 = arith.constant 12 : i32
    %get3A_2390 = arith.index_cast %get3A_2389 : i32 to index
    %get3A_2391 = arith.constant 0 : index
    %get3A_2392 = tpu.vector_load %arg13[%get3A_2390, %get3A_2391] {strides = array<i32>} : memref<25x80xi32, #tpu.memory_space<vmem>>, vector<16xi32>,
    tpu.vector_store_idx %arg14[%get3A_2392], %broadcast_in_dim3A_101 {add = true} : memref<10240xf32, #tpu.memory_space<vmem>>[vector<16xi32>], vector<16xf32>,
    %get3A_2393 = arith.constant 12 : i32
    %get3A_2394 = arith.index_cast %get3A_2393 : i32 to index
    %get3A_2395 = arith.constant 16 : index
    %get3A_2396 = tpu.vector_load %arg13[%get3A_2394, %get3A_2395] {strides = array<i32>} : memref<25x80xi32, #tpu.memory_space<vmem>>, vector<16xi32>,
    tpu.vector_store_idx %arg14[%get3A_2396], %broadcast_in_dim3A_101 {add = true} : memref<10240xf32, #tpu.memory_space<vmem>>[vector<16xi32>], vector<16xf32>,
    %get3A_2397 = arith.constant 12 : i32
    %get3A_2398 = arith.index_cast %get3A_2397 : i32 to index
    %get3A_2399 = arith.constant 32 : index
    %get3A_2400 = tpu.vector_load %arg13[%get3A_2398, %get3A_2399] {strides = array<i32>} : memref<25x80xi32, #tpu.memory_space<vmem>>, vector<16xi32>,
    tpu.vector_store_idx %arg14[%get3A_2400], %broadcast_in_dim3A_101 {add = true} : memref<10240xf32, #tpu.memory_space<vmem>>[vector<16xi32>], vector<16xf32>,
    %get3A_2401 = arith.constant 12 : i32
    %get3A_2402 = arith.index_cast %get3A_2401 : i32 to index
    %get3A_2403 = arith.constant 48 : index
    %get3A_2404 = tpu.vector_load %arg13[%get3A_2402, %get3A_2403] {strides = array<i32>} : memref<25x80xi32, #tpu.memory_space<vmem>>, vector<16xi32>,
    tpu.vector_store_idx %arg14[%get3A_2404], %broadcast_in_dim3A_101 {add = true} : memref<10240xf32, #tpu.memory_space<vmem>>[vector<16xi32>], vector<16xf32>,
    %get3A_2405 = arith.constant 12 : i32
    %get3A_2406 = arith.index_cast %get3A_2405 : i32 to index
    %get3A_2407 = arith.constant 64 : index
    %get3A_2408 = tpu.vector_load %arg13[%get3A_2406, %get3A_2407] {strides = array<i32>} : memref<25x80xi32, #tpu.memory_space<vmem>>, vector<16xi32>,
    tpu.vector_store_idx %arg14[%get3A_2408], %broadcast_in_dim3A_101 {add = true} : memref<10240xf32, #tpu.memory_space<vmem>>[vector<16xi32>], vector<16xf32>,
    %get3A_2409 = arith.constant 13 : i32
    %get3A_2410 = arith.index_cast %get3A_2409 : i32 to index
    %get3A_2411 = arith.constant 0 : index
    %get3A_2412 = tpu.vector_load %arg13[%get3A_2410, %get3A_2411] {strides = array<i32>} : memref<25x80xi32, #tpu.memory_space<vmem>>, vector<16xi32>,
    tpu.vector_store_idx %arg14[%get3A_2412], %broadcast_in_dim3A_101 {add = true} : memref<10240xf32, #tpu.memory_space<vmem>>[vector<16xi32>], vector<16xf32>,
    %get3A_2413 = arith.constant 13 : i32
    %get3A_2414 = arith.index_cast %get3A_2413 : i32 to index
    %get3A_2415 = arith.constant 16 : index
    %get3A_2416 = tpu.vector_load %arg13[%get3A_2414, %get3A_2415] {strides = array<i32>} : memref<25x80xi32, #tpu.memory_space<vmem>>, vector<16xi32>,
    tpu.vector_store_idx %arg14[%get3A_2416], %broadcast_in_dim3A_101 {add = true} : memref<10240xf32, #tpu.memory_space<vmem>>[vector<16xi32>], vector<16xf32>,
    %get3A_2417 = arith.constant 13 : i32
    %get3A_2418 = arith.index_cast %get3A_2417 : i32 to index
    %get3A_2419 = arith.constant 32 : index
    %get3A_2420 = tpu.vector_load %arg13[%get3A_2418, %get3A_2419] {strides = array<i32>} : memref<25x80xi32, #tpu.memory_space<vmem>>, vector<16xi32>,
    tpu.vector_store_idx %arg14[%get3A_2420], %broadcast_in_dim3A_101 {add = true} : memref<10240xf32, #tpu.memory_space<vmem>>[vector<16xi32>], vector<16xf32>,
    %get3A_2421 = arith.constant 13 : i32
    %get3A_2422 = arith.index_cast %get3A_2421 : i32 to index
    %get3A_2423 = arith.constant 48 : index
    %get3A_2424 = tpu.vector_load %arg13[%get3A_2422, %get3A_2423] {strides = array<i32>} : memref<25x80xi32, #tpu.memory_space<vmem>>, vector<16xi32>,
    tpu.vector_store_idx %arg14[%get3A_2424], %broadcast_in_dim3A_101 {add = true} : memref<10240xf32, #tpu.memory_space<vmem>>[vector<16xi32>], vector<16xf32>,
    %get3A_2425 = arith.constant 13 : i32
    %get3A_2426 = arith.index_cast %get3A_2425 : i32 to index
    %get3A_2427 = arith.constant 64 : index
    %get3A_2428 = tpu.vector_load %arg13[%get3A_2426, %get3A_2427] {strides = array<i32>} : memref<25x80xi32, #tpu.memory_space<vmem>>, vector<16xi32>,
    tpu.vector_store_idx %arg14[%get3A_2428], %broadcast_in_dim3A_101 {add = true} : memref<10240xf32, #tpu.memory_space<vmem>>[vector<16xi32>], vector<16xf32>,
    %get3A_2429 = arith.constant 14 : i32
    %get3A_2430 = arith.index_cast %get3A_2429 : i32 to index
    %get3A_2431 = arith.constant 0 : index
    %get3A_2432 = tpu.vector_load %arg13[%get3A_2430, %get3A_2431] {strides = array<i32>} : memref<25x80xi32, #tpu.memory_space<vmem>>, vector<16xi32>,
    tpu.vector_store_idx %arg14[%get3A_2432], %broadcast_in_dim3A_101 {add = true} : memref<10240xf32, #tpu.memory_space<vmem>>[vector<16xi32>], vector<16xf32>,
    %get3A_2433 = arith.constant 14 : i32
    %get3A_2434 = arith.index_cast %get3A_2433 : i32 to index
    %get3A_2435 = arith.constant 16 : index
    %get3A_2436 = tpu.vector_load %arg13[%get3A_2434, %get3A_2435] {strides = array<i32>} : memref<25x80xi32, #tpu.memory_space<vmem>>, vector<16xi32>,
    tpu.vector_store_idx %arg14[%get3A_2436], %broadcast_in_dim3A_101 {add = true} : memref<10240xf32, #tpu.memory_space<vmem>>[vector<16xi32>], vector<16xf32>,
    %get3A_2437 = arith.constant 14 : i32
    %get3A_2438 = arith.index_cast %get3A_2437 : i32 to index
    %get3A_2439 = arith.constant 32 : index
    %get3A_2440 = tpu.vector_load %arg13[%get3A_2438, %get3A_2439] {strides = array<i32>} : memref<25x80xi32, #tpu.memory_space<vmem>>, vector<16xi32>,
    tpu.vector_store_idx %arg14[%get3A_2440], %broadcast_in_dim3A_101 {add = true} : memref<10240xf32, #tpu.memory_space<vmem>>[vector<16xi32>], vector<16xf32>,
    %get3A_2441 = arith.constant 14 : i32
    %get3A_2442 = arith.index_cast %get3A_2441 : i32 to index
    %get3A_2443 = arith.constant 48 : index
    %get3A_2444 = tpu.vector_load %arg13[%get3A_2442, %get3A_2443] {strides = array<i32>} : memref<25x80xi32, #tpu.memory_space<vmem>>, vector<16xi32>,
    tpu.vector_store_idx %arg14[%get3A_2444], %broadcast_in_dim3A_101 {add = true} : memref<10240xf32, #tpu.memory_space<vmem>>[vector<16xi32>], vector<16xf32>,
    %get3A_2445 = arith.constant 14 : i32
    %get3A_2446 = arith.index_cast %get3A_2445 : i32 to index
    %get3A_2447 = arith.constant 64 : index
    %get3A_2448 = tpu.vector_load %arg13[%get3A_2446, %get3A_2447] {strides = array<i32>} : memref<25x80xi32, #tpu.memory_space<vmem>>, vector<16xi32>,
    tpu.vector_store_idx %arg14[%get3A_2448], %broadcast_in_dim3A_101 {add = true} : memref<10240xf32, #tpu.memory_space<vmem>>[vector<16xi32>], vector<16xf32>,
    %get3A_2449 = arith.constant 15 : i32
    %get3A_2450 = arith.index_cast %get3A_2449 : i32 to index
    %get3A_2451 = arith.constant 0 : index
    %get3A_2452 = tpu.vector_load %arg13[%get3A_2450, %get3A_2451] {strides = array<i32>} : memref<25x80xi32, #tpu.memory_space<vmem>>, vector<16xi32>,
    tpu.vector_store_idx %arg14[%get3A_2452], %broadcast_in_dim3A_101 {add = true} : memref<10240xf32, #tpu.memory_space<vmem>>[vector<16xi32>], vector<16xf32>,
    %get3A_2453 = arith.constant 15 : i32
    %get3A_2454 = arith.index_cast %get3A_2453 : i32 to index
    %get3A_2455 = arith.constant 16 : index
    %get3A_2456 = tpu.vector_load %arg13[%get3A_2454, %get3A_2455] {strides = array<i32>} : memref<25x80xi32, #tpu.memory_space<vmem>>, vector<16xi32>,
    tpu.vector_store_idx %arg14[%get3A_2456], %broadcast_in_dim3A_101 {add = true} : memref<10240xf32, #tpu.memory_space<vmem>>[vector<16xi32>], vector<16xf32>,
    %get3A_2457 = arith.constant 15 : i32
    %get3A_2458 = arith.index_cast %get3A_2457 : i32 to index
    %get3A_2459 = arith.constant 32 : index
    %get3A_2460 = tpu.vector_load %arg13[%get3A_2458, %get3A_2459] {strides = array<i32>} : memref<25x80xi32, #tpu.memory_space<vmem>>, vector<16xi32>,
    tpu.vector_store_idx %arg14[%get3A_2460], %broadcast_in_dim3A_101 {add = true} : memref<10240xf32, #tpu.memory_space<vmem>>[vector<16xi32>], vector<16xf32>,
    %get3A_2461 = arith.constant 15 : i32
    %get3A_2462 = arith.index_cast %get3A_2461 : i32 to index
    %get3A_2463 = arith.constant 48 : index
    %get3A_2464 = tpu.vector_load %arg13[%get3A_2462, %get3A_2463] {strides = array<i32>} : memref<25x80xi32, #tpu.memory_space<vmem>>, vector<16xi32>,
    tpu.vector_store_idx %arg14[%get3A_2464], %broadcast_in_dim3A_101 {add = true} : memref<10240xf32, #tpu.memory_space<vmem>>[vector<16xi32>], vector<16xf32>,
    %get3A_2465 = arith.constant 15 : i32
    %get3A_2466 = arith.index_cast %get3A_2465 : i32 to index
    %get3A_2467 = arith.constant 64 : index
    %get3A_2468 = tpu.vector_load %arg13[%get3A_2466, %get3A_2467] {strides = array<i32>} : memref<25x80xi32, #tpu.memory_space<vmem>>, vector<16xi32>,
    tpu.vector_store_idx %arg14[%get3A_2468], %broadcast_in_dim3A_101 {add = true} : memref<10240xf32, #tpu.memory_space<vmem>>[vector<16xi32>], vector<16xf32>,
    %get3A_2469 = arith.constant 16 : i32
    %get3A_2470 = arith.index_cast %get3A_2469 : i32 to index
    %get3A_2471 = arith.constant 0 : index
    %get3A_2472 = tpu.vector_load %arg13[%get3A_2470, %get3A_2471] {strides = array<i32>} : memref<25x80xi32, #tpu.memory_space<vmem>>, vector<16xi32>,
    tpu.vector_store_idx %arg14[%get3A_2472], %broadcast_in_dim3A_101 {add = true} : memref<10240xf32, #tpu.memory_space<vmem>>[vector<16xi32>], vector<16xf32>,
    %get3A_2473 = arith.constant 16 : i32
    %get3A_2474 = arith.index_cast %get3A_2473 : i32 to index
    %get3A_2475 = arith.constant 16 : index
    %get3A_2476 = tpu.vector_load %arg13[%get3A_2474, %get3A_2475] {strides = array<i32>} : memref<25x80xi32, #tpu.memory_space<vmem>>, vector<16xi32>,
    tpu.vector_store_idx %arg14[%get3A_2476], %broadcast_in_dim3A_101 {add = true} : memref<10240xf32, #tpu.memory_space<vmem>>[vector<16xi32>], vector<16xf32>,
    %get3A_2477 = arith.constant 16 : i32
    %get3A_2478 = arith.index_cast %get3A_2477 : i32 to index
    %get3A_2479 = arith.constant 32 : index
    %get3A_2480 = tpu.vector_load %arg13[%get3A_2478, %get3A_2479] {strides = array<i32>} : memref<25x80xi32, #tpu.memory_space<vmem>>, vector<16xi32>,
    tpu.vector_store_idx %arg14[%get3A_2480], %broadcast_in_dim3A_101 {add = true} : memref<10240xf32, #tpu.memory_space<vmem>>[vector<16xi32>], vector<16xf32>,
    %get3A_2481 = arith.constant 16 : i32
    %get3A_2482 = arith.index_cast %get3A_2481 : i32 to index
    %get3A_2483 = arith.constant 48 : index
    %get3A_2484 = tpu.vector_load %arg13[%get3A_2482, %get3A_2483] {strides = array<i32>} : memref<25x80xi32, #tpu.memory_space<vmem>>, vector<16xi32>,
    tpu.vector_store_idx %arg14[%get3A_2484], %broadcast_in_dim3A_101 {add = true} : memref<10240xf32, #tpu.memory_space<vmem>>[vector<16xi32>], vector<16xf32>,
    %get3A_2485 = arith.constant 16 : i32
    %get3A_2486 = arith.index_cast %get3A_2485 : i32 to index
    %get3A_2487 = arith.constant 64 : index
    %get3A_2488 = tpu.vector_load %arg13[%get3A_2486, %get3A_2487] {strides = array<i32>} : memref<25x80xi32, #tpu.memory_space<vmem>>, vector<16xi32>,
    tpu.vector_store_idx %arg14[%get3A_2488], %broadcast_in_dim3A_101 {add = true} : memref<10240xf32, #tpu.memory_space<vmem>>[vector<16xi32>], vector<16xf32>,
    %get3A_2489 = arith.constant 17 : i32
    %get3A_2490 = arith.index_cast %get3A_2489 : i32 to index
    %get3A_2491 = arith.constant 0 : index
    %get3A_2492 = tpu.vector_load %arg13[%get3A_2490, %get3A_2491] {strides = array<i32>} : memref<25x80xi32, #tpu.memory_space<vmem>>, vector<16xi32>,
    tpu.vector_store_idx %arg14[%get3A_2492], %broadcast_in_dim3A_101 {add = true} : memref<10240xf32, #tpu.memory_space<vmem>>[vector<16xi32>], vector<16xf32>,
    %get3A_2493 = arith.constant 17 : i32
    %get3A_2494 = arith.index_cast %get3A_2493 : i32 to index
    %get3A_2495 = arith.constant 16 : index
    %get3A_2496 = tpu.vector_load %arg13[%get3A_2494, %get3A_2495] {strides = array<i32>} : memref<25x80xi32, #tpu.memory_space<vmem>>, vector<16xi32>,
    tpu.vector_store_idx %arg14[%get3A_2496], %broadcast_in_dim3A_101 {add = true} : memref<10240xf32, #tpu.memory_space<vmem>>[vector<16xi32>], vector<16xf32>,
    %get3A_2497 = arith.constant 17 : i32
    %get3A_2498 = arith.index_cast %get3A_2497 : i32 to index
    %get3A_2499 = arith.constant 32 : index
    %get3A_2500 = tpu.vector_load %arg13[%get3A_2498, %get3A_2499] {strides = array<i32>} : memref<25x80xi32, #tpu.memory_space<vmem>>, vector<16xi32>,
    tpu.vector_store_idx %arg14[%get3A_2500], %broadcast_in_dim3A_101 {add = true} : memref<10240xf32, #tpu.memory_space<vmem>>[vector<16xi32>], vector<16xf32>,
    %get3A_2501 = arith.constant 17 : i32
    %get3A_2502 = arith.index_cast %get3A_2501 : i32 to index
    %get3A_2503 = arith.constant 48 : index
    %get3A_2504 = tpu.vector_load %arg13[%get3A_2502, %get3A_2503] {strides = array<i32>} : memref<25x80xi32, #tpu.memory_space<vmem>>, vector<16xi32>,
    tpu.vector_store_idx %arg14[%get3A_2504], %broadcast_in_dim3A_101 {add = true} : memref<10240xf32, #tpu.memory_space<vmem>>[vector<16xi32>], vector<16xf32>,
    %get3A_2505 = arith.constant 17 : i32
    %get3A_2506 = arith.index_cast %get3A_2505 : i32 to index
    %get3A_2507 = arith.constant 64 : index
    %get3A_2508 = tpu.vector_load %arg13[%get3A_2506, %get3A_2507] {strides = array<i32>} : memref<25x80xi32, #tpu.memory_space<vmem>>, vector<16xi32>,
    tpu.vector_store_idx %arg14[%get3A_2508], %broadcast_in_dim3A_101 {add = true} : memref<10240xf32, #tpu.memory_space<vmem>>[vector<16xi32>], vector<16xf32>,
    %get3A_2509 = arith.constant 18 : i32
    %get3A_2510 = arith.index_cast %get3A_2509 : i32 to index
    %get3A_2511 = arith.constant 0 : index
    %get3A_2512 = tpu.vector_load %arg13[%get3A_2510, %get3A_2511] {strides = array<i32>} : memref<25x80xi32, #tpu.memory_space<vmem>>, vector<16xi32>,
    tpu.vector_store_idx %arg14[%get3A_2512], %broadcast_in_dim3A_101 {add = true} : memref<10240xf32, #tpu.memory_space<vmem>>[vector<16xi32>], vector<16xf32>,
    %get3A_2513 = arith.constant 18 : i32
    %get3A_2514 = arith.index_cast %get3A_2513 : i32 to index
    %get3A_2515 = arith.constant 16 : index
    %get3A_2516 = tpu.vector_load %arg13[%get3A_2514, %get3A_2515] {strides = array<i32>} : memref<25x80xi32, #tpu.memory_space<vmem>>, vector<16xi32>,
    tpu.vector_store_idx %arg14[%get3A_2516], %broadcast_in_dim3A_101 {add = true} : memref<10240xf32, #tpu.memory_space<vmem>>[vector<16xi32>], vector<16xf32>,
    %get3A_2517 = arith.constant 18 : i32
    %get3A_2518 = arith.index_cast %get3A_2517 : i32 to index
    %get3A_2519 = arith.constant 32 : index
    %get3A_2520 = tpu.vector_load %arg13[%get3A_2518, %get3A_2519] {strides = array<i32>} : memref<25x80xi32, #tpu.memory_space<vmem>>, vector<16xi32>,
    tpu.vector_store_idx %arg14[%get3A_2520], %broadcast_in_dim3A_101 {add = true} : memref<10240xf32, #tpu.memory_space<vmem>>[vector<16xi32>], vector<16xf32>,
    %get3A_2521 = arith.constant 18 : i32
    %get3A_2522 = arith.index_cast %get3A_2521 : i32 to index
    %get3A_2523 = arith.constant 48 : index
    %get3A_2524 = tpu.vector_load %arg13[%get3A_2522, %get3A_2523] {strides = array<i32>} : memref<25x80xi32, #tpu.memory_space<vmem>>, vector<16xi32>,
    tpu.vector_store_idx %arg14[%get3A_2524], %broadcast_in_dim3A_101 {add = true} : memref<10240xf32, #tpu.memory_space<vmem>>[vector<16xi32>], vector<16xf32>,
    %get3A_2525 = arith.constant 18 : i32
    %get3A_2526 = arith.index_cast %get3A_2525 : i32 to index
    %get3A_2527 = arith.constant 64 : index
    %get3A_2528 = tpu.vector_load %arg13[%get3A_2526, %get3A_2527] {strides = array<i32>} : memref<25x80xi32, #tpu.memory_space<vmem>>, vector<16xi32>,
    tpu.vector_store_idx %arg14[%get3A_2528], %broadcast_in_dim3A_101 {add = true} : memref<10240xf32, #tpu.memory_space<vmem>>[vector<16xi32>], vector<16xf32>,
    %get3A_2529 = arith.constant 19 : i32
    %get3A_2530 = arith.index_cast %get3A_2529 : i32 to index
    %get3A_2531 = arith.constant 0 : index
    %get3A_2532 = tpu.vector_load %arg13[%get3A_2530, %get3A_2531] {strides = array<i32>} : memref<25x80xi32, #tpu.memory_space<vmem>>, vector<16xi32>,
    tpu.vector_store_idx %arg14[%get3A_2532], %broadcast_in_dim3A_101 {add = true} : memref<10240xf32, #tpu.memory_space<vmem>>[vector<16xi32>], vector<16xf32>,
    %get3A_2533 = arith.constant 19 : i32
    %get3A_2534 = arith.index_cast %get3A_2533 : i32 to index
    %get3A_2535 = arith.constant 16 : index
    %get3A_2536 = tpu.vector_load %arg13[%get3A_2534, %get3A_2535] {strides = array<i32>} : memref<25x80xi32, #tpu.memory_space<vmem>>, vector<16xi32>,
    tpu.vector_store_idx %arg14[%get3A_2536], %broadcast_in_dim3A_101 {add = true} : memref<10240xf32, #tpu.memory_space<vmem>>[vector<16xi32>], vector<16xf32>,
    %get3A_2537 = arith.constant 19 : i32
    %get3A_2538 = arith.index_cast %get3A_2537 : i32 to index
    %get3A_2539 = arith.constant 32 : index
    %get3A_2540 = tpu.vector_load %arg13[%get3A_2538, %get3A_2539] {strides = array<i32>} : memref<25x80xi32, #tpu.memory_space<vmem>>, vector<16xi32>,
    tpu.vector_store_idx %arg14[%get3A_2540], %broadcast_in_dim3A_101 {add = true} : memref<10240xf32, #tpu.memory_space<vmem>>[vector<16xi32>], vector<16xf32>,
    %get3A_2541 = arith.constant 19 : i32
    %get3A_2542 = arith.index_cast %get3A_2541 : i32 to index
    %get3A_2543 = arith.constant 48 : index
    %get3A_2544 = tpu.vector_load %arg13[%get3A_2542, %get3A_2543] {strides = array<i32>} : memref<25x80xi32, #tpu.memory_space<vmem>>, vector<16xi32>,
    tpu.vector_store_idx %arg14[%get3A_2544], %broadcast_in_dim3A_101 {add = true} : memref<10240xf32, #tpu.memory_space<vmem>>[vector<16xi32>], vector<16xf32>,
    %get3A_2545 = arith.constant 19 : i32
    %get3A_2546 = arith.index_cast %get3A_2545 : i32 to index
    %get3A_2547 = arith.constant 64 : index
    %get3A_2548 = tpu.vector_load %arg13[%get3A_2546, %get3A_2547] {strides = array<i32>} : memref<25x80xi32, #tpu.memory_space<vmem>>, vector<16xi32>,
    tpu.vector_store_idx %arg14[%get3A_2548], %broadcast_in_dim3A_101 {add = true} : memref<10240xf32, #tpu.memory_space<vmem>>[vector<16xi32>], vector<16xf32>,
    %get3A_2549 = arith.constant 20 : i32
    %get3A_2550 = arith.index_cast %get3A_2549 : i32 to index
    %get3A_2551 = arith.constant 0 : index
    %get3A_2552 = tpu.vector_load %arg13[%get3A_2550, %get3A_2551] {strides = array<i32>} : memref<25x80xi32, #tpu.memory_space<vmem>>, vector<16xi32>,
    tpu.vector_store_idx %arg14[%get3A_2552], %broadcast_in_dim3A_101 {add = true} : memref<10240xf32, #tpu.memory_space<vmem>>[vector<16xi32>], vector<16xf32>,
    %get3A_2553 = arith.constant 20 : i32
    %get3A_2554 = arith.index_cast %get3A_2553 : i32 to index
    %get3A_2555 = arith.constant 16 : index
    %get3A_2556 = tpu.vector_load %arg13[%get3A_2554, %get3A_2555] {strides = array<i32>} : memref<25x80xi32, #tpu.memory_space<vmem>>, vector<16xi32>,
    tpu.vector_store_idx %arg14[%get3A_2556], %broadcast_in_dim3A_101 {add = true} : memref<10240xf32, #tpu.memory_space<vmem>>[vector<16xi32>], vector<16xf32>,
    %get3A_2557 = arith.constant 20 : i32
    %get3A_2558 = arith.index_cast %get3A_2557 : i32 to index
    %get3A_2559 = arith.constant 32 : index
    %get3A_2560 = tpu.vector_load %arg13[%get3A_2558, %get3A_2559] {strides = array<i32>} : memref<25x80xi32, #tpu.memory_space<vmem>>, vector<16xi32>,
    tpu.vector_store_idx %arg14[%get3A_2560], %broadcast_in_dim3A_101 {add = true} : memref<10240xf32, #tpu.memory_space<vmem>>[vector<16xi32>], vector<16xf32>,
    %get3A_2561 = arith.constant 20 : i32
    %get3A_2562 = arith.index_cast %get3A_2561 : i32 to index
    %get3A_2563 = arith.constant 48 : index
    %get3A_2564 = tpu.vector_load %arg13[%get3A_2562, %get3A_2563] {strides = array<i32>} : memref<25x80xi32, #tpu.memory_space<vmem>>, vector<16xi32>,
    tpu.vector_store_idx %arg14[%get3A_2564], %broadcast_in_dim3A_101 {add = true} : memref<10240xf32, #tpu.memory_space<vmem>>[vector<16xi32>], vector<16xf32>,
    %get3A_2565 = arith.constant 20 : i32
    %get3A_2566 = arith.index_cast %get3A_2565 : i32 to index
    %get3A_2567 = arith.constant 64 : index
    %get3A_2568 = tpu.vector_load %arg13[%get3A_2566, %get3A_2567] {strides = array<i32>} : memref<25x80xi32, #tpu.memory_space<vmem>>, vector<16xi32>,
    tpu.vector_store_idx %arg14[%get3A_2568], %broadcast_in_dim3A_101 {add = true} : memref<10240xf32, #tpu.memory_space<vmem>>[vector<16xi32>], vector<16xf32>,
    %get3A_2569 = arith.constant 21 : i32
    %get3A_2570 = arith.index_cast %get3A_2569 : i32 to index
    %get3A_2571 = arith.constant 0 : index
    %get3A_2572 = tpu.vector_load %arg13[%get3A_2570, %get3A_2571] {strides = array<i32>} : memref<25x80xi32, #tpu.memory_space<vmem>>, vector<16xi32>,
    tpu.vector_store_idx %arg14[%get3A_2572], %broadcast_in_dim3A_101 {add = true} : memref<10240xf32, #tpu.memory_space<vmem>>[vector<16xi32>], vector<16xf32>,
    %get3A_2573 = arith.constant 21 : i32
    %get3A_2574 = arith.index_cast %get3A_2573 : i32 to index
    %get3A_2575 = arith.constant 16 : index
    %get3A_2576 = tpu.vector_load %arg13[%get3A_2574, %get3A_2575] {strides = array<i32>} : memref<25x80xi32, #tpu.memory_space<vmem>>, vector<16xi32>,
    tpu.vector_store_idx %arg14[%get3A_2576], %broadcast_in_dim3A_101 {add = true} : memref<10240xf32, #tpu.memory_space<vmem>>[vector<16xi32>], vector<16xf32>,
    %get3A_2577 = arith.constant 21 : i32
    %get3A_2578 = arith.index_cast %get3A_2577 : i32 to index
    %get3A_2579 = arith.constant 32 : index
    %get3A_2580 = tpu.vector_load %arg13[%get3A_2578, %get3A_2579] {strides = array<i32>} : memref<25x80xi32, #tpu.memory_space<vmem>>, vector<16xi32>,
    tpu.vector_store_idx %arg14[%get3A_2580], %broadcast_in_dim3A_101 {add = true} : memref<10240xf32, #tpu.memory_space<vmem>>[vector<16xi32>], vector<16xf32>,
    %get3A_2581 = arith.constant 21 : i32
    %get3A_2582 = arith.index_cast %get3A_2581 : i32 to index
    %get3A_2583 = arith.constant 48 : index
    %get3A_2584 = tpu.vector_load %arg13[%get3A_2582, %get3A_2583] {strides = array<i32>} : memref<25x80xi32, #tpu.memory_space<vmem>>, vector<16xi32>,
    tpu.vector_store_idx %arg14[%get3A_2584], %broadcast_in_dim3A_101 {add = true} : memref<10240xf32, #tpu.memory_space<vmem>>[vector<16xi32>], vector<16xf32>,
    %get3A_2585 = arith.constant 21 : i32
    %get3A_2586 = arith.index_cast %get3A_2585 : i32 to index
    %get3A_2587 = arith.constant 64 : index
    %get3A_2588 = tpu.vector_load %arg13[%get3A_2586, %get3A_2587] {strides = array<i32>} : memref<25x80xi32, #tpu.memory_space<vmem>>, vector<16xi32>,
    tpu.vector_store_idx %arg14[%get3A_2588], %broadcast_in_dim3A_101 {add = true} : memref<10240xf32, #tpu.memory_space<vmem>>[vector<16xi32>], vector<16xf32>,
    %get3A_2589 = arith.constant 22 : i32
    %get3A_2590 = arith.index_cast %get3A_2589 : i32 to index
    %get3A_2591 = arith.constant 0 : index
    %get3A_2592 = tpu.vector_load %arg13[%get3A_2590, %get3A_2591] {strides = array<i32>} : memref<25x80xi32, #tpu.memory_space<vmem>>, vector<16xi32>,
    tpu.vector_store_idx %arg14[%get3A_2592], %broadcast_in_dim3A_101 {add = true} : memref<10240xf32, #tpu.memory_space<vmem>>[vector<16xi32>], vector<16xf32>,
    %get3A_2593 = arith.constant 22 : i32
    %get3A_2594 = arith.index_cast %get3A_2593 : i32 to index
    %get3A_2595 = arith.constant 16 : index
    %get3A_2596 = tpu.vector_load %arg13[%get3A_2594, %get3A_2595] {strides = array<i32>} : memref<25x80xi32, #tpu.memory_space<vmem>>, vector<16xi32>,
    tpu.vector_store_idx %arg14[%get3A_2596], %broadcast_in_dim3A_101 {add = true} : memref<10240xf32, #tpu.memory_space<vmem>>[vector<16xi32>], vector<16xf32>,
    %get3A_2597 = arith.constant 22 : i32
    %get3A_2598 = arith.index_cast %get3A_2597 : i32 to index
    %get3A_2599 = arith.constant 32 : index
    %get3A_2600 = tpu.vector_load %arg13[%get3A_2598, %get3A_2599] {strides = array<i32>} : memref<25x80xi32, #tpu.memory_space<vmem>>, vector<16xi32>,
    tpu.vector_store_idx %arg14[%get3A_2600], %broadcast_in_dim3A_101 {add = true} : memref<10240xf32, #tpu.memory_space<vmem>>[vector<16xi32>], vector<16xf32>,
    %get3A_2601 = arith.constant 22 : i32
    %get3A_2602 = arith.index_cast %get3A_2601 : i32 to index
    %get3A_2603 = arith.constant 48 : index
    %get3A_2604 = tpu.vector_load %arg13[%get3A_2602, %get3A_2603] {strides = array<i32>} : memref<25x80xi32, #tpu.memory_space<vmem>>, vector<16xi32>,
    tpu.vector_store_idx %arg14[%get3A_2604], %broadcast_in_dim3A_101 {add = true} : memref<10240xf32, #tpu.memory_space<vmem>>[vector<16xi32>], vector<16xf32>,
    %get3A_2605 = arith.constant 22 : i32
    %get3A_2606 = arith.index_cast %get3A_2605 : i32 to index
    %get3A_2607 = arith.constant 64 : index
    %get3A_2608 = tpu.vector_load %arg13[%get3A_2606, %get3A_2607] {strides = array<i32>} : memref<25x80xi32, #tpu.memory_space<vmem>>, vector<16xi32>,
    tpu.vector_store_idx %arg14[%get3A_2608], %broadcast_in_dim3A_101 {add = true} : memref<10240xf32, #tpu.memory_space<vmem>>[vector<16xi32>], vector<16xf32>,
    %get3A_2609 = arith.constant 23 : i32
    %get3A_2610 = arith.index_cast %get3A_2609 : i32 to index
    %get3A_2611 = arith.constant 0 : index
    %get3A_2612 = tpu.vector_load %arg13[%get3A_2610, %get3A_2611] {strides = array<i32>} : memref<25x80xi32, #tpu.memory_space<vmem>>, vector<16xi32>,
    tpu.vector_store_idx %arg14[%get3A_2612], %broadcast_in_dim3A_101 {add = true} : memref<10240xf32, #tpu.memory_space<vmem>>[vector<16xi32>], vector<16xf32>,
    %get3A_2613 = arith.constant 23 : i32
    %get3A_2614 = arith.index_cast %get3A_2613 : i32 to index
    %get3A_2615 = arith.constant 16 : index
    %get3A_2616 = tpu.vector_load %arg13[%get3A_2614, %get3A_2615] {strides = array<i32>} : memref<25x80xi32, #tpu.memory_space<vmem>>, vector<16xi32>,
    tpu.vector_store_idx %arg14[%get3A_2616], %broadcast_in_dim3A_101 {add = true} : memref<10240xf32, #tpu.memory_space<vmem>>[vector<16xi32>], vector<16xf32>,
    %get3A_2617 = arith.constant 23 : i32
    %get3A_2618 = arith.index_cast %get3A_2617 : i32 to index
    %get3A_2619 = arith.constant 32 : index
    %get3A_2620 = tpu.vector_load %arg13[%get3A_2618, %get3A_2619] {strides = array<i32>} : memref<25x80xi32, #tpu.memory_space<vmem>>, vector<16xi32>,
    tpu.vector_store_idx %arg14[%get3A_2620], %broadcast_in_dim3A_101 {add = true} : memref<10240xf32, #tpu.memory_space<vmem>>[vector<16xi32>], vector<16xf32>,
    %get3A_2621 = arith.constant 23 : i32
    %get3A_2622 = arith.index_cast %get3A_2621 : i32 to index
    %get3A_2623 = arith.constant 48 : index
    %get3A_2624 = tpu.vector_load %arg13[%get3A_2622, %get3A_2623] {strides = array<i32>} : memref<25x80xi32, #tpu.memory_space<vmem>>, vector<16xi32>,
    tpu.vector_store_idx %arg14[%get3A_2624], %broadcast_in_dim3A_101 {add = true} : memref<10240xf32, #tpu.memory_space<vmem>>[vector<16xi32>], vector<16xf32>,
    %get3A_2625 = arith.constant 23 : i32
    %get3A_2626 = arith.index_cast %get3A_2625 : i32 to index
    %get3A_2627 = arith.constant 64 : index
    %get3A_2628 = tpu.vector_load %arg13[%get3A_2626, %get3A_2627] {strides = array<i32>} : memref<25x80xi32, #tpu.memory_space<vmem>>, vector<16xi32>,
    tpu.vector_store_idx %arg14[%get3A_2628], %broadcast_in_dim3A_101 {add = true} : memref<10240xf32, #tpu.memory_space<vmem>>[vector<16xi32>], vector<16xf32>,
    %get3A_2629 = arith.constant 24 : i32
    %get3A_2630 = arith.index_cast %get3A_2629 : i32 to index
    %get3A_2631 = arith.constant 0 : index
    %get3A_2632 = tpu.vector_load %arg13[%get3A_2630, %get3A_2631] {strides = array<i32>} : memref<25x80xi32, #tpu.memory_space<vmem>>, vector<16xi32>,
    tpu.vector_store_idx %arg14[%get3A_2632], %broadcast_in_dim3A_101 {add = true} : memref<10240xf32, #tpu.memory_space<vmem>>[vector<16xi32>], vector<16xf32>,
    %get3A_2633 = arith.constant 24 : i32
    %get3A_2634 = arith.index_cast %get3A_2633 : i32 to index
    %get3A_2635 = arith.constant 16 : index
    %get3A_2636 = tpu.vector_load %arg13[%get3A_2634, %get3A_2635] {strides = array<i32>} : memref<25x80xi32, #tpu.memory_space<vmem>>, vector<16xi32>,
    tpu.vector_store_idx %arg14[%get3A_2636], %broadcast_in_dim3A_101 {add = true} : memref<10240xf32, #tpu.memory_space<vmem>>[vector<16xi32>], vector<16xf32>,
    %get3A_2637 = arith.constant 24 : i32
    %get3A_2638 = arith.index_cast %get3A_2637 : i32 to index
    %get3A_2639 = arith.constant 32 : index
    %get3A_2640 = tpu.vector_load %arg13[%get3A_2638, %get3A_2639] {strides = array<i32>} : memref<25x80xi32, #tpu.memory_space<vmem>>, vector<16xi32>,
    tpu.vector_store_idx %arg14[%get3A_2640], %broadcast_in_dim3A_101 {add = true} : memref<10240xf32, #tpu.memory_space<vmem>>[vector<16xi32>], vector<16xf32>,
    %get3A_2641 = arith.constant 24 : i32
    %get3A_2642 = arith.index_cast %get3A_2641 : i32 to index
    %get3A_2643 = arith.constant 48 : index
    %get3A_2644 = tpu.vector_load %arg13[%get3A_2642, %get3A_2643] {strides = array<i32>} : memref<25x80xi32, #tpu.memory_space<vmem>>, vector<16xi32>,
    tpu.vector_store_idx %arg14[%get3A_2644], %broadcast_in_dim3A_101 {add = true} : memref<10240xf32, #tpu.memory_space<vmem>>[vector<16xi32>], vector<16xf32>,
    %get3A_2645 = arith.constant 24 : i32
    %get3A_2646 = arith.index_cast %get3A_2645 : i32 to index
    %get3A_2647 = arith.constant 64 : index
    %get3A_2648 = tpu.vector_load %arg13[%get3A_2646, %get3A_2647] {strides = array<i32>} : memref<25x80xi32, #tpu.memory_space<vmem>>, vector<16xi32>,
    tpu.vector_store_idx %arg14[%get3A_2648], %broadcast_in_dim3A_101 {add = true} : memref<10240xf32, #tpu.memory_space<vmem>>[vector<16xi32>], vector<16xf32>,
    %mul3A_2649 = arith.constant 10240 : i32
    %mul3A_2650 = arith.muli %add3A, %mul3A_2649 : i32
    "tpu.region"() ({
      %run_scoped3A = tpu.sem_alloc : memref<!tpu.dma_semaphore, #tpu.memory_space<semaphore_mem>>
      %dma_start3A_2683 = tpu.memref_slice %arg6[%mul3A_2650] : memref<327680xf32, #tpu.memory_space<hbm>> -> memref<10240xf32, #tpu.memory_space<hbm>>
      %dma_start3A_2684 = tpu.memref_slice %arg6[%mul3A_2650] : memref<327680xf32, #tpu.memory_space<hbm>> -> memref<10240xf32, #tpu.memory_space<hbm>>
      tpu.enqueue_dma source(%arg14 : memref<10240xf32, #tpu.memory_space<vmem>>) target(%dma_start3A_2684 : memref<10240xf32, #tpu.memory_space<hbm>>) target_semaphore(%run_scoped3A : memref<!tpu.dma_semaphore, #tpu.memory_space<semaphore_mem>>)
      %dma_wait3A_2685 = tpu.memref_slice %arg6[%mul3A_2650] : memref<327680xf32, #tpu.memory_space<hbm>> -> memref<10240xf32, #tpu.memory_space<hbm>>
      %dma_wait3A_2686 = tpu.memref_slice %arg6[%mul3A_2650] : memref<327680xf32, #tpu.memory_space<hbm>> -> memref<10240xf32, #tpu.memory_space<hbm>>
      tpu.wait_dma2 semaphore(%run_scoped3A : memref<!tpu.dma_semaphore, #tpu.memory_space<semaphore_mem>>) src(%arg14 : memref<10240xf32, #tpu.memory_space<vmem>>) dst(%dma_wait3A_2686 : memref<10240xf32, #tpu.memory_space<hbm>>)
      tpu.yield
    }) : () -> ()
    %dma_wait3A_2651 = arith.constant 0 : i32
    %dma_wait3A_2652 = arith.constant 0 : i32
    %dma_wait3A_2653 = tpu.memref_slice %arg8[%dma_wait3A_2651, %dma_wait3A_2652] : memref<320x128xf32, #tpu.memory_space<vmem>> -> memref<80x128xf32, #tpu.memory_space<vmem>>
    %dma_wait3A_2654 = arith.constant 0 : i32
    %dma_wait3A_2655 = tpu.memref_slice %arg7[%dma_wait3A_2654] : memref<320xi32, #tpu.memory_space<vmem>> -> memref<80xi32, #tpu.memory_space<vmem>>
    %dma_wait3A_2656 = arith.constant 0 : i32
    %dma_wait3A_2657 = arith.constant 0 : i32
    %dma_wait3A_2658 = tpu.memref_slice %arg2[%dma_wait3A_2656, %dma_wait3A_2657] : memref<100000x128xf32, #tpu.memory_space<hbm>> -> memref<100000x128xf32, #tpu.memory_space<hbm>>
    tpu.wait_indirect_dma semaphore(%arg15 : memref<!tpu.dma_semaphore, #tpu.memory_space<semaphore_mem>>) src(%dma_wait3A_2658 : memref<100000x128xf32, #tpu.memory_space<hbm>>) dst(%dma_wait3A_2653 : memref<80x128xf32, #tpu.memory_space<vmem>>)
    %dma_wait3A_2659 = arith.constant 80 : i32
    %dma_wait3A_2660 = arith.constant 0 : i32
    %dma_wait3A_2661 = tpu.memref_slice %arg8[%dma_wait3A_2659, %dma_wait3A_2660] : memref<320x128xf32, #tpu.memory_space<vmem>> -> memref<80x128xf32, #tpu.memory_space<vmem>>
    %dma_wait3A_2662 = arith.constant 80 : i32
    %dma_wait3A_2663 = tpu.memref_slice %arg7[%dma_wait3A_2662] : memref<320xi32, #tpu.memory_space<vmem>> -> memref<80xi32, #tpu.memory_space<vmem>>
    %dma_wait3A_2664 = arith.constant 0 : i32
    %dma_wait3A_2665 = arith.constant 0 : i32
    %dma_wait3A_2666 = tpu.memref_slice %arg2[%dma_wait3A_2664, %dma_wait3A_2665] : memref<100000x128xf32, #tpu.memory_space<hbm>> -> memref<100000x128xf32, #tpu.memory_space<hbm>>
    tpu.wait_indirect_dma semaphore(%arg15 : memref<!tpu.dma_semaphore, #tpu.memory_space<semaphore_mem>>) src(%dma_wait3A_2666 : memref<100000x128xf32, #tpu.memory_space<hbm>>) dst(%dma_wait3A_2661 : memref<80x128xf32, #tpu.memory_space<vmem>>)
    %dma_wait3A_2667 = arith.constant 160 : i32
    %dma_wait3A_2668 = arith.constant 0 : i32
    %dma_wait3A_2669 = tpu.memref_slice %arg8[%dma_wait3A_2667, %dma_wait3A_2668] : memref<320x128xf32, #tpu.memory_space<vmem>> -> memref<80x128xf32, #tpu.memory_space<vmem>>
    %dma_wait3A_2670 = arith.constant 160 : i32
    %dma_wait3A_2671 = tpu.memref_slice %arg7[%dma_wait3A_2670] : memref<320xi32, #tpu.memory_space<vmem>> -> memref<80xi32, #tpu.memory_space<vmem>>
    %dma_wait3A_2672 = arith.constant 0 : i32
    %dma_wait3A_2673 = arith.constant 0 : i32
    %dma_wait3A_2674 = tpu.memref_slice %arg2[%dma_wait3A_2672, %dma_wait3A_2673] : memref<100000x128xf32, #tpu.memory_space<hbm>> -> memref<100000x128xf32, #tpu.memory_space<hbm>>
    tpu.wait_indirect_dma semaphore(%arg15 : memref<!tpu.dma_semaphore, #tpu.memory_space<semaphore_mem>>) src(%dma_wait3A_2674 : memref<100000x128xf32, #tpu.memory_space<hbm>>) dst(%dma_wait3A_2669 : memref<80x128xf32, #tpu.memory_space<vmem>>)
    %dma_wait3A_2675 = arith.constant 240 : i32
    %dma_wait3A_2676 = arith.constant 0 : i32
    %dma_wait3A_2677 = tpu.memref_slice %arg8[%dma_wait3A_2675, %dma_wait3A_2676] : memref<320x128xf32, #tpu.memory_space<vmem>> -> memref<80x128xf32, #tpu.memory_space<vmem>>
    %dma_wait3A_2678 = arith.constant 240 : i32
    %dma_wait3A_2679 = tpu.memref_slice %arg7[%dma_wait3A_2678] : memref<320xi32, #tpu.memory_space<vmem>> -> memref<80xi32, #tpu.memory_space<vmem>>
    %dma_wait3A_2680 = arith.constant 0 : i32
    %dma_wait3A_2681 = arith.constant 0 : i32
    %dma_wait3A_2682 = tpu.memref_slice %arg2[%dma_wait3A_2680, %dma_wait3A_2681] : memref<100000x128xf32, #tpu.memory_space<hbm>> -> memref<100000x128xf32, #tpu.memory_space<hbm>>
    tpu.wait_indirect_dma semaphore(%arg15 : memref<!tpu.dma_semaphore, #tpu.memory_space<semaphore_mem>>) src(%dma_wait3A_2682 : memref<100000x128xf32, #tpu.memory_space<hbm>>) dst(%dma_wait3A_2677 : memref<80x128xf32, #tpu.memory_space<vmem>>)
    "tpu.region"() ({
      %run_scoped3A = tpu.sem_alloc : memref<!tpu.dma_semaphore, #tpu.memory_space<semaphore_mem>>
      %dma_start3A_2683 = arith.constant 0 : i32
      %dma_start3A_2684 = tpu.memref_slice %arg5[%mul3A_2, %dma_start3A_2683] : memref<10240x128xf32, #tpu.memory_space<hbm>> -> memref<320x128xf32, #tpu.memory_space<hbm>>
      %dma_start3A_2685 = arith.constant 0 : i32
      %dma_start3A_2686 = tpu.memref_slice %arg5[%mul3A_2, %dma_start3A_2685] : memref<10240x128xf32, #tpu.memory_space<hbm>> -> memref<320x128xf32, #tpu.memory_space<hbm>>
      tpu.enqueue_dma source(%arg8 : memref<320x128xf32, #tpu.memory_space<vmem>>) target(%dma_start3A_2686 : memref<320x128xf32, #tpu.memory_space<hbm>>) target_semaphore(%run_scoped3A : memref<!tpu.dma_semaphore, #tpu.memory_space<semaphore_mem>>)
      %dma_wait3A_2687 = arith.constant 0 : i32
      %dma_wait3A_2688 = tpu.memref_slice %arg5[%mul3A_2, %dma_wait3A_2687] : memref<10240x128xf32, #tpu.memory_space<hbm>> -> memref<320x128xf32, #tpu.memory_space<hbm>>
      %dma_wait3A_2689 = arith.constant 0 : i32
      %dma_wait3A_2690 = tpu.memref_slice %arg5[%mul3A_2, %dma_wait3A_2689] : memref<10240x128xf32, #tpu.memory_space<hbm>> -> memref<320x128xf32, #tpu.memory_space<hbm>>
      tpu.wait_dma2 semaphore(%run_scoped3A : memref<!tpu.dma_semaphore, #tpu.memory_space<semaphore_mem>>) src(%arg8 : memref<320x128xf32, #tpu.memory_space<vmem>>) dst(%dma_wait3A_2690 : memref<320x128xf32, #tpu.memory_space<hbm>>)
      tpu.yield
    }) : () -> ()
    return
  }
}

</mosaic_0001>

<sc_bundles>
// kernel: _sc_gather_hist.3.cloned.1.call-start
scs
__scs_entry_jumppad:
0x0: {  	(pc) =	sbr.rel $0x88, $3  }
0x1: {  	(tag) =	ssettag $0x0;
	lr =	simm.s32 $0x1  }
0x2: {  	[smem:$0x3F9E] =	sst lr;
	_ =	strace $0xD0000000  }
0x3: {  	_ = 	snop  }
0x4: {  	_ = 	snop  }
0x5: {  	_ = 	snop  }
0x6: {  	_ = 	snop  }
0x7: {  	_ = 	snop  }
__scs_overlays_trampoline_lowered:
0x8: {  	[smem:$0x3FAD] =	sst s0  }
0x9: {  	[smem:$0x3FAE] =	sst s1  }
0xa: {  	[smem:$0x3FAF] =	sst s2  }
0xb: {  	[smem:$0x3FB0] =	sst s3  }
0xc: {  	[smem:$0x3FB1] =	sst s4  }
0xd: {  	[smem:$0x3FB2] =	sst s5  }
0xe: {  	[smem:$0x3FB3] =	sst s6  }
0xf: {  	[smem:$0x3FB4] =	sst s7  }
0x10: {  	[smem:$0x3FB5] =	sst s8  }
0x11: {  	[smem:$0x3FB6] =	sst s9;
	s0 =	simm.s32 @!p0 $0x0  }
0x12: {  	s1 =	sld [smem:$0x3F9C];
	s0 =	simm.s32 @p0 $0x1  }
0x13: {  	[smem:$0x3FB7] =	sst s0;
	s0 =	simm.s32 @!p1 $0x0  }
0x14: {  	s2 =	sld [smem:$0x3F9B];
	s0 =	simm.s32 @p1 $0x1  }
0x15: {  	[smem:$0x3FB8] =	sst s0;
	s0 =	simm.s32 @!p2 $0x0  }
0x16: {  	s3 =	sld [smem:$0x3FDB];
	s0 =	simm.s32 @p2 $0x1  }
0x17: {  	s4 =	simm.s32 $0x1BF5;
	[smem:$0x3FBA] =	sst s0  }
0x18: {  	s0 =	sld [smem:$0x3F9D];
	_ =	swait.ge [sflag:s4], $0x0  }
0x19: {  	s7 =	sld [smem:$0x3F9E]  }
0x1a: {  	s8 =	sadd.s32 $0xFFFFE003, lr  }
0x1b: {  	s9 =	sadd.s32 $0xFFFFFEF7, lr;
	s5 =	simm.s32 $0xFFFFFFFF;
	p2 =	slt.u32 s8, $0xFFFFF086  }
0x1c: {  	p1 =	slt.u32 s9, $0xF7A;
	s5 =	simm.s32 @!p2 $0x0  }
0x1d: {  	s5 =	simm.s32 @p1 $0x1;
	p0 =	seq.s32 s7, s2  }
0x1e: {  	s7 =	smul.u32 @!p0 $0xF7A, s2;
	p2 =	seq.s32 @!p0 s5, $0x0  }
0x1f: {  	s9 =	smul.u32 $0xF7A, s1;
	s8 =	simm.s32 @!p0 $0x1BF5;
	p2 =	por !p2, p0  }
0x20: {  	[sflag:s8] =	ssyncset.s32 @!p0 $0xFFFFF086;
	s6 =	sadd.s32 @!p0 s3, s7;
	s7 =	simm.s32 @!p0 $0x108  }
0x21: {  	s3 =	sadd.s32 s3, s9;
	s6 =	sadd.s32 @!p0 $0x88, s6;
	s7 =	simm.s32 @p2 $0x1082  }
0x22: {  	[simem:s7], [sflag:s8] =	dma.local @!p0 [hbm:s6], $0xF7A  }
0x23: {  	s9 =	sor.u32 $0xD0000000, s2;
	s6 =	simm.s32 $0x108;
	_ =	swait.ge @!p0 [sflag:s8], $0x0  }
0x24: {  	s3 =	sadd.s32 $0x88, s3;
	s6 =	simm.s32 @!p1 $0x1082;
	[sflag:s4] =	ssyncset.s32 $0xFFFFF086  }
0x25: {  	[simem:s6], [sflag:s4] =	dma.local [hbm:s3], $0xF7A  }
0x26: {  	[smem:$0x3F9E] =	sst s1;
	(tag) =	ssettag s2;
	_ =	strace s9  }
0x27: {  	s1 =	sld [smem:$0x3FAE]  }
0x28: {  	s2 =	sld [smem:$0x3FAF]  }
0x29: {  	s4 =	sld [smem:$0x3FB1]  }
0x2a: {  	p0 =	seq.s32 s5, $0x0;
	s5 =	sld [smem:$0x3FB2]  }
0x2b: {  	s6 =	sld [smem:$0x3FB3]  }
0x2c: {  	s7 =	sld [smem:$0x3FB4]  }
0x2d: {  	s3 =	simm.s32 $0x108;
	s8 =	sld [smem:$0x3FB5]  }
0x2e: {  	s3 =	simm.s32 @!p0 $0x1082;
	s9 =	sld [smem:$0x3FB6]  }
0x2f: {  	lr =	sadd.s32 s0, s3;
	s0 =	sld [smem:$0x3FAD]  }
0x30: {  	s3 =	sld [smem:$0x3FB0]  }
0x31: {  	[smem:$0x3FB9] =	sst s10  }
0x32: {  	s10 =	sld [smem:$0x3FB7];
	_ =	sdelay $0x3  }
0x33: {  	p0 =	seq.s32 s10, $0x1;
	s10 =	sld [smem:$0x3FB9];
	_ =	sdelay $0x3  }
0x34: {  	[smem:$0x3FB9] =	sst s10  }
0x35: {  	s10 =	sld [smem:$0x3FB8];
	_ =	sdelay $0x3  }
0x36: {  	p1 =	seq.s32 s10, $0x1;
	s10 =	sld [smem:$0x3FB9];
	_ =	sdelay $0x3  }
0x37: {  	[smem:$0x3FB9] =	sst s10  }
0x38: {  	s10 =	sld [smem:$0x3FBA]  }
0x39: {  	_ = 	snop;
	(pc) =	sbr.ind lr, $3  }
0x3a: {  	_ = 	snop  }
0x3b: {  	_ = 	snop  }
0x3c: {  	p2 =	seq.s32 s10, $0x1;
	s10 =	sld [smem:$0x3FB9]  }
0x3d: {  	_ =	shalt  }
0x3e: {  	_ =	shalt  }
0x3f: {  	_ =	shalt  }
0x40: {  	_ =	shalt  }
0x41: {  	_ =	shalt  }
0x42: {  	_ =	shalt  }
0x43: {  	_ =	shalt  }
0x44: {  	_ =	shalt  }
0x45: {  	_ =	shalt  }
0x46: {  	_ =	shalt  }
0x47: {  	_ =	shalt  }
0x48: {  	_ =	shalt  }
0x49: {  	_ =	shalt  }
0x4a: {  	_ =	shalt  }
0x4b: {  	_ =	shalt  }
0x4c: {  	_ =	shalt  }
0x4d: {  	_ =	shalt  }
0x4e: {  	_ =	shalt  }
0x4f: {  	_ =	shalt  }
0x50: {  	_ =	shalt  }
0x51: {  	_ =	shalt  }
0x52: {  	_ =	shalt  }
0x53: {  	_ =	shalt  }
0x54: {  	_ =	shalt  }
0x55: {  	_ =	shalt  }
0x56: {  	_ =	shalt  }
0x57: {  	_ =	shalt  }
0x58: {  	_ =	shalt  }
0x59: {  	_ =	shalt  }
0x5a: {  	_ =	shalt  }
0x5b: {  	_ =	shalt  }
0x5c: {  	_ =	shalt  }
0x5d: {  	_ =	shalt  }
0x5e: {  	_ =	shalt  }
0x5f: {  	_ =	shalt  }
0x60: {  	_ =	shalt  }
0x61: {  	_ =	shalt  }
0x62: {  	_ =	shalt  }
0x63: {  	_ =	shalt  }
0x64: {  	_ =	shalt  }
0x65: {  	_ =	shalt  }
0x66: {  	_ =	shalt  }
0x67: {  	_ =	shalt  }
0x68: {  	_ =	shalt  }
0x69: {  	_ =	shalt  }
0x6a: {  	_ =	shalt  }
0x6b: {  	_ =	shalt  }
0x6c: {  	_ =	shalt  }
0x6d: {  	_ =	shalt  }
0x6e: {  	_ =	shalt  }
0x6f: {  	_ =	shalt  }
0x70: {  	_ =	shalt  }
0x71: {  	_ =	shalt  }
0x72: {  	_ =	shalt  }
0x73: {  	_ =	shalt  }
0x74: {  	_ =	shalt  }
0x75: {  	_ =	shalt  }
0x76: {  	_ =	shalt  }
0x77: {  	_ =	shalt  }
0x78: {  	_ =	shalt  }
0x79: {  	_ =	shalt  }
0x7a: {  	_ =	shalt  }
0x7b: {  	_ =	shalt  }
0x7c: {  	_ =	shalt  }
0x7d: {  	_ =	shalt  }
0x7e: {  	_ =	shalt  }
0x7f: {  	_ =	shalt  }
0x80: {  	_ =	shalt  }
0x81: {  	_ =	shalt  }
0x82: {  	_ =	shalt  }
0x83: {  	_ =	shalt  }
0x84: {  	_ =	shalt  }
0x85: {  	_ =	shalt  }
0x86: {  	_ =	shalt  }
0x87: {  	_ =	shalt  }
.Lfunc_end0:
.L_simem_size_0:
called_computation_lowered:
.L_overlay_start_0:
0x88: {  	s2 =	sld [smem:$0x3FD9]  }
0x89: {  	s3 =	sld [smem:$0x3FFE];
	_ =	sdelay $0x1  }
0x8a: {  	s1 =	srdreg.scid  }
0x8b: {  	s0 =	sand.u32 $0x1, s1  }
0x8c: {  	s14 =	sshll.u32 s0, $0xA;
	s2 =	sadd.s32 s3, s2  }
0x8d: {  	s2 =	sadd.s32 s2, s14  }
0x8e: {  	[smem:$0x3FC5] =	sst s2  }
0x8f: {  	_ = 	snop  }
0x90: {  	s2 =	sld [smem:$0x3FD0];
	_ =	sdelay $0x1  }
0x91: {  	s15 =	sld [smem:$0x3FC9]  }
0x92: {  	s5 =	simm.s32 $0xA;
	s6 =	simm.s32 $0x10;
	s4 =	sld [smem:$0x3FC8]  }
0x93: {  	[smem:s6], [sflag:s5] =	dma.local [hbm:s2], $0x1  }
0x94: {  	_ =	swait.eq [sflag:s5], $0x1  }
0x95: {  	[sflag:s5] =	ssyncset.done $0x0  }
0x96: {  	s16 =	sld [smem:$0x10];
	[sflag:s5] =	ssyncadd.s32 $0xFFFFFFFF  }
0x97: {  	s17 =	sld [smem:$0x11];
	(tm) =	ssettm $0x1  }
0x98: {  	s18 =	sld [smem:$0x3FFB];
	_ =	sdelay $0x3  }
0x99: {  	_ =	strace s18  }
0x9a: {  	s6 =	sld [smem:$0x3FFC];
	_ =	sdelay $0x3  }
0x9b: {  	_ =	strace s6  }
0x9c: {  	s6 =	sld [smem:$0x3FFD];
	_ =	sdelay $0x3  }
0x9d: {  	_ =	strace s6  }
0x9e: {  	_ =	strace $0x8FFFFFFF  }
0x9f: {  	s19 =	sld [smem:$0x3FDB];
	_ =	sdelay $0x1  }
0xa0: {  	s7 =	simm.s32 $_scs_section_size  }
0xa1: {  	s8 =	simm.s32 $_size__tile_overlayer_lowered;
	s9 =	simm.s32 $_tile_overlayer_lowered  }
0xa2: {  	s22 =	simm.s32 $0x1BFF;
	s21 =	sshll.u32 s9, $0x1;
	s6 =	sadd.s32 s7, s19  }
0xa3: {  	s10 =	simm.s32 $0x0;
	s20 =	sshll.u32 s8, $0x1;
	s8 =	sadd.s32 s21, s6  }
0xa4: {  	[timem:s10], [sflag:s22] =	dma.local [hbm:s8], s20  }
0xa5: {  	_ =	swait.ge [sflag:s22], s20  }
0xa6: {  	s7 =	ssub.s32 $0x0, s20;
	[sflag:s22] =	ssyncset.done $0x0  }
0xa7: {  	[sflag:s22] =	ssyncadd.s32 s7;
	_ =	sdelay $0x1  }
0xa8: {  	s23 =	simm.s32 $0x1B8B  }
0xa9: {  	_ =	swait.ge [sflag:s23], $0x1  }
0xaa: {  	[sflag:s23] =	ssyncset.done $0x0  }
0xab: {  	s25 =	simm.s32 $0x1B8E;
	s24 =	sld [smem:$0x3FFE];
	[sflag:s23] =	ssyncadd.s32 $0xFFFFFFFF  }
0xac: {  	s26 =	simm.s32 $execute0_lowered;
	[smem:$0x3FD2] =	sst s25  }
0xad: {  	s8 =	sshll.u32 s26, $0x1;
	_ =	strace $0x80000046;
	[dreg:$0x1] =	wrdreg $0xFFFFFFFF  }
0xae: {  	s28 =	simm.s32 $_size_execute0_lowered;
	s6 =	sadd.s32 s6, s8;
	[dreg:$0x0] =	wrdreg $0x0  }
0xaf: {  	s8 =	sshll.u32 s28, $0x1;
	[dreg:$0x2] =	wrdreg s6  }
0xb0: {  	[dreg:$0x3] =	wrdreg s8  }
0xb1: {  	[dreg:$0x4] =	wrdreg $0xC0  }
0xb2: {  	_ =	task [dreg:s10], $0x5FFFF  }
0xb3: {  	[dreg:$0x1] =	wrdreg $0xFFFFFFFF  }
0xb4: {  	[dreg:$0x0] =	wrdreg $0x60  }
0xb5: {  	[dreg:$0x2] =	wrdreg s15  }
0xb6: {  	[dreg:$0x3] =	wrdreg s4  }
0xb7: {  	[dreg:$0x4] =	wrdreg s24  }
0xb8: {  	[dreg:$0x5] =	wrdreg s16  }
0xb9: {  	[dreg:$0x6] =	wrdreg s17  }
0xba: {  	[dreg:$0x7] =	wrdreg $0x9  }
0xbb: {  	_ =	task.clear_ibuf [dreg:s10], $0x8FFFF;
	_ =	strace $0x90000046  }
0xbc: {  	s29 =	simm.s32 $0x9;
	_ =	strace $0x80000048  }
0xbd: {  	_ =	swait.ge [sflag:s29], $0x1  }
0xbe: {  	[sflag:s29] =	ssyncadd.s32 $0xFFFFFFFF  }
0xbf: {  	_ =	strace $0x90000048  }
0xc0: {  	_ =	sfence  }
0xc1: {  	s30 =	sld [smem:$0x0];
	_ =	sdelay $0x2  }
0xc2: {  	s31 =	sshll.u32 s1, $0xD;
	s1 =	sshrl.u32 s1, $0x2  }
0xc3: {  	s3 =	sand.u32 $0x4000, s31;
	s1 =	sadd.s32 s1, s30  }
0xc4: {  	s0 =	sor.u32 s3, s0;
	s1 =	sshll.u32 s1, $0x11  }
0xc5: {  	s0 =	sor.u32 s1, s0  }
0xc6: {  	s0 =	sadd.s32 $0x8F2B, s0  }
0xc7: {  	[sflag:s0] =	ssyncadd.remote.s32 $0x1  }
0xc8: {  	_ =	sfence.sel $0xFFFF  }
0xc9: {  	[dreg:$0x0] =	wrdreg $0xFFFFFFFF;
	(pc) =	sbr.abs _section_cstart, $3  }
0xca: {  	[dreg:$0x1] =	wrdreg $0xFFFFFFFF  }
0xcb: {  	_ =	task.clear_ibuf [dreg:s10], $0x2FFFF;
	_ =	strace $0x9FFFFFFF  }
0xcc: {  	(tm) =	ssettm $0x7FFFFFFF  }
0xcd: {  	_ =	shalt  }
tec
execute0_lowered:
.L_overlay_start_1:
0x0: {  	(tag) =	ssettag $0x1  }
0x1: {  	s0 =	rddreg [dreg:$0x0]  }
0x2: {  	s1 =	rddreg [dreg:$0x1]  }
0x3: {  	s4 =	rddreg [dreg:$0x2]  }
0x4: {  	s11 =	rddreg [dreg:$0x3]  }
0x5: {  	s2 =	srdreg.scid;
	s10 =	rddreg [dreg:$0x4]  }
0x6: {  	s3 =	simm.s32 $0x0;
	s15 =	simm.s32 $0x180;
	s16 =	simm.s32 $0x2980  }
0x7: {  	s17 =	simm.s32 $0xA0;
	s18 =	simm.s32 $0x5180;
	s19 =	simm.s32 $0xF0  }
0x8: {  	s20 =	simm.s32 $0x7980;
	s21 =	simm.s32 $0xA180;
	s22 =	simm.s32 $0xB180  }
0x9: {  	s23 =	simm.s32 $0xC180;
	s24 =	simm.s32 $0xD180;
	s5 =	sand.u32 $0x1, s2  }
0xa: {  	s25 =	simm.s32 $0xE180;
	s2 =	stileid.u32;
	s6 =	sshll.u32 s5, $0x4  }
0xb: {  	s26 =	simm.s32 $0x2;
	s28 =	simm.s32 $0xF180;
	s6 =	sor.u32 s2, s6  }
0xc: {  	s29 =	simm.s32 $0x1;
	s30 =	simm.s32 $0x0;
	s7 =	smul.u32 $0x5000, s6  }
0xd: {  	[smem:$0x7FF] =	sst s3;
	s5 =	ssub.s32 $0x2, s5;
	s14 =	smul.u32 $0x500, s6  }
0xe: {  	_ =	strace $0x80000047;
	s8 =	sshrl.u32 s5, $0x1;
	s31 =	smul.u32 $0x1400, s6  }
0xf: {  	s9 =	smul.u32 $0x28, s6;
	s13 =	ssub.s32 s5, s8;
	s7 =	sshrl.u32 s7, $0x3  }
0x10: {  	s10 =	sadd.s32 s10, s14;
	s11 =	sadd.s32 s11, s31;
	s12 =	sadd.s32 s7, s4  }
0x11: {  	s14 =	simm.s32 $0x50;
	s4 =	sadd.s32 s1, s9;
	s5 =	sadd.s32 $0x14600, s12  }
0x12: {  	s6 =	sadd.s32 $0x14800, s12;
	s7 =	sadd.s32 $0x14A00, s12;
	s8 =	sadd.s32 $0x14C00, s12  }
0x13: {  	v0 =	vimm.f32 $0.0e+00;
	v1 =	vimm.f32 $1.000000000e+00;
	s9 =	sadd.s32 $0x14E00, s12;
	s12 =	smax.u32 s13, $0x1;
	s13 =	simm.s32 $0x3  }
.LBB2_1:
0x14: {  	[tilespmem:s3], [sflag:$0x3] =	stream.linear.gather [hbm4b:s4+s3], $0x140, $0x38;
	[tilespmem:$0x11980] =	vst v63  }
0x15: {  	_ =	swait.ge [sflag:s13], $0x140  }
0x16: {  	[sflag:s13] =	ssyncset.done $0x0  }
0x17: {  	[sflag:s13] =	ssyncadd.s32 $0xFFFFFEC0  }
0x18: {  	[tilespmem:s15], [sflag:$0x1] =	stream.indirect.gather [hbm4b:s0+s14], $0x80, s3, s14, $0xb8;
	[tilespmem:$0x11980] =	vst v63  }
0x19: {  	_ = 	snop  }
0x1a: {  	[tilespmem:s16], [sflag:$0x1] =	stream.indirect.gather [hbm4b:s0+s14], $0x80, s14, s14, $0xb8;
	[tilespmem:$0x11980] =	vst v63  }
0x1b: {  	_ = 	snop  }
0x1c: {  	[tilespmem:s18], [sflag:$0x1] =	stream.indirect.gather [hbm4b:s0+s14], $0x80, s17, s14, $0xb8;
	[tilespmem:$0x11980] =	vst v63  }
0x1d: {  	_ = 	snop  }
0x1e: {  	[tilespmem:s20], [sflag:$0x1] =	stream.indirect.gather [hbm4b:s0+s14], $0x80, s19, s14, $0xb8;
	[tilespmem:$0x11980] =	vst v63  }
0x1f: {  	_ = 	snop  }
0x20: {  	[tilespmem:s21], [sflag:$0x2] =	stream.linear.gather [hbm4b:s5+s3], $0xC80, $0x38;
	[tilespmem:$0x11980] =	vst v63  }
0x21: {  	_ = 	snop  }
0x22: {  	[tilespmem:s22], [sflag:$0x2] =	stream.linear.gather [hbm4b:s6+s3], $0xC80, $0x38;
	[tilespmem:$0x11980] =	vst v63  }
0x23: {  	_ = 	snop  }
0x24: {  	[tilespmem:s23], [sflag:$0x2] =	stream.linear.gather [hbm4b:s7+s3], $0xC80, $0x38;
	[tilespmem:$0x11980] =	vst v63  }
0x25: {  	_ = 	snop  }
0x26: {  	[tilespmem:s24], [sflag:$0x2] =	stream.linear.gather [hbm4b:s8+s3], $0xC80, $0x38;
	[tilespmem:$0x11980] =	vst v63  }
0x27: {  	s31 =	simm.s32 $0x40;
	s1 =	simm.s32 $0x0  }
0x28: {  	[tilespmem:s25], [sflag:$0x2] =	stream.linear.gather [hbm4b:s9+s3], $0xC80, $0x38;
	[tilespmem:$0x11980] =	vst v63  }
.LBB2_2:
0x29: {  	p0 =	sne.s32 s31, $0x9FC0;
	[tilespmem:s1+$0xF180] =	vst v0;
	s1 =	smov.u32 s31;
	s31 =	sadd.s32 $0x40, s31  }
.Ltmp0:
0x2a: {  	(pc) =	sbr.rel @p0 .LBB2_2-.Ltmp0, $2  }
0x2b: {  	_ =	sdelay $0x2  }
0x2c: {  	s1 =	sshra.s32 s1, $0x2  }
0x2d: {  	[tilespmem:s1+$0xF180] =	vst v0  }
0x2e: {  	_ =	swait.ge [sflag:s26], $0xC80  }
0x2f: {  	[sflag:s26] =	ssyncset.done $0x0  }
0x30: {  	[sflag:s26] =	ssyncadd.s32 $0xFFFFF380  }
0x31: {  	v2 =	vld [tilespmem:$0xA180];
	_ =	sdelay $0x7  }
0x32: {  	[tilespmem:v2+s28+$0x0] =	vst.idx.add.f32.msk $0xffff, v1  }
0x33: {  	v2 =	vld [tilespmem:$0xA190];
	_ =	sdelay $0x7  }
0x34: {  	[tilespmem:v2+s28+$0x0] =	vst.idx.add.f32.msk $0xffff, v1  }
0x35: {  	v2 =	vld [tilespmem:$0xA1A0];
	_ =	sdelay $0x7  }
0x36: {  	[tilespmem:v2+s28+$0x0] =	vst.idx.add.f32.msk $0xffff, v1  }
0x37: {  	v2 =	vld [tilespmem:$0xA1B0];
	_ =	sdelay $0x7  }
0x38: {  	[tilespmem:v2+s28+$0x0] =	vst.idx.add.f32.msk $0xffff, v1  }
0x39: {  	v2 =	vld [tilespmem:$0xA1C0];
	_ =	sdelay $0x7  }
0x3a: {  	[tilespmem:v2+s28+$0x0] =	vst.idx.add.f32.msk $0xffff, v1  }
0x3b: {  	v2 =	vld [tilespmem:$0xA200];
	_ =	sdelay $0x7  }
0x3c: {  	[tilespmem:v2+s28+$0x0] =	vst.idx.add.f32.msk $0xffff, v1  }
0x3d: {  	v2 =	vld [tilespmem:$0xA210];
	_ =	sdelay $0x7  }
0x3e: {  	[tilespmem:v2+s28+$0x0] =	vst.idx.add.f32.msk $0xffff, v1  }
0x3f: {  	v2 =	vld [tilespmem:$0xA220];
	_ =	sdelay $0x7  }
0x40: {  	[tilespmem:v2+s28+$0x0] =	vst.idx.add.f32.msk $0xffff, v1  }
0x41: {  	v2 =	vld [tilespmem:$0xA230];
	_ =	sdelay $0x7  }
0x42: {  	[tilespmem:v2+s28+$0x0] =	vst.idx.add.f32.msk $0xffff, v1  }
0x43: {  	v2 =	vld [tilespmem:$0xA240];
	_ =	sdelay $0x7  }
0x44: {  	[tilespmem:v2+s28+$0x0] =	vst.idx.add.f32.msk $0xffff, v1  }
0x45: {  	v2 =	vld [tilespmem:$0xA280];
	_ =	sdelay $0x7  }
0x46: {  	[tilespmem:v2+s28+$0x0] =	vst.idx.add.f32.msk $0xffff, v1  }
0x47: {  	v2 =	vld [tilespmem:$0xA290];
	_ =	sdelay $0x7  }
0x48: {  	[tilespmem:v2+s28+$0x0] =	vst.idx.add.f32.msk $0xffff, v1  }
0x49: {  	v2 =	vld [tilespmem:$0xA2A0];
	_ =	sdelay $0x7  }
0x4a: {  	[tilespmem:v2+s28+$0x0] =	vst.idx.add.f32.msk $0xffff, v1  }
0x4b: {  	v2 =	vld [tilespmem:$0xA2B0];
	_ =	sdelay $0x7  }
0x4c: {  	[tilespmem:v2+s28+$0x0] =	vst.idx.add.f32.msk $0xffff, v1  }
0x4d: {  	v2 =	vld [tilespmem:$0xA2C0];
	_ =	sdelay $0x7  }
0x4e: {  	[tilespmem:v2+s28+$0x0] =	vst.idx.add.f32.msk $0xffff, v1  }
0x4f: {  	v2 =	vld [tilespmem:$0xA300];
	_ =	sdelay $0x7  }
0x50: {  	[tilespmem:v2+s28+$0x0] =	vst.idx.add.f32.msk $0xffff, v1  }
0x51: {  	v2 =	vld [tilespmem:$0xA310];
	_ =	sdelay $0x7  }
0x52: {  	[tilespmem:v2+s28+$0x0] =	vst.idx.add.f32.msk $0xffff, v1  }
0x53: {  	v2 =	vld [tilespmem:$0xA320];
	_ =	sdelay $0x7  }
0x54: {  	[tilespmem:v2+s28+$0x0] =	vst.idx.add.f32.msk $0xffff, v1  }
0x55: {  	v2 =	vld [tilespmem:$0xA330];
	_ =	sdelay $0x7  }
0x56: {  	[tilespmem:v2+s28+$0x0] =	vst.idx.add.f32.msk $0xffff, v1  }
0x57: {  	v2 =	vld [tilespmem:$0xA340];
	_ =	sdelay $0x7  }
0x58: {  	[tilespmem:v2+s28+$0x0] =	vst.idx.add.f32.msk $0xffff, v1  }
0x59: {  	v2 =	vld [tilespmem:$0xA380];
	_ =	sdelay $0x7  }
0x5a: {  	[tilespmem:v2+s28+$0x0] =	vst.idx.add.f32.msk $0xffff, v1  }
0x5b: {  	v2 =	vld [tilespmem:$0xA390];
	_ =	sdelay $0x7  }
0x5c: {  	[tilespmem:v2+s28+$0x0] =	vst.idx.add.f32.msk $0xffff, v1  }
0x5d: {  	v2 =	vld [tilespmem:$0xA3A0];
	_ =	sdelay $0x7  }
0x5e: {  	[tilespmem:v2+s28+$0x0] =	vst.idx.add.f32.msk $0xffff, v1  }
0x5f: {  	v2 =	vld [tilespmem:$0xA3B0];
	_ =	sdelay $0x7  }
0x60: {  	[tilespmem:v2+s28+$0x0] =	vst.idx.add.f32.msk $0xffff, v1  }
0x61: {  	v2 =	vld [tilespmem:$0xA3C0];
	_ =	sdelay $0x7  }
0x62: {  	[tilespmem:v2+s28+$0x0] =	vst.idx.add.f32.msk $0xffff, v1  }
0x63: {  	v2 =	vld [tilespmem:$0xA400];
	_ =	sdelay $0x7  }
0x64: {  	[tilespmem:v2+s28+$0x0] =	vst.idx.add.f32.msk $0xffff, v1  }
0x65: {  	v2 =	vld [tilespmem:$0xA410];
	_ =	sdelay $0x7  }
0x66: {  	[tilespmem:v2+s28+$0x0] =	vst.idx.add.f32.msk $0xffff, v1  }
0x67: {  	v2 =	vld [tilespmem:$0xA420];
	_ =	sdelay $0x7  }
0x68: {  	[tilespmem:v2+s28+$0x0] =	vst.idx.add.f32.msk $0xffff, v1  }
0x69: {  	v2 =	vld [tilespmem:$0xA430];
	_ =	sdelay $0x7  }
0x6a: {  	[tilespmem:v2+s28+$0x0] =	vst.idx.add.f32.msk $0xffff, v1  }
0x6b: {  	v2 =	vld [tilespmem:$0xA440];
	_ =	sdelay $0x7  }
0x6c: {  	[tilespmem:v2+s28+$0x0] =	vst.idx.add.f32.msk $0xffff, v1  }
0x6d: {  	v2 =	vld [tilespmem:$0xA480];
	_ =	sdelay $0x7  }
0x6e: {  	[tilespmem:v2+s28+$0x0] =	vst.idx.add.f32.msk $0xffff, v1  }
0x6f: {  	v2 =	vld [tilespmem:$0xA490];
	_ =	sdelay $0x7  }
0x70: {  	[tilespmem:v2+s28+$0x0] =	vst.idx.add.f32.msk $0xffff, v1  }
0x71: {  	v2 =	vld [tilespmem:$0xA4A0];
	_ =	sdelay $0x7  }
0x72: {  	[tilespmem:v2+s28+$0x0] =	vst.idx.add.f32.msk $0xffff, v1  }
0x73: {  	v2 =	vld [tilespmem:$0xA4B0];
	_ =	sdelay $0x7  }
0x74: {  	[tilespmem:v2+s28+$0x0] =	vst.idx.add.f32.msk $0xffff, v1  }
0x75: {  	v2 =	vld [tilespmem:$0xA4C0];
	_ =	sdelay $0x7  }
0x76: {  	[tilespmem:v2+s28+$0x0] =	vst.idx.add.f32.msk $0xffff, v1  }
0x77: {  	v2 =	vld [tilespmem:$0xA500];
	_ =	sdelay $0x7  }
0x78: {  	[tilespmem:v2+s28+$0x0] =	vst.idx.add.f32.msk $0xffff, v1  }
0x79: {  	v2 =	vld [tilespmem:$0xA510];
	_ =	sdelay $0x7  }
0x7a: {  	[tilespmem:v2+s28+$0x0] =	vst.idx.add.f32.msk $0xffff, v1  }
0x7b: {  	v2 =	vld [tilespmem:$0xA520];
	_ =	sdelay $0x7  }
0x7c: {  	[tilespmem:v2+s28+$0x0] =	vst.idx.add.f32.msk $0xffff, v1  }
0x7d: {  	v2 =	vld [tilespmem:$0xA530];
	_ =	sdelay $0x7  }
0x7e: {  	[tilespmem:v2+s28+$0x0] =	vst.idx.add.f32.msk $0xffff, v1  }
0x7f: {  	v2 =	vld [tilespmem:$0xA540];
	_ =	sdelay $0x7  }
0x80: {  	[tilespmem:v2+s28+$0x0] =	vst.idx.add.f32.msk $0xffff, v1  }
0x81: {  	v2 =	vld [tilespmem:$0xA580];
	_ =	sdelay $0x7  }
0x82: {  	[tilespmem:v2+s28+$0x0] =	vst.idx.add.f32.msk $0xffff, v1  }
0x83: {  	v2 =	vld [tilespmem:$0xA590];
	_ =	sdelay $0x7  }
0x84: {  	[tilespmem:v2+s28+$0x0] =	vst.idx.add.f32.msk $0xffff, v1  }
0x85: {  	v2 =	vld [tilespmem:$0xA5A0];
	_ =	sdelay $0x7  }
0x86: {  	[tilespmem:v2+s28+$0x0] =	vst.idx.add.f32.msk $0xffff, v1  }
0x87: {  	v2 =	vld [tilespmem:$0xA5B0];
	_ =	sdelay $0x7  }
0x88: {  	[tilespmem:v2+s28+$0x0] =	vst.idx.add.f32.msk $0xffff, v1  }
0x89: {  	v2 =	vld [tilespmem:$0xA5C0];
	_ =	sdelay $0x7  }
0x8a: {  	[tilespmem:v2+s28+$0x0] =	vst.idx.add.f32.msk $0xffff, v1  }
0x8b: {  	v2 =	vld [tilespmem:$0xA600];
	_ =	sdelay $0x7  }
0x8c: {  	[tilespmem:v2+s28+$0x0] =	vst.idx.add.f32.msk $0xffff, v1  }
0x8d: {  	v2 =	vld [tilespmem:$0xA610];
	_ =	sdelay $0x7  }
0x8e: {  	[tilespmem:v2+s28+$0x0] =	vst.idx.add.f32.msk $0xffff, v1  }
0x8f: {  	v2 =	vld [tilespmem:$0xA620];
	_ =	sdelay $0x7  }
0x90: {  	[tilespmem:v2+s28+$0x0] =	vst.idx.add.f32.msk $0xffff, v1  }
0x91: {  	v2 =	vld [tilespmem:$0xA630];
	_ =	sdelay $0x7  }
0x92: {  	[tilespmem:v2+s28+$0x0] =	vst.idx.add.f32.msk $0xffff, v1  }
0x93: {  	v2 =	vld [tilespmem:$0xA640];
	_ =	sdelay $0x7  }
0x94: {  	[tilespmem:v2+s28+$0x0] =	vst.idx.add.f32.msk $0xffff, v1  }
0x95: {  	v2 =	vld [tilespmem:$0xA680];
	_ =	sdelay $0x7  }
0x96: {  	[tilespmem:v2+s28+$0x0] =	vst.idx.add.f32.msk $0xffff, v1  }
0x97: {  	v2 =	vld [tilespmem:$0xA690];
	_ =	sdelay $0x7  }
0x98: {  	[tilespmem:v2+s28+$0x0] =	vst.idx.add.f32.msk $0xffff, v1  }
0x99: {  	v2 =	vld [tilespmem:$0xA6A0];
	_ =	sdelay $0x7  }
0x9a: {  	[tilespmem:v2+s28+$0x0] =	vst.idx.add.f32.msk $0xffff, v1  }
0x9b: {  	v2 =	vld [tilespmem:$0xA6B0];
	_ =	sdelay $0x7  }
0x9c: {  	[tilespmem:v2+s28+$0x0] =	vst.idx.add.f32.msk $0xffff, v1  }
0x9d: {  	v2 =	vld [tilespmem:$0xA6C0];
	_ =	sdelay $0x7  }
0x9e: {  	[tilespmem:v2+s28+$0x0] =	vst.idx.add.f32.msk $0xffff, v1  }
0x9f: {  	v2 =	vld [tilespmem:$0xA700];
	_ =	sdelay $0x7  }
0xa0: {  	[tilespmem:v2+s28+$0x0] =	vst.idx.add.f32.msk $0xffff, v1  }
0xa1: {  	v2 =	vld [tilespmem:$0xA710];
	_ =	sdelay $0x7  }
0xa2: {  	[tilespmem:v2+s28+$0x0] =	vst.idx.add.f32.msk $0xffff, v1  }
0xa3: {  	v2 =	vld [tilespmem:$0xA720];
	_ =	sdelay $0x7  }
0xa4: {  	[tilespmem:v2+s28+$0x0] =	vst.idx.add.f32.msk $0xffff, v1  }
0xa5: {  	v2 =	vld [tilespmem:$0xA730];
	_ =	sdelay $0x7  }
0xa6: {  	[tilespmem:v2+s28+$0x0] =	vst.idx.add.f32.msk $0xffff, v1  }
0xa7: {  	v2 =	vld [tilespmem:$0xA740];
	_ =	sdelay $0x7  }
0xa8: {  	[tilespmem:v2+s28+$0x0] =	vst.idx.add.f32.msk $0xffff, v1  }
0xa9: {  	v2 =	vld [tilespmem:$0xA780];
	_ =	sdelay $0x7  }
0xaa: {  	[tilespmem:v2+s28+$0x0] =	vst.idx.add.f32.msk $0xffff, v1  }
0xab: {  	v2 =	vld [tilespmem:$0xA790];
	_ =	sdelay $0x7  }
0xac: {  	[tilespmem:v2+s28+$0x0] =	vst.idx.add.f32.msk $0xffff, v1  }
0xad: {  	v2 =	vld [tilespmem:$0xA7A0];
	_ =	sdelay $0x7  }
0xae: {  	[tilespmem:v2+s28+$0x0] =	vst.idx.add.f32.msk $0xffff, v1  }
0xaf: {  	v2 =	vld [tilespmem:$0xA7B0];
	_ =	sdelay $0x7  }
0xb0: {  	[tilespmem:v2+s28+$0x0] =	vst.idx.add.f32.msk $0xffff, v1  }
0xb1: {  	v2 =	vld [tilespmem:$0xA7C0];
	_ =	sdelay $0x7  }
0xb2: {  	[tilespmem:v2+s28+$0x0] =	vst.idx.add.f32.msk $0xffff, v1  }
0xb3: {  	v2 =	vld [tilespmem:$0xA800];
	_ =	sdelay $0x7  }
0xb4: {  	[tilespmem:v2+s28+$0x0] =	vst.idx.add.f32.msk $0xffff, v1  }
0xb5: {  	v2 =	vld [tilespmem:$0xA810];
	_ =	sdelay $0x7  }
0xb6: {  	[tilespmem:v2+s28+$0x0] =	vst.idx.add.f32.msk $0xffff, v1  }
0xb7: {  	v2 =	vld [tilespmem:$0xA820];
	_ =	sdelay $0x7  }
0xb8: {  	[tilespmem:v2+s28+$0x0] =	vst.idx.add.f32.msk $0xffff, v1  }
0xb9: {  	v2 =	vld [tilespmem:$0xA830];
	_ =	sdelay $0x7  }
0xba: {  	[tilespmem:v2+s28+$0x0] =	vst.idx.add.f32.msk $0xffff, v1  }
0xbb: {  	v2 =	vld [tilespmem:$0xA840];
	_ =	sdelay $0x7  }
0xbc: {  	[tilespmem:v2+s28+$0x0] =	vst.idx.add.f32.msk $0xffff, v1  }
0xbd: {  	v2 =	vld [tilespmem:$0xA880];
	_ =	sdelay $0x7  }
0xbe: {  	[tilespmem:v2+s28+$0x0] =	vst.idx.add.f32.msk $0xffff, v1  }
0xbf: {  	v2 =	vld [tilespmem:$0xA890];
	_ =	sdelay $0x7  }
0xc0: {  	[tilespmem:v2+s28+$0x0] =	vst.idx.add.f32.msk $0xffff, v1  }
0xc1: {  	v2 =	vld [tilespmem:$0xA8A0];
	_ =	sdelay $0x7  }
0xc2: {  	[tilespmem:v2+s28+$0x0] =	vst.idx.add.f32.msk $0xffff, v1  }
0xc3: {  	v2 =	vld [tilespmem:$0xA8B0];
	_ =	sdelay $0x7  }
0xc4: {  	[tilespmem:v2+s28+$0x0] =	vst.idx.add.f32.msk $0xffff, v1  }
0xc5: {  	v2 =	vld [tilespmem:$0xA8C0];
	_ =	sdelay $0x7  }
0xc6: {  	[tilespmem:v2+s28+$0x0] =	vst.idx.add.f32.msk $0xffff, v1  }
0xc7: {  	v2 =	vld [tilespmem:$0xA900];
	_ =	sdelay $0x7  }
0xc8: {  	[tilespmem:v2+s28+$0x0] =	vst.idx.add.f32.msk $0xffff, v1  }
0xc9: {  	v2 =	vld [tilespmem:$0xA910];
	_ =	sdelay $0x7  }
0xca: {  	[tilespmem:v2+s28+$0x0] =	vst.idx.add.f32.msk $0xffff, v1  }
0xcb: {  	v2 =	vld [tilespmem:$0xA920];
	_ =	sdelay $0x7  }
0xcc: {  	[tilespmem:v2+s28+$0x0] =	vst.idx.add.f32.msk $0xffff, v1  }
0xcd: {  	v2 =	vld [tilespmem:$0xA930];
	_ =	sdelay $0x7  }
0xce: {  	[tilespmem:v2+s28+$0x0] =	vst.idx.add.f32.msk $0xffff, v1  }
0xcf: {  	v2 =	vld [tilespmem:$0xA940];
	_ =	sdelay $0x7  }
0xd0: {  	[tilespmem:v2+s28+$0x0] =	vst.idx.add.f32.msk $0xffff, v1  }
0xd1: {  	v2 =	vld [tilespmem:$0xA980];
	_ =	sdelay $0x7  }
0xd2: {  	[tilespmem:v2+s28+$0x0] =	vst.idx.add.f32.msk $0xffff, v1  }
0xd3: {  	v2 =	vld [tilespmem:$0xA990];
	_ =	sdelay $0x7  }
0xd4: {  	[tilespmem:v2+s28+$0x0] =	vst.idx.add.f32.msk $0xffff, v1  }
0xd5: {  	v2 =	vld [tilespmem:$0xA9A0];
	_ =	sdelay $0x7  }
0xd6: {  	[tilespmem:v2+s28+$0x0] =	vst.idx.add.f32.msk $0xffff, v1  }
0xd7: {  	v2 =	vld [tilespmem:$0xA9B0];
	_ =	sdelay $0x7  }
0xd8: {  	[tilespmem:v2+s28+$0x0] =	vst.idx.add.f32.msk $0xffff, v1  }
0xd9: {  	v2 =	vld [tilespmem:$0xA9C0];
	_ =	sdelay $0x7  }
0xda: {  	[tilespmem:v2+s28+$0x0] =	vst.idx.add.f32.msk $0xffff, v1  }
0xdb: {  	v2 =	vld [tilespmem:$0xAA00];
	_ =	sdelay $0x7  }
0xdc: {  	[tilespmem:v2+s28+$0x0] =	vst.idx.add.f32.msk $0xffff, v1  }
0xdd: {  	v2 =	vld [tilespmem:$0xAA10];
	_ =	sdelay $0x7  }
0xde: {  	[tilespmem:v2+s28+$0x0] =	vst.idx.add.f32.msk $0xffff, v1  }
0xdf: {  	v2 =	vld [tilespmem:$0xAA20];
	_ =	sdelay $0x7  }
0xe0: {  	[tilespmem:v2+s28+$0x0] =	vst.idx.add.f32.msk $0xffff, v1  }
0xe1: {  	v2 =	vld [tilespmem:$0xAA30];
	_ =	sdelay $0x7  }
0xe2: {  	[tilespmem:v2+s28+$0x0] =	vst.idx.add.f32.msk $0xffff, v1  }
0xe3: {  	v2 =	vld [tilespmem:$0xAA40];
	_ =	sdelay $0x7  }
0xe4: {  	[tilespmem:v2+s28+$0x0] =	vst.idx.add.f32.msk $0xffff, v1  }
0xe5: {  	v2 =	vld [tilespmem:$0xAA80];
	_ =	sdelay $0x7  }
0xe6: {  	[tilespmem:v2+s28+$0x0] =	vst.idx.add.f32.msk $0xffff, v1  }
0xe7: {  	v2 =	vld [tilespmem:$0xAA90];
	_ =	sdelay $0x7  }
0xe8: {  	[tilespmem:v2+s28+$0x0] =	vst.idx.add.f32.msk $0xffff, v1  }
0xe9: {  	v2 =	vld [tilespmem:$0xAAA0];
	_ =	sdelay $0x7  }
0xea: {  	[tilespmem:v2+s28+$0x0] =	vst.idx.add.f32.msk $0xffff, v1  }
0xeb: {  	v2 =	vld [tilespmem:$0xAAB0];
	_ =	sdelay $0x7  }
0xec: {  	[tilespmem:v2+s28+$0x0] =	vst.idx.add.f32.msk $0xffff, v1  }
0xed: {  	v2 =	vld [tilespmem:$0xAAC0];
	_ =	sdelay $0x7  }
0xee: {  	[tilespmem:v2+s28+$0x0] =	vst.idx.add.f32.msk $0xffff, v1  }
0xef: {  	v2 =	vld [tilespmem:$0xAB00];
	_ =	sdelay $0x7  }
0xf0: {  	[tilespmem:v2+s28+$0x0] =	vst.idx.add.f32.msk $0xffff, v1  }
0xf1: {  	v2 =	vld [tilespmem:$0xAB10];
	_ =	sdelay $0x7  }
0xf2: {  	[tilespmem:v2+s28+$0x0] =	vst.idx.add.f32.msk $0xffff, v1  }
0xf3: {  	v2 =	vld [tilespmem:$0xAB20];
	_ =	sdelay $0x7  }
0xf4: {  	[tilespmem:v2+s28+$0x0] =	vst.idx.add.f32.msk $0xffff, v1  }
0xf5: {  	v2 =	vld [tilespmem:$0xAB30];
	_ =	sdelay $0x7  }
0xf6: {  	[tilespmem:v2+s28+$0x0] =	vst.idx.add.f32.msk $0xffff, v1  }
0xf7: {  	v2 =	vld [tilespmem:$0xAB40];
	_ =	sdelay $0x7  }
0xf8: {  	[tilespmem:v2+s28+$0x0] =	vst.idx.add.f32.msk $0xffff, v1  }
0xf9: {  	v2 =	vld [tilespmem:$0xAB80];
	_ =	sdelay $0x7  }
0xfa: {  	[tilespmem:v2+s28+$0x0] =	vst.idx.add.f32.msk $0xffff, v1  }
0xfb: {  	v2 =	vld [tilespmem:$0xAB90];
	_ =	sdelay $0x7  }
0xfc: {  	[tilespmem:v2+s28+$0x0] =	vst.idx.add.f32.msk $0xffff, v1  }
0xfd: {  	v2 =	vld [tilespmem:$0xABA0];
	_ =	sdelay $0x7  }
0xfe: {  	[tilespmem:v2+s28+$0x0] =	vst.idx.add.f32.msk $0xffff, v1  }
0xff: {  	v2 =	vld [tilespmem:$0xABB0];
	_ =	sdelay $0x7  }
0x100: {  	[tilespmem:v2+s28+$0x0] =	vst.idx.add.f32.msk $0xffff, v1  }
0x101: {  	v2 =	vld [tilespmem:$0xABC0];
	_ =	sdelay $0x7  }
0x102: {  	[tilespmem:v2+s28+$0x0] =	vst.idx.add.f32.msk $0xffff, v1  }
0x103: {  	v2 =	vld [tilespmem:$0xAC00];
	_ =	sdelay $0x7  }
0x104: {  	[tilespmem:v2+s28+$0x0] =	vst.idx.add.f32.msk $0xffff, v1  }
0x105: {  	v2 =	vld [tilespmem:$0xAC10];
	_ =	sdelay $0x7  }
0x106: {  	[tilespmem:v2+s28+$0x0] =	vst.idx.add.f32.msk $0xffff, v1  }
0x107: {  	v2 =	vld [tilespmem:$0xAC20];
	_ =	sdelay $0x7  }
0x108: {  	[tilespmem:v2+s28+$0x0] =	vst.idx.add.f32.msk $0xffff, v1  }
0x109: {  	v2 =	vld [tilespmem:$0xAC30];
	_ =	sdelay $0x7  }
0x10a: {  	[tilespmem:v2+s28+$0x0] =	vst.idx.add.f32.msk $0xffff, v1  }
0x10b: {  	v2 =	vld [tilespmem:$0xAC40];
	_ =	sdelay $0x7  }
0x10c: {  	[tilespmem:v2+s28+$0x0] =	vst.idx.add.f32.msk $0xffff, v1  }
0x10d: {  	v2 =	vld [tilespmem:$0xAC80];
	_ =	sdelay $0x7  }
0x10e: {  	[tilespmem:v2+s28+$0x0] =	vst.idx.add.f32.msk $0xffff, v1  }
0x10f: {  	v2 =	vld [tilespmem:$0xAC90];
	_ =	sdelay $0x7  }
0x110: {  	[tilespmem:v2+s28+$0x0] =	vst.idx.add.f32.msk $0xffff, v1  }
0x111: {  	v2 =	vld [tilespmem:$0xACA0];
	_ =	sdelay $0x7  }
0x112: {  	[tilespmem:v2+s28+$0x0] =	vst.idx.add.f32.msk $0xffff, v1  }
0x113: {  	v2 =	vld [tilespmem:$0xACB0];
	_ =	sdelay $0x7  }
0x114: {  	[tilespmem:v2+s28+$0x0] =	vst.idx.add.f32.msk $0xffff, v1  }
0x115: {  	v2 =	vld [tilespmem:$0xACC0];
	_ =	sdelay $0x7  }
0x116: {  	[tilespmem:v2+s28+$0x0] =	vst.idx.add.f32.msk $0xffff, v1  }
0x117: {  	v2 =	vld [tilespmem:$0xAD00];
	_ =	sdelay $0x7  }
0x118: {  	[tilespmem:v2+s28+$0x0] =	vst.idx.add.f32.msk $0xffff, v1  }
0x119: {  	v2 =	vld [tilespmem:$0xAD10];
	_ =	sdelay $0x7  }
0x11a: {  	[tilespmem:v2+s28+$0x0] =	vst.idx.add.f32.msk $0xffff, v1  }
0x11b: {  	v2 =	vld [tilespmem:$0xAD20];
	_ =	sdelay $0x7  }
0x11c: {  	[tilespmem:v2+s28+$0x0] =	vst.idx.add.f32.msk $0xffff, v1  }
0x11d: {  	v2 =	vld [tilespmem:$0xAD30];
	_ =	sdelay $0x7  }
0x11e: {  	[tilespmem:v2+s28+$0x0] =	vst.idx.add.f32.msk $0xffff, v1  }
0x11f: {  	v2 =	vld [tilespmem:$0xAD40];
	_ =	sdelay $0x7  }
0x120: {  	[tilespmem:v2+s28+$0x0] =	vst.idx.add.f32.msk $0xffff, v1  }
0x121: {  	v2 =	vld [tilespmem:$0xAD80];
	_ =	sdelay $0x7  }
0x122: {  	[tilespmem:v2+s28+$0x0] =	vst.idx.add.f32.msk $0xffff, v1  }
0x123: {  	v2 =	vld [tilespmem:$0xAD90];
	_ =	sdelay $0x7  }
0x124: {  	[tilespmem:v2+s28+$0x0] =	vst.idx.add.f32.msk $0xffff, v1  }
0x125: {  	v2 =	vld [tilespmem:$0xADA0];
	_ =	sdelay $0x7  }
0x126: {  	[tilespmem:v2+s28+$0x0] =	vst.idx.add.f32.msk $0xffff, v1  }
0x127: {  	v2 =	vld [tilespmem:$0xADB0];
	_ =	sdelay $0x7  }
0x128: {  	[tilespmem:v2+s28+$0x0] =	vst.idx.add.f32.msk $0xffff, v1  }
0x129: {  	v2 =	vld [tilespmem:$0xADC0];
	_ =	sdelay $0x7  }
0x12a: {  	[tilespmem:v2+s28+$0x0] =	vst.idx.add.f32.msk $0xffff, v1  }
0x12b: {  	_ =	swait.ge [sflag:s26], $0xC80  }
0x12c: {  	[sflag:s26] =	ssyncset.done $0x0  }
0x12d: {  	[sflag:s26] =	ssyncadd.s32 $0xFFFFF380  }
0x12e: {  	v2 =	vld [tilespmem:$0xB180];
	_ =	sdelay $0x7  }
0x12f: {  	[tilespmem:v2+s28+$0x0] =	vst.idx.add.f32.msk $0xffff, v1  }
0x130: {  	v2 =	vld [tilespmem:$0xB190];
	_ =	sdelay $0x7  }
0x131: {  	[tilespmem:v2+s28+$0x0] =	vst.idx.add.f32.msk $0xffff, v1  }
0x132: {  	v2 =	vld [tilespmem:$0xB1A0];
	_ =	sdelay $0x7  }
0x133: {  	[tilespmem:v2+s28+$0x0] =	vst.idx.add.f32.msk $0xffff, v1  }
0x134: {  	v2 =	vld [tilespmem:$0xB1B0];
	_ =	sdelay $0x7  }
0x135: {  	[tilespmem:v2+s28+$0x0] =	vst.idx.add.f32.msk $0xffff, v1  }
0x136: {  	v2 =	vld [tilespmem:$0xB1C0];
	_ =	sdelay $0x7  }
0x137: {  	[tilespmem:v2+s28+$0x0] =	vst.idx.add.f32.msk $0xffff, v1  }
0x138: {  	v2 =	vld [tilespmem:$0xB200];
	_ =	sdelay $0x7  }
0x139: {  	[tilespmem:v2+s28+$0x0] =	vst.idx.add.f32.msk $0xffff, v1  }
0x13a: {  	v2 =	vld [tilespmem:$0xB210];
	_ =	sdelay $0x7  }
0x13b: {  	[tilespmem:v2+s28+$0x0] =	vst.idx.add.f32.msk $0xffff, v1  }
0x13c: {  	v2 =	vld [tilespmem:$0xB220];
	_ =	sdelay $0x7  }
0x13d: {  	[tilespmem:v2+s28+$0x0] =	vst.idx.add.f32.msk $0xffff, v1  }
0x13e: {  	v2 =	vld [tilespmem:$0xB230];
	_ =	sdelay $0x7  }
0x13f: {  	[tilespmem:v2+s28+$0x0] =	vst.idx.add.f32.msk $0xffff, v1  }
0x140: {  	v2 =	vld [tilespmem:$0xB240];
	_ =	sdelay $0x7  }
0x141: {  	[tilespmem:v2+s28+$0x0] =	vst.idx.add.f32.msk $0xffff, v1  }
0x142: {  	v2 =	vld [tilespmem:$0xB280];
	_ =	sdelay $0x7  }
0x143: {  	[tilespmem:v2+s28+$0x0] =	vst.idx.add.f32.msk $0xffff, v1  }
0x144: {  	v2 =	vld [tilespmem:$0xB290];
	_ =	sdelay $0x7  }
0x145: {  	[tilespmem:v2+s28+$0x0] =	vst.idx.add.f32.msk $0xffff, v1  }
0x146: {  	v2 =	vld [tilespmem:$0xB2A0];
	_ =	sdelay $0x7  }
0x147: {  	[tilespmem:v2+s28+$0x0] =	vst.idx.add.f32.msk $0xffff, v1  }
0x148: {  	v2 =	vld [tilespmem:$0xB2B0];
	_ =	sdelay $0x7  }
0x149: {  	[tilespmem:v2+s28+$0x0] =	vst.idx.add.f32.msk $0xffff, v1  }
0x14a: {  	v2 =	vld [tilespmem:$0xB2C0];
	_ =	sdelay $0x7  }
0x14b: {  	[tilespmem:v2+s28+$0x0] =	vst.idx.add.f32.msk $0xffff, v1  }
0x14c: {  	v2 =	vld [tilespmem:$0xB300];
	_ =	sdelay $0x7  }
0x14d: {  	[tilespmem:v2+s28+$0x0] =	vst.idx.add.f32.msk $0xffff, v1  }
0x14e: {  	v2 =	vld [tilespmem:$0xB310];
	_ =	sdelay $0x7  }
0x14f: {  	[tilespmem:v2+s28+$0x0] =	vst.idx.add.f32.msk $0xffff, v1  }
0x150: {  	v2 =	vld [tilespmem:$0xB320];
	_ =	sdelay $0x7  }
0x151: {  	[tilespmem:v2+s28+$0x0] =	vst.idx.add.f32.msk $0xffff, v1  }
0x152: {  	v2 =	vld [tilespmem:$0xB330];
	_ =	sdelay $0x7  }
0x153: {  	[tilespmem:v2+s28+$0x0] =	vst.idx.add.f32.msk $0xffff, v1  }
0x154: {  	v2 =	vld [tilespmem:$0xB340];
	_ =	sdelay $0x7  }
0x155: {  	[tilespmem:v2+s28+$0x0] =	vst.idx.add.f32.msk $0xffff, v1  }
0x156: {  	v2 =	vld [tilespmem:$0xB380];
	_ =	sdelay $0x7  }
0x157: {  	[tilespmem:v2+s28+$0x0] =	vst.idx.add.f32.msk $0xffff, v1  }
0x158: {  	v2 =	vld [tilespmem:$0xB390];
	_ =	sdelay $0x7  }
0x159: {  	[tilespmem:v2+s28+$0x0] =	vst.idx.add.f32.msk $0xffff, v1  }
0x15a: {  	v2 =	vld [tilespmem:$0xB3A0];
	_ =	sdelay $0x7  }
0x15b: {  	[tilespmem:v2+s28+$0x0] =	vst.idx.add.f32.msk $0xffff, v1  }
0x15c: {  	v2 =	vld [tilespmem:$0xB3B0];
	_ =	sdelay $0x7  }
0x15d: {  	[tilespmem:v2+s28+$0x0] =	vst.idx.add.f32.msk $0xffff, v1  }
0x15e: {  	v2 =	vld [tilespmem:$0xB3C0];
	_ =	sdelay $0x7  }
0x15f: {  	[tilespmem:v2+s28+$0x0] =	vst.idx.add.f32.msk $0xffff, v1  }
0x160: {  	v2 =	vld [tilespmem:$0xB400];
	_ =	sdelay $0x7  }
0x161: {  	[tilespmem:v2+s28+$0x0] =	vst.idx.add.f32.msk $0xffff, v1  }
0x162: {  	v2 =	vld [tilespmem:$0xB410];
	_ =	sdelay $0x7  }
0x163: {  	[tilespmem:v2+s28+$0x0] =	vst.idx.add.f32.msk $0xffff, v1  }
0x164: {  	v2 =	vld [tilespmem:$0xB420];
	_ =	sdelay $0x7  }
0x165: {  	[tilespmem:v2+s28+$0x0] =	vst.idx.add.f32.msk $0xffff, v1  }
0x166: {  	v2 =	vld [tilespmem:$0xB430];
	_ =	sdelay $0x7  }
0x167: {  	[tilespmem:v2+s28+$0x0] =	vst.idx.add.f32.msk $0xffff, v1  }
0x168: {  	v2 =	vld [tilespmem:$0xB440];
	_ =	sdelay $0x7  }
0x169: {  	[tilespmem:v2+s28+$0x0] =	vst.idx.add.f32.msk $0xffff, v1  }
0x16a: {  	v2 =	vld [tilespmem:$0xB480];
	_ =	sdelay $0x7  }
0x16b: {  	[tilespmem:v2+s28+$0x0] =	vst.idx.add.f32.msk $0xffff, v1  }
0x16c: {  	v2 =	vld [tilespmem:$0xB490];
	_ =	sdelay $0x7  }
0x16d: {  	[tilespmem:v2+s28+$0x0] =	vst.idx.add.f32.msk $0xffff, v1  }
0x16e: {  	v2 =	vld [tilespmem:$0xB4A0];
	_ =	sdelay $0x7  }
0x16f: {  	[tilespmem:v2+s28+$0x0] =	vst.idx.add.f32.msk $0xffff, v1  }
0x170: {  	v2 =	vld [tilespmem:$0xB4B0];
	_ =	sdelay $0x7  }
0x171: {  	[tilespmem:v2+s28+$0x0] =	vst.idx.add.f32.msk $0xffff, v1  }
0x172: {  	v2 =	vld [tilespmem:$0xB4C0];
	_ =	sdelay $0x7  }
0x173: {  	[tilespmem:v2+s28+$0x0] =	vst.idx.add.f32.msk $0xffff, v1  }
0x174: {  	v2 =	vld [tilespmem:$0xB500];
	_ =	sdelay $0x7  }
0x175: {  	[tilespmem:v2+s28+$0x0] =	vst.idx.add.f32.msk $0xffff, v1  }
0x176: {  	v2 =	vld [tilespmem:$0xB510];
	_ =	sdelay $0x7  }
0x177: {  	[tilespmem:v2+s28+$0x0] =	vst.idx.add.f32.msk $0xffff, v1  }
0x178: {  	v2 =	vld [tilespmem:$0xB520];
	_ =	sdelay $0x7  }
0x179: {  	[tilespmem:v2+s28+$0x0] =	vst.idx.add.f32.msk $0xffff, v1  }
0x17a: {  	v2 =	vld [tilespmem:$0xB530];
	_ =	sdelay $0x7  }
0x17b: {  	[tilespmem:v2+s28+$0x0] =	vst.idx.add.f32.msk $0xffff, v1  }
0x17c: {  	v2 =	vld [tilespmem:$0xB540];
	_ =	sdelay $0x7  }
0x17d: {  	[tilespmem:v2+s28+$0x0] =	vst.idx.add.f32.msk $0xffff, v1  }
0x17e: {  	v2 =	vld [tilespmem:$0xB580];
	_ =	sdelay $0x7  }
0x17f: {  	[tilespmem:v2+s28+$0x0] =	vst.idx.add.f32.msk $0xffff, v1  }
0x180: {  	v2 =	vld [tilespmem:$0xB590];
	_ =	sdelay $0x7  }
0x181: {  	[tilespmem:v2+s28+$0x0] =	vst.idx.add.f32.msk $0xffff, v1  }
0x182: {  	v2 =	vld [tilespmem:$0xB5A0];
	_ =	sdelay $0x7  }
0x183: {  	[tilespmem:v2+s28+$0x0] =	vst.idx.add.f32.msk $0xffff, v1  }
0x184: {  	v2 =	vld [tilespmem:$0xB5B0];
	_ =	sdelay $0x7  }
0x185: {  	[tilespmem:v2+s28+$0x0] =	vst.idx.add.f32.msk $0xffff, v1  }
0x186: {  	v2 =	vld [tilespmem:$0xB5C0];
	_ =	sdelay $0x7  }
0x187: {  	[tilespmem:v2+s28+$0x0] =	vst.idx.add.f32.msk $0xffff, v1  }
0x188: {  	v2 =	vld [tilespmem:$0xB600];
	_ =	sdelay $0x7  }
0x189: {  	[tilespmem:v2+s28+$0x0] =	vst.idx.add.f32.msk $0xffff, v1  }
0x18a: {  	v2 =	vld [tilespmem:$0xB610];
	_ =	sdelay $0x7  }
0x18b: {  	[tilespmem:v2+s28+$0x0] =	vst.idx.add.f32.msk $0xffff, v1  }
0x18c: {  	v2 =	vld [tilespmem:$0xB620];
	_ =	sdelay $0x7  }
0x18d: {  	[tilespmem:v2+s28+$0x0] =	vst.idx.add.f32.msk $0xffff, v1  }
0x18e: {  	v2 =	vld [tilespmem:$0xB630];
	_ =	sdelay $0x7  }
0x18f: {  	[tilespmem:v2+s28+$0x0] =	vst.idx.add.f32.msk $0xffff, v1  }
0x190: {  	v2 =	vld [tilespmem:$0xB640];
	_ =	sdelay $0x7  }
0x191: {  	[tilespmem:v2+s28+$0x0] =	vst.idx.add.f32.msk $0xffff, v1  }
0x192: {  	v2 =	vld [tilespmem:$0xB680];
	_ =	sdelay $0x7  }
0x193: {  	[tilespmem:v2+s28+$0x0] =	vst.idx.add.f32.msk $0xffff, v1  }
0x194: {  	v2 =	vld [tilespmem:$0xB690];
	_ =	sdelay $0x7  }
0x195: {  	[tilespmem:v2+s28+$0x0] =	vst.idx.add.f32.msk $0xffff, v1  }
0x196: {  	v2 =	vld [tilespmem:$0xB6A0];
	_ =	sdelay $0x7  }
0x197: {  	[tilespmem:v2+s28+$0x0] =	vst.idx.add.f32.msk $0xffff, v1  }
0x198: {  	v2 =	vld [tilespmem:$0xB6B0];
	_ =	sdelay $0x7  }
0x199: {  	[tilespmem:v2+s28+$0x0] =	vst.idx.add.f32.msk $0xffff, v1  }
0x19a: {  	v2 =	vld [tilespmem:$0xB6C0];
	_ =	sdelay $0x7  }
0x19b: {  	[tilespmem:v2+s28+$0x0] =	vst.idx.add.f32.msk $0xffff, v1  }
0x19c: {  	v2 =	vld [tilespmem:$0xB700];
	_ =	sdelay $0x7  }
0x19d: {  	[tilespmem:v2+s28+$0x0] =	vst.idx.add.f32.msk $0xffff, v1  }
0x19e: {  	v2 =	vld [tilespmem:$0xB710];
	_ =	sdelay $0x7  }
0x19f: {  	[tilespmem:v2+s28+$0x0] =	vst.idx.add.f32.msk $0xffff, v1  }
0x1a0: {  	v2 =	vld [tilespmem:$0xB720];
	_ =	sdelay $0x7  }
0x1a1: {  	[tilespmem:v2+s28+$0x0] =	vst.idx.add.f32.msk $0xffff, v1  }
0x1a2: {  	v2 =	vld [tilespmem:$0xB730];
	_ =	sdelay $0x7  }
0x1a3: {  	[tilespmem:v2+s28+$0x0] =	vst.idx.add.f32.msk $0xffff, v1  }
0x1a4: {  	v2 =	vld [tilespmem:$0xB740];
	_ =	sdelay $0x7  }
0x1a5: {  	[tilespmem:v2+s28+$0x0] =	vst.idx.add.f32.msk $0xffff, v1  }
0x1a6: {  	v2 =	vld [tilespmem:$0xB780];
	_ =	sdelay $0x7  }
0x1a7: {  	[tilespmem:v2+s28+$0x0] =	vst.idx.add.f32.msk $0xffff, v1  }
0x1a8: {  	v2 =	vld [tilespmem:$0xB790];
	_ =	sdelay $0x7  }
0x1a9: {  	[tilespmem:v2+s28+$0x0] =	vst.idx.add.f32.msk $0xffff, v1  }
0x1aa: {  	v2 =	vld [tilespmem:$0xB7A0];
	_ =	sdelay $0x7  }
0x1ab: {  	[tilespmem:v2+s28+$0x0] =	vst.idx.add.f32.msk $0xffff, v1  }
0x1ac: {  	v2 =	vld [tilespmem:$0xB7B0];
	_ =	sdelay $0x7  }
0x1ad: {  	[tilespmem:v2+s28+$0x0] =	vst.idx.add.f32.msk $0xffff, v1  }
0x1ae: {  	v2 =	vld [tilespmem:$0xB7C0];
	_ =	sdelay $0x7  }
0x1af: {  	[tilespmem:v2+s28+$0x0] =	vst.idx.add.f32.msk $0xffff, v1  }
0x1b0: {  	v2 =	vld [tilespmem:$0xB800];
	_ =	sdelay $0x7  }
0x1b1: {  	[tilespmem:v2+s28+$0x0] =	vst.idx.add.f32.msk $0xffff, v1  }
0x1b2: {  	v2 =	vld [tilespmem:$0xB810];
	_ =	sdelay $0x7  }
0x1b3: {  	[tilespmem:v2+s28+$0x0] =	vst.idx.add.f32.msk $0xffff, v1  }
0x1b4: {  	v2 =	vld [tilespmem:$0xB820];
	_ =	sdelay $0x7  }
0x1b5: {  	[tilespmem:v2+s28+$0x0] =	vst.idx.add.f32.msk $0xffff, v1  }
0x1b6: {  	v2 =	vld [tilespmem:$0xB830];
	_ =	sdelay $0x7  }
0x1b7: {  	[tilespmem:v2+s28+$0x0] =	vst.idx.add.f32.msk $0xffff, v1  }
0x1b8: {  	v2 =	vld [tilespmem:$0xB840];
	_ =	sdelay $0x7  }
0x1b9: {  	[tilespmem:v2+s28+$0x0] =	vst.idx.add.f32.msk $0xffff, v1  }
0x1ba: {  	v2 =	vld [tilespmem:$0xB880];
	_ =	sdelay $0x7  }
0x1bb: {  	[tilespmem:v2+s28+$0x0] =	vst.idx.add.f32.msk $0xffff, v1  }
0x1bc: {  	v2 =	vld [tilespmem:$0xB890];
	_ =	sdelay $0x7  }
0x1bd: {  	[tilespmem:v2+s28+$0x0] =	vst.idx.add.f32.msk $0xffff, v1  }
0x1be: {  	v2 =	vld [tilespmem:$0xB8A0];
	_ =	sdelay $0x7  }
0x1bf: {  	[tilespmem:v2+s28+$0x0] =	vst.idx.add.f32.msk $0xffff, v1  }
0x1c0: {  	v2 =	vld [tilespmem:$0xB8B0];
	_ =	sdelay $0x7  }
0x1c1: {  	[tilespmem:v2+s28+$0x0] =	vst.idx.add.f32.msk $0xffff, v1  }
0x1c2: {  	v2 =	vld [tilespmem:$0xB8C0];
	_ =	sdelay $0x7  }
0x1c3: {  	[tilespmem:v2+s28+$0x0] =	vst.idx.add.f32.msk $0xffff, v1  }
0x1c4: {  	v2 =	vld [tilespmem:$0xB900];
	_ =	sdelay $0x7  }
0x1c5: {  	[tilespmem:v2+s28+$0x0] =	vst.idx.add.f32.msk $0xffff, v1  }
0x1c6: {  	v2 =	vld [tilespmem:$0xB910];
	_ =	sdelay $0x7  }
0x1c7: {  	[tilespmem:v2+s28+$0x0] =	vst.idx.add.f32.msk $0xffff, v1  }
0x1c8: {  	v2 =	vld [tilespmem:$0xB920];
	_ =	sdelay $0x7  }
0x1c9: {  	[tilespmem:v2+s28+$0x0] =	vst.idx.add.f32.msk $0xffff, v1  }
0x1ca: {  	v2 =	vld [tilespmem:$0xB930];
	_ =	sdelay $0x7  }
0x1cb: {  	[tilespmem:v2+s28+$0x0] =	vst.idx.add.f32.msk $0xffff, v1  }
0x1cc: {  	v2 =	vld [tilespmem:$0xB940];
	_ =	sdelay $0x7  }
0x1cd: {  	[tilespmem:v2+s28+$0x0] =	vst.idx.add.f32.msk $0xffff, v1  }
0x1ce: {  	v2 =	vld [tilespmem:$0xB980];
	_ =	sdelay $0x7  }
0x1cf: {  	[tilespmem:v2+s28+$0x0] =	vst.idx.add.f32.msk $0xffff, v1  }
0x1d0: {  	v2 =	vld [tilespmem:$0xB990];
	_ =	sdelay $0x7  }
0x1d1: {  	[tilespmem:v2+s28+$0x0] =	vst.idx.add.f32.msk $0xffff, v1  }
0x1d2: {  	v2 =	vld [tilespmem:$0xB9A0];
	_ =	sdelay $0x7  }
0x1d3: {  	[tilespmem:v2+s28+$0x0] =	vst.idx.add.f32.msk $0xffff, v1  }
0x1d4: {  	v2 =	vld [tilespmem:$0xB9B0];
	_ =	sdelay $0x7  }
0x1d5: {  	[tilespmem:v2+s28+$0x0] =	vst.idx.add.f32.msk $0xffff, v1  }
0x1d6: {  	v2 =	vld [tilespmem:$0xB9C0];
	_ =	sdelay $0x7  }
0x1d7: {  	[tilespmem:v2+s28+$0x0] =	vst.idx.add.f32.msk $0xffff, v1  }
0x1d8: {  	v2 =	vld [tilespmem:$0xBA00];
	_ =	sdelay $0x7  }
0x1d9: {  	[tilespmem:v2+s28+$0x0] =	vst.idx.add.f32.msk $0xffff, v1  }
0x1da: {  	v2 =	vld [tilespmem:$0xBA10];
	_ =	sdelay $0x7  }
0x1db: {  	[tilespmem:v2+s28+$0x0] =	vst.idx.add.f32.msk $0xffff, v1  }
0x1dc: {  	v2 =	vld [tilespmem:$0xBA20];
	_ =	sdelay $0x7  }
0x1dd: {  	[tilespmem:v2+s28+$0x0] =	vst.idx.add.f32.msk $0xffff, v1  }
0x1de: {  	v2 =	vld [tilespmem:$0xBA30];
	_ =	sdelay $0x7  }
0x1df: {  	[tilespmem:v2+s28+$0x0] =	vst.idx.add.f32.msk $0xffff, v1  }
0x1e0: {  	v2 =	vld [tilespmem:$0xBA40];
	_ =	sdelay $0x7  }
0x1e1: {  	[tilespmem:v2+s28+$0x0] =	vst.idx.add.f32.msk $0xffff, v1  }
0x1e2: {  	v2 =	vld [tilespmem:$0xBA80];
	_ =	sdelay $0x7  }
0x1e3: {  	[tilespmem:v2+s28+$0x0] =	vst.idx.add.f32.msk $0xffff, v1  }
0x1e4: {  	v2 =	vld [tilespmem:$0xBA90];
	_ =	sdelay $0x7  }
0x1e5: {  	[tilespmem:v2+s28+$0x0] =	vst.idx.add.f32.msk $0xffff, v1  }
0x1e6: {  	v2 =	vld [tilespmem:$0xBAA0];
	_ =	sdelay $0x7  }
0x1e7: {  	[tilespmem:v2+s28+$0x0] =	vst.idx.add.f32.msk $0xffff, v1  }
0x1e8: {  	v2 =	vld [tilespmem:$0xBAB0];
	_ =	sdelay $0x7  }
0x1e9: {  	[tilespmem:v2+s28+$0x0] =	vst.idx.add.f32.msk $0xffff, v1  }
0x1ea: {  	v2 =	vld [tilespmem:$0xBAC0];
	_ =	sdelay $0x7  }
0x1eb: {  	[tilespmem:v2+s28+$0x0] =	vst.idx.add.f32.msk $0xffff, v1  }
0x1ec: {  	v2 =	vld [tilespmem:$0xBB00];
	_ =	sdelay $0x7  }
0x1ed: {  	[tilespmem:v2+s28+$0x0] =	vst.idx.add.f32.msk $0xffff, v1  }
0x1ee: {  	v2 =	vld [tilespmem:$0xBB10];
	_ =	sdelay $0x7  }
0x1ef: {  	[tilespmem:v2+s28+$0x0] =	vst.idx.add.f32.msk $0xffff, v1  }
0x1f0: {  	v2 =	vld [tilespmem:$0xBB20];
	_ =	sdelay $0x7  }
0x1f1: {  	[tilespmem:v2+s28+$0x0] =	vst.idx.add.f32.msk $0xffff, v1  }
0x1f2: {  	v2 =	vld [tilespmem:$0xBB30];
	_ =	sdelay $0x7  }
0x1f3: {  	[tilespmem:v2+s28+$0x0] =	vst.idx.add.f32.msk $0xffff, v1  }
0x1f4: {  	v2 =	vld [tilespmem:$0xBB40];
	_ =	sdelay $0x7  }
0x1f5: {  	[tilespmem:v2+s28+$0x0] =	vst.idx.add.f32.msk $0xffff, v1  }
0x1f6: {  	v2 =	vld [tilespmem:$0xBB80];
	_ =	sdelay $0x7  }
0x1f7: {  	[tilespmem:v2+s28+$0x0] =	vst.idx.add.f32.msk $0xffff, v1  }
0x1f8: {  	v2 =	vld [tilespmem:$0xBB90];
	_ =	sdelay $0x7  }
0x1f9: {  	[tilespmem:v2+s28+$0x0] =	vst.idx.add.f32.msk $0xffff, v1  }
0x1fa: {  	v2 =	vld [tilespmem:$0xBBA0];
	_ =	sdelay $0x7  }
0x1fb: {  	[tilespmem:v2+s28+$0x0] =	vst.idx.add.f32.msk $0xffff, v1  }
0x1fc: {  	v2 =	vld [tilespmem:$0xBBB0];
	_ =	sdelay $0x7  }
0x1fd: {  	[tilespmem:v2+s28+$0x0] =	vst.idx.add.f32.msk $0xffff, v1  }
0x1fe: {  	v2 =	vld [tilespmem:$0xBBC0];
	_ =	sdelay $0x7  }
0x1ff: {  	[tilespmem:v2+s28+$0x0] =	vst.idx.add.f32.msk $0xffff, v1  }
0x200: {  	v2 =	vld [tilespmem:$0xBC00];
	_ =	sdelay $0x7  }
0x201: {  	[tilespmem:v2+s28+$0x0] =	vst.idx.add.f32.msk $0xffff, v1  }
0x202: {  	v2 =	vld [tilespmem:$0xBC10];
	_ =	sdelay $0x7  }
0x203: {  	[tilespmem:v2+s28+$0x0] =	vst.idx.add.f32.msk $0xffff, v1  }
0x204: {  	v2 =	vld [tilespmem:$0xBC20];
	_ =	sdelay $0x7  }
0x205: {  	[tilespmem:v2+s28+$0x0] =	vst.idx.add.f32.msk $0xffff, v1  }
0x206: {  	v2 =	vld [tilespmem:$0xBC30];
	_ =	sdelay $0x7  }
0x207: {  	[tilespmem:v2+s28+$0x0] =	vst.idx.add.f32.msk $0xffff, v1  }
0x208: {  	v2 =	vld [tilespmem:$0xBC40];
	_ =	sdelay $0x7  }
0x209: {  	[tilespmem:v2+s28+$0x0] =	vst.idx.add.f32.msk $0xffff, v1  }
0x20a: {  	v2 =	vld [tilespmem:$0xBC80];
	_ =	sdelay $0x7  }
0x20b: {  	[tilespmem:v2+s28+$0x0] =	vst.idx.add.f32.msk $0xffff, v1  }
0x20c: {  	v2 =	vld [tilespmem:$0xBC90];
	_ =	sdelay $0x7  }
0x20d: {  	[tilespmem:v2+s28+$0x0] =	vst.idx.add.f32.msk $0xffff, v1  }
0x20e: {  	v2 =	vld [tilespmem:$0xBCA0];
	_ =	sdelay $0x7  }
0x20f: {  	[tilespmem:v2+s28+$0x0] =	vst.idx.add.f32.msk $0xffff, v1  }
0x210: {  	v2 =	vld [tilespmem:$0xBCB0];
	_ =	sdelay $0x7  }
0x211: {  	[tilespmem:v2+s28+$0x0] =	vst.idx.add.f32.msk $0xffff, v1  }
0x212: {  	v2 =	vld [tilespmem:$0xBCC0];
	_ =	sdelay $0x7  }
0x213: {  	[tilespmem:v2+s28+$0x0] =	vst.idx.add.f32.msk $0xffff, v1  }
0x214: {  	v2 =	vld [tilespmem:$0xBD00];
	_ =	sdelay $0x7  }
0x215: {  	[tilespmem:v2+s28+$0x0] =	vst.idx.add.f32.msk $0xffff, v1  }
0x216: {  	v2 =	vld [tilespmem:$0xBD10];
	_ =	sdelay $0x7  }
0x217: {  	[tilespmem:v2+s28+$0x0] =	vst.idx.add.f32.msk $0xffff, v1  }
0x218: {  	v2 =	vld [tilespmem:$0xBD20];
	_ =	sdelay $0x7  }
0x219: {  	[tilespmem:v2+s28+$0x0] =	vst.idx.add.f32.msk $0xffff, v1  }
0x21a: {  	v2 =	vld [tilespmem:$0xBD30];
	_ =	sdelay $0x7  }
0x21b: {  	[tilespmem:v2+s28+$0x0] =	vst.idx.add.f32.msk $0xffff, v1  }
0x21c: {  	v2 =	vld [tilespmem:$0xBD40];
	_ =	sdelay $0x7  }
0x21d: {  	[tilespmem:v2+s28+$0x0] =	vst.idx.add.f32.msk $0xffff, v1  }
0x21e: {  	v2 =	vld [tilespmem:$0xBD80];
	_ =	sdelay $0x7  }
0x21f: {  	[tilespmem:v2+s28+$0x0] =	vst.idx.add.f32.msk $0xffff, v1  }
0x220: {  	v2 =	vld [tilespmem:$0xBD90];
	_ =	sdelay $0x7  }
0x221: {  	[tilespmem:v2+s28+$0x0] =	vst.idx.add.f32.msk $0xffff, v1  }
0x222: {  	v2 =	vld [tilespmem:$0xBDA0];
	_ =	sdelay $0x7  }
0x223: {  	[tilespmem:v2+s28+$0x0] =	vst.idx.add.f32.msk $0xffff, v1  }
0x224: {  	v2 =	vld [tilespmem:$0xBDB0];
	_ =	sdelay $0x7  }
0x225: {  	[tilespmem:v2+s28+$0x0] =	vst.idx.add.f32.msk $0xffff, v1  }
0x226: {  	v2 =	vld [tilespmem:$0xBDC0];
	_ =	sdelay $0x7  }
0x227: {  	[tilespmem:v2+s28+$0x0] =	vst.idx.add.f32.msk $0xffff, v1  }
0x228: {  	_ =	swait.ge [sflag:s26], $0xC80  }
0x229: {  	[sflag:s26] =	ssyncset.done $0x0  }
0x22a: {  	[sflag:s26] =	ssyncadd.s32 $0xFFFFF380  }
0x22b: {  	v2 =	vld [tilespmem:$0xC180];
	_ =	sdelay $0x7  }
0x22c: {  	[tilespmem:v2+s28+$0x0] =	vst.idx.add.f32.msk $0xffff, v1  }
0x22d: {  	v2 =	vld [tilespmem:$0xC190];
	_ =	sdelay $0x7  }
0x22e: {  	[tilespmem:v2+s28+$0x0] =	vst.idx.add.f32.msk $0xffff, v1  }
0x22f: {  	v2 =	vld [tilespmem:$0xC1A0];
	_ =	sdelay $0x7  }
0x230: {  	[tilespmem:v2+s28+$0x0] =	vst.idx.add.f32.msk $0xffff, v1  }
0x231: {  	v2 =	vld [tilespmem:$0xC1B0];
	_ =	sdelay $0x7  }
0x232: {  	[tilespmem:v2+s28+$0x0] =	vst.idx.add.f32.msk $0xffff, v1  }
0x233: {  	v2 =	vld [tilespmem:$0xC1C0];
	_ =	sdelay $0x7  }
0x234: {  	[tilespmem:v2+s28+$0x0] =	vst.idx.add.f32.msk $0xffff, v1  }
0x235: {  	v2 =	vld [tilespmem:$0xC200];
	_ =	sdelay $0x7  }
0x236: {  	[tilespmem:v2+s28+$0x0] =	vst.idx.add.f32.msk $0xffff, v1  }
0x237: {  	v2 =	vld [tilespmem:$0xC210];
	_ =	sdelay $0x7  }
0x238: {  	[tilespmem:v2+s28+$0x0] =	vst.idx.add.f32.msk $0xffff, v1  }
0x239: {  	v2 =	vld [tilespmem:$0xC220];
	_ =	sdelay $0x7  }
0x23a: {  	[tilespmem:v2+s28+$0x0] =	vst.idx.add.f32.msk $0xffff, v1  }
0x23b: {  	v2 =	vld [tilespmem:$0xC230];
	_ =	sdelay $0x7  }
0x23c: {  	[tilespmem:v2+s28+$0x0] =	vst.idx.add.f32.msk $0xffff, v1  }
0x23d: {  	v2 =	vld [tilespmem:$0xC240];
	_ =	sdelay $0x7  }
0x23e: {  	[tilespmem:v2+s28+$0x0] =	vst.idx.add.f32.msk $0xffff, v1  }
0x23f: {  	v2 =	vld [tilespmem:$0xC280];
	_ =	sdelay $0x7  }
0x240: {  	[tilespmem:v2+s28+$0x0] =	vst.idx.add.f32.msk $0xffff, v1  }
0x241: {  	v2 =	vld [tilespmem:$0xC290];
	_ =	sdelay $0x7  }
0x242: {  	[tilespmem:v2+s28+$0x0] =	vst.idx.add.f32.msk $0xffff, v1  }
0x243: {  	v2 =	vld [tilespmem:$0xC2A0];
	_ =	sdelay $0x7  }
0x244: {  	[tilespmem:v2+s28+$0x0] =	vst.idx.add.f32.msk $0xffff, v1  }
0x245: {  	v2 =	vld [tilespmem:$0xC2B0];
	_ =	sdelay $0x7  }
0x246: {  	[tilespmem:v2+s28+$0x0] =	vst.idx.add.f32.msk $0xffff, v1  }
0x247: {  	v2 =	vld [tilespmem:$0xC2C0];
	_ =	sdelay $0x7  }
0x248: {  	[tilespmem:v2+s28+$0x0] =	vst.idx.add.f32.msk $0xffff, v1  }
0x249: {  	v2 =	vld [tilespmem:$0xC300];
	_ =	sdelay $0x7  }
0x24a: {  	[tilespmem:v2+s28+$0x0] =	vst.idx.add.f32.msk $0xffff, v1  }
0x24b: {  	v2 =	vld [tilespmem:$0xC310];
	_ =	sdelay $0x7  }
0x24c: {  	[tilespmem:v2+s28+$0x0] =	vst.idx.add.f32.msk $0xffff, v1  }
0x24d: {  	v2 =	vld [tilespmem:$0xC320];
	_ =	sdelay $0x7  }
0x24e: {  	[tilespmem:v2+s28+$0x0] =	vst.idx.add.f32.msk $0xffff, v1  }
0x24f: {  	v2 =	vld [tilespmem:$0xC330];
	_ =	sdelay $0x7  }
0x250: {  	[tilespmem:v2+s28+$0x0] =	vst.idx.add.f32.msk $0xffff, v1  }
0x251: {  	v2 =	vld [tilespmem:$0xC340];
	_ =	sdelay $0x7  }
0x252: {  	[tilespmem:v2+s28+$0x0] =	vst.idx.add.f32.msk $0xffff, v1  }
0x253: {  	v2 =	vld [tilespmem:$0xC380];
	_ =	sdelay $0x7  }
0x254: {  	[tilespmem:v2+s28+$0x0] =	vst.idx.add.f32.msk $0xffff, v1  }
0x255: {  	v2 =	vld [tilespmem:$0xC390];
	_ =	sdelay $0x7  }
0x256: {  	[tilespmem:v2+s28+$0x0] =	vst.idx.add.f32.msk $0xffff, v1  }
0x257: {  	v2 =	vld [tilespmem:$0xC3A0];
	_ =	sdelay $0x7  }
0x258: {  	[tilespmem:v2+s28+$0x0] =	vst.idx.add.f32.msk $0xffff, v1  }
0x259: {  	v2 =	vld [tilespmem:$0xC3B0];
	_ =	sdelay $0x7  }
0x25a: {  	[tilespmem:v2+s28+$0x0] =	vst.idx.add.f32.msk $0xffff, v1  }
0x25b: {  	v2 =	vld [tilespmem:$0xC3C0];
	_ =	sdelay $0x7  }
0x25c: {  	[tilespmem:v2+s28+$0x0] =	vst.idx.add.f32.msk $0xffff, v1  }
0x25d: {  	v2 =	vld [tilespmem:$0xC400];
	_ =	sdelay $0x7  }
0x25e: {  	[tilespmem:v2+s28+$0x0] =	vst.idx.add.f32.msk $0xffff, v1  }
0x25f: {  	v2 =	vld [tilespmem:$0xC410];
	_ =	sdelay $0x7  }
0x260: {  	[tilespmem:v2+s28+$0x0] =	vst.idx.add.f32.msk $0xffff, v1  }
0x261: {  	v2 =	vld [tilespmem:$0xC420];
	_ =	sdelay $0x7  }
0x262: {  	[tilespmem:v2+s28+$0x0] =	vst.idx.add.f32.msk $0xffff, v1  }
0x263: {  	v2 =	vld [tilespmem:$0xC430];
	_ =	sdelay $0x7  }
0x264: {  	[tilespmem:v2+s28+$0x0] =	vst.idx.add.f32.msk $0xffff, v1  }
0x265: {  	v2 =	vld [tilespmem:$0xC440];
	_ =	sdelay $0x7  }
0x266: {  	[tilespmem:v2+s28+$0x0] =	vst.idx.add.f32.msk $0xffff, v1  }
0x267: {  	v2 =	vld [tilespmem:$0xC480];
	_ =	sdelay $0x7  }
0x268: {  	[tilespmem:v2+s28+$0x0] =	vst.idx.add.f32.msk $0xffff, v1  }
0x269: {  	v2 =	vld [tilespmem:$0xC490];
	_ =	sdelay $0x7  }
0x26a: {  	[tilespmem:v2+s28+$0x0] =	vst.idx.add.f32.msk $0xffff, v1  }
0x26b: {  	v2 =	vld [tilespmem:$0xC4A0];
	_ =	sdelay $0x7  }
0x26c: {  	[tilespmem:v2+s28+$0x0] =	vst.idx.add.f32.msk $0xffff, v1  }
0x26d: {  	v2 =	vld [tilespmem:$0xC4B0];
	_ =	sdelay $0x7  }
0x26e: {  	[tilespmem:v2+s28+$0x0] =	vst.idx.add.f32.msk $0xffff, v1  }
0x26f: {  	v2 =	vld [tilespmem:$0xC4C0];
	_ =	sdelay $0x7  }
0x270: {  	[tilespmem:v2+s28+$0x0] =	vst.idx.add.f32.msk $0xffff, v1  }
0x271: {  	v2 =	vld [tilespmem:$0xC500];
	_ =	sdelay $0x7  }
0x272: {  	[tilespmem:v2+s28+$0x0] =	vst.idx.add.f32.msk $0xffff, v1  }
0x273: {  	v2 =	vld [tilespmem:$0xC510];
	_ =	sdelay $0x7  }
0x274: {  	[tilespmem:v2+s28+$0x0] =	vst.idx.add.f32.msk $0xffff, v1  }
0x275: {  	v2 =	vld [tilespmem:$0xC520];
	_ =	sdelay $0x7  }
0x276: {  	[tilespmem:v2+s28+$0x0] =	vst.idx.add.f32.msk $0xffff, v1  }
0x277: {  	v2 =	vld [tilespmem:$0xC530];
	_ =	sdelay $0x7  }
0x278: {  	[tilespmem:v2+s28+$0x0] =	vst.idx.add.f32.msk $0xffff, v1  }
0x279: {  	v2 =	vld [tilespmem:$0xC540];
	_ =	sdelay $0x7  }
0x27a: {  	[tilespmem:v2+s28+$0x0] =	vst.idx.add.f32.msk $0xffff, v1  }
0x27b: {  	v2 =	vld [tilespmem:$0xC580];
	_ =	sdelay $0x7  }
0x27c: {  	[tilespmem:v2+s28+$0x0] =	vst.idx.add.f32.msk $0xffff, v1  }
0x27d: {  	v2 =	vld [tilespmem:$0xC590];
	_ =	sdelay $0x7  }
0x27e: {  	[tilespmem:v2+s28+$0x0] =	vst.idx.add.f32.msk $0xffff, v1  }
0x27f: {  	v2 =	vld [tilespmem:$0xC5A0];
	_ =	sdelay $0x7  }
0x280: {  	[tilespmem:v2+s28+$0x0] =	vst.idx.add.f32.msk $0xffff, v1  }
0x281: {  	v2 =	vld [tilespmem:$0xC5B0];
	_ =	sdelay $0x7  }
0x282: {  	[tilespmem:v2+s28+$0x0] =	vst.idx.add.f32.msk $0xffff, v1  }
0x283: {  	v2 =	vld [tilespmem:$0xC5C0];
	_ =	sdelay $0x7  }
0x284: {  	[tilespmem:v2+s28+$0x0] =	vst.idx.add.f32.msk $0xffff, v1  }
0x285: {  	v2 =	vld [tilespmem:$0xC600];
	_ =	sdelay $0x7  }
0x286: {  	[tilespmem:v2+s28+$0x0] =	vst.idx.add.f32.msk $0xffff, v1  }
0x287: {  	v2 =	vld [tilespmem:$0xC610];
	_ =	sdelay $0x7  }
0x288: {  	[tilespmem:v2+s28+$0x0] =	vst.idx.add.f32.msk $0xffff, v1  }
0x289: {  	v2 =	vld [tilespmem:$0xC620];
	_ =	sdelay $0x7  }
0x28a: {  	[tilespmem:v2+s28+$0x0] =	vst.idx.add.f32.msk $0xffff, v1  }
0x28b: {  	v2 =	vld [tilespmem:$0xC630];
	_ =	sdelay $0x7  }
0x28c: {  	[tilespmem:v2+s28+$0x0] =	vst.idx.add.f32.msk $0xffff, v1  }
0x28d: {  	v2 =	vld [tilespmem:$0xC640];
	_ =	sdelay $0x7  }
0x28e: {  	[tilespmem:v2+s28+$0x0] =	vst.idx.add.f32.msk $0xffff, v1  }
0x28f: {  	v2 =	vld [tilespmem:$0xC680];
	_ =	sdelay $0x7  }
0x290: {  	[tilespmem:v2+s28+$0x0] =	vst.idx.add.f32.msk $0xffff, v1  }
0x291: {  	v2 =	vld [tilespmem:$0xC690];
	_ =	sdelay $0x7  }
0x292: {  	[tilespmem:v2+s28+$0x0] =	vst.idx.add.f32.msk $0xffff, v1  }
0x293: {  	v2 =	vld [tilespmem:$0xC6A0];
	_ =	sdelay $0x7  }
0x294: {  	[tilespmem:v2+s28+$0x0] =	vst.idx.add.f32.msk $0xffff, v1  }
0x295: {  	v2 =	vld [tilespmem:$0xC6B0];
	_ =	sdelay $0x7  }
0x296: {  	[tilespmem:v2+s28+$0x0] =	vst.idx.add.f32.msk $0xffff, v1  }
0x297: {  	v2 =	vld [tilespmem:$0xC6C0];
	_ =	sdelay $0x7  }
0x298: {  	[tilespmem:v2+s28+$0x0] =	vst.idx.add.f32.msk $0xffff, v1  }
0x299: {  	v2 =	vld [tilespmem:$0xC700];
	_ =	sdelay $0x7  }
0x29a: {  	[tilespmem:v2+s28+$0x0] =	vst.idx.add.f32.msk $0xffff, v1  }
0x29b: {  	v2 =	vld [tilespmem:$0xC710];
	_ =	sdelay $0x7  }
0x29c: {  	[tilespmem:v2+s28+$0x0] =	vst.idx.add.f32.msk $0xffff, v1  }
0x29d: {  	v2 =	vld [tilespmem:$0xC720];
	_ =	sdelay $0x7  }
0x29e: {  	[tilespmem:v2+s28+$0x0] =	vst.idx.add.f32.msk $0xffff, v1  }
0x29f: {  	v2 =	vld [tilespmem:$0xC730];
	_ =	sdelay $0x7  }
0x2a0: {  	[tilespmem:v2+s28+$0x0] =	vst.idx.add.f32.msk $0xffff, v1  }
0x2a1: {  	v2 =	vld [tilespmem:$0xC740];
	_ =	sdelay $0x7  }
0x2a2: {  	[tilespmem:v2+s28+$0x0] =	vst.idx.add.f32.msk $0xffff, v1  }
0x2a3: {  	v2 =	vld [tilespmem:$0xC780];
	_ =	sdelay $0x7  }
0x2a4: {  	[tilespmem:v2+s28+$0x0] =	vst.idx.add.f32.msk $0xffff, v1  }
0x2a5: {  	v2 =	vld [tilespmem:$0xC790];
	_ =	sdelay $0x7  }
0x2a6: {  	[tilespmem:v2+s28+$0x0] =	vst.idx.add.f32.msk $0xffff, v1  }
0x2a7: {  	v2 =	vld [tilespmem:$0xC7A0];
	_ =	sdelay $0x7  }
0x2a8: {  	[tilespmem:v2+s28+$0x0] =	vst.idx.add.f32.msk $0xffff, v1  }
0x2a9: {  	v2 =	vld [tilespmem:$0xC7B0];
	_ =	sdelay $0x7  }
0x2aa: {  	[tilespmem:v2+s28+$0x0] =	vst.idx.add.f32.msk $0xffff, v1  }
0x2ab: {  	v2 =	vld [tilespmem:$0xC7C0];
	_ =	sdelay $0x7  }
0x2ac: {  	[tilespmem:v2+s28+$0x0] =	vst.idx.add.f32.msk $0xffff, v1  }
0x2ad: {  	v2 =	vld [tilespmem:$0xC800];
	_ =	sdelay $0x7  }
0x2ae: {  	[tilespmem:v2+s28+$0x0] =	vst.idx.add.f32.msk $0xffff, v1  }
0x2af: {  	v2 =	vld [tilespmem:$0xC810];
	_ =	sdelay $0x7  }
0x2b0: {  	[tilespmem:v2+s28+$0x0] =	vst.idx.add.f32.msk $0xffff, v1  }
0x2b1: {  	v2 =	vld [tilespmem:$0xC820];
	_ =	sdelay $0x7  }
0x2b2: {  	[tilespmem:v2+s28+$0x0] =	vst.idx.add.f32.msk $0xffff, v1  }
0x2b3: {  	v2 =	vld [tilespmem:$0xC830];
	_ =	sdelay $0x7  }
0x2b4: {  	[tilespmem:v2+s28+$0x0] =	vst.idx.add.f32.msk $0xffff, v1  }
0x2b5: {  	v2 =	vld [tilespmem:$0xC840];
	_ =	sdelay $0x7  }
0x2b6: {  	[tilespmem:v2+s28+$0x0] =	vst.idx.add.f32.msk $0xffff, v1  }
0x2b7: {  	v2 =	vld [tilespmem:$0xC880];
	_ =	sdelay $0x7  }
0x2b8: {  	[tilespmem:v2+s28+$0x0] =	vst.idx.add.f32.msk $0xffff, v1  }
0x2b9: {  	v2 =	vld [tilespmem:$0xC890];
	_ =	sdelay $0x7  }
0x2ba: {  	[tilespmem:v2+s28+$0x0] =	vst.idx.add.f32.msk $0xffff, v1  }
0x2bb: {  	v2 =	vld [tilespmem:$0xC8A0];
	_ =	sdelay $0x7  }
0x2bc: {  	[tilespmem:v2+s28+$0x0] =	vst.idx.add.f32.msk $0xffff, v1  }
0x2bd: {  	v2 =	vld [tilespmem:$0xC8B0];
	_ =	sdelay $0x7  }
0x2be: {  	[tilespmem:v2+s28+$0x0] =	vst.idx.add.f32.msk $0xffff, v1  }
0x2bf: {  	v2 =	vld [tilespmem:$0xC8C0];
	_ =	sdelay $0x7  }
0x2c0: {  	[tilespmem:v2+s28+$0x0] =	vst.idx.add.f32.msk $0xffff, v1  }
0x2c1: {  	v2 =	vld [tilespmem:$0xC900];
	_ =	sdelay $0x7  }
0x2c2: {  	[tilespmem:v2+s28+$0x0] =	vst.idx.add.f32.msk $0xffff, v1  }
0x2c3: {  	v2 =	vld [tilespmem:$0xC910];
	_ =	sdelay $0x7  }
0x2c4: {  	[tilespmem:v2+s28+$0x0] =	vst.idx.add.f32.msk $0xffff, v1  }
0x2c5: {  	v2 =	vld [tilespmem:$0xC920];
	_ =	sdelay $0x7  }
0x2c6: {  	[tilespmem:v2+s28+$0x0] =	vst.idx.add.f32.msk $0xffff, v1  }
0x2c7: {  	v2 =	vld [tilespmem:$0xC930];
	_ =	sdelay $0x7  }
0x2c8: {  	[tilespmem:v2+s28+$0x0] =	vst.idx.add.f32.msk $0xffff, v1  }
0x2c9: {  	v2 =	vld [tilespmem:$0xC940];
	_ =	sdelay $0x7  }
0x2ca: {  	[tilespmem:v2+s28+$0x0] =	vst.idx.add.f32.msk $0xffff, v1  }
0x2cb: {  	v2 =	vld [tilespmem:$0xC980];
	_ =	sdelay $0x7  }
0x2cc: {  	[tilespmem:v2+s28+$0x0] =	vst.idx.add.f32.msk $0xffff, v1  }
0x2cd: {  	v2 =	vld [tilespmem:$0xC990];
	_ =	sdelay $0x7  }
0x2ce: {  	[tilespmem:v2+s28+$0x0] =	vst.idx.add.f32.msk $0xffff, v1  }
0x2cf: {  	v2 =	vld [tilespmem:$0xC9A0];
	_ =	sdelay $0x7  }
0x2d0: {  	[tilespmem:v2+s28+$0x0] =	vst.idx.add.f32.msk $0xffff, v1  }
0x2d1: {  	v2 =	vld [tilespmem:$0xC9B0];
	_ =	sdelay $0x7  }
0x2d2: {  	[tilespmem:v2+s28+$0x0] =	vst.idx.add.f32.msk $0xffff, v1  }
0x2d3: {  	v2 =	vld [tilespmem:$0xC9C0];
	_ =	sdelay $0x7  }
0x2d4: {  	[tilespmem:v2+s28+$0x0] =	vst.idx.add.f32.msk $0xffff, v1  }
0x2d5: {  	v2 =	vld [tilespmem:$0xCA00];
	_ =	sdelay $0x7  }
0x2d6: {  	[tilespmem:v2+s28+$0x0] =	vst.idx.add.f32.msk $0xffff, v1  }
0x2d7: {  	v2 =	vld [tilespmem:$0xCA10];
	_ =	sdelay $0x7  }
0x2d8: {  	[tilespmem:v2+s28+$0x0] =	vst.idx.add.f32.msk $0xffff, v1  }
0x2d9: {  	v2 =	vld [tilespmem:$0xCA20];
	_ =	sdelay $0x7  }
0x2da: {  	[tilespmem:v2+s28+$0x0] =	vst.idx.add.f32.msk $0xffff, v1  }
0x2db: {  	v2 =	vld [tilespmem:$0xCA30];
	_ =	sdelay $0x7  }
0x2dc: {  	[tilespmem:v2+s28+$0x0] =	vst.idx.add.f32.msk $0xffff, v1  }
0x2dd: {  	v2 =	vld [tilespmem:$0xCA40];
	_ =	sdelay $0x7  }
0x2de: {  	[tilespmem:v2+s28+$0x0] =	vst.idx.add.f32.msk $0xffff, v1  }
0x2df: {  	v2 =	vld [tilespmem:$0xCA80];
	_ =	sdelay $0x7  }
0x2e0: {  	[tilespmem:v2+s28+$0x0] =	vst.idx.add.f32.msk $0xffff, v1  }
0x2e1: {  	v2 =	vld [tilespmem:$0xCA90];
	_ =	sdelay $0x7  }
0x2e2: {  	[tilespmem:v2+s28+$0x0] =	vst.idx.add.f32.msk $0xffff, v1  }
0x2e3: {  	v2 =	vld [tilespmem:$0xCAA0];
	_ =	sdelay $0x7  }
0x2e4: {  	[tilespmem:v2+s28+$0x0] =	vst.idx.add.f32.msk $0xffff, v1  }
0x2e5: {  	v2 =	vld [tilespmem:$0xCAB0];
	_ =	sdelay $0x7  }
0x2e6: {  	[tilespmem:v2+s28+$0x0] =	vst.idx.add.f32.msk $0xffff, v1  }
0x2e7: {  	v2 =	vld [tilespmem:$0xCAC0];
	_ =	sdelay $0x7  }
0x2e8: {  	[tilespmem:v2+s28+$0x0] =	vst.idx.add.f32.msk $0xffff, v1  }
0x2e9: {  	v2 =	vld [tilespmem:$0xCB00];
	_ =	sdelay $0x7  }
0x2ea: {  	[tilespmem:v2+s28+$0x0] =	vst.idx.add.f32.msk $0xffff, v1  }
0x2eb: {  	v2 =	vld [tilespmem:$0xCB10];
	_ =	sdelay $0x7  }
0x2ec: {  	[tilespmem:v2+s28+$0x0] =	vst.idx.add.f32.msk $0xffff, v1  }
0x2ed: {  	v2 =	vld [tilespmem:$0xCB20];
	_ =	sdelay $0x7  }
0x2ee: {  	[tilespmem:v2+s28+$0x0] =	vst.idx.add.f32.msk $0xffff, v1  }
0x2ef: {  	v2 =	vld [tilespmem:$0xCB30];
	_ =	sdelay $0x7  }
0x2f0: {  	[tilespmem:v2+s28+$0x0] =	vst.idx.add.f32.msk $0xffff, v1  }
0x2f1: {  	v2 =	vld [tilespmem:$0xCB40];
	_ =	sdelay $0x7  }
0x2f2: {  	[tilespmem:v2+s28+$0x0] =	vst.idx.add.f32.msk $0xffff, v1  }
0x2f3: {  	v2 =	vld [tilespmem:$0xCB80];
	_ =	sdelay $0x7  }
0x2f4: {  	[tilespmem:v2+s28+$0x0] =	vst.idx.add.f32.msk $0xffff, v1  }
0x2f5: {  	v2 =	vld [tilespmem:$0xCB90];
	_ =	sdelay $0x7  }
0x2f6: {  	[tilespmem:v2+s28+$0x0] =	vst.idx.add.f32.msk $0xffff, v1  }
0x2f7: {  	v2 =	vld [tilespmem:$0xCBA0];
	_ =	sdelay $0x7  }
0x2f8: {  	[tilespmem:v2+s28+$0x0] =	vst.idx.add.f32.msk $0xffff, v1  }
0x2f9: {  	v2 =	vld [tilespmem:$0xCBB0];
	_ =	sdelay $0x7  }
0x2fa: {  	[tilespmem:v2+s28+$0x0] =	vst.idx.add.f32.msk $0xffff, v1  }
0x2fb: {  	v2 =	vld [tilespmem:$0xCBC0];
	_ =	sdelay $0x7  }
0x2fc: {  	[tilespmem:v2+s28+$0x0] =	vst.idx.add.f32.msk $0xffff, v1  }
0x2fd: {  	v2 =	vld [tilespmem:$0xCC00];
	_ =	sdelay $0x7  }
0x2fe: {  	[tilespmem:v2+s28+$0x0] =	vst.idx.add.f32.msk $0xffff, v1  }
0x2ff: {  	v2 =	vld [tilespmem:$0xCC10];
	_ =	sdelay $0x7  }
0x300: {  	[tilespmem:v2+s28+$0x0] =	vst.idx.add.f32.msk $0xffff, v1  }
0x301: {  	v2 =	vld [tilespmem:$0xCC20];
	_ =	sdelay $0x7  }
0x302: {  	[tilespmem:v2+s28+$0x0] =	vst.idx.add.f32.msk $0xffff, v1  }
0x303: {  	v2 =	vld [tilespmem:$0xCC30];
	_ =	sdelay $0x7  }
0x304: {  	[tilespmem:v2+s28+$0x0] =	vst.idx.add.f32.msk $0xffff, v1  }
0x305: {  	v2 =	vld [tilespmem:$0xCC40];
	_ =	sdelay $0x7  }
0x306: {  	[tilespmem:v2+s28+$0x0] =	vst.idx.add.f32.msk $0xffff, v1  }
0x307: {  	v2 =	vld [tilespmem:$0xCC80];
	_ =	sdelay $0x7  }
0x308: {  	[tilespmem:v2+s28+$0x0] =	vst.idx.add.f32.msk $0xffff, v1  }
0x309: {  	v2 =	vld [tilespmem:$0xCC90];
	_ =	sdelay $0x7  }
0x30a: {  	[tilespmem:v2+s28+$0x0] =	vst.idx.add.f32.msk $0xffff, v1  }
0x30b: {  	v2 =	vld [tilespmem:$0xCCA0];
	_ =	sdelay $0x7  }
0x30c: {  	[tilespmem:v2+s28+$0x0] =	vst.idx.add.f32.msk $0xffff, v1  }
0x30d: {  	v2 =	vld [tilespmem:$0xCCB0];
	_ =	sdelay $0x7  }
0x30e: {  	[tilespmem:v2+s28+$0x0] =	vst.idx.add.f32.msk $0xffff, v1  }
0x30f: {  	v2 =	vld [tilespmem:$0xCCC0];
	_ =	sdelay $0x7  }
0x310: {  	[tilespmem:v2+s28+$0x0] =	vst.idx.add.f32.msk $0xffff, v1  }
0x311: {  	v2 =	vld [tilespmem:$0xCD00];
	_ =	sdelay $0x7  }
0x312: {  	[tilespmem:v2+s28+$0x0] =	vst.idx.add.f32.msk $0xffff, v1  }
0x313: {  	v2 =	vld [tilespmem:$0xCD10];
	_ =	sdelay $0x7  }
0x314: {  	[tilespmem:v2+s28+$0x0] =	vst.idx.add.f32.msk $0xffff, v1  }
0x315: {  	v2 =	vld [tilespmem:$0xCD20];
	_ =	sdelay $0x7  }
0x316: {  	[tilespmem:v2+s28+$0x0] =	vst.idx.add.f32.msk $0xffff, v1  }
0x317: {  	v2 =	vld [tilespmem:$0xCD30];
	_ =	sdelay $0x7  }
0x318: {  	[tilespmem:v2+s28+$0x0] =	vst.idx.add.f32.msk $0xffff, v1  }
0x319: {  	v2 =	vld [tilespmem:$0xCD40];
	_ =	sdelay $0x7  }
0x31a: {  	[tilespmem:v2+s28+$0x0] =	vst.idx.add.f32.msk $0xffff, v1  }
0x31b: {  	v2 =	vld [tilespmem:$0xCD80];
	_ =	sdelay $0x7  }
0x31c: {  	[tilespmem:v2+s28+$0x0] =	vst.idx.add.f32.msk $0xffff, v1  }
0x31d: {  	v2 =	vld [tilespmem:$0xCD90];
	_ =	sdelay $0x7  }
0x31e: {  	[tilespmem:v2+s28+$0x0] =	vst.idx.add.f32.msk $0xffff, v1  }
0x31f: {  	v2 =	vld [tilespmem:$0xCDA0];
	_ =	sdelay $0x7  }
0x320: {  	[tilespmem:v2+s28+$0x0] =	vst.idx.add.f32.msk $0xffff, v1  }
0x321: {  	v2 =	vld [tilespmem:$0xCDB0];
	_ =	sdelay $0x7  }
0x322: {  	[tilespmem:v2+s28+$0x0] =	vst.idx.add.f32.msk $0xffff, v1  }
0x323: {  	v2 =	vld [tilespmem:$0xCDC0];
	_ =	sdelay $0x7  }
0x324: {  	[tilespmem:v2+s28+$0x0] =	vst.idx.add.f32.msk $0xffff, v1  }
0x325: {  	_ =	swait.ge [sflag:s26], $0xC80  }
0x326: {  	[sflag:s26] =	ssyncset.done $0x0  }
0x327: {  	[sflag:s26] =	ssyncadd.s32 $0xFFFFF380  }
0x328: {  	v2 =	vld [tilespmem:$0xD180];
	_ =	sdelay $0x7  }
0x329: {  	[tilespmem:v2+s28+$0x0] =	vst.idx.add.f32.msk $0xffff, v1  }
0x32a: {  	v2 =	vld [tilespmem:$0xD190];
	_ =	sdelay $0x7  }
0x32b: {  	[tilespmem:v2+s28+$0x0] =	vst.idx.add.f32.msk $0xffff, v1  }
0x32c: {  	v2 =	vld [tilespmem:$0xD1A0];
	_ =	sdelay $0x7  }
0x32d: {  	[tilespmem:v2+s28+$0x0] =	vst.idx.add.f32.msk $0xffff, v1  }
0x32e: {  	v2 =	vld [tilespmem:$0xD1B0];
	_ =	sdelay $0x7  }
0x32f: {  	[tilespmem:v2+s28+$0x0] =	vst.idx.add.f32.msk $0xffff, v1  }
0x330: {  	v2 =	vld [tilespmem:$0xD1C0];
	_ =	sdelay $0x7  }
0x331: {  	[tilespmem:v2+s28+$0x0] =	vst.idx.add.f32.msk $0xffff, v1  }
0x332: {  	v2 =	vld [tilespmem:$0xD200];
	_ =	sdelay $0x7  }
0x333: {  	[tilespmem:v2+s28+$0x0] =	vst.idx.add.f32.msk $0xffff, v1  }
0x334: {  	v2 =	vld [tilespmem:$0xD210];
	_ =	sdelay $0x7  }
0x335: {  	[tilespmem:v2+s28+$0x0] =	vst.idx.add.f32.msk $0xffff, v1  }
0x336: {  	v2 =	vld [tilespmem:$0xD220];
	_ =	sdelay $0x7  }
0x337: {  	[tilespmem:v2+s28+$0x0] =	vst.idx.add.f32.msk $0xffff, v1  }
0x338: {  	v2 =	vld [tilespmem:$0xD230];
	_ =	sdelay $0x7  }
0x339: {  	[tilespmem:v2+s28+$0x0] =	vst.idx.add.f32.msk $0xffff, v1  }
0x33a: {  	v2 =	vld [tilespmem:$0xD240];
	_ =	sdelay $0x7  }
0x33b: {  	[tilespmem:v2+s28+$0x0] =	vst.idx.add.f32.msk $0xffff, v1  }
0x33c: {  	v2 =	vld [tilespmem:$0xD280];
	_ =	sdelay $0x7  }
0x33d: {  	[tilespmem:v2+s28+$0x0] =	vst.idx.add.f32.msk $0xffff, v1  }
0x33e: {  	v2 =	vld [tilespmem:$0xD290];
	_ =	sdelay $0x7  }
0x33f: {  	[tilespmem:v2+s28+$0x0] =	vst.idx.add.f32.msk $0xffff, v1  }
0x340: {  	v2 =	vld [tilespmem:$0xD2A0];
	_ =	sdelay $0x7  }
0x341: {  	[tilespmem:v2+s28+$0x0] =	vst.idx.add.f32.msk $0xffff, v1  }
0x342: {  	v2 =	vld [tilespmem:$0xD2B0];
	_ =	sdelay $0x7  }
0x343: {  	[tilespmem:v2+s28+$0x0] =	vst.idx.add.f32.msk $0xffff, v1  }
0x344: {  	v2 =	vld [tilespmem:$0xD2C0];
	_ =	sdelay $0x7  }
0x345: {  	[tilespmem:v2+s28+$0x0] =	vst.idx.add.f32.msk $0xffff, v1  }
0x346: {  	v2 =	vld [tilespmem:$0xD300];
	_ =	sdelay $0x7  }
0x347: {  	[tilespmem:v2+s28+$0x0] =	vst.idx.add.f32.msk $0xffff, v1  }
0x348: {  	v2 =	vld [tilespmem:$0xD310];
	_ =	sdelay $0x7  }
0x349: {  	[tilespmem:v2+s28+$0x0] =	vst.idx.add.f32.msk $0xffff, v1  }
0x34a: {  	v2 =	vld [tilespmem:$0xD320];
	_ =	sdelay $0x7  }
0x34b: {  	[tilespmem:v2+s28+$0x0] =	vst.idx.add.f32.msk $0xffff, v1  }
0x34c: {  	v2 =	vld [tilespmem:$0xD330];
	_ =	sdelay $0x7  }
0x34d: {  	[tilespmem:v2+s28+$0x0] =	vst.idx.add.f32.msk $0xffff, v1  }
0x34e: {  	v2 =	vld [tilespmem:$0xD340];
	_ =	sdelay $0x7  }
0x34f: {  	[tilespmem:v2+s28+$0x0] =	vst.idx.add.f32.msk $0xffff, v1  }
0x350: {  	v2 =	vld [tilespmem:$0xD380];
	_ =	sdelay $0x7  }
0x351: {  	[tilespmem:v2+s28+$0x0] =	vst.idx.add.f32.msk $0xffff, v1  }
0x352: {  	v2 =	vld [tilespmem:$0xD390];
	_ =	sdelay $0x7  }
0x353: {  	[tilespmem:v2+s28+$0x0] =	vst.idx.add.f32.msk $0xffff, v1  }
0x354: {  	v2 =	vld [tilespmem:$0xD3A0];
	_ =	sdelay $0x7  }
0x355: {  	[tilespmem:v2+s28+$0x0] =	vst.idx.add.f32.msk $0xffff, v1  }
0x356: {  	v2 =	vld [tilespmem:$0xD3B0];
	_ =	sdelay $0x7  }
0x357: {  	[tilespmem:v2+s28+$0x0] =	vst.idx.add.f32.msk $0xffff, v1  }
0x358: {  	v2 =	vld [tilespmem:$0xD3C0];
	_ =	sdelay $0x7  }
0x359: {  	[tilespmem:v2+s28+$0x0] =	vst.idx.add.f32.msk $0xffff, v1  }
0x35a: {  	v2 =	vld [tilespmem:$0xD400];
	_ =	sdelay $0x7  }
0x35b: {  	[tilespmem:v2+s28+$0x0] =	vst.idx.add.f32.msk $0xffff, v1  }
0x35c: {  	v2 =	vld [tilespmem:$0xD410];
	_ =	sdelay $0x7  }
0x35d: {  	[tilespmem:v2+s28+$0x0] =	vst.idx.add.f32.msk $0xffff, v1  }
0x35e: {  	v2 =	vld [tilespmem:$0xD420];
	_ =	sdelay $0x7  }
0x35f: {  	[tilespmem:v2+s28+$0x0] =	vst.idx.add.f32.msk $0xffff, v1  }
0x360: {  	v2 =	vld [tilespmem:$0xD430];
	_ =	sdelay $0x7  }
0x361: {  	[tilespmem:v2+s28+$0x0] =	vst.idx.add.f32.msk $0xffff, v1  }
0x362: {  	v2 =	vld [tilespmem:$0xD440];
	_ =	sdelay $0x7  }
0x363: {  	[tilespmem:v2+s28+$0x0] =	vst.idx.add.f32.msk $0xffff, v1  }
0x364: {  	v2 =	vld [tilespmem:$0xD480];
	_ =	sdelay $0x7  }
0x365: {  	[tilespmem:v2+s28+$0x0] =	vst.idx.add.f32.msk $0xffff, v1  }
0x366: {  	v2 =	vld [tilespmem:$0xD490];
	_ =	sdelay $0x7  }
0x367: {  	[tilespmem:v2+s28+$0x0] =	vst.idx.add.f32.msk $0xffff, v1  }
0x368: {  	v2 =	vld [tilespmem:$0xD4A0];
	_ =	sdelay $0x7  }
0x369: {  	[tilespmem:v2+s28+$0x0] =	vst.idx.add.f32.msk $0xffff, v1  }
0x36a: {  	v2 =	vld [tilespmem:$0xD4B0];
	_ =	sdelay $0x7  }
0x36b: {  	[tilespmem:v2+s28+$0x0] =	vst.idx.add.f32.msk $0xffff, v1  }
0x36c: {  	v2 =	vld [tilespmem:$0xD4C0];
	_ =	sdelay $0x7  }
0x36d: {  	[tilespmem:v2+s28+$0x0] =	vst.idx.add.f32.msk $0xffff, v1  }
0x36e: {  	v2 =	vld [tilespmem:$0xD500];
	_ =	sdelay $0x7  }
0x36f: {  	[tilespmem:v2+s28+$0x0] =	vst.idx.add.f32.msk $0xffff, v1  }
0x370: {  	v2 =	vld [tilespmem:$0xD510];
	_ =	sdelay $0x7  }
0x371: {  	[tilespmem:v2+s28+$0x0] =	vst.idx.add.f32.msk $0xffff, v1  }
0x372: {  	v2 =	vld [tilespmem:$0xD520];
	_ =	sdelay $0x7  }
0x373: {  	[tilespmem:v2+s28+$0x0] =	vst.idx.add.f32.msk $0xffff, v1  }
0x374: {  	v2 =	vld [tilespmem:$0xD530];
	_ =	sdelay $0x7  }
0x375: {  	[tilespmem:v2+s28+$0x0] =	vst.idx.add.f32.msk $0xffff, v1  }
0x376: {  	v2 =	vld [tilespmem:$0xD540];
	_ =	sdelay $0x7  }
0x377: {  	[tilespmem:v2+s28+$0x0] =	vst.idx.add.f32.msk $0xffff, v1  }
0x378: {  	v2 =	vld [tilespmem:$0xD580];
	_ =	sdelay $0x7  }
0x379: {  	[tilespmem:v2+s28+$0x0] =	vst.idx.add.f32.msk $0xffff, v1  }
0x37a: {  	v2 =	vld [tilespmem:$0xD590];
	_ =	sdelay $0x7  }
0x37b: {  	[tilespmem:v2+s28+$0x0] =	vst.idx.add.f32.msk $0xffff, v1  }
0x37c: {  	v2 =	vld [tilespmem:$0xD5A0];
	_ =	sdelay $0x7  }
0x37d: {  	[tilespmem:v2+s28+$0x0] =	vst.idx.add.f32.msk $0xffff, v1  }
0x37e: {  	v2 =	vld [tilespmem:$0xD5B0];
	_ =	sdelay $0x7  }
0x37f: {  	[tilespmem:v2+s28+$0x0] =	vst.idx.add.f32.msk $0xffff, v1  }
0x380: {  	v2 =	vld [tilespmem:$0xD5C0];
	_ =	sdelay $0x7  }
0x381: {  	[tilespmem:v2+s28+$0x0] =	vst.idx.add.f32.msk $0xffff, v1  }
0x382: {  	v2 =	vld [tilespmem:$0xD600];
	_ =	sdelay $0x7  }
0x383: {  	[tilespmem:v2+s28+$0x0] =	vst.idx.add.f32.msk $0xffff, v1  }
0x384: {  	v2 =	vld [tilespmem:$0xD610];
	_ =	sdelay $0x7  }
0x385: {  	[tilespmem:v2+s28+$0x0] =	vst.idx.add.f32.msk $0xffff, v1  }
0x386: {  	v2 =	vld [tilespmem:$0xD620];
	_ =	sdelay $0x7  }
0x387: {  	[tilespmem:v2+s28+$0x0] =	vst.idx.add.f32.msk $0xffff, v1  }
0x388: {  	v2 =	vld [tilespmem:$0xD630];
	_ =	sdelay $0x7  }
0x389: {  	[tilespmem:v2+s28+$0x0] =	vst.idx.add.f32.msk $0xffff, v1  }
0x38a: {  	v2 =	vld [tilespmem:$0xD640];
	_ =	sdelay $0x7  }
0x38b: {  	[tilespmem:v2+s28+$0x0] =	vst.idx.add.f32.msk $0xffff, v1  }
0x38c: {  	v2 =	vld [tilespmem:$0xD680];
	_ =	sdelay $0x7  }
0x38d: {  	[tilespmem:v2+s28+$0x0] =	vst.idx.add.f32.msk $0xffff, v1  }
0x38e: {  	v2 =	vld [tilespmem:$0xD690];
	_ =	sdelay $0x7  }
0x38f: {  	[tilespmem:v2+s28+$0x0] =	vst.idx.add.f32.msk $0xffff, v1  }
0x390: {  	v2 =	vld [tilespmem:$0xD6A0];
	_ =	sdelay $0x7  }
0x391: {  	[tilespmem:v2+s28+$0x0] =	vst.idx.add.f32.msk $0xffff, v1  }
0x392: {  	v2 =	vld [tilespmem:$0xD6B0];
	_ =	sdelay $0x7  }
0x393: {  	[tilespmem:v2+s28+$0x0] =	vst.idx.add.f32.msk $0xffff, v1  }
0x394: {  	v2 =	vld [tilespmem:$0xD6C0];
	_ =	sdelay $0x7  }
0x395: {  	[tilespmem:v2+s28+$0x0] =	vst.idx.add.f32.msk $0xffff, v1  }
0x396: {  	v2 =	vld [tilespmem:$0xD700];
	_ =	sdelay $0x7  }
0x397: {  	[tilespmem:v2+s28+$0x0] =	vst.idx.add.f32.msk $0xffff, v1  }
0x398: {  	v2 =	vld [tilespmem:$0xD710];
	_ =	sdelay $0x7  }
0x399: {  	[tilespmem:v2+s28+$0x0] =	vst.idx.add.f32.msk $0xffff, v1  }
0x39a: {  	v2 =	vld [tilespmem:$0xD720];
	_ =	sdelay $0x7  }
0x39b: {  	[tilespmem:v2+s28+$0x0] =	vst.idx.add.f32.msk $0xffff, v1  }
0x39c: {  	v2 =	vld [tilespmem:$0xD730];
	_ =	sdelay $0x7  }
0x39d: {  	[tilespmem:v2+s28+$0x0] =	vst.idx.add.f32.msk $0xffff, v1  }
0x39e: {  	v2 =	vld [tilespmem:$0xD740];
	_ =	sdelay $0x7  }
0x39f: {  	[tilespmem:v2+s28+$0x0] =	vst.idx.add.f32.msk $0xffff, v1  }
0x3a0: {  	v2 =	vld [tilespmem:$0xD780];
	_ =	sdelay $0x7  }
0x3a1: {  	[tilespmem:v2+s28+$0x0] =	vst.idx.add.f32.msk $0xffff, v1  }
0x3a2: {  	v2 =	vld [tilespmem:$0xD790];
	_ =	sdelay $0x7  }
0x3a3: {  	[tilespmem:v2+s28+$0x0] =	vst.idx.add.f32.msk $0xffff, v1  }
0x3a4: {  	v2 =	vld [tilespmem:$0xD7A0];
	_ =	sdelay $0x7  }
0x3a5: {  	[tilespmem:v2+s28+$0x0] =	vst.idx.add.f32.msk $0xffff, v1  }
0x3a6: {  	v2 =	vld [tilespmem:$0xD7B0];
	_ =	sdelay $0x7  }
0x3a7: {  	[tilespmem:v2+s28+$0x0] =	vst.idx.add.f32.msk $0xffff, v1  }
0x3a8: {  	v2 =	vld [tilespmem:$0xD7C0];
	_ =	sdelay $0x7  }
0x3a9: {  	[tilespmem:v2+s28+$0x0] =	vst.idx.add.f32.msk $0xffff, v1  }
0x3aa: {  	v2 =	vld [tilespmem:$0xD800];
	_ =	sdelay $0x7  }
0x3ab: {  	[tilespmem:v2+s28+$0x0] =	vst.idx.add.f32.msk $0xffff, v1  }
0x3ac: {  	v2 =	vld [tilespmem:$0xD810];
	_ =	sdelay $0x7  }
0x3ad: {  	[tilespmem:v2+s28+$0x0] =	vst.idx.add.f32.msk $0xffff, v1  }
0x3ae: {  	v2 =	vld [tilespmem:$0xD820];
	_ =	sdelay $0x7  }
0x3af: {  	[tilespmem:v2+s28+$0x0] =	vst.idx.add.f32.msk $0xffff, v1  }
0x3b0: {  	v2 =	vld [tilespmem:$0xD830];
	_ =	sdelay $0x7  }
0x3b1: {  	[tilespmem:v2+s28+$0x0] =	vst.idx.add.f32.msk $0xffff, v1  }
0x3b2: {  	v2 =	vld [tilespmem:$0xD840];
	_ =	sdelay $0x7  }
0x3b3: {  	[tilespmem:v2+s28+$0x0] =	vst.idx.add.f32.msk $0xffff, v1  }
0x3b4: {  	v2 =	vld [tilespmem:$0xD880];
	_ =	sdelay $0x7  }
0x3b5: {  	[tilespmem:v2+s28+$0x0] =	vst.idx.add.f32.msk $0xffff, v1  }
0x3b6: {  	v2 =	vld [tilespmem:$0xD890];
	_ =	sdelay $0x7  }
0x3b7: {  	[tilespmem:v2+s28+$0x0] =	vst.idx.add.f32.msk $0xffff, v1  }
0x3b8: {  	v2 =	vld [tilespmem:$0xD8A0];
	_ =	sdelay $0x7  }
0x3b9: {  	[tilespmem:v2+s28+$0x0] =	vst.idx.add.f32.msk $0xffff, v1  }
0x3ba: {  	v2 =	vld [tilespmem:$0xD8B0];
	_ =	sdelay $0x7  }
0x3bb: {  	[tilespmem:v2+s28+$0x0] =	vst.idx.add.f32.msk $0xffff, v1  }
0x3bc: {  	v2 =	vld [tilespmem:$0xD8C0];
	_ =	sdelay $0x7  }
0x3bd: {  	[tilespmem:v2+s28+$0x0] =	vst.idx.add.f32.msk $0xffff, v1  }
0x3be: {  	v2 =	vld [tilespmem:$0xD900];
	_ =	sdelay $0x7  }
0x3bf: {  	[tilespmem:v2+s28+$0x0] =	vst.idx.add.f32.msk $0xffff, v1  }
0x3c0: {  	v2 =	vld [tilespmem:$0xD910];
	_ =	sdelay $0x7  }
0x3c1: {  	[tilespmem:v2+s28+$0x0] =	vst.idx.add.f32.msk $0xffff, v1  }
0x3c2: {  	v2 =	vld [tilespmem:$0xD920];
	_ =	sdelay $0x7  }
0x3c3: {  	[tilespmem:v2+s28+$0x0] =	vst.idx.add.f32.msk $0xffff, v1  }
0x3c4: {  	v2 =	vld [tilespmem:$0xD930];
	_ =	sdelay $0x7  }
0x3c5: {  	[tilespmem:v2+s28+$0x0] =	vst.idx.add.f32.msk $0xffff, v1  }
0x3c6: {  	v2 =	vld [tilespmem:$0xD940];
	_ =	sdelay $0x7  }
0x3c7: {  	[tilespmem:v2+s28+$0x0] =	vst.idx.add.f32.msk $0xffff, v1  }
0x3c8: {  	v2 =	vld [tilespmem:$0xD980];
	_ =	sdelay $0x7  }
0x3c9: {  	[tilespmem:v2+s28+$0x0] =	vst.idx.add.f32.msk $0xffff, v1  }
0x3ca: {  	v2 =	vld [tilespmem:$0xD990];
	_ =	sdelay $0x7  }
0x3cb: {  	[tilespmem:v2+s28+$0x0] =	vst.idx.add.f32.msk $0xffff, v1  }
0x3cc: {  	v2 =	vld [tilespmem:$0xD9A0];
	_ =	sdelay $0x7  }
0x3cd: {  	[tilespmem:v2+s28+$0x0] =	vst.idx.add.f32.msk $0xffff, v1  }
0x3ce: {  	v2 =	vld [tilespmem:$0xD9B0];
	_ =	sdelay $0x7  }
0x3cf: {  	[tilespmem:v2+s28+$0x0] =	vst.idx.add.f32.msk $0xffff, v1  }
0x3d0: {  	v2 =	vld [tilespmem:$0xD9C0];
	_ =	sdelay $0x7  }
0x3d1: {  	[tilespmem:v2+s28+$0x0] =	vst.idx.add.f32.msk $0xffff, v1  }
0x3d2: {  	v2 =	vld [tilespmem:$0xDA00];
	_ =	sdelay $0x7  }
0x3d3: {  	[tilespmem:v2+s28+$0x0] =	vst.idx.add.f32.msk $0xffff, v1  }
0x3d4: {  	v2 =	vld [tilespmem:$0xDA10];
	_ =	sdelay $0x7  }
0x3d5: {  	[tilespmem:v2+s28+$0x0] =	vst.idx.add.f32.msk $0xffff, v1  }
0x3d6: {  	v2 =	vld [tilespmem:$0xDA20];
	_ =	sdelay $0x7  }
0x3d7: {  	[tilespmem:v2+s28+$0x0] =	vst.idx.add.f32.msk $0xffff, v1  }
0x3d8: {  	v2 =	vld [tilespmem:$0xDA30];
	_ =	sdelay $0x7  }
0x3d9: {  	[tilespmem:v2+s28+$0x0] =	vst.idx.add.f32.msk $0xffff, v1  }
0x3da: {  	v2 =	vld [tilespmem:$0xDA40];
	_ =	sdelay $0x7  }
0x3db: {  	[tilespmem:v2+s28+$0x0] =	vst.idx.add.f32.msk $0xffff, v1  }
0x3dc: {  	v2 =	vld [tilespmem:$0xDA80];
	_ =	sdelay $0x7  }
0x3dd: {  	[tilespmem:v2+s28+$0x0] =	vst.idx.add.f32.msk $0xffff, v1  }
0x3de: {  	v2 =	vld [tilespmem:$0xDA90];
	_ =	sdelay $0x7  }
0x3df: {  	[tilespmem:v2+s28+$0x0] =	vst.idx.add.f32.msk $0xffff, v1  }
0x3e0: {  	v2 =	vld [tilespmem:$0xDAA0];
	_ =	sdelay $0x7  }
0x3e1: {  	[tilespmem:v2+s28+$0x0] =	vst.idx.add.f32.msk $0xffff, v1  }
0x3e2: {  	v2 =	vld [tilespmem:$0xDAB0];
	_ =	sdelay $0x7  }
0x3e3: {  	[tilespmem:v2+s28+$0x0] =	vst.idx.add.f32.msk $0xffff, v1  }
0x3e4: {  	v2 =	vld [tilespmem:$0xDAC0];
	_ =	sdelay $0x7  }
0x3e5: {  	[tilespmem:v2+s28+$0x0] =	vst.idx.add.f32.msk $0xffff, v1  }
0x3e6: {  	v2 =	vld [tilespmem:$0xDB00];
	_ =	sdelay $0x7  }
0x3e7: {  	[tilespmem:v2+s28+$0x0] =	vst.idx.add.f32.msk $0xffff, v1  }
0x3e8: {  	v2 =	vld [tilespmem:$0xDB10];
	_ =	sdelay $0x7  }
0x3e9: {  	[tilespmem:v2+s28+$0x0] =	vst.idx.add.f32.msk $0xffff, v1  }
0x3ea: {  	v2 =	vld [tilespmem:$0xDB20];
	_ =	sdelay $0x7  }
0x3eb: {  	[tilespmem:v2+s28+$0x0] =	vst.idx.add.f32.msk $0xffff, v1  }
0x3ec: {  	v2 =	vld [tilespmem:$0xDB30];
	_ =	sdelay $0x7  }
0x3ed: {  	[tilespmem:v2+s28+$0x0] =	vst.idx.add.f32.msk $0xffff, v1  }
0x3ee: {  	v2 =	vld [tilespmem:$0xDB40];
	_ =	sdelay $0x7  }
0x3ef: {  	[tilespmem:v2+s28+$0x0] =	vst.idx.add.f32.msk $0xffff, v1  }
0x3f0: {  	v2 =	vld [tilespmem:$0xDB80];
	_ =	sdelay $0x7  }
0x3f1: {  	[tilespmem:v2+s28+$0x0] =	vst.idx.add.f32.msk $0xffff, v1  }
0x3f2: {  	v2 =	vld [tilespmem:$0xDB90];
	_ =	sdelay $0x7  }
0x3f3: {  	[tilespmem:v2+s28+$0x0] =	vst.idx.add.f32.msk $0xffff, v1  }
0x3f4: {  	v2 =	vld [tilespmem:$0xDBA0];
	_ =	sdelay $0x7  }
0x3f5: {  	[tilespmem:v2+s28+$0x0] =	vst.idx.add.f32.msk $0xffff, v1  }
0x3f6: {  	v2 =	vld [tilespmem:$0xDBB0];
	_ =	sdelay $0x7  }
0x3f7: {  	[tilespmem:v2+s28+$0x0] =	vst.idx.add.f32.msk $0xffff, v1  }
0x3f8: {  	v2 =	vld [tilespmem:$0xDBC0];
	_ =	sdelay $0x7  }
0x3f9: {  	[tilespmem:v2+s28+$0x0] =	vst.idx.add.f32.msk $0xffff, v1  }
0x3fa: {  	v2 =	vld [tilespmem:$0xDC00];
	_ =	sdelay $0x7  }
0x3fb: {  	[tilespmem:v2+s28+$0x0] =	vst.idx.add.f32.msk $0xffff, v1  }
0x3fc: {  	v2 =	vld [tilespmem:$0xDC10];
	_ =	sdelay $0x7  }
0x3fd: {  	[tilespmem:v2+s28+$0x0] =	vst.idx.add.f32.msk $0xffff, v1  }
0x3fe: {  	v2 =	vld [tilespmem:$0xDC20];
	_ =	sdelay $0x7  }
0x3ff: {  	[tilespmem:v2+s28+$0x0] =	vst.idx.add.f32.msk $0xffff, v1  }
0x400: {  	v2 =	vld [tilespmem:$0xDC30];
	_ =	sdelay $0x7  }
0x401: {  	[tilespmem:v2+s28+$0x0] =	vst.idx.add.f32.msk $0xffff, v1  }
0x402: {  	v2 =	vld [tilespmem:$0xDC40];
	_ =	sdelay $0x7  }
0x403: {  	[tilespmem:v2+s28+$0x0] =	vst.idx.add.f32.msk $0xffff, v1  }
0x404: {  	v2 =	vld [tilespmem:$0xDC80];
	_ =	sdelay $0x7  }
0x405: {  	[tilespmem:v2+s28+$0x0] =	vst.idx.add.f32.msk $0xffff, v1  }
0x406: {  	v2 =	vld [tilespmem:$0xDC90];
	_ =	sdelay $0x7  }
0x407: {  	[tilespmem:v2+s28+$0x0] =	vst.idx.add.f32.msk $0xffff, v1  }
0x408: {  	v2 =	vld [tilespmem:$0xDCA0];
	_ =	sdelay $0x7  }
0x409: {  	[tilespmem:v2+s28+$0x0] =	vst.idx.add.f32.msk $0xffff, v1  }
0x40a: {  	v2 =	vld [tilespmem:$0xDCB0];
	_ =	sdelay $0x7  }
0x40b: {  	[tilespmem:v2+s28+$0x0] =	vst.idx.add.f32.msk $0xffff, v1  }
0x40c: {  	v2 =	vld [tilespmem:$0xDCC0];
	_ =	sdelay $0x7  }
0x40d: {  	[tilespmem:v2+s28+$0x0] =	vst.idx.add.f32.msk $0xffff, v1  }
0x40e: {  	v2 =	vld [tilespmem:$0xDD00];
	_ =	sdelay $0x7  }
0x40f: {  	[tilespmem:v2+s28+$0x0] =	vst.idx.add.f32.msk $0xffff, v1  }
0x410: {  	v2 =	vld [tilespmem:$0xDD10];
	_ =	sdelay $0x7  }
0x411: {  	[tilespmem:v2+s28+$0x0] =	vst.idx.add.f32.msk $0xffff, v1  }
0x412: {  	v2 =	vld [tilespmem:$0xDD20];
	_ =	sdelay $0x7  }
0x413: {  	[tilespmem:v2+s28+$0x0] =	vst.idx.add.f32.msk $0xffff, v1  }
0x414: {  	v2 =	vld [tilespmem:$0xDD30];
	_ =	sdelay $0x7  }
0x415: {  	[tilespmem:v2+s28+$0x0] =	vst.idx.add.f32.msk $0xffff, v1  }
0x416: {  	v2 =	vld [tilespmem:$0xDD40];
	_ =	sdelay $0x7  }
0x417: {  	[tilespmem:v2+s28+$0x0] =	vst.idx.add.f32.msk $0xffff, v1  }
0x418: {  	v2 =	vld [tilespmem:$0xDD80];
	_ =	sdelay $0x7  }
0x419: {  	[tilespmem:v2+s28+$0x0] =	vst.idx.add.f32.msk $0xffff, v1  }
0x41a: {  	v2 =	vld [tilespmem:$0xDD90];
	_ =	sdelay $0x7  }
0x41b: {  	[tilespmem:v2+s28+$0x0] =	vst.idx.add.f32.msk $0xffff, v1  }
0x41c: {  	v2 =	vld [tilespmem:$0xDDA0];
	_ =	sdelay $0x7  }
0x41d: {  	[tilespmem:v2+s28+$0x0] =	vst.idx.add.f32.msk $0xffff, v1  }
0x41e: {  	v2 =	vld [tilespmem:$0xDDB0];
	_ =	sdelay $0x7  }
0x41f: {  	[tilespmem:v2+s28+$0x0] =	vst.idx.add.f32.msk $0xffff, v1  }
0x420: {  	v2 =	vld [tilespmem:$0xDDC0];
	_ =	sdelay $0x7  }
0x421: {  	[tilespmem:v2+s28+$0x0] =	vst.idx.add.f32.msk $0xffff, v1  }
0x422: {  	_ =	swait.ge [sflag:s26], $0xC80  }
0x423: {  	[sflag:s26] =	ssyncset.done $0x0  }
0x424: {  	[sflag:s26] =	ssyncadd.s32 $0xFFFFF380  }
0x425: {  	v2 =	vld [tilespmem:$0xE180];
	_ =	sdelay $0x7  }
0x426: {  	[tilespmem:v2+s28+$0x0] =	vst.idx.add.f32.msk $0xffff, v1  }
0x427: {  	v2 =	vld [tilespmem:$0xE190];
	_ =	sdelay $0x7  }
0x428: {  	[tilespmem:v2+s28+$0x0] =	vst.idx.add.f32.msk $0xffff, v1  }
0x429: {  	v2 =	vld [tilespmem:$0xE1A0];
	_ =	sdelay $0x7  }
0x42a: {  	[tilespmem:v2+s28+$0x0] =	vst.idx.add.f32.msk $0xffff, v1  }
0x42b: {  	v2 =	vld [tilespmem:$0xE1B0];
	_ =	sdelay $0x7  }
0x42c: {  	[tilespmem:v2+s28+$0x0] =	vst.idx.add.f32.msk $0xffff, v1  }
0x42d: {  	v2 =	vld [tilespmem:$0xE1C0];
	_ =	sdelay $0x7  }
0x42e: {  	[tilespmem:v2+s28+$0x0] =	vst.idx.add.f32.msk $0xffff, v1  }
0x42f: {  	v2 =	vld [tilespmem:$0xE200];
	_ =	sdelay $0x7  }
0x430: {  	[tilespmem:v2+s28+$0x0] =	vst.idx.add.f32.msk $0xffff, v1  }
0x431: {  	v2 =	vld [tilespmem:$0xE210];
	_ =	sdelay $0x7  }
0x432: {  	[tilespmem:v2+s28+$0x0] =	vst.idx.add.f32.msk $0xffff, v1  }
0x433: {  	v2 =	vld [tilespmem:$0xE220];
	_ =	sdelay $0x7  }
0x434: {  	[tilespmem:v2+s28+$0x0] =	vst.idx.add.f32.msk $0xffff, v1  }
0x435: {  	v2 =	vld [tilespmem:$0xE230];
	_ =	sdelay $0x7  }
0x436: {  	[tilespmem:v2+s28+$0x0] =	vst.idx.add.f32.msk $0xffff, v1  }
0x437: {  	v2 =	vld [tilespmem:$0xE240];
	_ =	sdelay $0x7  }
0x438: {  	[tilespmem:v2+s28+$0x0] =	vst.idx.add.f32.msk $0xffff, v1  }
0x439: {  	v2 =	vld [tilespmem:$0xE280];
	_ =	sdelay $0x7  }
0x43a: {  	[tilespmem:v2+s28+$0x0] =	vst.idx.add.f32.msk $0xffff, v1  }
0x43b: {  	v2 =	vld [tilespmem:$0xE290];
	_ =	sdelay $0x7  }
0x43c: {  	[tilespmem:v2+s28+$0x0] =	vst.idx.add.f32.msk $0xffff, v1  }
0x43d: {  	v2 =	vld [tilespmem:$0xE2A0];
	_ =	sdelay $0x7  }
0x43e: {  	[tilespmem:v2+s28+$0x0] =	vst.idx.add.f32.msk $0xffff, v1  }
0x43f: {  	v2 =	vld [tilespmem:$0xE2B0];
	_ =	sdelay $0x7  }
0x440: {  	[tilespmem:v2+s28+$0x0] =	vst.idx.add.f32.msk $0xffff, v1  }
0x441: {  	v2 =	vld [tilespmem:$0xE2C0];
	_ =	sdelay $0x7  }
0x442: {  	[tilespmem:v2+s28+$0x0] =	vst.idx.add.f32.msk $0xffff, v1  }
0x443: {  	v2 =	vld [tilespmem:$0xE300];
	_ =	sdelay $0x7  }
0x444: {  	[tilespmem:v2+s28+$0x0] =	vst.idx.add.f32.msk $0xffff, v1  }
0x445: {  	v2 =	vld [tilespmem:$0xE310];
	_ =	sdelay $0x7  }
0x446: {  	[tilespmem:v2+s28+$0x0] =	vst.idx.add.f32.msk $0xffff, v1  }
0x447: {  	v2 =	vld [tilespmem:$0xE320];
	_ =	sdelay $0x7  }
0x448: {  	[tilespmem:v2+s28+$0x0] =	vst.idx.add.f32.msk $0xffff, v1  }
0x449: {  	v2 =	vld [tilespmem:$0xE330];
	_ =	sdelay $0x7  }
0x44a: {  	[tilespmem:v2+s28+$0x0] =	vst.idx.add.f32.msk $0xffff, v1  }
0x44b: {  	v2 =	vld [tilespmem:$0xE340];
	_ =	sdelay $0x7  }
0x44c: {  	[tilespmem:v2+s28+$0x0] =	vst.idx.add.f32.msk $0xffff, v1  }
0x44d: {  	v2 =	vld [tilespmem:$0xE380];
	_ =	sdelay $0x7  }
0x44e: {  	[tilespmem:v2+s28+$0x0] =	vst.idx.add.f32.msk $0xffff, v1  }
0x44f: {  	v2 =	vld [tilespmem:$0xE390];
	_ =	sdelay $0x7  }
0x450: {  	[tilespmem:v2+s28+$0x0] =	vst.idx.add.f32.msk $0xffff, v1  }
0x451: {  	v2 =	vld [tilespmem:$0xE3A0];
	_ =	sdelay $0x7  }
0x452: {  	[tilespmem:v2+s28+$0x0] =	vst.idx.add.f32.msk $0xffff, v1  }
0x453: {  	v2 =	vld [tilespmem:$0xE3B0];
	_ =	sdelay $0x7  }
0x454: {  	[tilespmem:v2+s28+$0x0] =	vst.idx.add.f32.msk $0xffff, v1  }
0x455: {  	v2 =	vld [tilespmem:$0xE3C0];
	_ =	sdelay $0x7  }
0x456: {  	[tilespmem:v2+s28+$0x0] =	vst.idx.add.f32.msk $0xffff, v1  }
0x457: {  	v2 =	vld [tilespmem:$0xE400];
	_ =	sdelay $0x7  }
0x458: {  	[tilespmem:v2+s28+$0x0] =	vst.idx.add.f32.msk $0xffff, v1  }
0x459: {  	v2 =	vld [tilespmem:$0xE410];
	_ =	sdelay $0x7  }
0x45a: {  	[tilespmem:v2+s28+$0x0] =	vst.idx.add.f32.msk $0xffff, v1  }
0x45b: {  	v2 =	vld [tilespmem:$0xE420];
	_ =	sdelay $0x7  }
0x45c: {  	[tilespmem:v2+s28+$0x0] =	vst.idx.add.f32.msk $0xffff, v1  }
0x45d: {  	v2 =	vld [tilespmem:$0xE430];
	_ =	sdelay $0x7  }
0x45e: {  	[tilespmem:v2+s28+$0x0] =	vst.idx.add.f32.msk $0xffff, v1  }
0x45f: {  	v2 =	vld [tilespmem:$0xE440];
	_ =	sdelay $0x7  }
0x460: {  	[tilespmem:v2+s28+$0x0] =	vst.idx.add.f32.msk $0xffff, v1  }
0x461: {  	v2 =	vld [tilespmem:$0xE480];
	_ =	sdelay $0x7  }
0x462: {  	[tilespmem:v2+s28+$0x0] =	vst.idx.add.f32.msk $0xffff, v1  }
0x463: {  	v2 =	vld [tilespmem:$0xE490];
	_ =	sdelay $0x7  }
0x464: {  	[tilespmem:v2+s28+$0x0] =	vst.idx.add.f32.msk $0xffff, v1  }
0x465: {  	v2 =	vld [tilespmem:$0xE4A0];
	_ =	sdelay $0x7  }
0x466: {  	[tilespmem:v2+s28+$0x0] =	vst.idx.add.f32.msk $0xffff, v1  }
0x467: {  	v2 =	vld [tilespmem:$0xE4B0];
	_ =	sdelay $0x7  }
0x468: {  	[tilespmem:v2+s28+$0x0] =	vst.idx.add.f32.msk $0xffff, v1  }
0x469: {  	v2 =	vld [tilespmem:$0xE4C0];
	_ =	sdelay $0x7  }
0x46a: {  	[tilespmem:v2+s28+$0x0] =	vst.idx.add.f32.msk $0xffff, v1  }
0x46b: {  	v2 =	vld [tilespmem:$0xE500];
	_ =	sdelay $0x7  }
0x46c: {  	[tilespmem:v2+s28+$0x0] =	vst.idx.add.f32.msk $0xffff, v1  }
0x46d: {  	v2 =	vld [tilespmem:$0xE510];
	_ =	sdelay $0x7  }
0x46e: {  	[tilespmem:v2+s28+$0x0] =	vst.idx.add.f32.msk $0xffff, v1  }
0x46f: {  	v2 =	vld [tilespmem:$0xE520];
	_ =	sdelay $0x7  }
0x470: {  	[tilespmem:v2+s28+$0x0] =	vst.idx.add.f32.msk $0xffff, v1  }
0x471: {  	v2 =	vld [tilespmem:$0xE530];
	_ =	sdelay $0x7  }
0x472: {  	[tilespmem:v2+s28+$0x0] =	vst.idx.add.f32.msk $0xffff, v1  }
0x473: {  	v2 =	vld [tilespmem:$0xE540];
	_ =	sdelay $0x7  }
0x474: {  	[tilespmem:v2+s28+$0x0] =	vst.idx.add.f32.msk $0xffff, v1  }
0x475: {  	v2 =	vld [tilespmem:$0xE580];
	_ =	sdelay $0x7  }
0x476: {  	[tilespmem:v2+s28+$0x0] =	vst.idx.add.f32.msk $0xffff, v1  }
0x477: {  	v2 =	vld [tilespmem:$0xE590];
	_ =	sdelay $0x7  }
0x478: {  	[tilespmem:v2+s28+$0x0] =	vst.idx.add.f32.msk $0xffff, v1  }
0x479: {  	v2 =	vld [tilespmem:$0xE5A0];
	_ =	sdelay $0x7  }
0x47a: {  	[tilespmem:v2+s28+$0x0] =	vst.idx.add.f32.msk $0xffff, v1  }
0x47b: {  	v2 =	vld [tilespmem:$0xE5B0];
	_ =	sdelay $0x7  }
0x47c: {  	[tilespmem:v2+s28+$0x0] =	vst.idx.add.f32.msk $0xffff, v1  }
0x47d: {  	v2 =	vld [tilespmem:$0xE5C0];
	_ =	sdelay $0x7  }
0x47e: {  	[tilespmem:v2+s28+$0x0] =	vst.idx.add.f32.msk $0xffff, v1  }
0x47f: {  	v2 =	vld [tilespmem:$0xE600];
	_ =	sdelay $0x7  }
0x480: {  	[tilespmem:v2+s28+$0x0] =	vst.idx.add.f32.msk $0xffff, v1  }
0x481: {  	v2 =	vld [tilespmem:$0xE610];
	_ =	sdelay $0x7  }
0x482: {  	[tilespmem:v2+s28+$0x0] =	vst.idx.add.f32.msk $0xffff, v1  }
0x483: {  	v2 =	vld [tilespmem:$0xE620];
	_ =	sdelay $0x7  }
0x484: {  	[tilespmem:v2+s28+$0x0] =	vst.idx.add.f32.msk $0xffff, v1  }
0x485: {  	v2 =	vld [tilespmem:$0xE630];
	_ =	sdelay $0x7  }
0x486: {  	[tilespmem:v2+s28+$0x0] =	vst.idx.add.f32.msk $0xffff, v1  }
0x487: {  	v2 =	vld [tilespmem:$0xE640];
	_ =	sdelay $0x7  }
0x488: {  	[tilespmem:v2+s28+$0x0] =	vst.idx.add.f32.msk $0xffff, v1  }
0x489: {  	v2 =	vld [tilespmem:$0xE680];
	_ =	sdelay $0x7  }
0x48a: {  	[tilespmem:v2+s28+$0x0] =	vst.idx.add.f32.msk $0xffff, v1  }
0x48b: {  	v2 =	vld [tilespmem:$0xE690];
	_ =	sdelay $0x7  }
0x48c: {  	[tilespmem:v2+s28+$0x0] =	vst.idx.add.f32.msk $0xffff, v1  }
0x48d: {  	v2 =	vld [tilespmem:$0xE6A0];
	_ =	sdelay $0x7  }
0x48e: {  	[tilespmem:v2+s28+$0x0] =	vst.idx.add.f32.msk $0xffff, v1  }
0x48f: {  	v2 =	vld [tilespmem:$0xE6B0];
	_ =	sdelay $0x7  }
0x490: {  	[tilespmem:v2+s28+$0x0] =	vst.idx.add.f32.msk $0xffff, v1  }
0x491: {  	v2 =	vld [tilespmem:$0xE6C0];
	_ =	sdelay $0x7  }
0x492: {  	[tilespmem:v2+s28+$0x0] =	vst.idx.add.f32.msk $0xffff, v1  }
0x493: {  	v2 =	vld [tilespmem:$0xE700];
	_ =	sdelay $0x7  }
0x494: {  	[tilespmem:v2+s28+$0x0] =	vst.idx.add.f32.msk $0xffff, v1  }
0x495: {  	v2 =	vld [tilespmem:$0xE710];
	_ =	sdelay $0x7  }
0x496: {  	[tilespmem:v2+s28+$0x0] =	vst.idx.add.f32.msk $0xffff, v1  }
0x497: {  	v2 =	vld [tilespmem:$0xE720];
	_ =	sdelay $0x7  }
0x498: {  	[tilespmem:v2+s28+$0x0] =	vst.idx.add.f32.msk $0xffff, v1  }
0x499: {  	v2 =	vld [tilespmem:$0xE730];
	_ =	sdelay $0x7  }
0x49a: {  	[tilespmem:v2+s28+$0x0] =	vst.idx.add.f32.msk $0xffff, v1  }
0x49b: {  	v2 =	vld [tilespmem:$0xE740];
	_ =	sdelay $0x7  }
0x49c: {  	[tilespmem:v2+s28+$0x0] =	vst.idx.add.f32.msk $0xffff, v1  }
0x49d: {  	v2 =	vld [tilespmem:$0xE780];
	_ =	sdelay $0x7  }
0x49e: {  	[tilespmem:v2+s28+$0x0] =	vst.idx.add.f32.msk $0xffff, v1  }
0x49f: {  	v2 =	vld [tilespmem:$0xE790];
	_ =	sdelay $0x7  }
0x4a0: {  	[tilespmem:v2+s28+$0x0] =	vst.idx.add.f32.msk $0xffff, v1  }
0x4a1: {  	v2 =	vld [tilespmem:$0xE7A0];
	_ =	sdelay $0x7  }
0x4a2: {  	[tilespmem:v2+s28+$0x0] =	vst.idx.add.f32.msk $0xffff, v1  }
0x4a3: {  	v2 =	vld [tilespmem:$0xE7B0];
	_ =	sdelay $0x7  }
0x4a4: {  	[tilespmem:v2+s28+$0x0] =	vst.idx.add.f32.msk $0xffff, v1  }
0x4a5: {  	v2 =	vld [tilespmem:$0xE7C0];
	_ =	sdelay $0x7  }
0x4a6: {  	[tilespmem:v2+s28+$0x0] =	vst.idx.add.f32.msk $0xffff, v1  }
0x4a7: {  	v2 =	vld [tilespmem:$0xE800];
	_ =	sdelay $0x7  }
0x4a8: {  	[tilespmem:v2+s28+$0x0] =	vst.idx.add.f32.msk $0xffff, v1  }
0x4a9: {  	v2 =	vld [tilespmem:$0xE810];
	_ =	sdelay $0x7  }
0x4aa: {  	[tilespmem:v2+s28+$0x0] =	vst.idx.add.f32.msk $0xffff, v1  }
0x4ab: {  	v2 =	vld [tilespmem:$0xE820];
	_ =	sdelay $0x7  }
0x4ac: {  	[tilespmem:v2+s28+$0x0] =	vst.idx.add.f32.msk $0xffff, v1  }
0x4ad: {  	v2 =	vld [tilespmem:$0xE830];
	_ =	sdelay $0x7  }
0x4ae: {  	[tilespmem:v2+s28+$0x0] =	vst.idx.add.f32.msk $0xffff, v1  }
0x4af: {  	v2 =	vld [tilespmem:$0xE840];
	_ =	sdelay $0x7  }
0x4b0: {  	[tilespmem:v2+s28+$0x0] =	vst.idx.add.f32.msk $0xffff, v1  }
0x4b1: {  	v2 =	vld [tilespmem:$0xE880];
	_ =	sdelay $0x7  }
0x4b2: {  	[tilespmem:v2+s28+$0x0] =	vst.idx.add.f32.msk $0xffff, v1  }
0x4b3: {  	v2 =	vld [tilespmem:$0xE890];
	_ =	sdelay $0x7  }
0x4b4: {  	[tilespmem:v2+s28+$0x0] =	vst.idx.add.f32.msk $0xffff, v1  }
0x4b5: {  	v2 =	vld [tilespmem:$0xE8A0];
	_ =	sdelay $0x7  }
0x4b6: {  	[tilespmem:v2+s28+$0x0] =	vst.idx.add.f32.msk $0xffff, v1  }
0x4b7: {  	v2 =	vld [tilespmem:$0xE8B0];
	_ =	sdelay $0x7  }
0x4b8: {  	[tilespmem:v2+s28+$0x0] =	vst.idx.add.f32.msk $0xffff, v1  }
0x4b9: {  	v2 =	vld [tilespmem:$0xE8C0];
	_ =	sdelay $0x7  }
0x4ba: {  	[tilespmem:v2+s28+$0x0] =	vst.idx.add.f32.msk $0xffff, v1  }
0x4bb: {  	v2 =	vld [tilespmem:$0xE900];
	_ =	sdelay $0x7  }
0x4bc: {  	[tilespmem:v2+s28+$0x0] =	vst.idx.add.f32.msk $0xffff, v1  }
0x4bd: {  	v2 =	vld [tilespmem:$0xE910];
	_ =	sdelay $0x7  }
0x4be: {  	[tilespmem:v2+s28+$0x0] =	vst.idx.add.f32.msk $0xffff, v1  }
0x4bf: {  	v2 =	vld [tilespmem:$0xE920];
	_ =	sdelay $0x7  }
0x4c0: {  	[tilespmem:v2+s28+$0x0] =	vst.idx.add.f32.msk $0xffff, v1  }
0x4c1: {  	v2 =	vld [tilespmem:$0xE930];
	_ =	sdelay $0x7  }
0x4c2: {  	[tilespmem:v2+s28+$0x0] =	vst.idx.add.f32.msk $0xffff, v1  }
0x4c3: {  	v2 =	vld [tilespmem:$0xE940];
	_ =	sdelay $0x7  }
0x4c4: {  	[tilespmem:v2+s28+$0x0] =	vst.idx.add.f32.msk $0xffff, v1  }
0x4c5: {  	v2 =	vld [tilespmem:$0xE980];
	_ =	sdelay $0x7  }
0x4c6: {  	[tilespmem:v2+s28+$0x0] =	vst.idx.add.f32.msk $0xffff, v1  }
0x4c7: {  	v2 =	vld [tilespmem:$0xE990];
	_ =	sdelay $0x7  }
0x4c8: {  	[tilespmem:v2+s28+$0x0] =	vst.idx.add.f32.msk $0xffff, v1  }
0x4c9: {  	v2 =	vld [tilespmem:$0xE9A0];
	_ =	sdelay $0x7  }
0x4ca: {  	[tilespmem:v2+s28+$0x0] =	vst.idx.add.f32.msk $0xffff, v1  }
0x4cb: {  	v2 =	vld [tilespmem:$0xE9B0];
	_ =	sdelay $0x7  }
0x4cc: {  	[tilespmem:v2+s28+$0x0] =	vst.idx.add.f32.msk $0xffff, v1  }
0x4cd: {  	v2 =	vld [tilespmem:$0xE9C0];
	_ =	sdelay $0x7  }
0x4ce: {  	[tilespmem:v2+s28+$0x0] =	vst.idx.add.f32.msk $0xffff, v1  }
0x4cf: {  	v2 =	vld [tilespmem:$0xEA00];
	_ =	sdelay $0x7  }
0x4d0: {  	[tilespmem:v2+s28+$0x0] =	vst.idx.add.f32.msk $0xffff, v1  }
0x4d1: {  	v2 =	vld [tilespmem:$0xEA10];
	_ =	sdelay $0x7  }
0x4d2: {  	[tilespmem:v2+s28+$0x0] =	vst.idx.add.f32.msk $0xffff, v1  }
0x4d3: {  	v2 =	vld [tilespmem:$0xEA20];
	_ =	sdelay $0x7  }
0x4d4: {  	[tilespmem:v2+s28+$0x0] =	vst.idx.add.f32.msk $0xffff, v1  }
0x4d5: {  	v2 =	vld [tilespmem:$0xEA30];
	_ =	sdelay $0x7  }
0x4d6: {  	[tilespmem:v2+s28+$0x0] =	vst.idx.add.f32.msk $0xffff, v1  }
0x4d7: {  	v2 =	vld [tilespmem:$0xEA40];
	_ =	sdelay $0x7  }
0x4d8: {  	[tilespmem:v2+s28+$0x0] =	vst.idx.add.f32.msk $0xffff, v1  }
0x4d9: {  	v2 =	vld [tilespmem:$0xEA80];
	_ =	sdelay $0x7  }
0x4da: {  	[tilespmem:v2+s28+$0x0] =	vst.idx.add.f32.msk $0xffff, v1  }
0x4db: {  	v2 =	vld [tilespmem:$0xEA90];
	_ =	sdelay $0x7  }
0x4dc: {  	[tilespmem:v2+s28+$0x0] =	vst.idx.add.f32.msk $0xffff, v1  }
0x4dd: {  	v2 =	vld [tilespmem:$0xEAA0];
	_ =	sdelay $0x7  }
0x4de: {  	[tilespmem:v2+s28+$0x0] =	vst.idx.add.f32.msk $0xffff, v1  }
0x4df: {  	v2 =	vld [tilespmem:$0xEAB0];
	_ =	sdelay $0x7  }
0x4e0: {  	[tilespmem:v2+s28+$0x0] =	vst.idx.add.f32.msk $0xffff, v1  }
0x4e1: {  	v2 =	vld [tilespmem:$0xEAC0];
	_ =	sdelay $0x7  }
0x4e2: {  	[tilespmem:v2+s28+$0x0] =	vst.idx.add.f32.msk $0xffff, v1  }
0x4e3: {  	v2 =	vld [tilespmem:$0xEB00];
	_ =	sdelay $0x7  }
0x4e4: {  	[tilespmem:v2+s28+$0x0] =	vst.idx.add.f32.msk $0xffff, v1  }
0x4e5: {  	v2 =	vld [tilespmem:$0xEB10];
	_ =	sdelay $0x7  }
0x4e6: {  	[tilespmem:v2+s28+$0x0] =	vst.idx.add.f32.msk $0xffff, v1  }
0x4e7: {  	v2 =	vld [tilespmem:$0xEB20];
	_ =	sdelay $0x7  }
0x4e8: {  	[tilespmem:v2+s28+$0x0] =	vst.idx.add.f32.msk $0xffff, v1  }
0x4e9: {  	v2 =	vld [tilespmem:$0xEB30];
	_ =	sdelay $0x7  }
0x4ea: {  	[tilespmem:v2+s28+$0x0] =	vst.idx.add.f32.msk $0xffff, v1  }
0x4eb: {  	v2 =	vld [tilespmem:$0xEB40];
	_ =	sdelay $0x7  }
0x4ec: {  	[tilespmem:v2+s28+$0x0] =	vst.idx.add.f32.msk $0xffff, v1  }
0x4ed: {  	v2 =	vld [tilespmem:$0xEB80];
	_ =	sdelay $0x7  }
0x4ee: {  	[tilespmem:v2+s28+$0x0] =	vst.idx.add.f32.msk $0xffff, v1  }
0x4ef: {  	v2 =	vld [tilespmem:$0xEB90];
	_ =	sdelay $0x7  }
0x4f0: {  	[tilespmem:v2+s28+$0x0] =	vst.idx.add.f32.msk $0xffff, v1  }
0x4f1: {  	v2 =	vld [tilespmem:$0xEBA0];
	_ =	sdelay $0x7  }
0x4f2: {  	[tilespmem:v2+s28+$0x0] =	vst.idx.add.f32.msk $0xffff, v1  }
0x4f3: {  	v2 =	vld [tilespmem:$0xEBB0];
	_ =	sdelay $0x7  }
0x4f4: {  	[tilespmem:v2+s28+$0x0] =	vst.idx.add.f32.msk $0xffff, v1  }
0x4f5: {  	v2 =	vld [tilespmem:$0xEBC0];
	_ =	sdelay $0x7  }
0x4f6: {  	[tilespmem:v2+s28+$0x0] =	vst.idx.add.f32.msk $0xffff, v1  }
0x4f7: {  	v2 =	vld [tilespmem:$0xEC00];
	_ =	sdelay $0x7  }
0x4f8: {  	[tilespmem:v2+s28+$0x0] =	vst.idx.add.f32.msk $0xffff, v1  }
0x4f9: {  	v2 =	vld [tilespmem:$0xEC10];
	_ =	sdelay $0x7  }
0x4fa: {  	[tilespmem:v2+s28+$0x0] =	vst.idx.add.f32.msk $0xffff, v1  }
0x4fb: {  	v2 =	vld [tilespmem:$0xEC20];
	_ =	sdelay $0x7  }
0x4fc: {  	[tilespmem:v2+s28+$0x0] =	vst.idx.add.f32.msk $0xffff, v1  }
0x4fd: {  	v2 =	vld [tilespmem:$0xEC30];
	_ =	sdelay $0x7  }
0x4fe: {  	[tilespmem:v2+s28+$0x0] =	vst.idx.add.f32.msk $0xffff, v1  }
0x4ff: {  	v2 =	vld [tilespmem:$0xEC40];
	_ =	sdelay $0x7  }
0x500: {  	[tilespmem:v2+s28+$0x0] =	vst.idx.add.f32.msk $0xffff, v1  }
0x501: {  	v2 =	vld [tilespmem:$0xEC80];
	_ =	sdelay $0x7  }
0x502: {  	[tilespmem:v2+s28+$0x0] =	vst.idx.add.f32.msk $0xffff, v1  }
0x503: {  	v2 =	vld [tilespmem:$0xEC90];
	_ =	sdelay $0x7  }
0x504: {  	[tilespmem:v2+s28+$0x0] =	vst.idx.add.f32.msk $0xffff, v1  }
0x505: {  	v2 =	vld [tilespmem:$0xECA0];
	_ =	sdelay $0x7  }
0x506: {  	[tilespmem:v2+s28+$0x0] =	vst.idx.add.f32.msk $0xffff, v1  }
0x507: {  	v2 =	vld [tilespmem:$0xECB0];
	_ =	sdelay $0x7  }
0x508: {  	[tilespmem:v2+s28+$0x0] =	vst.idx.add.f32.msk $0xffff, v1  }
0x509: {  	v2 =	vld [tilespmem:$0xECC0];
	_ =	sdelay $0x7  }
0x50a: {  	[tilespmem:v2+s28+$0x0] =	vst.idx.add.f32.msk $0xffff, v1  }
0x50b: {  	v2 =	vld [tilespmem:$0xED00];
	_ =	sdelay $0x7  }
0x50c: {  	[tilespmem:v2+s28+$0x0] =	vst.idx.add.f32.msk $0xffff, v1  }
0x50d: {  	v2 =	vld [tilespmem:$0xED10];
	_ =	sdelay $0x7  }
0x50e: {  	[tilespmem:v2+s28+$0x0] =	vst.idx.add.f32.msk $0xffff, v1  }
0x50f: {  	v2 =	vld [tilespmem:$0xED20];
	_ =	sdelay $0x7  }
0x510: {  	[tilespmem:v2+s28+$0x0] =	vst.idx.add.f32.msk $0xffff, v1  }
0x511: {  	v2 =	vld [tilespmem:$0xED30];
	_ =	sdelay $0x7  }
0x512: {  	[tilespmem:v2+s28+$0x0] =	vst.idx.add.f32.msk $0xffff, v1  }
0x513: {  	v2 =	vld [tilespmem:$0xED40];
	_ =	sdelay $0x7  }
0x514: {  	[tilespmem:v2+s28+$0x0] =	vst.idx.add.f32.msk $0xffff, v1  }
0x515: {  	v2 =	vld [tilespmem:$0xED80];
	_ =	sdelay $0x7  }
0x516: {  	[tilespmem:v2+s28+$0x0] =	vst.idx.add.f32.msk $0xffff, v1  }
0x517: {  	v2 =	vld [tilespmem:$0xED90];
	_ =	sdelay $0x7  }
0x518: {  	[tilespmem:v2+s28+$0x0] =	vst.idx.add.f32.msk $0xffff, v1  }
0x519: {  	v2 =	vld [tilespmem:$0xEDA0];
	_ =	sdelay $0x7  }
0x51a: {  	[tilespmem:v2+s28+$0x0] =	vst.idx.add.f32.msk $0xffff, v1  }
0x51b: {  	v2 =	vld [tilespmem:$0xEDB0];
	_ =	sdelay $0x7  }
0x51c: {  	[tilespmem:v2+s28+$0x0] =	vst.idx.add.f32.msk $0xffff, v1  }
0x51d: {  	v2 =	vld [tilespmem:$0xEDC0];
	_ =	sdelay $0x7  }
0x51e: {  	[tilespmem:v2+s28+$0x0] =	vst.idx.add.f32.msk $0xffff, v1  }
0x51f: {  	[hbm4b:s10+s3] =	stream.linear.scatter [tilespmem:s28], [sflag:$0x3], $0x2800, $0x38;
	[tilespmem:$0x11980] =	vst v63  }
0x520: {  	_ =	swait.ge [sflag:s13], $0x2800  }
0x521: {  	[sflag:s13] =	ssyncset.done $0x0  }
0x522: {  	[sflag:s13] =	ssyncadd.s32 $0xFFFFD800  }
0x523: {  	_ =	swait.ge [sflag:s29], $0x2800  }
0x524: {  	[sflag:s29] =	ssyncset.done $0x0  }
0x525: {  	[sflag:s29] =	ssyncadd.s32 $0xFFFFD800  }
0x526: {  	_ =	swait.ge [sflag:s29], $0x2800  }
0x527: {  	[sflag:s29] =	ssyncset.done $0x0  }
0x528: {  	[sflag:s29] =	ssyncadd.s32 $0xFFFFD800  }
0x529: {  	_ =	swait.ge [sflag:s29], $0x2800  }
0x52a: {  	[sflag:s29] =	ssyncset.done $0x0  }
0x52b: {  	[sflag:s29] =	ssyncadd.s32 $0xFFFFD800  }
0x52c: {  	s30 =	sadd.s32 $0x1, s30;
	_ =	swait.ge [sflag:s29], $0x2800  }
0x52d: {  	p0 =	sne.s32 s30, s12;
	[sflag:s29] =	ssyncset.done $0x0  }
.Ltmp1:
0x52e: {  	[sflag:s29] =	ssyncadd.s32 $0xFFFFD800;
	(pc) =	sbr.rel @p0 .LBB2_1-.Ltmp1, $4  }
0x52f: {  	[hbm4b:s11+s3] =	stream.linear.scatter [tilespmem:s15], [sflag:$0x3], $0xA000, $0x38;
	[tilespmem:$0x11980] =	vst v63  }
0x530: {  	_ =	swait.ge [sflag:s13], $0xA000  }
0x531: {  	[sflag:s13] =	ssyncset.done $0x0  }
0x532: {  	[sflag:s13] =	ssyncadd.s32 $0xFFFF6000  }
0x533: {  	_ =	sfence.sel $0x180000  }
0x534: {  	[bflag:$0x0] =	sbarrier.arrive $0xFFFF  }
0x535: {  	_ =	strace $0x90000047  }
0x536: {  	[bflag:$0x2] =	sbarrier.arrive $0xFFFF  }
0x537: {  	p0 =	sne.s32 s2, $0x0;
	s0 =	rddreg [dreg:$0x5]  }
0x538: {  	s0 =	sadd.s32 @!p0 $0x100000, s0  }
0x539: {  	[sflag:s0] =	ssyncadd.tile.s32 @!p0 $0x1;
	_ =	shalt  }
.Lfunc_end2:
_tile_overlayer_lowered:
.L_overlay_start_2:
0x53a: {  	(tag) =	ssettag $0x2  }
0x53b: {  	s0 =	rddreg [dreg:$0x0];
	s2 =	stileid.u32  }
0x53c: {  	s1 =	rddreg [dreg:$0x1];
	p0 =	sne.s32 s2, $0x0  }
0x53d: {  	s3 =	rddreg [dreg:$0x2];
	[bflag:$0x3] =	sbarrier.arrive $0xFFFF;
	s2 =	simm.s32 @!p0 $0x1C03  }
0x53e: {  	[timem:s3], [sflag:s2] =	dma.local @!p0 [hbm:s0], s1  }
0x53f: {  	s0 =	simm.s32 @!p0 $0x3  }
0x540: {  	_ =	swait.ge @!p0 [sflag:s0], s1  }
0x541: {  	s1 =	ssub.s32 @!p0 $0x0, s1;
	[sflag:s0] =	ssyncset.done @!p0 $0x0  }
0x542: {  	[sflag:s0] =	ssyncadd.s32 @!p0 s1  }
0x543: {  	[bflag:$0x3] =	sbarrier.arrive $0xFFFF  }
0x544: {  	_ =	shalt  }

</sc_bundles>
